<compile_context>
chip_gen: v7x
topology: tpu7x:2x2x1
jax: 0.10.2.dev20260603
libtpu: 0.0.44.dev20260713+nightly
codegen_flags: <defaults>
</compile_context>

<pallas_src>
import functools

import jax
import jax.numpy as jnp
from jax import lax
from jax.experimental import pallas as pl
from jax.experimental.pallas import tpu as pltpu
from jax.experimental.pallas import tpu_sc as plsc

EMBED_DIM = 128
MAX_N = 8
NUM_BUCKETS = 500000
HASH_BASE = 260
HASH_MOD = 1 << 23
MASK = HASH_MOD - 1

BSZ = 16
SEQ = 2048
NPOS = BSZ * SEQ
NTAB = 1 + (MAX_N - 2)
NW = 32
C = 32
CH_PER_W = NPOS // (NW * C)
P_PER_W = NPOS // NW
NBUF = 3
NVEC = EMBED_DIM // 16
TLEN = P_PER_W + 16
TLEN2 = TLEN + 16
NG = TLEN // 16


def _pad_body(t_ref, o_ref):
    z = jnp.zeros((1, 128), jnp.int32)
    o_ref[pl.ds(0, 1), :] = z
    o_ref[pl.ds(1, 256), :] = t_ref[...]
    o_ref[pl.ds(257, 1), :] = z


def _pad_tokens(tokens2d):
    return pl.pallas_call(
        _pad_body,
        out_shape=jax.ShapeDtypeStruct((258, 128), jnp.int32),
    )(tokens2d)


def _mod_buckets(x):
    for k in (16, 8, 4, 2, 1):
        kd = k * NUM_BUCKETS
        x = jnp.where(x >= kd, x - kd, x)
    return x


def _sc_body(tok_hbm, main_hbm, shared_hbm, size_hbm, out_hbm, *s):
    idx_v = s[0]
    bufs = tuple(s[1 + b * NTAB:1 + (b + 1) * NTAB] for b in range(NBUF))
    outb = tuple(s[1 + NBUF * NTAB + b] for b in range(NBUF))
    size_v = s[1 + NBUF * NTAB + NBUF]
    tok_v = s[2 + NBUF * NTAB + NBUF]
    hsc = s[3 + NBUF * NTAB + NBUF]
    gsem = s[4 + NBUF * NTAB + NBUF:4 + NBUF * NTAB + 2 * NBUF]
    osem = s[4 + NBUF * NTAB + 2 * NBUF:4 + NBUF * NTAB + 3 * NBUF]

    sid = lax.axis_index("s")
    wid = lax.axis_index("c") * 16 + sid
    base = wid * P_PER_W
    srow = lax.rem(wid, 2) * P_PER_W

    pltpu.sync_copy(tok_hbm.at[pl.ds(base + 112, TLEN)], tok_v)
    pltpu.sync_copy(size_hbm, size_v)

    const = []
    for v in range(NVEC):
        sl = pl.ds(v * 16, 16)
        cv = size_v[0, sl]
        for t in range(1, MAX_N - 2):
            cv = cv + size_v[t, sl]
        const.append(cv)

    def h1_body(g, c):
        hsc[pl.ds(16 + g * 16, 16)] = tok_v[pl.ds(g * 16, 16)]
        return c
    lax.fori_loop(0, NG, h1_body, 0)

    lanes = lax.broadcasted_iota(jnp.int32, (16,), 0)

    def hash_group(g, n, store_idx, b_slot=None, gg=None):
        off = g * 16
        hp = hsc[pl.ds((n - 2) * TLEN2 + 15 + off, 16)]
        tv = tok_v[pl.ds(off, 16)]
        hc = (hp * HASH_BASE + tv) & MASK
        hsc[pl.ds((n - 1) * TLEN2 + 16 + off, 16)] = hc
        if store_idx:
            @pl.when(n >= 3)
            def _():
                x = _mod_buckets(hc)
                s_vec = srow + (off - 16) + lanes
                idx_v[b_slot, n - 2, pl.ds(gg * 16, 16)] = jnp.where(
                    s_vec < n - 1, 0, x)

    def hash_halo():
        def body(n, c):
            hash_group(jnp.int32(0), n, False)
            return c
        lax.fori_loop(2, MAX_N + 1, body, 0)

    def hash_chunk(chd, b):
        for gg in range(2):
            g = 2 * chd + 1 + gg
            sl16 = pl.ds(g * 16, 16)
            idx_v[b, 0, pl.ds(gg * 16, 16)] = tok_v[sl16]

        def body(n, c):
            for gg in range(2):
                hash_group(2 * chd + 1 + gg, n, True, b, gg)
            return c
        lax.fori_loop(2, MAX_N + 1, body, 0)

    def fire_gathers(b):
        for t in range(NTAB):
            table = main_hbm if t == 0 else shared_hbm
            pltpu.async_copy(table.at[idx_v.at[b, t]], bufs[b][t], gsem[b])

    def drain_gathers(b):
        for t in range(NTAB):
            pltpu.make_async_copy(
                shared_hbm.at[pl.ds(0, C)], bufs[b][t], gsem[b]).wait()

    def drain_out(b):
        pltpu.make_async_copy(
            outb[b], out_hbm.at[pl.ds(0, C)], osem[b]).wait()

    hash_halo()
    for ch in range(NBUF):
        hash_chunk(jnp.int32(ch), ch)
        fire_gathers(ch)

    def outer(gi, c):
        for b in range(NBUF):
            ch = gi * NBUF + b

            @pl.when(ch < CH_PER_W)
            def _():
                drain_gathers(b)

                @pl.when(ch >= NBUF)
                def _():
                    drain_out(b)

                def body(r, cc):
                    for v in range(NVEC):
                        sl = pl.ds(v * 16, 16)
                        acc = bufs[b][0][r, sl]
                        for t in range(1, NTAB):
                            acc = acc + bufs[b][t][r, sl]
                        outb[b][r, sl] = (acc + cc[v]) * (1.0 / 7.0)
                    return cc
                lax.fori_loop(0, C, body, tuple(const))
                pltpu.async_copy(
                    outb[b], out_hbm.at[pl.ds(base + ch * C, C)], osem[b])

                @pl.when(ch + NBUF < CH_PER_W)
                def _():
                    hash_chunk(ch + NBUF, b)
                    fire_gathers(b)
        return c

    nit = (CH_PER_W + NBUF - 1) // NBUF
    lax.fori_loop(0, nit, outer, 0)
    for b in range(NBUF):
        drain_out(b)


@functools.cache
def _sc_embed():
    return pl.kernel(
        _sc_body,
        out_type=jax.ShapeDtypeStruct((NPOS, EMBED_DIM), jnp.float32),
        mesh=plsc.VectorSubcoreMesh(core_axis_name="c", subcore_axis_name="s"),
        scratch_types=(
            [pltpu.VMEM((NBUF, NTAB, C), jnp.int32)]
            + [pltpu.VMEM((C, EMBED_DIM), jnp.float32)
               for _ in range(NBUF * NTAB)]
            + [pltpu.VMEM((C, EMBED_DIM), jnp.float32) for _ in range(NBUF)]
            + [pltpu.VMEM((MAX_N - 2, EMBED_DIM), jnp.float32),
               pltpu.VMEM((TLEN,), jnp.int32),
               pltpu.VMEM((MAX_N * TLEN2,), jnp.int32)]
            + [pltpu.SemaphoreType.DMA for _ in range(2 * NBUF)]
        ),
    )


def kernel(tokens, main_w, shared_w, size_w):
    tokens = tokens.astype(jnp.int32).reshape(256, 128)
    tokp = _pad_tokens(tokens).reshape(258 * 128)
    out = _sc_embed()(tokp, main_w, shared_w, size_w)
    return out.reshape(BSZ, SEQ, EMBED_DIM)

# --- scband reference (transcript-rebuilt; emitter-appended) ---
"""Pipeline reference for scband-hash-ngram-embedder-9337258902406 (READ-ONLY COPY).

The authoritative reference and input builder live on the scoring server;
editing this copy changes nothing except your own understanding.
"""

import jax, jax.numpy as jnp
import numpy as np

EMBED_DIM = 128
MAX_N = 8
NUM_BUCKETS = 500000
VOCAB_SIZE = 259
HASH_BASE = VOCAB_SIZE + 1  # hash_base=0 -> vocab_size+1 = 260
HASH_MOD = 2 ** 23


def setup_inputs(seed: int = 0) -> dict:
    key = jax.random.key(seed)
    k1, k2, k3, k4 = jax.random.split(key, 4)
    tokens = jax.random.randint(k1, (16, 2048), 0, 256)  # byte ids in [0..255]
    main_w = jax.random.normal(k2, (VOCAB_SIZE, EMBED_DIM), dtype=jnp.float32)
    shared_w = jax.random.normal(k3, (NUM_BUCKETS, EMBED_DIM), dtype=jnp.float32) * 0.02
    size_w = jax.random.normal(k4, (MAX_N - 2, EMBED_DIM), dtype=jnp.float32) * 0.02
    return {"tokens": tokens, "main_w": main_w, "shared_w": shared_w, "size_w": size_w}


def _hashed_idxs(tokens, n):
    bsz, seq_len = tokens.shape
    powers = jnp.array([pow(HASH_BASE, n - 1 - k, HASH_MOD) for k in range(n)], dtype=jnp.int32)
    L = seq_len - n + 1
    # torch.unfold(1, n, 1): sliding windows [bsz, L, n]
    windows = jnp.stack([tokens[:, k:k + L] for k in range(n)], axis=2).astype(jnp.int32)
    temp = (windows * powers[None, None, :]) % HASH_MOD  # max product 256*(2^23-1) < 2^31, no overflow
    hashed_vals = jnp.sum(temp, axis=2) % HASH_MOD
    hashed_idxs = jnp.zeros((bsz, seq_len), dtype=jnp.int32).at[:, n - 1:].set(hashed_vals)
    return hashed_idxs % NUM_BUCKETS


def reference(tokens, main_w, shared_w, size_w):
    # main byte embedding gather
    out = jnp.take(main_w, tokens, axis=0)
    for n in range(3, MAX_N + 1):
        idxs = _hashed_idxs(tokens, n)
        ngram_embed = jnp.take(shared_w, idxs, axis=0)
        size_embed = size_w[n - 3][None, None, :]
        out = out + ngram_embed + size_embed
    num_contrib = 1 + (MAX_N - 2)
    return out / num_contrib

if __name__ == "__main__":
    import jax
    _d = setup_inputs()
    print(jax.jit(kernel)(*tuple(_d.values())))

</pallas_src>

<mosaic_0001>
#map = affine_map<(d0, d1) -> (0)>
#map1 = affine_map<(d0, d1) -> (0, 0)>
module attributes {stable_mosaic.version = 14 : i64} {
  func.func @_sc_body(%arg0: i32, %arg1: i32, %arg2: memref<33024xi32, #tpu.memory_space<hbm>>, %arg3: memref<259x128xf32, #tpu.memory_space<hbm>>, %arg4: memref<500000x128xf32, #tpu.memory_space<hbm>>, %arg5: memref<6x128xf32, #tpu.memory_space<hbm>>, %arg6: memref<32768x128xf32, #tpu.memory_space<hbm>>, %arg7: memref<3x7x32xi32, #tpu.memory_space<vmem>>, %arg8: memref<32x128xf32, #tpu.memory_space<vmem>>, %arg9: memref<32x128xf32, #tpu.memory_space<vmem>>, %arg10: memref<32x128xf32, #tpu.memory_space<vmem>>, %arg11: memref<32x128xf32, #tpu.memory_space<vmem>>, %arg12: memref<32x128xf32, #tpu.memory_space<vmem>>, %arg13: memref<32x128xf32, #tpu.memory_space<vmem>>, %arg14: memref<32x128xf32, #tpu.memory_space<vmem>>, %arg15: memref<32x128xf32, #tpu.memory_space<vmem>>, %arg16: memref<32x128xf32, #tpu.memory_space<vmem>>, %arg17: memref<32x128xf32, #tpu.memory_space<vmem>>, %arg18: memref<32x128xf32, #tpu.memory_space<vmem>>, %arg19: memref<32x128xf32, #tpu.memory_space<vmem>>, %arg20: memref<32x128xf32, #tpu.memory_space<vmem>>, %arg21: memref<32x128xf32, #tpu.memory_space<vmem>>, %arg22: memref<32x128xf32, #tpu.memory_space<vmem>>, %arg23: memref<32x128xf32, #tpu.memory_space<vmem>>, %arg24: memref<32x128xf32, #tpu.memory_space<vmem>>, %arg25: memref<32x128xf32, #tpu.memory_space<vmem>>, %arg26: memref<32x128xf32, #tpu.memory_space<vmem>>, %arg27: memref<32x128xf32, #tpu.memory_space<vmem>>, %arg28: memref<32x128xf32, #tpu.memory_space<vmem>>, %arg29: memref<32x128xf32, #tpu.memory_space<vmem>>, %arg30: memref<32x128xf32, #tpu.memory_space<vmem>>, %arg31: memref<32x128xf32, #tpu.memory_space<vmem>>, %arg32: memref<6x128xf32, #tpu.memory_space<vmem>>, %arg33: memref<1040xi32, #tpu.memory_space<vmem>>, %arg34: memref<8448xi32, #tpu.memory_space<vmem>>, %arg35: memref<!tpu.dma_semaphore, #tpu.memory_space<semaphore_mem>>, %arg36: memref<!tpu.dma_semaphore, #tpu.memory_space<semaphore_mem>>, %arg37: memref<!tpu.dma_semaphore, #tpu.memory_space<semaphore_mem>>, %arg38: memref<!tpu.dma_semaphore, #tpu.memory_space<semaphore_mem>>, %arg39: memref<!tpu.dma_semaphore, #tpu.memory_space<semaphore_mem>>, %arg40: memref<!tpu.dma_semaphore, #tpu.memory_space<semaphore_mem>>) attributes {dimension_semantics = [#tpu.dimension_semantics<core_parallel>, #tpu.dimension_semantics<subcore_parallel>], iteration_bounds = array<i64: 2, 16>, scalar_prefetch = 0 : i64, scratch_operands = 34 : i64, tpu.core_type = #tpu.core_type<sc_vector_subcore>, window_params = [{transform_indices = #map}, {transform_indices = #map1}, {transform_indices = #map1}, {transform_indices = #map1}, {transform_indices = #map1}]} {
    %mul3A = arith.constant 16 : i32
    %mul3A_0 = arith.muli %arg0, %mul3A : i32
    %add3A = arith.addi %mul3A_0, %arg1 : i32
    %mul3A_1 = arith.constant 1024 : i32
    %mul3A_2 = arith.muli %add3A, %mul3A_1 : i32
    %rem3A = arith.constant 2 : i32
    %rem3A_3 = arith.remsi %add3A, %rem3A : i32
    %mul3A_4 = arith.constant 1024 : i32
    %mul3A_5 = arith.muli %rem3A_3, %mul3A_4 : i32
    %add3A_6 = arith.constant 112 : i32
    %add3A_7 = arith.addi %mul3A_2, %add3A_6 : i32
    "tpu.region"() ({
      %run_scoped3A = tpu.sem_alloc : memref<!tpu.dma_semaphore, #tpu.memory_space<semaphore_mem>>
      %dma_start3A_628 = tpu.memref_slice %arg2[%add3A_7] : memref<33024xi32, #tpu.memory_space<hbm>> -> memref<1040xi32, #tpu.memory_space<hbm>>
      %dma_start3A_629 = tpu.memref_slice %arg2[%add3A_7] : memref<33024xi32, #tpu.memory_space<hbm>> -> memref<1040xi32, #tpu.memory_space<hbm>>
      tpu.enqueue_dma source(%dma_start3A_629 : memref<1040xi32, #tpu.memory_space<hbm>>) target(%arg33 : memref<1040xi32, #tpu.memory_space<vmem>>) target_semaphore(%run_scoped3A : memref<!tpu.dma_semaphore, #tpu.memory_space<semaphore_mem>>)
      %dma_wait3A_630 = tpu.memref_slice %arg2[%add3A_7] : memref<33024xi32, #tpu.memory_space<hbm>> -> memref<1040xi32, #tpu.memory_space<hbm>>
      %dma_wait3A_631 = tpu.memref_slice %arg2[%add3A_7] : memref<33024xi32, #tpu.memory_space<hbm>> -> memref<1040xi32, #tpu.memory_space<hbm>>
      tpu.wait_dma2 semaphore(%run_scoped3A : memref<!tpu.dma_semaphore, #tpu.memory_space<semaphore_mem>>) src(%dma_wait3A_631 : memref<1040xi32, #tpu.memory_space<hbm>>) dst(%arg33 : memref<1040xi32, #tpu.memory_space<vmem>>)
      tpu.yield
    }) : () -> ()
    "tpu.region"() ({
      %run_scoped3A = tpu.sem_alloc : memref<!tpu.dma_semaphore, #tpu.memory_space<semaphore_mem>>
      tpu.enqueue_dma source(%arg5 : memref<6x128xf32, #tpu.memory_space<hbm>>) target(%arg32 : memref<6x128xf32, #tpu.memory_space<vmem>>) target_semaphore(%run_scoped3A : memref<!tpu.dma_semaphore, #tpu.memory_space<semaphore_mem>>)
      tpu.wait_dma2 semaphore(%run_scoped3A : memref<!tpu.dma_semaphore, #tpu.memory_space<semaphore_mem>>) src(%arg5 : memref<6x128xf32, #tpu.memory_space<hbm>>) dst(%arg32 : memref<6x128xf32, #tpu.memory_space<vmem>>)
      tpu.yield
    }) : () -> ()
    %get3A = arith.constant 0 : i32
    %get3A_8 = arith.index_cast %get3A : i32 to index
    %get3A_9 = arith.constant 0 : index
    %get3A_10 = tpu.vector_load %arg32[%get3A_8, %get3A_9] {strides = array<i32>} : memref<6x128xf32, #tpu.memory_space<vmem>>, vector<1x16xf32>,
    %get3A_11 = vector.shape_cast %get3A_10 : vector<1x16xf32> to vector<16xf32>
    %get3A_12 = arith.constant 1 : i32
    %get3A_13 = arith.index_cast %get3A_12 : i32 to index
    %get3A_14 = arith.constant 0 : index
    %get3A_15 = tpu.vector_load %arg32[%get3A_13, %get3A_14] {strides = array<i32>} : memref<6x128xf32, #tpu.memory_space<vmem>>, vector<1x16xf32>,
    %get3A_16 = vector.shape_cast %get3A_15 : vector<1x16xf32> to vector<16xf32>
    %add3A_17 = arith.addf %get3A_11, %get3A_16 : vector<16xf32>
    %get3A_18 = arith.constant 2 : i32
    %get3A_19 = arith.index_cast %get3A_18 : i32 to index
    %get3A_20 = arith.constant 0 : index
    %get3A_21 = tpu.vector_load %arg32[%get3A_19, %get3A_20] {strides = array<i32>} : memref<6x128xf32, #tpu.memory_space<vmem>>, vector<1x16xf32>,
    %get3A_22 = vector.shape_cast %get3A_21 : vector<1x16xf32> to vector<16xf32>
    %add3A_23 = arith.addf %add3A_17, %get3A_22 : vector<16xf32>
    %get3A_24 = arith.constant 3 : i32
    %get3A_25 = arith.index_cast %get3A_24 : i32 to index
    %get3A_26 = arith.constant 0 : index
    %get3A_27 = tpu.vector_load %arg32[%get3A_25, %get3A_26] {strides = array<i32>} : memref<6x128xf32, #tpu.memory_space<vmem>>, vector<1x16xf32>,
    %get3A_28 = vector.shape_cast %get3A_27 : vector<1x16xf32> to vector<16xf32>
    %add3A_29 = arith.addf %add3A_23, %get3A_28 : vector<16xf32>
    %get3A_30 = arith.constant 4 : i32
    %get3A_31 = arith.index_cast %get3A_30 : i32 to index
    %get3A_32 = arith.constant 0 : index
    %get3A_33 = tpu.vector_load %arg32[%get3A_31, %get3A_32] {strides = array<i32>} : memref<6x128xf32, #tpu.memory_space<vmem>>, vector<1x16xf32>,
    %get3A_34 = vector.shape_cast %get3A_33 : vector<1x16xf32> to vector<16xf32>
    %add3A_35 = arith.addf %add3A_29, %get3A_34 : vector<16xf32>
    %get3A_36 = arith.constant 5 : i32
    %get3A_37 = arith.index_cast %get3A_36 : i32 to index
    %get3A_38 = arith.constant 0 : index
    %get3A_39 = tpu.vector_load %arg32[%get3A_37, %get3A_38] {strides = array<i32>} : memref<6x128xf32, #tpu.memory_space<vmem>>, vector<1x16xf32>,
    %get3A_40 = vector.shape_cast %get3A_39 : vector<1x16xf32> to vector<16xf32>
    %add3A_41 = arith.addf %add3A_35, %get3A_40 : vector<16xf32>
    %get3A_42 = arith.constant 0 : i32
    %get3A_43 = arith.index_cast %get3A_42 : i32 to index
    %get3A_44 = arith.constant 16 : index
    %get3A_45 = tpu.vector_load %arg32[%get3A_43, %get3A_44] {strides = array<i32>} : memref<6x128xf32, #tpu.memory_space<vmem>>, vector<1x16xf32>,
    %get3A_46 = vector.shape_cast %get3A_45 : vector<1x16xf32> to vector<16xf32>
    %get3A_47 = arith.constant 1 : i32
    %get3A_48 = arith.index_cast %get3A_47 : i32 to index
    %get3A_49 = arith.constant 16 : index
    %get3A_50 = tpu.vector_load %arg32[%get3A_48, %get3A_49] {strides = array<i32>} : memref<6x128xf32, #tpu.memory_space<vmem>>, vector<1x16xf32>,
    %get3A_51 = vector.shape_cast %get3A_50 : vector<1x16xf32> to vector<16xf32>
    %add3A_52 = arith.addf %get3A_46, %get3A_51 : vector<16xf32>
    %get3A_53 = arith.constant 2 : i32
    %get3A_54 = arith.index_cast %get3A_53 : i32 to index
    %get3A_55 = arith.constant 16 : index
    %get3A_56 = tpu.vector_load %arg32[%get3A_54, %get3A_55] {strides = array<i32>} : memref<6x128xf32, #tpu.memory_space<vmem>>, vector<1x16xf32>,
    %get3A_57 = vector.shape_cast %get3A_56 : vector<1x16xf32> to vector<16xf32>
    %add3A_58 = arith.addf %add3A_52, %get3A_57 : vector<16xf32>
    %get3A_59 = arith.constant 3 : i32
    %get3A_60 = arith.index_cast %get3A_59 : i32 to index
    %get3A_61 = arith.constant 16 : index
    %get3A_62 = tpu.vector_load %arg32[%get3A_60, %get3A_61] {strides = array<i32>} : memref<6x128xf32, #tpu.memory_space<vmem>>, vector<1x16xf32>,
    %get3A_63 = vector.shape_cast %get3A_62 : vector<1x16xf32> to vector<16xf32>
    %add3A_64 = arith.addf %add3A_58, %get3A_63 : vector<16xf32>
    %get3A_65 = arith.constant 4 : i32
    %get3A_66 = arith.index_cast %get3A_65 : i32 to index
    %get3A_67 = arith.constant 16 : index
    %get3A_68 = tpu.vector_load %arg32[%get3A_66, %get3A_67] {strides = array<i32>} : memref<6x128xf32, #tpu.memory_space<vmem>>, vector<1x16xf32>,
    %get3A_69 = vector.shape_cast %get3A_68 : vector<1x16xf32> to vector<16xf32>
    %add3A_70 = arith.addf %add3A_64, %get3A_69 : vector<16xf32>
    %get3A_71 = arith.constant 5 : i32
    %get3A_72 = arith.index_cast %get3A_71 : i32 to index
    %get3A_73 = arith.constant 16 : index
    %get3A_74 = tpu.vector_load %arg32[%get3A_72, %get3A_73] {strides = array<i32>} : memref<6x128xf32, #tpu.memory_space<vmem>>, vector<1x16xf32>,
    %get3A_75 = vector.shape_cast %get3A_74 : vector<1x16xf32> to vector<16xf32>
    %add3A_76 = arith.addf %add3A_70, %get3A_75 : vector<16xf32>
    %get3A_77 = arith.constant 0 : i32
    %get3A_78 = arith.index_cast %get3A_77 : i32 to index
    %get3A_79 = arith.constant 32 : index
    %get3A_80 = tpu.vector_load %arg32[%get3A_78, %get3A_79] {strides = array<i32>} : memref<6x128xf32, #tpu.memory_space<vmem>>, vector<1x16xf32>,
    %get3A_81 = vector.shape_cast %get3A_80 : vector<1x16xf32> to vector<16xf32>
    %get3A_82 = arith.constant 1 : i32
    %get3A_83 = arith.index_cast %get3A_82 : i32 to index
    %get3A_84 = arith.constant 32 : index
    %get3A_85 = tpu.vector_load %arg32[%get3A_83, %get3A_84] {strides = array<i32>} : memref<6x128xf32, #tpu.memory_space<vmem>>, vector<1x16xf32>,
    %get3A_86 = vector.shape_cast %get3A_85 : vector<1x16xf32> to vector<16xf32>
    %add3A_87 = arith.addf %get3A_81, %get3A_86 : vector<16xf32>
    %get3A_88 = arith.constant 2 : i32
    %get3A_89 = arith.index_cast %get3A_88 : i32 to index
    %get3A_90 = arith.constant 32 : index
    %get3A_91 = tpu.vector_load %arg32[%get3A_89, %get3A_90] {strides = array<i32>} : memref<6x128xf32, #tpu.memory_space<vmem>>, vector<1x16xf32>,
    %get3A_92 = vector.shape_cast %get3A_91 : vector<1x16xf32> to vector<16xf32>
    %add3A_93 = arith.addf %add3A_87, %get3A_92 : vector<16xf32>
    %get3A_94 = arith.constant 3 : i32
    %get3A_95 = arith.index_cast %get3A_94 : i32 to index
    %get3A_96 = arith.constant 32 : index
    %get3A_97 = tpu.vector_load %arg32[%get3A_95, %get3A_96] {strides = array<i32>} : memref<6x128xf32, #tpu.memory_space<vmem>>, vector<1x16xf32>,
    %get3A_98 = vector.shape_cast %get3A_97 : vector<1x16xf32> to vector<16xf32>
    %add3A_99 = arith.addf %add3A_93, %get3A_98 : vector<16xf32>
    %get3A_100 = arith.constant 4 : i32
    %get3A_101 = arith.index_cast %get3A_100 : i32 to index
    %get3A_102 = arith.constant 32 : index
    %get3A_103 = tpu.vector_load %arg32[%get3A_101, %get3A_102] {strides = array<i32>} : memref<6x128xf32, #tpu.memory_space<vmem>>, vector<1x16xf32>,
    %get3A_104 = vector.shape_cast %get3A_103 : vector<1x16xf32> to vector<16xf32>
    %add3A_105 = arith.addf %add3A_99, %get3A_104 : vector<16xf32>
    %get3A_106 = arith.constant 5 : i32
    %get3A_107 = arith.index_cast %get3A_106 : i32 to index
    %get3A_108 = arith.constant 32 : index
    %get3A_109 = tpu.vector_load %arg32[%get3A_107, %get3A_108] {strides = array<i32>} : memref<6x128xf32, #tpu.memory_space<vmem>>, vector<1x16xf32>,
    %get3A_110 = vector.shape_cast %get3A_109 : vector<1x16xf32> to vector<16xf32>
    %add3A_111 = arith.addf %add3A_105, %get3A_110 : vector<16xf32>
    %get3A_112 = arith.constant 0 : i32
    %get3A_113 = arith.index_cast %get3A_112 : i32 to index
    %get3A_114 = arith.constant 48 : index
    %get3A_115 = tpu.vector_load %arg32[%get3A_113, %get3A_114] {strides = array<i32>} : memref<6x128xf32, #tpu.memory_space<vmem>>, vector<1x16xf32>,
    %get3A_116 = vector.shape_cast %get3A_115 : vector<1x16xf32> to vector<16xf32>
    %get3A_117 = arith.constant 1 : i32
    %get3A_118 = arith.index_cast %get3A_117 : i32 to index
    %get3A_119 = arith.constant 48 : index
    %get3A_120 = tpu.vector_load %arg32[%get3A_118, %get3A_119] {strides = array<i32>} : memref<6x128xf32, #tpu.memory_space<vmem>>, vector<1x16xf32>,
    %get3A_121 = vector.shape_cast %get3A_120 : vector<1x16xf32> to vector<16xf32>
    %add3A_122 = arith.addf %get3A_116, %get3A_121 : vector<16xf32>
    %get3A_123 = arith.constant 2 : i32
    %get3A_124 = arith.index_cast %get3A_123 : i32 to index
    %get3A_125 = arith.constant 48 : index
    %get3A_126 = tpu.vector_load %arg32[%get3A_124, %get3A_125] {strides = array<i32>} : memref<6x128xf32, #tpu.memory_space<vmem>>, vector<1x16xf32>,
    %get3A_127 = vector.shape_cast %get3A_126 : vector<1x16xf32> to vector<16xf32>
    %add3A_128 = arith.addf %add3A_122, %get3A_127 : vector<16xf32>
    %get3A_129 = arith.constant 3 : i32
    %get3A_130 = arith.index_cast %get3A_129 : i32 to index
    %get3A_131 = arith.constant 48 : index
    %get3A_132 = tpu.vector_load %arg32[%get3A_130, %get3A_131] {strides = array<i32>} : memref<6x128xf32, #tpu.memory_space<vmem>>, vector<1x16xf32>,
    %get3A_133 = vector.shape_cast %get3A_132 : vector<1x16xf32> to vector<16xf32>
    %add3A_134 = arith.addf %add3A_128, %get3A_133 : vector<16xf32>
    %get3A_135 = arith.constant 4 : i32
    %get3A_136 = arith.index_cast %get3A_135 : i32 to index
    %get3A_137 = arith.constant 48 : index
    %get3A_138 = tpu.vector_load %arg32[%get3A_136, %get3A_137] {strides = array<i32>} : memref<6x128xf32, #tpu.memory_space<vmem>>, vector<1x16xf32>,
    %get3A_139 = vector.shape_cast %get3A_138 : vector<1x16xf32> to vector<16xf32>
    %add3A_140 = arith.addf %add3A_134, %get3A_139 : vector<16xf32>
    %get3A_141 = arith.constant 5 : i32
    %get3A_142 = arith.index_cast %get3A_141 : i32 to index
    %get3A_143 = arith.constant 48 : index
    %get3A_144 = tpu.vector_load %arg32[%get3A_142, %get3A_143] {strides = array<i32>} : memref<6x128xf32, #tpu.memory_space<vmem>>, vector<1x16xf32>,
    %get3A_145 = vector.shape_cast %get3A_144 : vector<1x16xf32> to vector<16xf32>
    %add3A_146 = arith.addf %add3A_140, %get3A_145 : vector<16xf32>
    %get3A_147 = arith.constant 0 : i32
    %get3A_148 = arith.index_cast %get3A_147 : i32 to index
    %get3A_149 = arith.constant 64 : index
    %get3A_150 = tpu.vector_load %arg32[%get3A_148, %get3A_149] {strides = array<i32>} : memref<6x128xf32, #tpu.memory_space<vmem>>, vector<1x16xf32>,
    %get3A_151 = vector.shape_cast %get3A_150 : vector<1x16xf32> to vector<16xf32>
    %get3A_152 = arith.constant 1 : i32
    %get3A_153 = arith.index_cast %get3A_152 : i32 to index
    %get3A_154 = arith.constant 64 : index
    %get3A_155 = tpu.vector_load %arg32[%get3A_153, %get3A_154] {strides = array<i32>} : memref<6x128xf32, #tpu.memory_space<vmem>>, vector<1x16xf32>,
    %get3A_156 = vector.shape_cast %get3A_155 : vector<1x16xf32> to vector<16xf32>
    %add3A_157 = arith.addf %get3A_151, %get3A_156 : vector<16xf32>
    %get3A_158 = arith.constant 2 : i32
    %get3A_159 = arith.index_cast %get3A_158 : i32 to index
    %get3A_160 = arith.constant 64 : index
    %get3A_161 = tpu.vector_load %arg32[%get3A_159, %get3A_160] {strides = array<i32>} : memref<6x128xf32, #tpu.memory_space<vmem>>, vector<1x16xf32>,
    %get3A_162 = vector.shape_cast %get3A_161 : vector<1x16xf32> to vector<16xf32>
    %add3A_163 = arith.addf %add3A_157, %get3A_162 : vector<16xf32>
    %get3A_164 = arith.constant 3 : i32
    %get3A_165 = arith.index_cast %get3A_164 : i32 to index
    %get3A_166 = arith.constant 64 : index
    %get3A_167 = tpu.vector_load %arg32[%get3A_165, %get3A_166] {strides = array<i32>} : memref<6x128xf32, #tpu.memory_space<vmem>>, vector<1x16xf32>,
    %get3A_168 = vector.shape_cast %get3A_167 : vector<1x16xf32> to vector<16xf32>
    %add3A_169 = arith.addf %add3A_163, %get3A_168 : vector<16xf32>
    %get3A_170 = arith.constant 4 : i32
    %get3A_171 = arith.index_cast %get3A_170 : i32 to index
    %get3A_172 = arith.constant 64 : index
    %get3A_173 = tpu.vector_load %arg32[%get3A_171, %get3A_172] {strides = array<i32>} : memref<6x128xf32, #tpu.memory_space<vmem>>, vector<1x16xf32>,
    %get3A_174 = vector.shape_cast %get3A_173 : vector<1x16xf32> to vector<16xf32>
    %add3A_175 = arith.addf %add3A_169, %get3A_174 : vector<16xf32>
    %get3A_176 = arith.constant 5 : i32
    %get3A_177 = arith.index_cast %get3A_176 : i32 to index
    %get3A_178 = arith.constant 64 : index
    %get3A_179 = tpu.vector_load %arg32[%get3A_177, %get3A_178] {strides = array<i32>} : memref<6x128xf32, #tpu.memory_space<vmem>>, vector<1x16xf32>,
    %get3A_180 = vector.shape_cast %get3A_179 : vector<1x16xf32> to vector<16xf32>
    %add3A_181 = arith.addf %add3A_175, %get3A_180 : vector<16xf32>
    %get3A_182 = arith.constant 0 : i32
    %get3A_183 = arith.index_cast %get3A_182 : i32 to index
    %get3A_184 = arith.constant 80 : index
    %get3A_185 = tpu.vector_load %arg32[%get3A_183, %get3A_184] {strides = array<i32>} : memref<6x128xf32, #tpu.memory_space<vmem>>, vector<1x16xf32>,
    %get3A_186 = vector.shape_cast %get3A_185 : vector<1x16xf32> to vector<16xf32>
    %get3A_187 = arith.constant 1 : i32
    %get3A_188 = arith.index_cast %get3A_187 : i32 to index
    %get3A_189 = arith.constant 80 : index
    %get3A_190 = tpu.vector_load %arg32[%get3A_188, %get3A_189] {strides = array<i32>} : memref<6x128xf32, #tpu.memory_space<vmem>>, vector<1x16xf32>,
    %get3A_191 = vector.shape_cast %get3A_190 : vector<1x16xf32> to vector<16xf32>
    %add3A_192 = arith.addf %get3A_186, %get3A_191 : vector<16xf32>
    %get3A_193 = arith.constant 2 : i32
    %get3A_194 = arith.index_cast %get3A_193 : i32 to index
    %get3A_195 = arith.constant 80 : index
    %get3A_196 = tpu.vector_load %arg32[%get3A_194, %get3A_195] {strides = array<i32>} : memref<6x128xf32, #tpu.memory_space<vmem>>, vector<1x16xf32>,
    %get3A_197 = vector.shape_cast %get3A_196 : vector<1x16xf32> to vector<16xf32>
    %add3A_198 = arith.addf %add3A_192, %get3A_197 : vector<16xf32>
    %get3A_199 = arith.constant 3 : i32
    %get3A_200 = arith.index_cast %get3A_199 : i32 to index
    %get3A_201 = arith.constant 80 : index
    %get3A_202 = tpu.vector_load %arg32[%get3A_200, %get3A_201] {strides = array<i32>} : memref<6x128xf32, #tpu.memory_space<vmem>>, vector<1x16xf32>,
    %get3A_203 = vector.shape_cast %get3A_202 : vector<1x16xf32> to vector<16xf32>
    %add3A_204 = arith.addf %add3A_198, %get3A_203 : vector<16xf32>
    %get3A_205 = arith.constant 4 : i32
    %get3A_206 = arith.index_cast %get3A_205 : i32 to index
    %get3A_207 = arith.constant 80 : index
    %get3A_208 = tpu.vector_load %arg32[%get3A_206, %get3A_207] {strides = array<i32>} : memref<6x128xf32, #tpu.memory_space<vmem>>, vector<1x16xf32>,
    %get3A_209 = vector.shape_cast %get3A_208 : vector<1x16xf32> to vector<16xf32>
    %add3A_210 = arith.addf %add3A_204, %get3A_209 : vector<16xf32>
    %get3A_211 = arith.constant 5 : i32
    %get3A_212 = arith.index_cast %get3A_211 : i32 to index
    %get3A_213 = arith.constant 80 : index
    %get3A_214 = tpu.vector_load %arg32[%get3A_212, %get3A_213] {strides = array<i32>} : memref<6x128xf32, #tpu.memory_space<vmem>>, vector<1x16xf32>,
    %get3A_215 = vector.shape_cast %get3A_214 : vector<1x16xf32> to vector<16xf32>
    %add3A_216 = arith.addf %add3A_210, %get3A_215 : vector<16xf32>
    %get3A_217 = arith.constant 0 : i32
    %get3A_218 = arith.index_cast %get3A_217 : i32 to index
    %get3A_219 = arith.constant 96 : index
    %get3A_220 = tpu.vector_load %arg32[%get3A_218, %get3A_219] {strides = array<i32>} : memref<6x128xf32, #tpu.memory_space<vmem>>, vector<1x16xf32>,
    %get3A_221 = vector.shape_cast %get3A_220 : vector<1x16xf32> to vector<16xf32>
    %get3A_222 = arith.constant 1 : i32
    %get3A_223 = arith.index_cast %get3A_222 : i32 to index
    %get3A_224 = arith.constant 96 : index
    %get3A_225 = tpu.vector_load %arg32[%get3A_223, %get3A_224] {strides = array<i32>} : memref<6x128xf32, #tpu.memory_space<vmem>>, vector<1x16xf32>,
    %get3A_226 = vector.shape_cast %get3A_225 : vector<1x16xf32> to vector<16xf32>
    %add3A_227 = arith.addf %get3A_221, %get3A_226 : vector<16xf32>
    %get3A_228 = arith.constant 2 : i32
    %get3A_229 = arith.index_cast %get3A_228 : i32 to index
    %get3A_230 = arith.constant 96 : index
    %get3A_231 = tpu.vector_load %arg32[%get3A_229, %get3A_230] {strides = array<i32>} : memref<6x128xf32, #tpu.memory_space<vmem>>, vector<1x16xf32>,
    %get3A_232 = vector.shape_cast %get3A_231 : vector<1x16xf32> to vector<16xf32>
    %add3A_233 = arith.addf %add3A_227, %get3A_232 : vector<16xf32>
    %get3A_234 = arith.constant 3 : i32
    %get3A_235 = arith.index_cast %get3A_234 : i32 to index
    %get3A_236 = arith.constant 96 : index
    %get3A_237 = tpu.vector_load %arg32[%get3A_235, %get3A_236] {strides = array<i32>} : memref<6x128xf32, #tpu.memory_space<vmem>>, vector<1x16xf32>,
    %get3A_238 = vector.shape_cast %get3A_237 : vector<1x16xf32> to vector<16xf32>
    %add3A_239 = arith.addf %add3A_233, %get3A_238 : vector<16xf32>
    %get3A_240 = arith.constant 4 : i32
    %get3A_241 = arith.index_cast %get3A_240 : i32 to index
    %get3A_242 = arith.constant 96 : index
    %get3A_243 = tpu.vector_load %arg32[%get3A_241, %get3A_242] {strides = array<i32>} : memref<6x128xf32, #tpu.memory_space<vmem>>, vector<1x16xf32>,
    %get3A_244 = vector.shape_cast %get3A_243 : vector<1x16xf32> to vector<16xf32>
    %add3A_245 = arith.addf %add3A_239, %get3A_244 : vector<16xf32>
    %get3A_246 = arith.constant 5 : i32
    %get3A_247 = arith.index_cast %get3A_246 : i32 to index
    %get3A_248 = arith.constant 96 : index
    %get3A_249 = tpu.vector_load %arg32[%get3A_247, %get3A_248] {strides = array<i32>} : memref<6x128xf32, #tpu.memory_space<vmem>>, vector<1x16xf32>,
    %get3A_250 = vector.shape_cast %get3A_249 : vector<1x16xf32> to vector<16xf32>
    %add3A_251 = arith.addf %add3A_245, %get3A_250 : vector<16xf32>
    %get3A_252 = arith.constant 0 : i32
    %get3A_253 = arith.index_cast %get3A_252 : i32 to index
    %get3A_254 = arith.constant 112 : index
    %get3A_255 = tpu.vector_load %arg32[%get3A_253, %get3A_254] {strides = array<i32>} : memref<6x128xf32, #tpu.memory_space<vmem>>, vector<1x16xf32>,
    %get3A_256 = vector.shape_cast %get3A_255 : vector<1x16xf32> to vector<16xf32>
    %get3A_257 = arith.constant 1 : i32
    %get3A_258 = arith.index_cast %get3A_257 : i32 to index
    %get3A_259 = arith.constant 112 : index
    %get3A_260 = tpu.vector_load %arg32[%get3A_258, %get3A_259] {strides = array<i32>} : memref<6x128xf32, #tpu.memory_space<vmem>>, vector<1x16xf32>,
    %get3A_261 = vector.shape_cast %get3A_260 : vector<1x16xf32> to vector<16xf32>
    %add3A_262 = arith.addf %get3A_256, %get3A_261 : vector<16xf32>
    %get3A_263 = arith.constant 2 : i32
    %get3A_264 = arith.index_cast %get3A_263 : i32 to index
    %get3A_265 = arith.constant 112 : index
    %get3A_266 = tpu.vector_load %arg32[%get3A_264, %get3A_265] {strides = array<i32>} : memref<6x128xf32, #tpu.memory_space<vmem>>, vector<1x16xf32>,
    %get3A_267 = vector.shape_cast %get3A_266 : vector<1x16xf32> to vector<16xf32>
    %add3A_268 = arith.addf %add3A_262, %get3A_267 : vector<16xf32>
    %get3A_269 = arith.constant 3 : i32
    %get3A_270 = arith.index_cast %get3A_269 : i32 to index
    %get3A_271 = arith.constant 112 : index
    %get3A_272 = tpu.vector_load %arg32[%get3A_270, %get3A_271] {strides = array<i32>} : memref<6x128xf32, #tpu.memory_space<vmem>>, vector<1x16xf32>,
    %get3A_273 = vector.shape_cast %get3A_272 : vector<1x16xf32> to vector<16xf32>
    %add3A_274 = arith.addf %add3A_268, %get3A_273 : vector<16xf32>
    %get3A_275 = arith.constant 4 : i32
    %get3A_276 = arith.index_cast %get3A_275 : i32 to index
    %get3A_277 = arith.constant 112 : index
    %get3A_278 = tpu.vector_load %arg32[%get3A_276, %get3A_277] {strides = array<i32>} : memref<6x128xf32, #tpu.memory_space<vmem>>, vector<1x16xf32>,
    %get3A_279 = vector.shape_cast %get3A_278 : vector<1x16xf32> to vector<16xf32>
    %add3A_280 = arith.addf %add3A_274, %get3A_279 : vector<16xf32>
    %get3A_281 = arith.constant 5 : i32
    %get3A_282 = arith.index_cast %get3A_281 : i32 to index
    %get3A_283 = arith.constant 112 : index
    %get3A_284 = tpu.vector_load %arg32[%get3A_282, %get3A_283] {strides = array<i32>} : memref<6x128xf32, #tpu.memory_space<vmem>>, vector<1x16xf32>,
    %get3A_285 = vector.shape_cast %get3A_284 : vector<1x16xf32> to vector<16xf32>
    %add3A_286 = arith.addf %add3A_280, %get3A_285 : vector<16xf32>
    %scan3A = arith.constant 0 : i32
    %scan3A_287 = arith.constant 0 : i32
    %scan3A_288 = arith.constant 65 : i32
    %scan3A_289 = arith.addi %scan3A_287, %scan3A_288 : i32
    %scan3A_290 = arith.constant 1 : i32
    scf.for %scan3A_628 = %scan3A_287 to %scan3A_289 step %scan3A_290  : i32 {
      %mul3A_629 = arith.constant 16 : i32
      %mul3A_630 = arith.muli %scan3A_628, %mul3A_629 : i32
      %get3A_631 = arith.index_cast %mul3A_630 : i32 to index
      %get3A_632 = tpu.vector_load %arg33[%get3A_631] {strides = array<i32>} : memref<1040xi32, #tpu.memory_space<vmem>>, vector<16xi32>,
      %get3A_633 = vector.shape_cast %get3A_632 : vector<16xi32> to vector<16xi32>
      %mul3A_634 = arith.constant 16 : i32
      %mul3A_635 = arith.muli %scan3A_628, %mul3A_634 : i32
      %add3A_636 = arith.constant 16 : i32
      %add3A_637 = arith.addi %add3A_636, %mul3A_635 : i32
      %swap3A_638 = arith.index_cast %add3A_637 : i32 to index
      %swap3A_639 = tpu.vector_load %arg34[%swap3A_638] {strides = array<i32>} : memref<8448xi32, #tpu.memory_space<vmem>>, vector<16xi32>,
      %swap3A_640 = vector.shape_cast %swap3A_639 : vector<16xi32> to vector<16xi32>
      %swap3A_641 = vector.shape_cast %get3A_633 : vector<16xi32> to vector<16xi32>
      tpu.vector_store %arg34[%swap3A_638], %swap3A_641 {strides = array<i32>} : memref<8448xi32, #tpu.memory_space<vmem>>, vector<16xi32>,
    }
    %scan3A_291 = arith.constant 65 : i32
    %iota3A = tpu.iota {dimensions = array<i32: 0>} : vector<16xi32>
    %scan3A_292 = arith.constant 0 : i32
    %scan3A_293 = arith.constant 2 : i32
    %scan3A_294 = arith.constant 7 : i32
    %scan3A_295 = arith.addi %scan3A_293, %scan3A_294 : i32
    %scan3A_296 = arith.constant 1 : i32
    scf.for %scan3A_628 = %scan3A_293 to %scan3A_295 step %scan3A_296  : i32 {
      %mul3A_629 = arith.constant 0 : i32
      %mul3A_630 = arith.constant 16 : i32
      %mul3A_631 = arith.muli %mul3A_629, %mul3A_630 : i32
      %sub3A = arith.constant 2 : i32
      %sub3A_632 = arith.subi %scan3A_628, %sub3A : i32
      %mul3A_633 = arith.constant 1056 : i32
      %mul3A_634 = arith.muli %sub3A_632, %mul3A_633 : i32
      %add3A_635 = arith.constant 15 : i32
      %add3A_636 = arith.addi %mul3A_634, %add3A_635 : i32
      %add3A_637 = arith.addi %add3A_636, %mul3A_631 : i32
      %get3A_638 = arith.index_cast %add3A_637 : i32 to index
      %get3A_639 = tpu.vector_load %arg34[%get3A_638] {strides = array<i32>} : memref<8448xi32, #tpu.memory_space<vmem>>, vector<16xi32>,
      %get3A_640 = vector.shape_cast %get3A_639 : vector<16xi32> to vector<16xi32>
      %get3A_641 = arith.index_cast %mul3A_631 : i32 to index
      %get3A_642 = tpu.vector_load %arg33[%get3A_641] {strides = array<i32>} : memref<1040xi32, #tpu.memory_space<vmem>>, vector<16xi32>,
      %get3A_643 = vector.shape_cast %get3A_642 : vector<16xi32> to vector<16xi32>
      %mul3A_644 = arith.constant 260 : i32
      %mul3A_645 = vector.broadcast %mul3A_644 : i32 to vector<16xi32>
      %mul3A_646 = arith.muli %get3A_640, %mul3A_645 : vector<16xi32>
      %add3A_647 = arith.addi %mul3A_646, %get3A_643 : vector<16xi32>
      %and3A = arith.constant 8388607 : i32
      %and3A_648 = vector.broadcast %and3A : i32 to vector<16xi32>
      %and3A_649 = arith.andi %add3A_647, %and3A_648 : vector<16xi32>
      %sub3A_650 = arith.constant 1 : i32
      %sub3A_651 = arith.subi %scan3A_628, %sub3A_650 : i32
      %mul3A_652 = arith.constant 1056 : i32
      %mul3A_653 = arith.muli %sub3A_651, %mul3A_652 : i32
      %add3A_654 = arith.constant 16 : i32
      %add3A_655 = arith.addi %mul3A_653, %add3A_654 : i32
      %add3A_656 = arith.addi %add3A_655, %mul3A_631 : i32
      %swap3A_657 = arith.index_cast %add3A_656 : i32 to index
      %swap3A_658 = tpu.vector_load %arg34[%swap3A_657] {strides = array<i32>} : memref<8448xi32, #tpu.memory_space<vmem>>, vector<16xi32>,
      %swap3A_659 = vector.shape_cast %swap3A_658 : vector<16xi32> to vector<16xi32>
      %swap3A_660 = vector.shape_cast %and3A_649 : vector<16xi32> to vector<16xi32>
      tpu.vector_store %arg34[%swap3A_657], %swap3A_660 {strides = array<i32>} : memref<8448xi32, #tpu.memory_space<vmem>>, vector<16xi32>,
    }
    %scan3A_297 = arith.constant 7 : i32
    %mul3A_298 = arith.constant 2 : i32
    %mul3A_299 = arith.constant 0 : i32
    %mul3A_300 = arith.muli %mul3A_298, %mul3A_299 : i32
    %add3A_301 = arith.constant 1 : i32
    %add3A_302 = arith.addi %mul3A_300, %add3A_301 : i32
    %add3A_303 = arith.constant 0 : i32
    %add3A_304 = arith.addi %add3A_302, %add3A_303 : i32
    %mul3A_305 = arith.constant 16 : i32
    %mul3A_306 = arith.muli %add3A_304, %mul3A_305 : i32
    %get3A_307 = arith.index_cast %mul3A_306 : i32 to index
    %get3A_308 = tpu.vector_load %arg33[%get3A_307] {strides = array<i32>} : memref<1040xi32, #tpu.memory_space<vmem>>, vector<16xi32>,
    %get3A_309 = vector.shape_cast %get3A_308 : vector<16xi32> to vector<16xi32>
    %swap3A = arith.constant 0 : i32
    %swap3A_310 = arith.constant 0 : i32
    %swap3A_311 = arith.index_cast %swap3A : i32 to index
    %swap3A_312 = arith.index_cast %swap3A_310 : i32 to index
    %swap3A_313 = arith.constant 0 : index
    %swap3A_314 = tpu.vector_load %arg7[%swap3A_311, %swap3A_312, %swap3A_313] {strides = array<i32>} : memref<3x7x32xi32, #tpu.memory_space<vmem>>, vector<1x1x16xi32>,
    %swap3A_315 = vector.shape_cast %swap3A_314 : vector<1x1x16xi32> to vector<16xi32>
    %swap3A_316 = vector.shape_cast %get3A_309 : vector<16xi32> to vector<1x1x16xi32>
    tpu.vector_store %arg7[%swap3A_311, %swap3A_312, %swap3A_313], %swap3A_316 {strides = array<i32>} : memref<3x7x32xi32, #tpu.memory_space<vmem>>, vector<1x1x16xi32>,
    %mul3A_317 = arith.constant 2 : i32
    %mul3A_318 = arith.constant 0 : i32
    %mul3A_319 = arith.muli %mul3A_317, %mul3A_318 : i32
    %add3A_320 = arith.constant 1 : i32
    %add3A_321 = arith.addi %mul3A_319, %add3A_320 : i32
    %add3A_322 = arith.constant 1 : i32
    %add3A_323 = arith.addi %add3A_321, %add3A_322 : i32
    %mul3A_324 = arith.constant 16 : i32
    %mul3A_325 = arith.muli %add3A_323, %mul3A_324 : i32
    %get3A_326 = arith.index_cast %mul3A_325 : i32 to index
    %get3A_327 = tpu.vector_load %arg33[%get3A_326] {strides = array<i32>} : memref<1040xi32, #tpu.memory_space<vmem>>, vector<16xi32>,
    %get3A_328 = vector.shape_cast %get3A_327 : vector<16xi32> to vector<16xi32>
    %swap3A_329 = arith.constant 0 : i32
    %swap3A_330 = arith.constant 0 : i32
    %swap3A_331 = arith.index_cast %swap3A_329 : i32 to index
    %swap3A_332 = arith.index_cast %swap3A_330 : i32 to index
    %swap3A_333 = arith.constant 16 : index
    %swap3A_334 = tpu.vector_load %arg7[%swap3A_331, %swap3A_332, %swap3A_333] {strides = array<i32>} : memref<3x7x32xi32, #tpu.memory_space<vmem>>, vector<1x1x16xi32>,
    %swap3A_335 = vector.shape_cast %swap3A_334 : vector<1x1x16xi32> to vector<16xi32>
    %swap3A_336 = vector.shape_cast %get3A_328 : vector<16xi32> to vector<1x1x16xi32>
    tpu.vector_store %arg7[%swap3A_331, %swap3A_332, %swap3A_333], %swap3A_336 {strides = array<i32>} : memref<3x7x32xi32, #tpu.memory_space<vmem>>, vector<1x1x16xi32>,
    %scan3A_337 = arith.constant 0 : i32
    %scan3A_338 = arith.constant 0 : i32
    %scan3A_339 = arith.constant 2 : i32
    %scan3A_340 = arith.constant 7 : i32
    %scan3A_341 = arith.addi %scan3A_339, %scan3A_340 : i32
    %scan3A_342 = arith.constant 1 : i32
    scf.for %scan3A_628 = %scan3A_339 to %scan3A_341 step %scan3A_342  : i32 {
      %mul3A_629 = arith.constant 2 : i32
      %mul3A_630 = arith.muli %mul3A_629, %scan3A_338 : i32
      %add3A_631 = arith.constant 1 : i32
      %add3A_632 = arith.addi %mul3A_630, %add3A_631 : i32
      %add3A_633 = arith.constant 0 : i32
      %add3A_634 = arith.addi %add3A_632, %add3A_633 : i32
      %mul3A_635 = arith.constant 16 : i32
      %mul3A_636 = arith.muli %add3A_634, %mul3A_635 : i32
      %sub3A = arith.constant 2 : i32
      %sub3A_637 = arith.subi %scan3A_628, %sub3A : i32
      %mul3A_638 = arith.constant 1056 : i32
      %mul3A_639 = arith.muli %sub3A_637, %mul3A_638 : i32
      %add3A_640 = arith.constant 15 : i32
      %add3A_641 = arith.addi %mul3A_639, %add3A_640 : i32
      %add3A_642 = arith.addi %add3A_641, %mul3A_636 : i32
      %get3A_643 = arith.index_cast %add3A_642 : i32 to index
      %get3A_644 = tpu.vector_load %arg34[%get3A_643] {strides = array<i32>} : memref<8448xi32, #tpu.memory_space<vmem>>, vector<16xi32>,
      %get3A_645 = vector.shape_cast %get3A_644 : vector<16xi32> to vector<16xi32>
      %get3A_646 = arith.index_cast %mul3A_636 : i32 to index
      %get3A_647 = tpu.vector_load %arg33[%get3A_646] {strides = array<i32>} : memref<1040xi32, #tpu.memory_space<vmem>>, vector<16xi32>,
      %get3A_648 = vector.shape_cast %get3A_647 : vector<16xi32> to vector<16xi32>
      %mul3A_649 = arith.constant 260 : i32
      %mul3A_650 = vector.broadcast %mul3A_649 : i32 to vector<16xi32>
      %mul3A_651 = arith.muli %get3A_645, %mul3A_650 : vector<16xi32>
      %add3A_652 = arith.addi %mul3A_651, %get3A_648 : vector<16xi32>
      %and3A = arith.constant 8388607 : i32
      %and3A_653 = vector.broadcast %and3A : i32 to vector<16xi32>
      %and3A_654 = arith.andi %add3A_652, %and3A_653 : vector<16xi32>
      %sub3A_655 = arith.constant 1 : i32
      %sub3A_656 = arith.subi %scan3A_628, %sub3A_655 : i32
      %mul3A_657 = arith.constant 1056 : i32
      %mul3A_658 = arith.muli %sub3A_656, %mul3A_657 : i32
      %add3A_659 = arith.constant 16 : i32
      %add3A_660 = arith.addi %mul3A_658, %add3A_659 : i32
      %add3A_661 = arith.addi %add3A_660, %mul3A_636 : i32
      %swap3A_662 = arith.index_cast %add3A_661 : i32 to index
      %swap3A_663 = tpu.vector_load %arg34[%swap3A_662] {strides = array<i32>} : memref<8448xi32, #tpu.memory_space<vmem>>, vector<16xi32>,
      %swap3A_664 = vector.shape_cast %swap3A_663 : vector<16xi32> to vector<16xi32>
      %swap3A_665 = vector.shape_cast %and3A_654 : vector<16xi32> to vector<16xi32>
      tpu.vector_store %arg34[%swap3A_662], %swap3A_665 {strides = array<i32>} : memref<8448xi32, #tpu.memory_space<vmem>>, vector<16xi32>,
      %ge3A = arith.constant 3 : i32
      %ge3A_666 = arith.cmpi sge, %scan3A_628, %ge3A : i32
      %convert_element_type3A = arith.extui %ge3A_666 : i1 to i32
      %cond3A = arith.constant 0 : i32
      %cond3A_667 = arith.cmpi ne, %convert_element_type3A, %cond3A : i32
      scf.if %cond3A_667 {
        %ge3A_712 = arith.constant 8000000 : i32
        %ge3A_713 = vector.broadcast %ge3A_712 : i32 to vector<16xi32>
        %ge3A_714 = arith.cmpi sge, %and3A_654, %ge3A_713 : vector<16xi32>
        %sub3A_715 = arith.constant 8000000 : i32
        %sub3A_716 = vector.broadcast %sub3A_715 : i32 to vector<16xi32>
        %sub3A_717 = arith.subi %and3A_654, %sub3A_716 : vector<16xi32>
        %select_n3A = arith.select %ge3A_714, %sub3A_717, %and3A_654 : vector<16xi1>, vector<16xi32>
        %ge3A_718 = arith.constant 4000000 : i32
        %ge3A_719 = vector.broadcast %ge3A_718 : i32 to vector<16xi32>
        %ge3A_720 = arith.cmpi sge, %select_n3A, %ge3A_719 : vector<16xi32>
        %sub3A_721 = arith.constant 4000000 : i32
        %sub3A_722 = vector.broadcast %sub3A_721 : i32 to vector<16xi32>
        %sub3A_723 = arith.subi %select_n3A, %sub3A_722 : vector<16xi32>
        %select_n3A_724 = arith.select %ge3A_720, %sub3A_723, %select_n3A : vector<16xi1>, vector<16xi32>
        %ge3A_725 = arith.constant 2000000 : i32
        %ge3A_726 = vector.broadcast %ge3A_725 : i32 to vector<16xi32>
        %ge3A_727 = arith.cmpi sge, %select_n3A_724, %ge3A_726 : vector<16xi32>
        %sub3A_728 = arith.constant 2000000 : i32
        %sub3A_729 = vector.broadcast %sub3A_728 : i32 to vector<16xi32>
        %sub3A_730 = arith.subi %select_n3A_724, %sub3A_729 : vector<16xi32>
        %select_n3A_731 = arith.select %ge3A_727, %sub3A_730, %select_n3A_724 : vector<16xi1>, vector<16xi32>
        %ge3A_732 = arith.constant 1000000 : i32
        %ge3A_733 = vector.broadcast %ge3A_732 : i32 to vector<16xi32>
        %ge3A_734 = arith.cmpi sge, %select_n3A_731, %ge3A_733 : vector<16xi32>
        %sub3A_735 = arith.constant 1000000 : i32
        %sub3A_736 = vector.broadcast %sub3A_735 : i32 to vector<16xi32>
        %sub3A_737 = arith.subi %select_n3A_731, %sub3A_736 : vector<16xi32>
        %select_n3A_738 = arith.select %ge3A_734, %sub3A_737, %select_n3A_731 : vector<16xi1>, vector<16xi32>
        %ge3A_739 = arith.constant 500000 : i32
        %ge3A_740 = vector.broadcast %ge3A_739 : i32 to vector<16xi32>
        %ge3A_741 = arith.cmpi sge, %select_n3A_738, %ge3A_740 : vector<16xi32>
        %sub3A_742 = arith.constant 500000 : i32
        %sub3A_743 = vector.broadcast %sub3A_742 : i32 to vector<16xi32>
        %sub3A_744 = arith.subi %select_n3A_738, %sub3A_743 : vector<16xi32>
        %select_n3A_745 = arith.select %ge3A_741, %sub3A_744, %select_n3A_738 : vector<16xi1>, vector<16xi32>
        %sub3A_746 = arith.constant 16 : i32
        %sub3A_747 = arith.subi %mul3A_636, %sub3A_746 : i32
        %add3A_748 = arith.addi %mul3A_5, %sub3A_747 : i32
        %add3A_749 = vector.broadcast %add3A_748 : i32 to vector<16xi32>
        %add3A_750 = arith.addi %add3A_749, %iota3A : vector<16xi32>
        %sub3A_751 = arith.constant 1 : i32
        %sub3A_752 = arith.subi %scan3A_628, %sub3A_751 : i32
        %lt3A = vector.broadcast %sub3A_752 : i32 to vector<16xi32>
        %lt3A_753 = arith.cmpi slt, %add3A_750, %lt3A : vector<16xi32>
        %jit3A = arith.constant 0 : i32
        %broadcast_in_dim3A = vector.broadcast %jit3A : i32 to vector<16xi32>
        %select_n3A_754 = arith.select %lt3A_753, %broadcast_in_dim3A, %select_n3A_745 : vector<16xi1>, vector<16xi32>
        %sub3A_755 = arith.constant 2 : i32
        %sub3A_756 = arith.subi %scan3A_628, %sub3A_755 : i32
        %swap3A_757 = arith.constant 0 : i32
        %swap3A_758 = arith.index_cast %swap3A_757 : i32 to index
        %swap3A_759 = arith.index_cast %sub3A_756 : i32 to index
        %swap3A_760 = arith.constant 0 : index
        %swap3A_761 = tpu.vector_load %arg7[%swap3A_758, %swap3A_759, %swap3A_760] {strides = array<i32>} : memref<3x7x32xi32, #tpu.memory_space<vmem>>, vector<1x1x16xi32>,
        %swap3A_762 = vector.shape_cast %swap3A_761 : vector<1x1x16xi32> to vector<16xi32>
        %swap3A_763 = vector.shape_cast %select_n3A_754 : vector<16xi32> to vector<1x1x16xi32>
        tpu.vector_store %arg7[%swap3A_758, %swap3A_759, %swap3A_760], %swap3A_763 {strides = array<i32>} : memref<3x7x32xi32, #tpu.memory_space<vmem>>, vector<1x1x16xi32>,
      } else {
      }
      %mul3A_668 = arith.constant 2 : i32
      %mul3A_669 = arith.muli %mul3A_668, %scan3A_338 : i32
      %add3A_670 = arith.constant 1 : i32
      %add3A_671 = arith.addi %mul3A_669, %add3A_670 : i32
      %add3A_672 = arith.constant 1 : i32
      %add3A_673 = arith.addi %add3A_671, %add3A_672 : i32
      %mul3A_674 = arith.constant 16 : i32
      %mul3A_675 = arith.muli %add3A_673, %mul3A_674 : i32
      %sub3A_676 = arith.constant 2 : i32
      %sub3A_677 = arith.subi %scan3A_628, %sub3A_676 : i32
      %mul3A_678 = arith.constant 1056 : i32
      %mul3A_679 = arith.muli %sub3A_677, %mul3A_678 : i32
      %add3A_680 = arith.constant 15 : i32
      %add3A_681 = arith.addi %mul3A_679, %add3A_680 : i32
      %add3A_682 = arith.addi %add3A_681, %mul3A_675 : i32
      %get3A_683 = arith.index_cast %add3A_682 : i32 to index
      %get3A_684 = tpu.vector_load %arg34[%get3A_683] {strides = array<i32>} : memref<8448xi32, #tpu.memory_space<vmem>>, vector<16xi32>,
      %get3A_685 = vector.shape_cast %get3A_684 : vector<16xi32> to vector<16xi32>
      %get3A_686 = arith.index_cast %mul3A_675 : i32 to index
      %get3A_687 = tpu.vector_load %arg33[%get3A_686] {strides = array<i32>} : memref<1040xi32, #tpu.memory_space<vmem>>, vector<16xi32>,
      %get3A_688 = vector.shape_cast %get3A_687 : vector<16xi32> to vector<16xi32>
      %mul3A_689 = arith.constant 260 : i32
      %mul3A_690 = vector.broadcast %mul3A_689 : i32 to vector<16xi32>
      %mul3A_691 = arith.muli %get3A_685, %mul3A_690 : vector<16xi32>
      %add3A_692 = arith.addi %mul3A_691, %get3A_688 : vector<16xi32>
      %and3A_693 = arith.constant 8388607 : i32
      %and3A_694 = vector.broadcast %and3A_693 : i32 to vector<16xi32>
      %and3A_695 = arith.andi %add3A_692, %and3A_694 : vector<16xi32>
      %sub3A_696 = arith.constant 1 : i32
      %sub3A_697 = arith.subi %scan3A_628, %sub3A_696 : i32
      %mul3A_698 = arith.constant 1056 : i32
      %mul3A_699 = arith.muli %sub3A_697, %mul3A_698 : i32
      %add3A_700 = arith.constant 16 : i32
      %add3A_701 = arith.addi %mul3A_699, %add3A_700 : i32
      %add3A_702 = arith.addi %add3A_701, %mul3A_675 : i32
      %swap3A_703 = arith.index_cast %add3A_702 : i32 to index
      %swap3A_704 = tpu.vector_load %arg34[%swap3A_703] {strides = array<i32>} : memref<8448xi32, #tpu.memory_space<vmem>>, vector<16xi32>,
      %swap3A_705 = vector.shape_cast %swap3A_704 : vector<16xi32> to vector<16xi32>
      %swap3A_706 = vector.shape_cast %and3A_695 : vector<16xi32> to vector<16xi32>
      tpu.vector_store %arg34[%swap3A_703], %swap3A_706 {strides = array<i32>} : memref<8448xi32, #tpu.memory_space<vmem>>, vector<16xi32>,
      %ge3A_707 = arith.constant 3 : i32
      %ge3A_708 = arith.cmpi sge, %scan3A_628, %ge3A_707 : i32
      %convert_element_type3A_709 = arith.extui %ge3A_708 : i1 to i32
      %cond3A_710 = arith.constant 0 : i32
      %cond3A_711 = arith.cmpi ne, %convert_element_type3A_709, %cond3A_710 : i32
      scf.if %cond3A_711 {
        %ge3A_712 = arith.constant 8000000 : i32
        %ge3A_713 = vector.broadcast %ge3A_712 : i32 to vector<16xi32>
        %ge3A_714 = arith.cmpi sge, %and3A_695, %ge3A_713 : vector<16xi32>
        %sub3A_715 = arith.constant 8000000 : i32
        %sub3A_716 = vector.broadcast %sub3A_715 : i32 to vector<16xi32>
        %sub3A_717 = arith.subi %and3A_695, %sub3A_716 : vector<16xi32>
        %select_n3A = arith.select %ge3A_714, %sub3A_717, %and3A_695 : vector<16xi1>, vector<16xi32>
        %ge3A_718 = arith.constant 4000000 : i32
        %ge3A_719 = vector.broadcast %ge3A_718 : i32 to vector<16xi32>
        %ge3A_720 = arith.cmpi sge, %select_n3A, %ge3A_719 : vector<16xi32>
        %sub3A_721 = arith.constant 4000000 : i32
        %sub3A_722 = vector.broadcast %sub3A_721 : i32 to vector<16xi32>
        %sub3A_723 = arith.subi %select_n3A, %sub3A_722 : vector<16xi32>
        %select_n3A_724 = arith.select %ge3A_720, %sub3A_723, %select_n3A : vector<16xi1>, vector<16xi32>
        %ge3A_725 = arith.constant 2000000 : i32
        %ge3A_726 = vector.broadcast %ge3A_725 : i32 to vector<16xi32>
        %ge3A_727 = arith.cmpi sge, %select_n3A_724, %ge3A_726 : vector<16xi32>
        %sub3A_728 = arith.constant 2000000 : i32
        %sub3A_729 = vector.broadcast %sub3A_728 : i32 to vector<16xi32>
        %sub3A_730 = arith.subi %select_n3A_724, %sub3A_729 : vector<16xi32>
        %select_n3A_731 = arith.select %ge3A_727, %sub3A_730, %select_n3A_724 : vector<16xi1>, vector<16xi32>
        %ge3A_732 = arith.constant 1000000 : i32
        %ge3A_733 = vector.broadcast %ge3A_732 : i32 to vector<16xi32>
        %ge3A_734 = arith.cmpi sge, %select_n3A_731, %ge3A_733 : vector<16xi32>
        %sub3A_735 = arith.constant 1000000 : i32
        %sub3A_736 = vector.broadcast %sub3A_735 : i32 to vector<16xi32>
        %sub3A_737 = arith.subi %select_n3A_731, %sub3A_736 : vector<16xi32>
        %select_n3A_738 = arith.select %ge3A_734, %sub3A_737, %select_n3A_731 : vector<16xi1>, vector<16xi32>
        %ge3A_739 = arith.constant 500000 : i32
        %ge3A_740 = vector.broadcast %ge3A_739 : i32 to vector<16xi32>
        %ge3A_741 = arith.cmpi sge, %select_n3A_738, %ge3A_740 : vector<16xi32>
        %sub3A_742 = arith.constant 500000 : i32
        %sub3A_743 = vector.broadcast %sub3A_742 : i32 to vector<16xi32>
        %sub3A_744 = arith.subi %select_n3A_738, %sub3A_743 : vector<16xi32>
        %select_n3A_745 = arith.select %ge3A_741, %sub3A_744, %select_n3A_738 : vector<16xi1>, vector<16xi32>
        %sub3A_746 = arith.constant 16 : i32
        %sub3A_747 = arith.subi %mul3A_675, %sub3A_746 : i32
        %add3A_748 = arith.addi %mul3A_5, %sub3A_747 : i32
        %add3A_749 = vector.broadcast %add3A_748 : i32 to vector<16xi32>
        %add3A_750 = arith.addi %add3A_749, %iota3A : vector<16xi32>
        %sub3A_751 = arith.constant 1 : i32
        %sub3A_752 = arith.subi %scan3A_628, %sub3A_751 : i32
        %lt3A = vector.broadcast %sub3A_752 : i32 to vector<16xi32>
        %lt3A_753 = arith.cmpi slt, %add3A_750, %lt3A : vector<16xi32>
        %jit3A = arith.constant 0 : i32
        %broadcast_in_dim3A = vector.broadcast %jit3A : i32 to vector<16xi32>
        %select_n3A_754 = arith.select %lt3A_753, %broadcast_in_dim3A, %select_n3A_745 : vector<16xi1>, vector<16xi32>
        %sub3A_755 = arith.constant 2 : i32
        %sub3A_756 = arith.subi %scan3A_628, %sub3A_755 : i32
        %swap3A_757 = arith.constant 0 : i32
        %swap3A_758 = arith.index_cast %swap3A_757 : i32 to index
        %swap3A_759 = arith.index_cast %sub3A_756 : i32 to index
        %swap3A_760 = arith.constant 16 : index
        %swap3A_761 = tpu.vector_load %arg7[%swap3A_758, %swap3A_759, %swap3A_760] {strides = array<i32>} : memref<3x7x32xi32, #tpu.memory_space<vmem>>, vector<1x1x16xi32>,
        %swap3A_762 = vector.shape_cast %swap3A_761 : vector<1x1x16xi32> to vector<16xi32>
        %swap3A_763 = vector.shape_cast %select_n3A_754 : vector<16xi32> to vector<1x1x16xi32>
        tpu.vector_store %arg7[%swap3A_758, %swap3A_759, %swap3A_760], %swap3A_763 {strides = array<i32>} : memref<3x7x32xi32, #tpu.memory_space<vmem>>, vector<1x1x16xi32>,
      } else {
      }
    }
    %scan3A_343 = arith.constant 7 : i32
    %dma_start3A = arith.constant 0 : i32
    %dma_start3A_344 = arith.constant 0 : i32
    %dma_start3A_345 = arith.constant 0 : i32
    %dma_start3A_346 = tpu.memref_slice %arg7[%dma_start3A, %dma_start3A_344, %dma_start3A_345] : memref<3x7x32xi32, #tpu.memory_space<vmem>> -> memref<1x1x32xi32, #tpu.memory_space<vmem>>
    %dma_start3A_347 = tpu.memref_squeeze %dma_start3A_346 : memref<1x1x32xi32, #tpu.memory_space<vmem>> -> memref<32xi32, #tpu.memory_space<vmem>>
    %dma_start3A_348 = arith.constant 0 : i32
    %dma_start3A_349 = arith.constant 0 : i32
    %dma_start3A_350 = tpu.memref_slice %arg3[%dma_start3A_348, %dma_start3A_349] : memref<259x128xf32, #tpu.memory_space<hbm>> -> memref<259x128xf32, #tpu.memory_space<hbm>>
    tpu.enqueue_indirect_dma source(%dma_start3A_350 : memref<259x128xf32, #tpu.memory_space<hbm>>) target(%arg8 : memref<32x128xf32, #tpu.memory_space<vmem>>) offsets(%dma_start3A_347 : memref<32xi32, #tpu.memory_space<vmem>>) semaphore(%arg35 : memref<!tpu.dma_semaphore, #tpu.memory_space<semaphore_mem>>)
    %dma_start3A_351 = arith.constant 0 : i32
    %dma_start3A_352 = arith.constant 1 : i32
    %dma_start3A_353 = arith.constant 0 : i32
    %dma_start3A_354 = tpu.memref_slice %arg7[%dma_start3A_351, %dma_start3A_352, %dma_start3A_353] : memref<3x7x32xi32, #tpu.memory_space<vmem>> -> memref<1x1x32xi32, #tpu.memory_space<vmem>>
    %dma_start3A_355 = tpu.memref_squeeze %dma_start3A_354 : memref<1x1x32xi32, #tpu.memory_space<vmem>> -> memref<32xi32, #tpu.memory_space<vmem>>
    %dma_start3A_356 = arith.constant 0 : i32
    %dma_start3A_357 = arith.constant 0 : i32
    %dma_start3A_358 = tpu.memref_slice %arg4[%dma_start3A_356, %dma_start3A_357] : memref<500000x128xf32, #tpu.memory_space<hbm>> -> memref<500000x128xf32, #tpu.memory_space<hbm>>
    tpu.enqueue_indirect_dma source(%dma_start3A_358 : memref<500000x128xf32, #tpu.memory_space<hbm>>) target(%arg9 : memref<32x128xf32, #tpu.memory_space<vmem>>) offsets(%dma_start3A_355 : memref<32xi32, #tpu.memory_space<vmem>>) semaphore(%arg35 : memref<!tpu.dma_semaphore, #tpu.memory_space<semaphore_mem>>)
    %dma_start3A_359 = arith.constant 0 : i32
    %dma_start3A_360 = arith.constant 2 : i32
    %dma_start3A_361 = arith.constant 0 : i32
    %dma_start3A_362 = tpu.memref_slice %arg7[%dma_start3A_359, %dma_start3A_360, %dma_start3A_361] : memref<3x7x32xi32, #tpu.memory_space<vmem>> -> memref<1x1x32xi32, #tpu.memory_space<vmem>>
    %dma_start3A_363 = tpu.memref_squeeze %dma_start3A_362 : memref<1x1x32xi32, #tpu.memory_space<vmem>> -> memref<32xi32, #tpu.memory_space<vmem>>
    %dma_start3A_364 = arith.constant 0 : i32
    %dma_start3A_365 = arith.constant 0 : i32
    %dma_start3A_366 = tpu.memref_slice %arg4[%dma_start3A_364, %dma_start3A_365] : memref<500000x128xf32, #tpu.memory_space<hbm>> -> memref<500000x128xf32, #tpu.memory_space<hbm>>
    tpu.enqueue_indirect_dma source(%dma_start3A_366 : memref<500000x128xf32, #tpu.memory_space<hbm>>) target(%arg10 : memref<32x128xf32, #tpu.memory_space<vmem>>) offsets(%dma_start3A_363 : memref<32xi32, #tpu.memory_space<vmem>>) semaphore(%arg35 : memref<!tpu.dma_semaphore, #tpu.memory_space<semaphore_mem>>)
    %dma_start3A_367 = arith.constant 0 : i32
    %dma_start3A_368 = arith.constant 3 : i32
    %dma_start3A_369 = arith.constant 0 : i32
    %dma_start3A_370 = tpu.memref_slice %arg7[%dma_start3A_367, %dma_start3A_368, %dma_start3A_369] : memref<3x7x32xi32, #tpu.memory_space<vmem>> -> memref<1x1x32xi32, #tpu.memory_space<vmem>>
    %dma_start3A_371 = tpu.memref_squeeze %dma_start3A_370 : memref<1x1x32xi32, #tpu.memory_space<vmem>> -> memref<32xi32, #tpu.memory_space<vmem>>
    %dma_start3A_372 = arith.constant 0 : i32
    %dma_start3A_373 = arith.constant 0 : i32
    %dma_start3A_374 = tpu.memref_slice %arg4[%dma_start3A_372, %dma_start3A_373] : memref<500000x128xf32, #tpu.memory_space<hbm>> -> memref<500000x128xf32, #tpu.memory_space<hbm>>
    tpu.enqueue_indirect_dma source(%dma_start3A_374 : memref<500000x128xf32, #tpu.memory_space<hbm>>) target(%arg11 : memref<32x128xf32, #tpu.memory_space<vmem>>) offsets(%dma_start3A_371 : memref<32xi32, #tpu.memory_space<vmem>>) semaphore(%arg35 : memref<!tpu.dma_semaphore, #tpu.memory_space<semaphore_mem>>)
    %dma_start3A_375 = arith.constant 0 : i32
    %dma_start3A_376 = arith.constant 4 : i32
    %dma_start3A_377 = arith.constant 0 : i32
    %dma_start3A_378 = tpu.memref_slice %arg7[%dma_start3A_375, %dma_start3A_376, %dma_start3A_377] : memref<3x7x32xi32, #tpu.memory_space<vmem>> -> memref<1x1x32xi32, #tpu.memory_space<vmem>>
    %dma_start3A_379 = tpu.memref_squeeze %dma_start3A_378 : memref<1x1x32xi32, #tpu.memory_space<vmem>> -> memref<32xi32, #tpu.memory_space<vmem>>
    %dma_start3A_380 = arith.constant 0 : i32
    %dma_start3A_381 = arith.constant 0 : i32
    %dma_start3A_382 = tpu.memref_slice %arg4[%dma_start3A_380, %dma_start3A_381] : memref<500000x128xf32, #tpu.memory_space<hbm>> -> memref<500000x128xf32, #tpu.memory_space<hbm>>
    tpu.enqueue_indirect_dma source(%dma_start3A_382 : memref<500000x128xf32, #tpu.memory_space<hbm>>) target(%arg12 : memref<32x128xf32, #tpu.memory_space<vmem>>) offsets(%dma_start3A_379 : memref<32xi32, #tpu.memory_space<vmem>>) semaphore(%arg35 : memref<!tpu.dma_semaphore, #tpu.memory_space<semaphore_mem>>)
    %dma_start3A_383 = arith.constant 0 : i32
    %dma_start3A_384 = arith.constant 5 : i32
    %dma_start3A_385 = arith.constant 0 : i32
    %dma_start3A_386 = tpu.memref_slice %arg7[%dma_start3A_383, %dma_start3A_384, %dma_start3A_385] : memref<3x7x32xi32, #tpu.memory_space<vmem>> -> memref<1x1x32xi32, #tpu.memory_space<vmem>>
    %dma_start3A_387 = tpu.memref_squeeze %dma_start3A_386 : memref<1x1x32xi32, #tpu.memory_space<vmem>> -> memref<32xi32, #tpu.memory_space<vmem>>
    %dma_start3A_388 = arith.constant 0 : i32
    %dma_start3A_389 = arith.constant 0 : i32
    %dma_start3A_390 = tpu.memref_slice %arg4[%dma_start3A_388, %dma_start3A_389] : memref<500000x128xf32, #tpu.memory_space<hbm>> -> memref<500000x128xf32, #tpu.memory_space<hbm>>
    tpu.enqueue_indirect_dma source(%dma_start3A_390 : memref<500000x128xf32, #tpu.memory_space<hbm>>) target(%arg13 : memref<32x128xf32, #tpu.memory_space<vmem>>) offsets(%dma_start3A_387 : memref<32xi32, #tpu.memory_space<vmem>>) semaphore(%arg35 : memref<!tpu.dma_semaphore, #tpu.memory_space<semaphore_mem>>)
    %dma_start3A_391 = arith.constant 0 : i32
    %dma_start3A_392 = arith.constant 6 : i32
    %dma_start3A_393 = arith.constant 0 : i32
    %dma_start3A_394 = tpu.memref_slice %arg7[%dma_start3A_391, %dma_start3A_392, %dma_start3A_393] : memref<3x7x32xi32, #tpu.memory_space<vmem>> -> memref<1x1x32xi32, #tpu.memory_space<vmem>>
    %dma_start3A_395 = tpu.memref_squeeze %dma_start3A_394 : memref<1x1x32xi32, #tpu.memory_space<vmem>> -> memref<32xi32, #tpu.memory_space<vmem>>
    %dma_start3A_396 = arith.constant 0 : i32
    %dma_start3A_397 = arith.constant 0 : i32
    %dma_start3A_398 = tpu.memref_slice %arg4[%dma_start3A_396, %dma_start3A_397] : memref<500000x128xf32, #tpu.memory_space<hbm>> -> memref<500000x128xf32, #tpu.memory_space<hbm>>
    tpu.enqueue_indirect_dma source(%dma_start3A_398 : memref<500000x128xf32, #tpu.memory_space<hbm>>) target(%arg14 : memref<32x128xf32, #tpu.memory_space<vmem>>) offsets(%dma_start3A_395 : memref<32xi32, #tpu.memory_space<vmem>>) semaphore(%arg35 : memref<!tpu.dma_semaphore, #tpu.memory_space<semaphore_mem>>)
    %mul3A_399 = arith.constant 2 : i32
    %mul3A_400 = arith.constant 1 : i32
    %mul3A_401 = arith.muli %mul3A_399, %mul3A_400 : i32
    %add3A_402 = arith.constant 1 : i32
    %add3A_403 = arith.addi %mul3A_401, %add3A_402 : i32
    %add3A_404 = arith.constant 0 : i32
    %add3A_405 = arith.addi %add3A_403, %add3A_404 : i32
    %mul3A_406 = arith.constant 16 : i32
    %mul3A_407 = arith.muli %add3A_405, %mul3A_406 : i32
    %get3A_408 = arith.index_cast %mul3A_407 : i32 to index
    %get3A_409 = tpu.vector_load %arg33[%get3A_408] {strides = array<i32>} : memref<1040xi32, #tpu.memory_space<vmem>>, vector<16xi32>,
    %get3A_410 = vector.shape_cast %get3A_409 : vector<16xi32> to vector<16xi32>
    %swap3A_411 = arith.constant 1 : i32
    %swap3A_412 = arith.constant 0 : i32
    %swap3A_413 = arith.index_cast %swap3A_411 : i32 to index
    %swap3A_414 = arith.index_cast %swap3A_412 : i32 to index
    %swap3A_415 = arith.constant 0 : index
    %swap3A_416 = tpu.vector_load %arg7[%swap3A_413, %swap3A_414, %swap3A_415] {strides = array<i32>} : memref<3x7x32xi32, #tpu.memory_space<vmem>>, vector<1x1x16xi32>,
    %swap3A_417 = vector.shape_cast %swap3A_416 : vector<1x1x16xi32> to vector<16xi32>
    %swap3A_418 = vector.shape_cast %get3A_410 : vector<16xi32> to vector<1x1x16xi32>
    tpu.vector_store %arg7[%swap3A_413, %swap3A_414, %swap3A_415], %swap3A_418 {strides = array<i32>} : memref<3x7x32xi32, #tpu.memory_space<vmem>>, vector<1x1x16xi32>,
    %mul3A_419 = arith.constant 2 : i32
    %mul3A_420 = arith.constant 1 : i32
    %mul3A_421 = arith.muli %mul3A_419, %mul3A_420 : i32
    %add3A_422 = arith.constant 1 : i32
    %add3A_423 = arith.addi %mul3A_421, %add3A_422 : i32
    %add3A_424 = arith.constant 1 : i32
    %add3A_425 = arith.addi %add3A_423, %add3A_424 : i32
    %mul3A_426 = arith.constant 16 : i32
    %mul3A_427 = arith.muli %add3A_425, %mul3A_426 : i32
    %get3A_428 = arith.index_cast %mul3A_427 : i32 to index
    %get3A_429 = tpu.vector_load %arg33[%get3A_428] {strides = array<i32>} : memref<1040xi32, #tpu.memory_space<vmem>>, vector<16xi32>,
    %get3A_430 = vector.shape_cast %get3A_429 : vector<16xi32> to vector<16xi32>
    %swap3A_431 = arith.constant 1 : i32
    %swap3A_432 = arith.constant 0 : i32
    %swap3A_433 = arith.index_cast %swap3A_431 : i32 to index
    %swap3A_434 = arith.index_cast %swap3A_432 : i32 to index
    %swap3A_435 = arith.constant 16 : index
    %swap3A_436 = tpu.vector_load %arg7[%swap3A_433, %swap3A_434, %swap3A_435] {strides = array<i32>} : memref<3x7x32xi32, #tpu.memory_space<vmem>>, vector<1x1x16xi32>,
    %swap3A_437 = vector.shape_cast %swap3A_436 : vector<1x1x16xi32> to vector<16xi32>
    %swap3A_438 = vector.shape_cast %get3A_430 : vector<16xi32> to vector<1x1x16xi32>
    tpu.vector_store %arg7[%swap3A_433, %swap3A_434, %swap3A_435], %swap3A_438 {strides = array<i32>} : memref<3x7x32xi32, #tpu.memory_space<vmem>>, vector<1x1x16xi32>,
    %scan3A_439 = arith.constant 0 : i32
    %scan3A_440 = arith.constant 1 : i32
    %scan3A_441 = arith.constant 2 : i32
    %scan3A_442 = arith.constant 7 : i32
    %scan3A_443 = arith.addi %scan3A_441, %scan3A_442 : i32
    %scan3A_444 = arith.constant 1 : i32
    scf.for %scan3A_628 = %scan3A_441 to %scan3A_443 step %scan3A_444  : i32 {
      %mul3A_629 = arith.constant 2 : i32
      %mul3A_630 = arith.muli %mul3A_629, %scan3A_440 : i32
      %add3A_631 = arith.constant 1 : i32
      %add3A_632 = arith.addi %mul3A_630, %add3A_631 : i32
      %add3A_633 = arith.constant 0 : i32
      %add3A_634 = arith.addi %add3A_632, %add3A_633 : i32
      %mul3A_635 = arith.constant 16 : i32
      %mul3A_636 = arith.muli %add3A_634, %mul3A_635 : i32
      %sub3A = arith.constant 2 : i32
      %sub3A_637 = arith.subi %scan3A_628, %sub3A : i32
      %mul3A_638 = arith.constant 1056 : i32
      %mul3A_639 = arith.muli %sub3A_637, %mul3A_638 : i32
      %add3A_640 = arith.constant 15 : i32
      %add3A_641 = arith.addi %mul3A_639, %add3A_640 : i32
      %add3A_642 = arith.addi %add3A_641, %mul3A_636 : i32
      %get3A_643 = arith.index_cast %add3A_642 : i32 to index
      %get3A_644 = tpu.vector_load %arg34[%get3A_643] {strides = array<i32>} : memref<8448xi32, #tpu.memory_space<vmem>>, vector<16xi32>,
      %get3A_645 = vector.shape_cast %get3A_644 : vector<16xi32> to vector<16xi32>
      %get3A_646 = arith.index_cast %mul3A_636 : i32 to index
      %get3A_647 = tpu.vector_load %arg33[%get3A_646] {strides = array<i32>} : memref<1040xi32, #tpu.memory_space<vmem>>, vector<16xi32>,
      %get3A_648 = vector.shape_cast %get3A_647 : vector<16xi32> to vector<16xi32>
      %mul3A_649 = arith.constant 260 : i32
      %mul3A_650 = vector.broadcast %mul3A_649 : i32 to vector<16xi32>
      %mul3A_651 = arith.muli %get3A_645, %mul3A_650 : vector<16xi32>
      %add3A_652 = arith.addi %mul3A_651, %get3A_648 : vector<16xi32>
      %and3A = arith.constant 8388607 : i32
      %and3A_653 = vector.broadcast %and3A : i32 to vector<16xi32>
      %and3A_654 = arith.andi %add3A_652, %and3A_653 : vector<16xi32>
      %sub3A_655 = arith.constant 1 : i32
      %sub3A_656 = arith.subi %scan3A_628, %sub3A_655 : i32
      %mul3A_657 = arith.constant 1056 : i32
      %mul3A_658 = arith.muli %sub3A_656, %mul3A_657 : i32
      %add3A_659 = arith.constant 16 : i32
      %add3A_660 = arith.addi %mul3A_658, %add3A_659 : i32
      %add3A_661 = arith.addi %add3A_660, %mul3A_636 : i32
      %swap3A_662 = arith.index_cast %add3A_661 : i32 to index
      %swap3A_663 = tpu.vector_load %arg34[%swap3A_662] {strides = array<i32>} : memref<8448xi32, #tpu.memory_space<vmem>>, vector<16xi32>,
      %swap3A_664 = vector.shape_cast %swap3A_663 : vector<16xi32> to vector<16xi32>
      %swap3A_665 = vector.shape_cast %and3A_654 : vector<16xi32> to vector<16xi32>
      tpu.vector_store %arg34[%swap3A_662], %swap3A_665 {strides = array<i32>} : memref<8448xi32, #tpu.memory_space<vmem>>, vector<16xi32>,
      %ge3A = arith.constant 3 : i32
      %ge3A_666 = arith.cmpi sge, %scan3A_628, %ge3A : i32
      %convert_element_type3A = arith.extui %ge3A_666 : i1 to i32
      %cond3A = arith.constant 0 : i32
      %cond3A_667 = arith.cmpi ne, %convert_element_type3A, %cond3A : i32
      scf.if %cond3A_667 {
        %ge3A_712 = arith.constant 8000000 : i32
        %ge3A_713 = vector.broadcast %ge3A_712 : i32 to vector<16xi32>
        %ge3A_714 = arith.cmpi sge, %and3A_654, %ge3A_713 : vector<16xi32>
        %sub3A_715 = arith.constant 8000000 : i32
        %sub3A_716 = vector.broadcast %sub3A_715 : i32 to vector<16xi32>
        %sub3A_717 = arith.subi %and3A_654, %sub3A_716 : vector<16xi32>
        %select_n3A = arith.select %ge3A_714, %sub3A_717, %and3A_654 : vector<16xi1>, vector<16xi32>
        %ge3A_718 = arith.constant 4000000 : i32
        %ge3A_719 = vector.broadcast %ge3A_718 : i32 to vector<16xi32>
        %ge3A_720 = arith.cmpi sge, %select_n3A, %ge3A_719 : vector<16xi32>
        %sub3A_721 = arith.constant 4000000 : i32
        %sub3A_722 = vector.broadcast %sub3A_721 : i32 to vector<16xi32>
        %sub3A_723 = arith.subi %select_n3A, %sub3A_722 : vector<16xi32>
        %select_n3A_724 = arith.select %ge3A_720, %sub3A_723, %select_n3A : vector<16xi1>, vector<16xi32>
        %ge3A_725 = arith.constant 2000000 : i32
        %ge3A_726 = vector.broadcast %ge3A_725 : i32 to vector<16xi32>
        %ge3A_727 = arith.cmpi sge, %select_n3A_724, %ge3A_726 : vector<16xi32>
        %sub3A_728 = arith.constant 2000000 : i32
        %sub3A_729 = vector.broadcast %sub3A_728 : i32 to vector<16xi32>
        %sub3A_730 = arith.subi %select_n3A_724, %sub3A_729 : vector<16xi32>
        %select_n3A_731 = arith.select %ge3A_727, %sub3A_730, %select_n3A_724 : vector<16xi1>, vector<16xi32>
        %ge3A_732 = arith.constant 1000000 : i32
        %ge3A_733 = vector.broadcast %ge3A_732 : i32 to vector<16xi32>
        %ge3A_734 = arith.cmpi sge, %select_n3A_731, %ge3A_733 : vector<16xi32>
        %sub3A_735 = arith.constant 1000000 : i32
        %sub3A_736 = vector.broadcast %sub3A_735 : i32 to vector<16xi32>
        %sub3A_737 = arith.subi %select_n3A_731, %sub3A_736 : vector<16xi32>
        %select_n3A_738 = arith.select %ge3A_734, %sub3A_737, %select_n3A_731 : vector<16xi1>, vector<16xi32>
        %ge3A_739 = arith.constant 500000 : i32
        %ge3A_740 = vector.broadcast %ge3A_739 : i32 to vector<16xi32>
        %ge3A_741 = arith.cmpi sge, %select_n3A_738, %ge3A_740 : vector<16xi32>
        %sub3A_742 = arith.constant 500000 : i32
        %sub3A_743 = vector.broadcast %sub3A_742 : i32 to vector<16xi32>
        %sub3A_744 = arith.subi %select_n3A_738, %sub3A_743 : vector<16xi32>
        %select_n3A_745 = arith.select %ge3A_741, %sub3A_744, %select_n3A_738 : vector<16xi1>, vector<16xi32>
        %sub3A_746 = arith.constant 16 : i32
        %sub3A_747 = arith.subi %mul3A_636, %sub3A_746 : i32
        %add3A_748 = arith.addi %mul3A_5, %sub3A_747 : i32
        %add3A_749 = vector.broadcast %add3A_748 : i32 to vector<16xi32>
        %add3A_750 = arith.addi %add3A_749, %iota3A : vector<16xi32>
        %sub3A_751 = arith.constant 1 : i32
        %sub3A_752 = arith.subi %scan3A_628, %sub3A_751 : i32
        %lt3A = vector.broadcast %sub3A_752 : i32 to vector<16xi32>
        %lt3A_753 = arith.cmpi slt, %add3A_750, %lt3A : vector<16xi32>
        %jit3A = arith.constant 0 : i32
        %broadcast_in_dim3A = vector.broadcast %jit3A : i32 to vector<16xi32>
        %select_n3A_754 = arith.select %lt3A_753, %broadcast_in_dim3A, %select_n3A_745 : vector<16xi1>, vector<16xi32>
        %sub3A_755 = arith.constant 2 : i32
        %sub3A_756 = arith.subi %scan3A_628, %sub3A_755 : i32
        %swap3A_757 = arith.constant 1 : i32
        %swap3A_758 = arith.index_cast %swap3A_757 : i32 to index
        %swap3A_759 = arith.index_cast %sub3A_756 : i32 to index
        %swap3A_760 = arith.constant 0 : index
        %swap3A_761 = tpu.vector_load %arg7[%swap3A_758, %swap3A_759, %swap3A_760] {strides = array<i32>} : memref<3x7x32xi32, #tpu.memory_space<vmem>>, vector<1x1x16xi32>,
        %swap3A_762 = vector.shape_cast %swap3A_761 : vector<1x1x16xi32> to vector<16xi32>
        %swap3A_763 = vector.shape_cast %select_n3A_754 : vector<16xi32> to vector<1x1x16xi32>
        tpu.vector_store %arg7[%swap3A_758, %swap3A_759, %swap3A_760], %swap3A_763 {strides = array<i32>} : memref<3x7x32xi32, #tpu.memory_space<vmem>>, vector<1x1x16xi32>,
      } else {
      }
      %mul3A_668 = arith.constant 2 : i32
      %mul3A_669 = arith.muli %mul3A_668, %scan3A_440 : i32
      %add3A_670 = arith.constant 1 : i32
      %add3A_671 = arith.addi %mul3A_669, %add3A_670 : i32
      %add3A_672 = arith.constant 1 : i32
      %add3A_673 = arith.addi %add3A_671, %add3A_672 : i32
      %mul3A_674 = arith.constant 16 : i32
      %mul3A_675 = arith.muli %add3A_673, %mul3A_674 : i32
      %sub3A_676 = arith.constant 2 : i32
      %sub3A_677 = arith.subi %scan3A_628, %sub3A_676 : i32
      %mul3A_678 = arith.constant 1056 : i32
      %mul3A_679 = arith.muli %sub3A_677, %mul3A_678 : i32
      %add3A_680 = arith.constant 15 : i32
      %add3A_681 = arith.addi %mul3A_679, %add3A_680 : i32
      %add3A_682 = arith.addi %add3A_681, %mul3A_675 : i32
      %get3A_683 = arith.index_cast %add3A_682 : i32 to index
      %get3A_684 = tpu.vector_load %arg34[%get3A_683] {strides = array<i32>} : memref<8448xi32, #tpu.memory_space<vmem>>, vector<16xi32>,
      %get3A_685 = vector.shape_cast %get3A_684 : vector<16xi32> to vector<16xi32>
      %get3A_686 = arith.index_cast %mul3A_675 : i32 to index
      %get3A_687 = tpu.vector_load %arg33[%get3A_686] {strides = array<i32>} : memref<1040xi32, #tpu.memory_space<vmem>>, vector<16xi32>,
      %get3A_688 = vector.shape_cast %get3A_687 : vector<16xi32> to vector<16xi32>
      %mul3A_689 = arith.constant 260 : i32
      %mul3A_690 = vector.broadcast %mul3A_689 : i32 to vector<16xi32>
      %mul3A_691 = arith.muli %get3A_685, %mul3A_690 : vector<16xi32>
      %add3A_692 = arith.addi %mul3A_691, %get3A_688 : vector<16xi32>
      %and3A_693 = arith.constant 8388607 : i32
      %and3A_694 = vector.broadcast %and3A_693 : i32 to vector<16xi32>
      %and3A_695 = arith.andi %add3A_692, %and3A_694 : vector<16xi32>
      %sub3A_696 = arith.constant 1 : i32
      %sub3A_697 = arith.subi %scan3A_628, %sub3A_696 : i32
      %mul3A_698 = arith.constant 1056 : i32
      %mul3A_699 = arith.muli %sub3A_697, %mul3A_698 : i32
      %add3A_700 = arith.constant 16 : i32
      %add3A_701 = arith.addi %mul3A_699, %add3A_700 : i32
      %add3A_702 = arith.addi %add3A_701, %mul3A_675 : i32
      %swap3A_703 = arith.index_cast %add3A_702 : i32 to index
      %swap3A_704 = tpu.vector_load %arg34[%swap3A_703] {strides = array<i32>} : memref<8448xi32, #tpu.memory_space<vmem>>, vector<16xi32>,
      %swap3A_705 = vector.shape_cast %swap3A_704 : vector<16xi32> to vector<16xi32>
      %swap3A_706 = vector.shape_cast %and3A_695 : vector<16xi32> to vector<16xi32>
      tpu.vector_store %arg34[%swap3A_703], %swap3A_706 {strides = array<i32>} : memref<8448xi32, #tpu.memory_space<vmem>>, vector<16xi32>,
      %ge3A_707 = arith.constant 3 : i32
      %ge3A_708 = arith.cmpi sge, %scan3A_628, %ge3A_707 : i32
      %convert_element_type3A_709 = arith.extui %ge3A_708 : i1 to i32
      %cond3A_710 = arith.constant 0 : i32
      %cond3A_711 = arith.cmpi ne, %convert_element_type3A_709, %cond3A_710 : i32
      scf.if %cond3A_711 {
        %ge3A_712 = arith.constant 8000000 : i32
        %ge3A_713 = vector.broadcast %ge3A_712 : i32 to vector<16xi32>
        %ge3A_714 = arith.cmpi sge, %and3A_695, %ge3A_713 : vector<16xi32>
        %sub3A_715 = arith.constant 8000000 : i32
        %sub3A_716 = vector.broadcast %sub3A_715 : i32 to vector<16xi32>
        %sub3A_717 = arith.subi %and3A_695, %sub3A_716 : vector<16xi32>
        %select_n3A = arith.select %ge3A_714, %sub3A_717, %and3A_695 : vector<16xi1>, vector<16xi32>
        %ge3A_718 = arith.constant 4000000 : i32
        %ge3A_719 = vector.broadcast %ge3A_718 : i32 to vector<16xi32>
        %ge3A_720 = arith.cmpi sge, %select_n3A, %ge3A_719 : vector<16xi32>
        %sub3A_721 = arith.constant 4000000 : i32
        %sub3A_722 = vector.broadcast %sub3A_721 : i32 to vector<16xi32>
        %sub3A_723 = arith.subi %select_n3A, %sub3A_722 : vector<16xi32>
        %select_n3A_724 = arith.select %ge3A_720, %sub3A_723, %select_n3A : vector<16xi1>, vector<16xi32>
        %ge3A_725 = arith.constant 2000000 : i32
        %ge3A_726 = vector.broadcast %ge3A_725 : i32 to vector<16xi32>
        %ge3A_727 = arith.cmpi sge, %select_n3A_724, %ge3A_726 : vector<16xi32>
        %sub3A_728 = arith.constant 2000000 : i32
        %sub3A_729 = vector.broadcast %sub3A_728 : i32 to vector<16xi32>
        %sub3A_730 = arith.subi %select_n3A_724, %sub3A_729 : vector<16xi32>
        %select_n3A_731 = arith.select %ge3A_727, %sub3A_730, %select_n3A_724 : vector<16xi1>, vector<16xi32>
        %ge3A_732 = arith.constant 1000000 : i32
        %ge3A_733 = vector.broadcast %ge3A_732 : i32 to vector<16xi32>
        %ge3A_734 = arith.cmpi sge, %select_n3A_731, %ge3A_733 : vector<16xi32>
        %sub3A_735 = arith.constant 1000000 : i32
        %sub3A_736 = vector.broadcast %sub3A_735 : i32 to vector<16xi32>
        %sub3A_737 = arith.subi %select_n3A_731, %sub3A_736 : vector<16xi32>
        %select_n3A_738 = arith.select %ge3A_734, %sub3A_737, %select_n3A_731 : vector<16xi1>, vector<16xi32>
        %ge3A_739 = arith.constant 500000 : i32
        %ge3A_740 = vector.broadcast %ge3A_739 : i32 to vector<16xi32>
        %ge3A_741 = arith.cmpi sge, %select_n3A_738, %ge3A_740 : vector<16xi32>
        %sub3A_742 = arith.constant 500000 : i32
        %sub3A_743 = vector.broadcast %sub3A_742 : i32 to vector<16xi32>
        %sub3A_744 = arith.subi %select_n3A_738, %sub3A_743 : vector<16xi32>
        %select_n3A_745 = arith.select %ge3A_741, %sub3A_744, %select_n3A_738 : vector<16xi1>, vector<16xi32>
        %sub3A_746 = arith.constant 16 : i32
        %sub3A_747 = arith.subi %mul3A_675, %sub3A_746 : i32
        %add3A_748 = arith.addi %mul3A_5, %sub3A_747 : i32
        %add3A_749 = vector.broadcast %add3A_748 : i32 to vector<16xi32>
        %add3A_750 = arith.addi %add3A_749, %iota3A : vector<16xi32>
        %sub3A_751 = arith.constant 1 : i32
        %sub3A_752 = arith.subi %scan3A_628, %sub3A_751 : i32
        %lt3A = vector.broadcast %sub3A_752 : i32 to vector<16xi32>
        %lt3A_753 = arith.cmpi slt, %add3A_750, %lt3A : vector<16xi32>
        %jit3A = arith.constant 0 : i32
        %broadcast_in_dim3A = vector.broadcast %jit3A : i32 to vector<16xi32>
        %select_n3A_754 = arith.select %lt3A_753, %broadcast_in_dim3A, %select_n3A_745 : vector<16xi1>, vector<16xi32>
        %sub3A_755 = arith.constant 2 : i32
        %sub3A_756 = arith.subi %scan3A_628, %sub3A_755 : i32
        %swap3A_757 = arith.constant 1 : i32
        %swap3A_758 = arith.index_cast %swap3A_757 : i32 to index
        %swap3A_759 = arith.index_cast %sub3A_756 : i32 to index
        %swap3A_760 = arith.constant 16 : index
        %swap3A_761 = tpu.vector_load %arg7[%swap3A_758, %swap3A_759, %swap3A_760] {strides = array<i32>} : memref<3x7x32xi32, #tpu.memory_space<vmem>>, vector<1x1x16xi32>,
        %swap3A_762 = vector.shape_cast %swap3A_761 : vector<1x1x16xi32> to vector<16xi32>
        %swap3A_763 = vector.shape_cast %select_n3A_754 : vector<16xi32> to vector<1x1x16xi32>
        tpu.vector_store %arg7[%swap3A_758, %swap3A_759, %swap3A_760], %swap3A_763 {strides = array<i32>} : memref<3x7x32xi32, #tpu.memory_space<vmem>>, vector<1x1x16xi32>,
      } else {
      }
    }
    %scan3A_445 = arith.constant 7 : i32
    %dma_start3A_446 = arith.constant 1 : i32
    %dma_start3A_447 = arith.constant 0 : i32
    %dma_start3A_448 = arith.constant 0 : i32
    %dma_start3A_449 = tpu.memref_slice %arg7[%dma_start3A_446, %dma_start3A_447, %dma_start3A_448] : memref<3x7x32xi32, #tpu.memory_space<vmem>> -> memref<1x1x32xi32, #tpu.memory_space<vmem>>
    %dma_start3A_450 = tpu.memref_squeeze %dma_start3A_449 : memref<1x1x32xi32, #tpu.memory_space<vmem>> -> memref<32xi32, #tpu.memory_space<vmem>>
    %dma_start3A_451 = arith.constant 0 : i32
    %dma_start3A_452 = arith.constant 0 : i32
    %dma_start3A_453 = tpu.memref_slice %arg3[%dma_start3A_451, %dma_start3A_452] : memref<259x128xf32, #tpu.memory_space<hbm>> -> memref<259x128xf32, #tpu.memory_space<hbm>>
    tpu.enqueue_indirect_dma source(%dma_start3A_453 : memref<259x128xf32, #tpu.memory_space<hbm>>) target(%arg15 : memref<32x128xf32, #tpu.memory_space<vmem>>) offsets(%dma_start3A_450 : memref<32xi32, #tpu.memory_space<vmem>>) semaphore(%arg36 : memref<!tpu.dma_semaphore, #tpu.memory_space<semaphore_mem>>)
    %dma_start3A_454 = arith.constant 1 : i32
    %dma_start3A_455 = arith.constant 1 : i32
    %dma_start3A_456 = arith.constant 0 : i32
    %dma_start3A_457 = tpu.memref_slice %arg7[%dma_start3A_454, %dma_start3A_455, %dma_start3A_456] : memref<3x7x32xi32, #tpu.memory_space<vmem>> -> memref<1x1x32xi32, #tpu.memory_space<vmem>>
    %dma_start3A_458 = tpu.memref_squeeze %dma_start3A_457 : memref<1x1x32xi32, #tpu.memory_space<vmem>> -> memref<32xi32, #tpu.memory_space<vmem>>
    %dma_start3A_459 = arith.constant 0 : i32
    %dma_start3A_460 = arith.constant 0 : i32
    %dma_start3A_461 = tpu.memref_slice %arg4[%dma_start3A_459, %dma_start3A_460] : memref<500000x128xf32, #tpu.memory_space<hbm>> -> memref<500000x128xf32, #tpu.memory_space<hbm>>
    tpu.enqueue_indirect_dma source(%dma_start3A_461 : memref<500000x128xf32, #tpu.memory_space<hbm>>) target(%arg16 : memref<32x128xf32, #tpu.memory_space<vmem>>) offsets(%dma_start3A_458 : memref<32xi32, #tpu.memory_space<vmem>>) semaphore(%arg36 : memref<!tpu.dma_semaphore, #tpu.memory_space<semaphore_mem>>)
    %dma_start3A_462 = arith.constant 1 : i32
    %dma_start3A_463 = arith.constant 2 : i32
    %dma_start3A_464 = arith.constant 0 : i32
    %dma_start3A_465 = tpu.memref_slice %arg7[%dma_start3A_462, %dma_start3A_463, %dma_start3A_464] : memref<3x7x32xi32, #tpu.memory_space<vmem>> -> memref<1x1x32xi32, #tpu.memory_space<vmem>>
    %dma_start3A_466 = tpu.memref_squeeze %dma_start3A_465 : memref<1x1x32xi32, #tpu.memory_space<vmem>> -> memref<32xi32, #tpu.memory_space<vmem>>
    %dma_start3A_467 = arith.constant 0 : i32
    %dma_start3A_468 = arith.constant 0 : i32
    %dma_start3A_469 = tpu.memref_slice %arg4[%dma_start3A_467, %dma_start3A_468] : memref<500000x128xf32, #tpu.memory_space<hbm>> -> memref<500000x128xf32, #tpu.memory_space<hbm>>
    tpu.enqueue_indirect_dma source(%dma_start3A_469 : memref<500000x128xf32, #tpu.memory_space<hbm>>) target(%arg17 : memref<32x128xf32, #tpu.memory_space<vmem>>) offsets(%dma_start3A_466 : memref<32xi32, #tpu.memory_space<vmem>>) semaphore(%arg36 : memref<!tpu.dma_semaphore, #tpu.memory_space<semaphore_mem>>)
    %dma_start3A_470 = arith.constant 1 : i32
    %dma_start3A_471 = arith.constant 3 : i32
    %dma_start3A_472 = arith.constant 0 : i32
    %dma_start3A_473 = tpu.memref_slice %arg7[%dma_start3A_470, %dma_start3A_471, %dma_start3A_472] : memref<3x7x32xi32, #tpu.memory_space<vmem>> -> memref<1x1x32xi32, #tpu.memory_space<vmem>>
    %dma_start3A_474 = tpu.memref_squeeze %dma_start3A_473 : memref<1x1x32xi32, #tpu.memory_space<vmem>> -> memref<32xi32, #tpu.memory_space<vmem>>
    %dma_start3A_475 = arith.constant 0 : i32
    %dma_start3A_476 = arith.constant 0 : i32
    %dma_start3A_477 = tpu.memref_slice %arg4[%dma_start3A_475, %dma_start3A_476] : memref<500000x128xf32, #tpu.memory_space<hbm>> -> memref<500000x128xf32, #tpu.memory_space<hbm>>
    tpu.enqueue_indirect_dma source(%dma_start3A_477 : memref<500000x128xf32, #tpu.memory_space<hbm>>) target(%arg18 : memref<32x128xf32, #tpu.memory_space<vmem>>) offsets(%dma_start3A_474 : memref<32xi32, #tpu.memory_space<vmem>>) semaphore(%arg36 : memref<!tpu.dma_semaphore, #tpu.memory_space<semaphore_mem>>)
    %dma_start3A_478 = arith.constant 1 : i32
    %dma_start3A_479 = arith.constant 4 : i32
    %dma_start3A_480 = arith.constant 0 : i32
    %dma_start3A_481 = tpu.memref_slice %arg7[%dma_start3A_478, %dma_start3A_479, %dma_start3A_480] : memref<3x7x32xi32, #tpu.memory_space<vmem>> -> memref<1x1x32xi32, #tpu.memory_space<vmem>>
    %dma_start3A_482 = tpu.memref_squeeze %dma_start3A_481 : memref<1x1x32xi32, #tpu.memory_space<vmem>> -> memref<32xi32, #tpu.memory_space<vmem>>
    %dma_start3A_483 = arith.constant 0 : i32
    %dma_start3A_484 = arith.constant 0 : i32
    %dma_start3A_485 = tpu.memref_slice %arg4[%dma_start3A_483, %dma_start3A_484] : memref<500000x128xf32, #tpu.memory_space<hbm>> -> memref<500000x128xf32, #tpu.memory_space<hbm>>
    tpu.enqueue_indirect_dma source(%dma_start3A_485 : memref<500000x128xf32, #tpu.memory_space<hbm>>) target(%arg19 : memref<32x128xf32, #tpu.memory_space<vmem>>) offsets(%dma_start3A_482 : memref<32xi32, #tpu.memory_space<vmem>>) semaphore(%arg36 : memref<!tpu.dma_semaphore, #tpu.memory_space<semaphore_mem>>)
    %dma_start3A_486 = arith.constant 1 : i32
    %dma_start3A_487 = arith.constant 5 : i32
    %dma_start3A_488 = arith.constant 0 : i32
    %dma_start3A_489 = tpu.memref_slice %arg7[%dma_start3A_486, %dma_start3A_487, %dma_start3A_488] : memref<3x7x32xi32, #tpu.memory_space<vmem>> -> memref<1x1x32xi32, #tpu.memory_space<vmem>>
    %dma_start3A_490 = tpu.memref_squeeze %dma_start3A_489 : memref<1x1x32xi32, #tpu.memory_space<vmem>> -> memref<32xi32, #tpu.memory_space<vmem>>
    %dma_start3A_491 = arith.constant 0 : i32
    %dma_start3A_492 = arith.constant 0 : i32
    %dma_start3A_493 = tpu.memref_slice %arg4[%dma_start3A_491, %dma_start3A_492] : memref<500000x128xf32, #tpu.memory_space<hbm>> -> memref<500000x128xf32, #tpu.memory_space<hbm>>
    tpu.enqueue_indirect_dma source(%dma_start3A_493 : memref<500000x128xf32, #tpu.memory_space<hbm>>) target(%arg20 : memref<32x128xf32, #tpu.memory_space<vmem>>) offsets(%dma_start3A_490 : memref<32xi32, #tpu.memory_space<vmem>>) semaphore(%arg36 : memref<!tpu.dma_semaphore, #tpu.memory_space<semaphore_mem>>)
    %dma_start3A_494 = arith.constant 1 : i32
    %dma_start3A_495 = arith.constant 6 : i32
    %dma_start3A_496 = arith.constant 0 : i32
    %dma_start3A_497 = tpu.memref_slice %arg7[%dma_start3A_494, %dma_start3A_495, %dma_start3A_496] : memref<3x7x32xi32, #tpu.memory_space<vmem>> -> memref<1x1x32xi32, #tpu.memory_space<vmem>>
    %dma_start3A_498 = tpu.memref_squeeze %dma_start3A_497 : memref<1x1x32xi32, #tpu.memory_space<vmem>> -> memref<32xi32, #tpu.memory_space<vmem>>
    %dma_start3A_499 = arith.constant 0 : i32
    %dma_start3A_500 = arith.constant 0 : i32
    %dma_start3A_501 = tpu.memref_slice %arg4[%dma_start3A_499, %dma_start3A_500] : memref<500000x128xf32, #tpu.memory_space<hbm>> -> memref<500000x128xf32, #tpu.memory_space<hbm>>
    tpu.enqueue_indirect_dma source(%dma_start3A_501 : memref<500000x128xf32, #tpu.memory_space<hbm>>) target(%arg21 : memref<32x128xf32, #tpu.memory_space<vmem>>) offsets(%dma_start3A_498 : memref<32xi32, #tpu.memory_space<vmem>>) semaphore(%arg36 : memref<!tpu.dma_semaphore, #tpu.memory_space<semaphore_mem>>)
    %mul3A_502 = arith.constant 2 : i32
    %mul3A_503 = arith.constant 2 : i32
    %mul3A_504 = arith.muli %mul3A_502, %mul3A_503 : i32
    %add3A_505 = arith.constant 1 : i32
    %add3A_506 = arith.addi %mul3A_504, %add3A_505 : i32
    %add3A_507 = arith.constant 0 : i32
    %add3A_508 = arith.addi %add3A_506, %add3A_507 : i32
    %mul3A_509 = arith.constant 16 : i32
    %mul3A_510 = arith.muli %add3A_508, %mul3A_509 : i32
    %get3A_511 = arith.index_cast %mul3A_510 : i32 to index
    %get3A_512 = tpu.vector_load %arg33[%get3A_511] {strides = array<i32>} : memref<1040xi32, #tpu.memory_space<vmem>>, vector<16xi32>,
    %get3A_513 = vector.shape_cast %get3A_512 : vector<16xi32> to vector<16xi32>
    %swap3A_514 = arith.constant 2 : i32
    %swap3A_515 = arith.constant 0 : i32
    %swap3A_516 = arith.index_cast %swap3A_514 : i32 to index
    %swap3A_517 = arith.index_cast %swap3A_515 : i32 to index
    %swap3A_518 = arith.constant 0 : index
    %swap3A_519 = tpu.vector_load %arg7[%swap3A_516, %swap3A_517, %swap3A_518] {strides = array<i32>} : memref<3x7x32xi32, #tpu.memory_space<vmem>>, vector<1x1x16xi32>,
    %swap3A_520 = vector.shape_cast %swap3A_519 : vector<1x1x16xi32> to vector<16xi32>
    %swap3A_521 = vector.shape_cast %get3A_513 : vector<16xi32> to vector<1x1x16xi32>
    tpu.vector_store %arg7[%swap3A_516, %swap3A_517, %swap3A_518], %swap3A_521 {strides = array<i32>} : memref<3x7x32xi32, #tpu.memory_space<vmem>>, vector<1x1x16xi32>,
    %mul3A_522 = arith.constant 2 : i32
    %mul3A_523 = arith.constant 2 : i32
    %mul3A_524 = arith.muli %mul3A_522, %mul3A_523 : i32
    %add3A_525 = arith.constant 1 : i32
    %add3A_526 = arith.addi %mul3A_524, %add3A_525 : i32
    %add3A_527 = arith.constant 1 : i32
    %add3A_528 = arith.addi %add3A_526, %add3A_527 : i32
    %mul3A_529 = arith.constant 16 : i32
    %mul3A_530 = arith.muli %add3A_528, %mul3A_529 : i32
    %get3A_531 = arith.index_cast %mul3A_530 : i32 to index
    %get3A_532 = tpu.vector_load %arg33[%get3A_531] {strides = array<i32>} : memref<1040xi32, #tpu.memory_space<vmem>>, vector<16xi32>,
    %get3A_533 = vector.shape_cast %get3A_532 : vector<16xi32> to vector<16xi32>
    %swap3A_534 = arith.constant 2 : i32
    %swap3A_535 = arith.constant 0 : i32
    %swap3A_536 = arith.index_cast %swap3A_534 : i32 to index
    %swap3A_537 = arith.index_cast %swap3A_535 : i32 to index
    %swap3A_538 = arith.constant 16 : index
    %swap3A_539 = tpu.vector_load %arg7[%swap3A_536, %swap3A_537, %swap3A_538] {strides = array<i32>} : memref<3x7x32xi32, #tpu.memory_space<vmem>>, vector<1x1x16xi32>,
    %swap3A_540 = vector.shape_cast %swap3A_539 : vector<1x1x16xi32> to vector<16xi32>
    %swap3A_541 = vector.shape_cast %get3A_533 : vector<16xi32> to vector<1x1x16xi32>
    tpu.vector_store %arg7[%swap3A_536, %swap3A_537, %swap3A_538], %swap3A_541 {strides = array<i32>} : memref<3x7x32xi32, #tpu.memory_space<vmem>>, vector<1x1x16xi32>,
    %scan3A_542 = arith.constant 0 : i32
    %scan3A_543 = arith.constant 2 : i32
    %scan3A_544 = arith.constant 2 : i32
    %scan3A_545 = arith.constant 7 : i32
    %scan3A_546 = arith.addi %scan3A_544, %scan3A_545 : i32
    %scan3A_547 = arith.constant 1 : i32
    scf.for %scan3A_628 = %scan3A_544 to %scan3A_546 step %scan3A_547  : i32 {
      %mul3A_629 = arith.constant 2 : i32
      %mul3A_630 = arith.muli %mul3A_629, %scan3A_543 : i32
      %add3A_631 = arith.constant 1 : i32
      %add3A_632 = arith.addi %mul3A_630, %add3A_631 : i32
      %add3A_633 = arith.constant 0 : i32
      %add3A_634 = arith.addi %add3A_632, %add3A_633 : i32
      %mul3A_635 = arith.constant 16 : i32
      %mul3A_636 = arith.muli %add3A_634, %mul3A_635 : i32
      %sub3A = arith.constant 2 : i32
      %sub3A_637 = arith.subi %scan3A_628, %sub3A : i32
      %mul3A_638 = arith.constant 1056 : i32
      %mul3A_639 = arith.muli %sub3A_637, %mul3A_638 : i32
      %add3A_640 = arith.constant 15 : i32
      %add3A_641 = arith.addi %mul3A_639, %add3A_640 : i32
      %add3A_642 = arith.addi %add3A_641, %mul3A_636 : i32
      %get3A_643 = arith.index_cast %add3A_642 : i32 to index
      %get3A_644 = tpu.vector_load %arg34[%get3A_643] {strides = array<i32>} : memref<8448xi32, #tpu.memory_space<vmem>>, vector<16xi32>,
      %get3A_645 = vector.shape_cast %get3A_644 : vector<16xi32> to vector<16xi32>
      %get3A_646 = arith.index_cast %mul3A_636 : i32 to index
      %get3A_647 = tpu.vector_load %arg33[%get3A_646] {strides = array<i32>} : memref<1040xi32, #tpu.memory_space<vmem>>, vector<16xi32>,
      %get3A_648 = vector.shape_cast %get3A_647 : vector<16xi32> to vector<16xi32>
      %mul3A_649 = arith.constant 260 : i32
      %mul3A_650 = vector.broadcast %mul3A_649 : i32 to vector<16xi32>
      %mul3A_651 = arith.muli %get3A_645, %mul3A_650 : vector<16xi32>
      %add3A_652 = arith.addi %mul3A_651, %get3A_648 : vector<16xi32>
      %and3A = arith.constant 8388607 : i32
      %and3A_653 = vector.broadcast %and3A : i32 to vector<16xi32>
      %and3A_654 = arith.andi %add3A_652, %and3A_653 : vector<16xi32>
      %sub3A_655 = arith.constant 1 : i32
      %sub3A_656 = arith.subi %scan3A_628, %sub3A_655 : i32
      %mul3A_657 = arith.constant 1056 : i32
      %mul3A_658 = arith.muli %sub3A_656, %mul3A_657 : i32
      %add3A_659 = arith.constant 16 : i32
      %add3A_660 = arith.addi %mul3A_658, %add3A_659 : i32
      %add3A_661 = arith.addi %add3A_660, %mul3A_636 : i32
      %swap3A_662 = arith.index_cast %add3A_661 : i32 to index
      %swap3A_663 = tpu.vector_load %arg34[%swap3A_662] {strides = array<i32>} : memref<8448xi32, #tpu.memory_space<vmem>>, vector<16xi32>,
      %swap3A_664 = vector.shape_cast %swap3A_663 : vector<16xi32> to vector<16xi32>
      %swap3A_665 = vector.shape_cast %and3A_654 : vector<16xi32> to vector<16xi32>
      tpu.vector_store %arg34[%swap3A_662], %swap3A_665 {strides = array<i32>} : memref<8448xi32, #tpu.memory_space<vmem>>, vector<16xi32>,
      %ge3A = arith.constant 3 : i32
      %ge3A_666 = arith.cmpi sge, %scan3A_628, %ge3A : i32
      %convert_element_type3A = arith.extui %ge3A_666 : i1 to i32
      %cond3A = arith.constant 0 : i32
      %cond3A_667 = arith.cmpi ne, %convert_element_type3A, %cond3A : i32
      scf.if %cond3A_667 {
        %ge3A_712 = arith.constant 8000000 : i32
        %ge3A_713 = vector.broadcast %ge3A_712 : i32 to vector<16xi32>
        %ge3A_714 = arith.cmpi sge, %and3A_654, %ge3A_713 : vector<16xi32>
        %sub3A_715 = arith.constant 8000000 : i32
        %sub3A_716 = vector.broadcast %sub3A_715 : i32 to vector<16xi32>
        %sub3A_717 = arith.subi %and3A_654, %sub3A_716 : vector<16xi32>
        %select_n3A = arith.select %ge3A_714, %sub3A_717, %and3A_654 : vector<16xi1>, vector<16xi32>
        %ge3A_718 = arith.constant 4000000 : i32
        %ge3A_719 = vector.broadcast %ge3A_718 : i32 to vector<16xi32>
        %ge3A_720 = arith.cmpi sge, %select_n3A, %ge3A_719 : vector<16xi32>
        %sub3A_721 = arith.constant 4000000 : i32
        %sub3A_722 = vector.broadcast %sub3A_721 : i32 to vector<16xi32>
        %sub3A_723 = arith.subi %select_n3A, %sub3A_722 : vector<16xi32>
        %select_n3A_724 = arith.select %ge3A_720, %sub3A_723, %select_n3A : vector<16xi1>, vector<16xi32>
        %ge3A_725 = arith.constant 2000000 : i32
        %ge3A_726 = vector.broadcast %ge3A_725 : i32 to vector<16xi32>
        %ge3A_727 = arith.cmpi sge, %select_n3A_724, %ge3A_726 : vector<16xi32>
        %sub3A_728 = arith.constant 2000000 : i32
        %sub3A_729 = vector.broadcast %sub3A_728 : i32 to vector<16xi32>
        %sub3A_730 = arith.subi %select_n3A_724, %sub3A_729 : vector<16xi32>
        %select_n3A_731 = arith.select %ge3A_727, %sub3A_730, %select_n3A_724 : vector<16xi1>, vector<16xi32>
        %ge3A_732 = arith.constant 1000000 : i32
        %ge3A_733 = vector.broadcast %ge3A_732 : i32 to vector<16xi32>
        %ge3A_734 = arith.cmpi sge, %select_n3A_731, %ge3A_733 : vector<16xi32>
        %sub3A_735 = arith.constant 1000000 : i32
        %sub3A_736 = vector.broadcast %sub3A_735 : i32 to vector<16xi32>
        %sub3A_737 = arith.subi %select_n3A_731, %sub3A_736 : vector<16xi32>
        %select_n3A_738 = arith.select %ge3A_734, %sub3A_737, %select_n3A_731 : vector<16xi1>, vector<16xi32>
        %ge3A_739 = arith.constant 500000 : i32
        %ge3A_740 = vector.broadcast %ge3A_739 : i32 to vector<16xi32>
        %ge3A_741 = arith.cmpi sge, %select_n3A_738, %ge3A_740 : vector<16xi32>
        %sub3A_742 = arith.constant 500000 : i32
        %sub3A_743 = vector.broadcast %sub3A_742 : i32 to vector<16xi32>
        %sub3A_744 = arith.subi %select_n3A_738, %sub3A_743 : vector<16xi32>
        %select_n3A_745 = arith.select %ge3A_741, %sub3A_744, %select_n3A_738 : vector<16xi1>, vector<16xi32>
        %sub3A_746 = arith.constant 16 : i32
        %sub3A_747 = arith.subi %mul3A_636, %sub3A_746 : i32
        %add3A_748 = arith.addi %mul3A_5, %sub3A_747 : i32
        %add3A_749 = vector.broadcast %add3A_748 : i32 to vector<16xi32>
        %add3A_750 = arith.addi %add3A_749, %iota3A : vector<16xi32>
        %sub3A_751 = arith.constant 1 : i32
        %sub3A_752 = arith.subi %scan3A_628, %sub3A_751 : i32
        %lt3A = vector.broadcast %sub3A_752 : i32 to vector<16xi32>
        %lt3A_753 = arith.cmpi slt, %add3A_750, %lt3A : vector<16xi32>
        %jit3A = arith.constant 0 : i32
        %broadcast_in_dim3A = vector.broadcast %jit3A : i32 to vector<16xi32>
        %select_n3A_754 = arith.select %lt3A_753, %broadcast_in_dim3A, %select_n3A_745 : vector<16xi1>, vector<16xi32>
        %sub3A_755 = arith.constant 2 : i32
        %sub3A_756 = arith.subi %scan3A_628, %sub3A_755 : i32
        %swap3A_757 = arith.constant 2 : i32
        %swap3A_758 = arith.index_cast %swap3A_757 : i32 to index
        %swap3A_759 = arith.index_cast %sub3A_756 : i32 to index
        %swap3A_760 = arith.constant 0 : index
        %swap3A_761 = tpu.vector_load %arg7[%swap3A_758, %swap3A_759, %swap3A_760] {strides = array<i32>} : memref<3x7x32xi32, #tpu.memory_space<vmem>>, vector<1x1x16xi32>,
        %swap3A_762 = vector.shape_cast %swap3A_761 : vector<1x1x16xi32> to vector<16xi32>
        %swap3A_763 = vector.shape_cast %select_n3A_754 : vector<16xi32> to vector<1x1x16xi32>
        tpu.vector_store %arg7[%swap3A_758, %swap3A_759, %swap3A_760], %swap3A_763 {strides = array<i32>} : memref<3x7x32xi32, #tpu.memory_space<vmem>>, vector<1x1x16xi32>,
      } else {
      }
      %mul3A_668 = arith.constant 2 : i32
      %mul3A_669 = arith.muli %mul3A_668, %scan3A_543 : i32
      %add3A_670 = arith.constant 1 : i32
      %add3A_671 = arith.addi %mul3A_669, %add3A_670 : i32
      %add3A_672 = arith.constant 1 : i32
      %add3A_673 = arith.addi %add3A_671, %add3A_672 : i32
      %mul3A_674 = arith.constant 16 : i32
      %mul3A_675 = arith.muli %add3A_673, %mul3A_674 : i32
      %sub3A_676 = arith.constant 2 : i32
      %sub3A_677 = arith.subi %scan3A_628, %sub3A_676 : i32
      %mul3A_678 = arith.constant 1056 : i32
      %mul3A_679 = arith.muli %sub3A_677, %mul3A_678 : i32
      %add3A_680 = arith.constant 15 : i32
      %add3A_681 = arith.addi %mul3A_679, %add3A_680 : i32
      %add3A_682 = arith.addi %add3A_681, %mul3A_675 : i32
      %get3A_683 = arith.index_cast %add3A_682 : i32 to index
      %get3A_684 = tpu.vector_load %arg34[%get3A_683] {strides = array<i32>} : memref<8448xi32, #tpu.memory_space<vmem>>, vector<16xi32>,
      %get3A_685 = vector.shape_cast %get3A_684 : vector<16xi32> to vector<16xi32>
      %get3A_686 = arith.index_cast %mul3A_675 : i32 to index
      %get3A_687 = tpu.vector_load %arg33[%get3A_686] {strides = array<i32>} : memref<1040xi32, #tpu.memory_space<vmem>>, vector<16xi32>,
      %get3A_688 = vector.shape_cast %get3A_687 : vector<16xi32> to vector<16xi32>
      %mul3A_689 = arith.constant 260 : i32
      %mul3A_690 = vector.broadcast %mul3A_689 : i32 to vector<16xi32>
      %mul3A_691 = arith.muli %get3A_685, %mul3A_690 : vector<16xi32>
      %add3A_692 = arith.addi %mul3A_691, %get3A_688 : vector<16xi32>
      %and3A_693 = arith.constant 8388607 : i32
      %and3A_694 = vector.broadcast %and3A_693 : i32 to vector<16xi32>
      %and3A_695 = arith.andi %add3A_692, %and3A_694 : vector<16xi32>
      %sub3A_696 = arith.constant 1 : i32
      %sub3A_697 = arith.subi %scan3A_628, %sub3A_696 : i32
      %mul3A_698 = arith.constant 1056 : i32
      %mul3A_699 = arith.muli %sub3A_697, %mul3A_698 : i32
      %add3A_700 = arith.constant 16 : i32
      %add3A_701 = arith.addi %mul3A_699, %add3A_700 : i32
      %add3A_702 = arith.addi %add3A_701, %mul3A_675 : i32
      %swap3A_703 = arith.index_cast %add3A_702 : i32 to index
      %swap3A_704 = tpu.vector_load %arg34[%swap3A_703] {strides = array<i32>} : memref<8448xi32, #tpu.memory_space<vmem>>, vector<16xi32>,
      %swap3A_705 = vector.shape_cast %swap3A_704 : vector<16xi32> to vector<16xi32>
      %swap3A_706 = vector.shape_cast %and3A_695 : vector<16xi32> to vector<16xi32>
      tpu.vector_store %arg34[%swap3A_703], %swap3A_706 {strides = array<i32>} : memref<8448xi32, #tpu.memory_space<vmem>>, vector<16xi32>,
      %ge3A_707 = arith.constant 3 : i32
      %ge3A_708 = arith.cmpi sge, %scan3A_628, %ge3A_707 : i32
      %convert_element_type3A_709 = arith.extui %ge3A_708 : i1 to i32
      %cond3A_710 = arith.constant 0 : i32
      %cond3A_711 = arith.cmpi ne, %convert_element_type3A_709, %cond3A_710 : i32
      scf.if %cond3A_711 {
        %ge3A_712 = arith.constant 8000000 : i32
        %ge3A_713 = vector.broadcast %ge3A_712 : i32 to vector<16xi32>
        %ge3A_714 = arith.cmpi sge, %and3A_695, %ge3A_713 : vector<16xi32>
        %sub3A_715 = arith.constant 8000000 : i32
        %sub3A_716 = vector.broadcast %sub3A_715 : i32 to vector<16xi32>
        %sub3A_717 = arith.subi %and3A_695, %sub3A_716 : vector<16xi32>
        %select_n3A = arith.select %ge3A_714, %sub3A_717, %and3A_695 : vector<16xi1>, vector<16xi32>
        %ge3A_718 = arith.constant 4000000 : i32
        %ge3A_719 = vector.broadcast %ge3A_718 : i32 to vector<16xi32>
        %ge3A_720 = arith.cmpi sge, %select_n3A, %ge3A_719 : vector<16xi32>
        %sub3A_721 = arith.constant 4000000 : i32
        %sub3A_722 = vector.broadcast %sub3A_721 : i32 to vector<16xi32>
        %sub3A_723 = arith.subi %select_n3A, %sub3A_722 : vector<16xi32>
        %select_n3A_724 = arith.select %ge3A_720, %sub3A_723, %select_n3A : vector<16xi1>, vector<16xi32>
        %ge3A_725 = arith.constant 2000000 : i32
        %ge3A_726 = vector.broadcast %ge3A_725 : i32 to vector<16xi32>
        %ge3A_727 = arith.cmpi sge, %select_n3A_724, %ge3A_726 : vector<16xi32>
        %sub3A_728 = arith.constant 2000000 : i32
        %sub3A_729 = vector.broadcast %sub3A_728 : i32 to vector<16xi32>
        %sub3A_730 = arith.subi %select_n3A_724, %sub3A_729 : vector<16xi32>
        %select_n3A_731 = arith.select %ge3A_727, %sub3A_730, %select_n3A_724 : vector<16xi1>, vector<16xi32>
        %ge3A_732 = arith.constant 1000000 : i32
        %ge3A_733 = vector.broadcast %ge3A_732 : i32 to vector<16xi32>
        %ge3A_734 = arith.cmpi sge, %select_n3A_731, %ge3A_733 : vector<16xi32>
        %sub3A_735 = arith.constant 1000000 : i32
        %sub3A_736 = vector.broadcast %sub3A_735 : i32 to vector<16xi32>
        %sub3A_737 = arith.subi %select_n3A_731, %sub3A_736 : vector<16xi32>
        %select_n3A_738 = arith.select %ge3A_734, %sub3A_737, %select_n3A_731 : vector<16xi1>, vector<16xi32>
        %ge3A_739 = arith.constant 500000 : i32
        %ge3A_740 = vector.broadcast %ge3A_739 : i32 to vector<16xi32>
        %ge3A_741 = arith.cmpi sge, %select_n3A_738, %ge3A_740 : vector<16xi32>
        %sub3A_742 = arith.constant 500000 : i32
        %sub3A_743 = vector.broadcast %sub3A_742 : i32 to vector<16xi32>
        %sub3A_744 = arith.subi %select_n3A_738, %sub3A_743 : vector<16xi32>
        %select_n3A_745 = arith.select %ge3A_741, %sub3A_744, %select_n3A_738 : vector<16xi1>, vector<16xi32>
        %sub3A_746 = arith.constant 16 : i32
        %sub3A_747 = arith.subi %mul3A_675, %sub3A_746 : i32
        %add3A_748 = arith.addi %mul3A_5, %sub3A_747 : i32
        %add3A_749 = vector.broadcast %add3A_748 : i32 to vector<16xi32>
        %add3A_750 = arith.addi %add3A_749, %iota3A : vector<16xi32>
        %sub3A_751 = arith.constant 1 : i32
        %sub3A_752 = arith.subi %scan3A_628, %sub3A_751 : i32
        %lt3A = vector.broadcast %sub3A_752 : i32 to vector<16xi32>
        %lt3A_753 = arith.cmpi slt, %add3A_750, %lt3A : vector<16xi32>
        %jit3A = arith.constant 0 : i32
        %broadcast_in_dim3A = vector.broadcast %jit3A : i32 to vector<16xi32>
        %select_n3A_754 = arith.select %lt3A_753, %broadcast_in_dim3A, %select_n3A_745 : vector<16xi1>, vector<16xi32>
        %sub3A_755 = arith.constant 2 : i32
        %sub3A_756 = arith.subi %scan3A_628, %sub3A_755 : i32
        %swap3A_757 = arith.constant 2 : i32
        %swap3A_758 = arith.index_cast %swap3A_757 : i32 to index
        %swap3A_759 = arith.index_cast %sub3A_756 : i32 to index
        %swap3A_760 = arith.constant 16 : index
        %swap3A_761 = tpu.vector_load %arg7[%swap3A_758, %swap3A_759, %swap3A_760] {strides = array<i32>} : memref<3x7x32xi32, #tpu.memory_space<vmem>>, vector<1x1x16xi32>,
        %swap3A_762 = vector.shape_cast %swap3A_761 : vector<1x1x16xi32> to vector<16xi32>
        %swap3A_763 = vector.shape_cast %select_n3A_754 : vector<16xi32> to vector<1x1x16xi32>
        tpu.vector_store %arg7[%swap3A_758, %swap3A_759, %swap3A_760], %swap3A_763 {strides = array<i32>} : memref<3x7x32xi32, #tpu.memory_space<vmem>>, vector<1x1x16xi32>,
      } else {
      }
    }
    %scan3A_548 = arith.constant 7 : i32
    %dma_start3A_549 = arith.constant 2 : i32
    %dma_start3A_550 = arith.constant 0 : i32
    %dma_start3A_551 = arith.constant 0 : i32
    %dma_start3A_552 = tpu.memref_slice %arg7[%dma_start3A_549, %dma_start3A_550, %dma_start3A_551] : memref<3x7x32xi32, #tpu.memory_space<vmem>> -> memref<1x1x32xi32, #tpu.memory_space<vmem>>
    %dma_start3A_553 = tpu.memref_squeeze %dma_start3A_552 : memref<1x1x32xi32, #tpu.memory_space<vmem>> -> memref<32xi32, #tpu.memory_space<vmem>>
    %dma_start3A_554 = arith.constant 0 : i32
    %dma_start3A_555 = arith.constant 0 : i32
    %dma_start3A_556 = tpu.memref_slice %arg3[%dma_start3A_554, %dma_start3A_555] : memref<259x128xf32, #tpu.memory_space<hbm>> -> memref<259x128xf32, #tpu.memory_space<hbm>>
    tpu.enqueue_indirect_dma source(%dma_start3A_556 : memref<259x128xf32, #tpu.memory_space<hbm>>) target(%arg22 : memref<32x128xf32, #tpu.memory_space<vmem>>) offsets(%dma_start3A_553 : memref<32xi32, #tpu.memory_space<vmem>>) semaphore(%arg37 : memref<!tpu.dma_semaphore, #tpu.memory_space<semaphore_mem>>)
    %dma_start3A_557 = arith.constant 2 : i32
    %dma_start3A_558 = arith.constant 1 : i32
    %dma_start3A_559 = arith.constant 0 : i32
    %dma_start3A_560 = tpu.memref_slice %arg7[%dma_start3A_557, %dma_start3A_558, %dma_start3A_559] : memref<3x7x32xi32, #tpu.memory_space<vmem>> -> memref<1x1x32xi32, #tpu.memory_space<vmem>>
    %dma_start3A_561 = tpu.memref_squeeze %dma_start3A_560 : memref<1x1x32xi32, #tpu.memory_space<vmem>> -> memref<32xi32, #tpu.memory_space<vmem>>
    %dma_start3A_562 = arith.constant 0 : i32
    %dma_start3A_563 = arith.constant 0 : i32
    %dma_start3A_564 = tpu.memref_slice %arg4[%dma_start3A_562, %dma_start3A_563] : memref<500000x128xf32, #tpu.memory_space<hbm>> -> memref<500000x128xf32, #tpu.memory_space<hbm>>
    tpu.enqueue_indirect_dma source(%dma_start3A_564 : memref<500000x128xf32, #tpu.memory_space<hbm>>) target(%arg23 : memref<32x128xf32, #tpu.memory_space<vmem>>) offsets(%dma_start3A_561 : memref<32xi32, #tpu.memory_space<vmem>>) semaphore(%arg37 : memref<!tpu.dma_semaphore, #tpu.memory_space<semaphore_mem>>)
    %dma_start3A_565 = arith.constant 2 : i32
    %dma_start3A_566 = arith.constant 2 : i32
    %dma_start3A_567 = arith.constant 0 : i32
    %dma_start3A_568 = tpu.memref_slice %arg7[%dma_start3A_565, %dma_start3A_566, %dma_start3A_567] : memref<3x7x32xi32, #tpu.memory_space<vmem>> -> memref<1x1x32xi32, #tpu.memory_space<vmem>>
    %dma_start3A_569 = tpu.memref_squeeze %dma_start3A_568 : memref<1x1x32xi32, #tpu.memory_space<vmem>> -> memref<32xi32, #tpu.memory_space<vmem>>
    %dma_start3A_570 = arith.constant 0 : i32
    %dma_start3A_571 = arith.constant 0 : i32
    %dma_start3A_572 = tpu.memref_slice %arg4[%dma_start3A_570, %dma_start3A_571] : memref<500000x128xf32, #tpu.memory_space<hbm>> -> memref<500000x128xf32, #tpu.memory_space<hbm>>
    tpu.enqueue_indirect_dma source(%dma_start3A_572 : memref<500000x128xf32, #tpu.memory_space<hbm>>) target(%arg24 : memref<32x128xf32, #tpu.memory_space<vmem>>) offsets(%dma_start3A_569 : memref<32xi32, #tpu.memory_space<vmem>>) semaphore(%arg37 : memref<!tpu.dma_semaphore, #tpu.memory_space<semaphore_mem>>)
    %dma_start3A_573 = arith.constant 2 : i32
    %dma_start3A_574 = arith.constant 3 : i32
    %dma_start3A_575 = arith.constant 0 : i32
    %dma_start3A_576 = tpu.memref_slice %arg7[%dma_start3A_573, %dma_start3A_574, %dma_start3A_575] : memref<3x7x32xi32, #tpu.memory_space<vmem>> -> memref<1x1x32xi32, #tpu.memory_space<vmem>>
    %dma_start3A_577 = tpu.memref_squeeze %dma_start3A_576 : memref<1x1x32xi32, #tpu.memory_space<vmem>> -> memref<32xi32, #tpu.memory_space<vmem>>
    %dma_start3A_578 = arith.constant 0 : i32
    %dma_start3A_579 = arith.constant 0 : i32
    %dma_start3A_580 = tpu.memref_slice %arg4[%dma_start3A_578, %dma_start3A_579] : memref<500000x128xf32, #tpu.memory_space<hbm>> -> memref<500000x128xf32, #tpu.memory_space<hbm>>
    tpu.enqueue_indirect_dma source(%dma_start3A_580 : memref<500000x128xf32, #tpu.memory_space<hbm>>) target(%arg25 : memref<32x128xf32, #tpu.memory_space<vmem>>) offsets(%dma_start3A_577 : memref<32xi32, #tpu.memory_space<vmem>>) semaphore(%arg37 : memref<!tpu.dma_semaphore, #tpu.memory_space<semaphore_mem>>)
    %dma_start3A_581 = arith.constant 2 : i32
    %dma_start3A_582 = arith.constant 4 : i32
    %dma_start3A_583 = arith.constant 0 : i32
    %dma_start3A_584 = tpu.memref_slice %arg7[%dma_start3A_581, %dma_start3A_582, %dma_start3A_583] : memref<3x7x32xi32, #tpu.memory_space<vmem>> -> memref<1x1x32xi32, #tpu.memory_space<vmem>>
    %dma_start3A_585 = tpu.memref_squeeze %dma_start3A_584 : memref<1x1x32xi32, #tpu.memory_space<vmem>> -> memref<32xi32, #tpu.memory_space<vmem>>
    %dma_start3A_586 = arith.constant 0 : i32
    %dma_start3A_587 = arith.constant 0 : i32
    %dma_start3A_588 = tpu.memref_slice %arg4[%dma_start3A_586, %dma_start3A_587] : memref<500000x128xf32, #tpu.memory_space<hbm>> -> memref<500000x128xf32, #tpu.memory_space<hbm>>
    tpu.enqueue_indirect_dma source(%dma_start3A_588 : memref<500000x128xf32, #tpu.memory_space<hbm>>) target(%arg26 : memref<32x128xf32, #tpu.memory_space<vmem>>) offsets(%dma_start3A_585 : memref<32xi32, #tpu.memory_space<vmem>>) semaphore(%arg37 : memref<!tpu.dma_semaphore, #tpu.memory_space<semaphore_mem>>)
    %dma_start3A_589 = arith.constant 2 : i32
    %dma_start3A_590 = arith.constant 5 : i32
    %dma_start3A_591 = arith.constant 0 : i32
    %dma_start3A_592 = tpu.memref_slice %arg7[%dma_start3A_589, %dma_start3A_590, %dma_start3A_591] : memref<3x7x32xi32, #tpu.memory_space<vmem>> -> memref<1x1x32xi32, #tpu.memory_space<vmem>>
    %dma_start3A_593 = tpu.memref_squeeze %dma_start3A_592 : memref<1x1x32xi32, #tpu.memory_space<vmem>> -> memref<32xi32, #tpu.memory_space<vmem>>
    %dma_start3A_594 = arith.constant 0 : i32
    %dma_start3A_595 = arith.constant 0 : i32
    %dma_start3A_596 = tpu.memref_slice %arg4[%dma_start3A_594, %dma_start3A_595] : memref<500000x128xf32, #tpu.memory_space<hbm>> -> memref<500000x128xf32, #tpu.memory_space<hbm>>
    tpu.enqueue_indirect_dma source(%dma_start3A_596 : memref<500000x128xf32, #tpu.memory_space<hbm>>) target(%arg27 : memref<32x128xf32, #tpu.memory_space<vmem>>) offsets(%dma_start3A_593 : memref<32xi32, #tpu.memory_space<vmem>>) semaphore(%arg37 : memref<!tpu.dma_semaphore, #tpu.memory_space<semaphore_mem>>)
    %dma_start3A_597 = arith.constant 2 : i32
    %dma_start3A_598 = arith.constant 6 : i32
    %dma_start3A_599 = arith.constant 0 : i32
    %dma_start3A_600 = tpu.memref_slice %arg7[%dma_start3A_597, %dma_start3A_598, %dma_start3A_599] : memref<3x7x32xi32, #tpu.memory_space<vmem>> -> memref<1x1x32xi32, #tpu.memory_space<vmem>>
    %dma_start3A_601 = tpu.memref_squeeze %dma_start3A_600 : memref<1x1x32xi32, #tpu.memory_space<vmem>> -> memref<32xi32, #tpu.memory_space<vmem>>
    %dma_start3A_602 = arith.constant 0 : i32
    %dma_start3A_603 = arith.constant 0 : i32
    %dma_start3A_604 = tpu.memref_slice %arg4[%dma_start3A_602, %dma_start3A_603] : memref<500000x128xf32, #tpu.memory_space<hbm>> -> memref<500000x128xf32, #tpu.memory_space<hbm>>
    tpu.enqueue_indirect_dma source(%dma_start3A_604 : memref<500000x128xf32, #tpu.memory_space<hbm>>) target(%arg28 : memref<32x128xf32, #tpu.memory_space<vmem>>) offsets(%dma_start3A_601 : memref<32xi32, #tpu.memory_space<vmem>>) semaphore(%arg37 : memref<!tpu.dma_semaphore, #tpu.memory_space<semaphore_mem>>)
    %scan3A_605 = arith.constant 0 : i32
    %scan3A_606 = arith.constant 0 : i32
    %scan3A_607 = arith.constant 11 : i32
    %scan3A_608 = arith.addi %scan3A_606, %scan3A_607 : i32
    %scan3A_609 = arith.constant 1 : i32
    scf.for %scan3A_628 = %scan3A_606 to %scan3A_608 step %scan3A_609  : i32 {
      %mul3A_629 = arith.constant 3 : i32
      %mul3A_630 = arith.muli %scan3A_628, %mul3A_629 : i32
      %add3A_631 = arith.constant 0 : i32
      %add3A_632 = arith.addi %mul3A_630, %add3A_631 : i32
      %lt3A = arith.constant 32 : i32
      %lt3A_633 = arith.cmpi slt, %add3A_632, %lt3A : i32
      %convert_element_type3A = arith.extui %lt3A_633 : i1 to i32
      %cond3A = arith.constant 0 : i32
      %cond3A_634 = arith.cmpi ne, %convert_element_type3A, %cond3A : i32
      scf.if %cond3A_634 {
        %dma_wait3A_653 = arith.constant 0 : i32
        %dma_wait3A_654 = arith.constant 0 : i32
        %dma_wait3A_655 = tpu.memref_slice %arg4[%dma_wait3A_653, %dma_wait3A_654] : memref<500000x128xf32, #tpu.memory_space<hbm>> -> memref<32x128xf32, #tpu.memory_space<hbm>>
        %dma_wait3A_656 = arith.constant 0 : i32
        %dma_wait3A_657 = arith.constant 0 : i32
        %dma_wait3A_658 = tpu.memref_slice %arg4[%dma_wait3A_656, %dma_wait3A_657] : memref<500000x128xf32, #tpu.memory_space<hbm>> -> memref<32x128xf32, #tpu.memory_space<hbm>>
        tpu.wait_dma2 semaphore(%arg35 : memref<!tpu.dma_semaphore, #tpu.memory_space<semaphore_mem>>) src(%dma_wait3A_658 : memref<32x128xf32, #tpu.memory_space<hbm>>) dst(%arg8 : memref<32x128xf32, #tpu.memory_space<vmem>>)
        %dma_wait3A_659 = arith.constant 0 : i32
        %dma_wait3A_660 = arith.constant 0 : i32
        %dma_wait3A_661 = tpu.memref_slice %arg4[%dma_wait3A_659, %dma_wait3A_660] : memref<500000x128xf32, #tpu.memory_space<hbm>> -> memref<32x128xf32, #tpu.memory_space<hbm>>
        %dma_wait3A_662 = arith.constant 0 : i32
        %dma_wait3A_663 = arith.constant 0 : i32
        %dma_wait3A_664 = tpu.memref_slice %arg4[%dma_wait3A_662, %dma_wait3A_663] : memref<500000x128xf32, #tpu.memory_space<hbm>> -> memref<32x128xf32, #tpu.memory_space<hbm>>
        tpu.wait_dma2 semaphore(%arg35 : memref<!tpu.dma_semaphore, #tpu.memory_space<semaphore_mem>>) src(%dma_wait3A_664 : memref<32x128xf32, #tpu.memory_space<hbm>>) dst(%arg9 : memref<32x128xf32, #tpu.memory_space<vmem>>)
        %dma_wait3A_665 = arith.constant 0 : i32
        %dma_wait3A_666 = arith.constant 0 : i32
        %dma_wait3A_667 = tpu.memref_slice %arg4[%dma_wait3A_665, %dma_wait3A_666] : memref<500000x128xf32, #tpu.memory_space<hbm>> -> memref<32x128xf32, #tpu.memory_space<hbm>>
        %dma_wait3A_668 = arith.constant 0 : i32
        %dma_wait3A_669 = arith.constant 0 : i32
        %dma_wait3A_670 = tpu.memref_slice %arg4[%dma_wait3A_668, %dma_wait3A_669] : memref<500000x128xf32, #tpu.memory_space<hbm>> -> memref<32x128xf32, #tpu.memory_space<hbm>>
        tpu.wait_dma2 semaphore(%arg35 : memref<!tpu.dma_semaphore, #tpu.memory_space<semaphore_mem>>) src(%dma_wait3A_670 : memref<32x128xf32, #tpu.memory_space<hbm>>) dst(%arg10 : memref<32x128xf32, #tpu.memory_space<vmem>>)
        %dma_wait3A_671 = arith.constant 0 : i32
        %dma_wait3A_672 = arith.constant 0 : i32
        %dma_wait3A_673 = tpu.memref_slice %arg4[%dma_wait3A_671, %dma_wait3A_672] : memref<500000x128xf32, #tpu.memory_space<hbm>> -> memref<32x128xf32, #tpu.memory_space<hbm>>
        %dma_wait3A_674 = arith.constant 0 : i32
        %dma_wait3A_675 = arith.constant 0 : i32
        %dma_wait3A_676 = tpu.memref_slice %arg4[%dma_wait3A_674, %dma_wait3A_675] : memref<500000x128xf32, #tpu.memory_space<hbm>> -> memref<32x128xf32, #tpu.memory_space<hbm>>
        tpu.wait_dma2 semaphore(%arg35 : memref<!tpu.dma_semaphore, #tpu.memory_space<semaphore_mem>>) src(%dma_wait3A_676 : memref<32x128xf32, #tpu.memory_space<hbm>>) dst(%arg11 : memref<32x128xf32, #tpu.memory_space<vmem>>)
        %dma_wait3A_677 = arith.constant 0 : i32
        %dma_wait3A_678 = arith.constant 0 : i32
        %dma_wait3A_679 = tpu.memref_slice %arg4[%dma_wait3A_677, %dma_wait3A_678] : memref<500000x128xf32, #tpu.memory_space<hbm>> -> memref<32x128xf32, #tpu.memory_space<hbm>>
        %dma_wait3A_680 = arith.constant 0 : i32
        %dma_wait3A_681 = arith.constant 0 : i32
        %dma_wait3A_682 = tpu.memref_slice %arg4[%dma_wait3A_680, %dma_wait3A_681] : memref<500000x128xf32, #tpu.memory_space<hbm>> -> memref<32x128xf32, #tpu.memory_space<hbm>>
        tpu.wait_dma2 semaphore(%arg35 : memref<!tpu.dma_semaphore, #tpu.memory_space<semaphore_mem>>) src(%dma_wait3A_682 : memref<32x128xf32, #tpu.memory_space<hbm>>) dst(%arg12 : memref<32x128xf32, #tpu.memory_space<vmem>>)
        %dma_wait3A_683 = arith.constant 0 : i32
        %dma_wait3A_684 = arith.constant 0 : i32
        %dma_wait3A_685 = tpu.memref_slice %arg4[%dma_wait3A_683, %dma_wait3A_684] : memref<500000x128xf32, #tpu.memory_space<hbm>> -> memref<32x128xf32, #tpu.memory_space<hbm>>
        %dma_wait3A_686 = arith.constant 0 : i32
        %dma_wait3A_687 = arith.constant 0 : i32
        %dma_wait3A_688 = tpu.memref_slice %arg4[%dma_wait3A_686, %dma_wait3A_687] : memref<500000x128xf32, #tpu.memory_space<hbm>> -> memref<32x128xf32, #tpu.memory_space<hbm>>
        tpu.wait_dma2 semaphore(%arg35 : memref<!tpu.dma_semaphore, #tpu.memory_space<semaphore_mem>>) src(%dma_wait3A_688 : memref<32x128xf32, #tpu.memory_space<hbm>>) dst(%arg13 : memref<32x128xf32, #tpu.memory_space<vmem>>)
        %dma_wait3A_689 = arith.constant 0 : i32
        %dma_wait3A_690 = arith.constant 0 : i32
        %dma_wait3A_691 = tpu.memref_slice %arg4[%dma_wait3A_689, %dma_wait3A_690] : memref<500000x128xf32, #tpu.memory_space<hbm>> -> memref<32x128xf32, #tpu.memory_space<hbm>>
        %dma_wait3A_692 = arith.constant 0 : i32
        %dma_wait3A_693 = arith.constant 0 : i32
        %dma_wait3A_694 = tpu.memref_slice %arg4[%dma_wait3A_692, %dma_wait3A_693] : memref<500000x128xf32, #tpu.memory_space<hbm>> -> memref<32x128xf32, #tpu.memory_space<hbm>>
        tpu.wait_dma2 semaphore(%arg35 : memref<!tpu.dma_semaphore, #tpu.memory_space<semaphore_mem>>) src(%dma_wait3A_694 : memref<32x128xf32, #tpu.memory_space<hbm>>) dst(%arg14 : memref<32x128xf32, #tpu.memory_space<vmem>>)
        %ge3A = arith.constant 3 : i32
        %ge3A_695 = arith.cmpi sge, %add3A_632, %ge3A : i32
        %convert_element_type3A_696 = arith.extui %ge3A_695 : i1 to i32
        %cond3A_697 = arith.constant 0 : i32
        %cond3A_698 = arith.cmpi ne, %convert_element_type3A_696, %cond3A_697 : i32
        scf.if %cond3A_698 {
          %dma_wait3A_718 = arith.constant 0 : i32
          %dma_wait3A_719 = arith.constant 0 : i32
          %dma_wait3A_720 = tpu.memref_slice %arg6[%dma_wait3A_718, %dma_wait3A_719] : memref<32768x128xf32, #tpu.memory_space<hbm>> -> memref<32x128xf32, #tpu.memory_space<hbm>>
          %dma_wait3A_721 = arith.constant 0 : i32
          %dma_wait3A_722 = arith.constant 0 : i32
          %dma_wait3A_723 = tpu.memref_slice %arg6[%dma_wait3A_721, %dma_wait3A_722] : memref<32768x128xf32, #tpu.memory_space<hbm>> -> memref<32x128xf32, #tpu.memory_space<hbm>>
          tpu.wait_dma2 semaphore(%arg38 : memref<!tpu.dma_semaphore, #tpu.memory_space<semaphore_mem>>) src(%arg29 : memref<32x128xf32, #tpu.memory_space<vmem>>) dst(%dma_wait3A_723 : memref<32x128xf32, #tpu.memory_space<hbm>>)
        } else {
        }
        %scan3A_699 = arith.constant 0 : i32
        %scan3A_700 = arith.constant 32 : i32
        %scan3A_701 = arith.addi %scan3A_699, %scan3A_700 : i32
        %scan3A_702 = arith.constant 1 : i32
        scf.for %scan3A_718 = %scan3A_699 to %scan3A_701 step %scan3A_702  : i32 {
          %get3A_719 = arith.index_cast %scan3A_718 : i32 to index
          %get3A_720 = arith.constant 0 : index
          %get3A_721 = tpu.vector_load %arg8[%get3A_719, %get3A_720] {strides = array<i32>} : memref<32x128xf32, #tpu.memory_space<vmem>>, vector<1x16xf32>,
          %get3A_722 = vector.shape_cast %get3A_721 : vector<1x16xf32> to vector<16xf32>
          %get3A_723 = arith.index_cast %scan3A_718 : i32 to index
          %get3A_724 = arith.constant 0 : index
          %get3A_725 = tpu.vector_load %arg9[%get3A_723, %get3A_724] {strides = array<i32>} : memref<32x128xf32, #tpu.memory_space<vmem>>, vector<1x16xf32>,
          %get3A_726 = vector.shape_cast %get3A_725 : vector<1x16xf32> to vector<16xf32>
          %add3A_727 = arith.addf %get3A_722, %get3A_726 : vector<16xf32>
          %get3A_728 = arith.index_cast %scan3A_718 : i32 to index
          %get3A_729 = arith.constant 0 : index
          %get3A_730 = tpu.vector_load %arg10[%get3A_728, %get3A_729] {strides = array<i32>} : memref<32x128xf32, #tpu.memory_space<vmem>>, vector<1x16xf32>,
          %get3A_731 = vector.shape_cast %get3A_730 : vector<1x16xf32> to vector<16xf32>
          %add3A_732 = arith.addf %add3A_727, %get3A_731 : vector<16xf32>
          %get3A_733 = arith.index_cast %scan3A_718 : i32 to index
          %get3A_734 = arith.constant 0 : index
          %get3A_735 = tpu.vector_load %arg11[%get3A_733, %get3A_734] {strides = array<i32>} : memref<32x128xf32, #tpu.memory_space<vmem>>, vector<1x16xf32>,
          %get3A_736 = vector.shape_cast %get3A_735 : vector<1x16xf32> to vector<16xf32>
          %add3A_737 = arith.addf %add3A_732, %get3A_736 : vector<16xf32>
          %get3A_738 = arith.index_cast %scan3A_718 : i32 to index
          %get3A_739 = arith.constant 0 : index
          %get3A_740 = tpu.vector_load %arg12[%get3A_738, %get3A_739] {strides = array<i32>} : memref<32x128xf32, #tpu.memory_space<vmem>>, vector<1x16xf32>,
          %get3A_741 = vector.shape_cast %get3A_740 : vector<1x16xf32> to vector<16xf32>
          %add3A_742 = arith.addf %add3A_737, %get3A_741 : vector<16xf32>
          %get3A_743 = arith.index_cast %scan3A_718 : i32 to index
          %get3A_744 = arith.constant 0 : index
          %get3A_745 = tpu.vector_load %arg13[%get3A_743, %get3A_744] {strides = array<i32>} : memref<32x128xf32, #tpu.memory_space<vmem>>, vector<1x16xf32>,
          %get3A_746 = vector.shape_cast %get3A_745 : vector<1x16xf32> to vector<16xf32>
          %add3A_747 = arith.addf %add3A_742, %get3A_746 : vector<16xf32>
          %get3A_748 = arith.index_cast %scan3A_718 : i32 to index
          %get3A_749 = arith.constant 0 : index
          %get3A_750 = tpu.vector_load %arg14[%get3A_748, %get3A_749] {strides = array<i32>} : memref<32x128xf32, #tpu.memory_space<vmem>>, vector<1x16xf32>,
          %get3A_751 = vector.shape_cast %get3A_750 : vector<1x16xf32> to vector<16xf32>
          %add3A_752 = arith.addf %add3A_747, %get3A_751 : vector<16xf32>
          %add3A_753 = arith.addf %add3A_752, %add3A_41 : vector<16xf32>
          %mul3A_754 = arith.constant 0.142857149 : f32
          %mul3A_755 = vector.broadcast %mul3A_754 : f32 to vector<16xf32>
          %mul3A_756 = arith.mulf %add3A_753, %mul3A_755 : vector<16xf32>
          %swap3A_757 = arith.index_cast %scan3A_718 : i32 to index
          %swap3A_758 = arith.constant 0 : index
          %swap3A_759 = tpu.vector_load %arg29[%swap3A_757, %swap3A_758] {strides = array<i32>} : memref<32x128xf32, #tpu.memory_space<vmem>>, vector<1x16xf32>,
          %swap3A_760 = vector.shape_cast %swap3A_759 : vector<1x16xf32> to vector<16xf32>
          %swap3A_761 = vector.shape_cast %mul3A_756 : vector<16xf32> to vector<1x16xf32>
          tpu.vector_store %arg29[%swap3A_757, %swap3A_758], %swap3A_761 {strides = array<i32>} : memref<32x128xf32, #tpu.memory_space<vmem>>, vector<1x16xf32>,
          %get3A_762 = arith.index_cast %scan3A_718 : i32 to index
          %get3A_763 = arith.constant 16 : index
          %get3A_764 = tpu.vector_load %arg8[%get3A_762, %get3A_763] {strides = array<i32>} : memref<32x128xf32, #tpu.memory_space<vmem>>, vector<1x16xf32>,
          %get3A_765 = vector.shape_cast %get3A_764 : vector<1x16xf32> to vector<16xf32>
          %get3A_766 = arith.index_cast %scan3A_718 : i32 to index
          %get3A_767 = arith.constant 16 : index
          %get3A_768 = tpu.vector_load %arg9[%get3A_766, %get3A_767] {strides = array<i32>} : memref<32x128xf32, #tpu.memory_space<vmem>>, vector<1x16xf32>,
          %get3A_769 = vector.shape_cast %get3A_768 : vector<1x16xf32> to vector<16xf32>
          %add3A_770 = arith.addf %get3A_765, %get3A_769 : vector<16xf32>
          %get3A_771 = arith.index_cast %scan3A_718 : i32 to index
          %get3A_772 = arith.constant 16 : index
          %get3A_773 = tpu.vector_load %arg10[%get3A_771, %get3A_772] {strides = array<i32>} : memref<32x128xf32, #tpu.memory_space<vmem>>, vector<1x16xf32>,
          %get3A_774 = vector.shape_cast %get3A_773 : vector<1x16xf32> to vector<16xf32>
          %add3A_775 = arith.addf %add3A_770, %get3A_774 : vector<16xf32>
          %get3A_776 = arith.index_cast %scan3A_718 : i32 to index
          %get3A_777 = arith.constant 16 : index
          %get3A_778 = tpu.vector_load %arg11[%get3A_776, %get3A_777] {strides = array<i32>} : memref<32x128xf32, #tpu.memory_space<vmem>>, vector<1x16xf32>,
          %get3A_779 = vector.shape_cast %get3A_778 : vector<1x16xf32> to vector<16xf32>
          %add3A_780 = arith.addf %add3A_775, %get3A_779 : vector<16xf32>
          %get3A_781 = arith.index_cast %scan3A_718 : i32 to index
          %get3A_782 = arith.constant 16 : index
          %get3A_783 = tpu.vector_load %arg12[%get3A_781, %get3A_782] {strides = array<i32>} : memref<32x128xf32, #tpu.memory_space<vmem>>, vector<1x16xf32>,
          %get3A_784 = vector.shape_cast %get3A_783 : vector<1x16xf32> to vector<16xf32>
          %add3A_785 = arith.addf %add3A_780, %get3A_784 : vector<16xf32>
          %get3A_786 = arith.index_cast %scan3A_718 : i32 to index
          %get3A_787 = arith.constant 16 : index
          %get3A_788 = tpu.vector_load %arg13[%get3A_786, %get3A_787] {strides = array<i32>} : memref<32x128xf32, #tpu.memory_space<vmem>>, vector<1x16xf32>,
          %get3A_789 = vector.shape_cast %get3A_788 : vector<1x16xf32> to vector<16xf32>
          %add3A_790 = arith.addf %add3A_785, %get3A_789 : vector<16xf32>
          %get3A_791 = arith.index_cast %scan3A_718 : i32 to index
          %get3A_792 = arith.constant 16 : index
          %get3A_793 = tpu.vector_load %arg14[%get3A_791, %get3A_792] {strides = array<i32>} : memref<32x128xf32, #tpu.memory_space<vmem>>, vector<1x16xf32>,
          %get3A_794 = vector.shape_cast %get3A_793 : vector<1x16xf32> to vector<16xf32>
          %add3A_795 = arith.addf %add3A_790, %get3A_794 : vector<16xf32>
          %add3A_796 = arith.addf %add3A_795, %add3A_76 : vector<16xf32>
          %mul3A_797 = arith.constant 0.142857149 : f32
          %mul3A_798 = vector.broadcast %mul3A_797 : f32 to vector<16xf32>
          %mul3A_799 = arith.mulf %add3A_796, %mul3A_798 : vector<16xf32>
          %swap3A_800 = arith.index_cast %scan3A_718 : i32 to index
          %swap3A_801 = arith.constant 16 : index
          %swap3A_802 = tpu.vector_load %arg29[%swap3A_800, %swap3A_801] {strides = array<i32>} : memref<32x128xf32, #tpu.memory_space<vmem>>, vector<1x16xf32>,
          %swap3A_803 = vector.shape_cast %swap3A_802 : vector<1x16xf32> to vector<16xf32>
          %swap3A_804 = vector.shape_cast %mul3A_799 : vector<16xf32> to vector<1x16xf32>
          tpu.vector_store %arg29[%swap3A_800, %swap3A_801], %swap3A_804 {strides = array<i32>} : memref<32x128xf32, #tpu.memory_space<vmem>>, vector<1x16xf32>,
          %get3A_805 = arith.index_cast %scan3A_718 : i32 to index
          %get3A_806 = arith.constant 32 : index
          %get3A_807 = tpu.vector_load %arg8[%get3A_805, %get3A_806] {strides = array<i32>} : memref<32x128xf32, #tpu.memory_space<vmem>>, vector<1x16xf32>,
          %get3A_808 = vector.shape_cast %get3A_807 : vector<1x16xf32> to vector<16xf32>
          %get3A_809 = arith.index_cast %scan3A_718 : i32 to index
          %get3A_810 = arith.constant 32 : index
          %get3A_811 = tpu.vector_load %arg9[%get3A_809, %get3A_810] {strides = array<i32>} : memref<32x128xf32, #tpu.memory_space<vmem>>, vector<1x16xf32>,
          %get3A_812 = vector.shape_cast %get3A_811 : vector<1x16xf32> to vector<16xf32>
          %add3A_813 = arith.addf %get3A_808, %get3A_812 : vector<16xf32>
          %get3A_814 = arith.index_cast %scan3A_718 : i32 to index
          %get3A_815 = arith.constant 32 : index
          %get3A_816 = tpu.vector_load %arg10[%get3A_814, %get3A_815] {strides = array<i32>} : memref<32x128xf32, #tpu.memory_space<vmem>>, vector<1x16xf32>,
          %get3A_817 = vector.shape_cast %get3A_816 : vector<1x16xf32> to vector<16xf32>
          %add3A_818 = arith.addf %add3A_813, %get3A_817 : vector<16xf32>
          %get3A_819 = arith.index_cast %scan3A_718 : i32 to index
          %get3A_820 = arith.constant 32 : index
          %get3A_821 = tpu.vector_load %arg11[%get3A_819, %get3A_820] {strides = array<i32>} : memref<32x128xf32, #tpu.memory_space<vmem>>, vector<1x16xf32>,
          %get3A_822 = vector.shape_cast %get3A_821 : vector<1x16xf32> to vector<16xf32>
          %add3A_823 = arith.addf %add3A_818, %get3A_822 : vector<16xf32>
          %get3A_824 = arith.index_cast %scan3A_718 : i32 to index
          %get3A_825 = arith.constant 32 : index
          %get3A_826 = tpu.vector_load %arg12[%get3A_824, %get3A_825] {strides = array<i32>} : memref<32x128xf32, #tpu.memory_space<vmem>>, vector<1x16xf32>,
          %get3A_827 = vector.shape_cast %get3A_826 : vector<1x16xf32> to vector<16xf32>
          %add3A_828 = arith.addf %add3A_823, %get3A_827 : vector<16xf32>
          %get3A_829 = arith.index_cast %scan3A_718 : i32 to index
          %get3A_830 = arith.constant 32 : index
          %get3A_831 = tpu.vector_load %arg13[%get3A_829, %get3A_830] {strides = array<i32>} : memref<32x128xf32, #tpu.memory_space<vmem>>, vector<1x16xf32>,
          %get3A_832 = vector.shape_cast %get3A_831 : vector<1x16xf32> to vector<16xf32>
          %add3A_833 = arith.addf %add3A_828, %get3A_832 : vector<16xf32>
          %get3A_834 = arith.index_cast %scan3A_718 : i32 to index
          %get3A_835 = arith.constant 32 : index
          %get3A_836 = tpu.vector_load %arg14[%get3A_834, %get3A_835] {strides = array<i32>} : memref<32x128xf32, #tpu.memory_space<vmem>>, vector<1x16xf32>,
          %get3A_837 = vector.shape_cast %get3A_836 : vector<1x16xf32> to vector<16xf32>
          %add3A_838 = arith.addf %add3A_833, %get3A_837 : vector<16xf32>
          %add3A_839 = arith.addf %add3A_838, %add3A_111 : vector<16xf32>
          %mul3A_840 = arith.constant 0.142857149 : f32
          %mul3A_841 = vector.broadcast %mul3A_840 : f32 to vector<16xf32>
          %mul3A_842 = arith.mulf %add3A_839, %mul3A_841 : vector<16xf32>
          %swap3A_843 = arith.index_cast %scan3A_718 : i32 to index
          %swap3A_844 = arith.constant 32 : index
          %swap3A_845 = tpu.vector_load %arg29[%swap3A_843, %swap3A_844] {strides = array<i32>} : memref<32x128xf32, #tpu.memory_space<vmem>>, vector<1x16xf32>,
          %swap3A_846 = vector.shape_cast %swap3A_845 : vector<1x16xf32> to vector<16xf32>
          %swap3A_847 = vector.shape_cast %mul3A_842 : vector<16xf32> to vector<1x16xf32>
          tpu.vector_store %arg29[%swap3A_843, %swap3A_844], %swap3A_847 {strides = array<i32>} : memref<32x128xf32, #tpu.memory_space<vmem>>, vector<1x16xf32>,
          %get3A_848 = arith.index_cast %scan3A_718 : i32 to index
          %get3A_849 = arith.constant 48 : index
          %get3A_850 = tpu.vector_load %arg8[%get3A_848, %get3A_849] {strides = array<i32>} : memref<32x128xf32, #tpu.memory_space<vmem>>, vector<1x16xf32>,
          %get3A_851 = vector.shape_cast %get3A_850 : vector<1x16xf32> to vector<16xf32>
          %get3A_852 = arith.index_cast %scan3A_718 : i32 to index
          %get3A_853 = arith.constant 48 : index
          %get3A_854 = tpu.vector_load %arg9[%get3A_852, %get3A_853] {strides = array<i32>} : memref<32x128xf32, #tpu.memory_space<vmem>>, vector<1x16xf32>,
          %get3A_855 = vector.shape_cast %get3A_854 : vector<1x16xf32> to vector<16xf32>
          %add3A_856 = arith.addf %get3A_851, %get3A_855 : vector<16xf32>
          %get3A_857 = arith.index_cast %scan3A_718 : i32 to index
          %get3A_858 = arith.constant 48 : index
          %get3A_859 = tpu.vector_load %arg10[%get3A_857, %get3A_858] {strides = array<i32>} : memref<32x128xf32, #tpu.memory_space<vmem>>, vector<1x16xf32>,
          %get3A_860 = vector.shape_cast %get3A_859 : vector<1x16xf32> to vector<16xf32>
          %add3A_861 = arith.addf %add3A_856, %get3A_860 : vector<16xf32>
          %get3A_862 = arith.index_cast %scan3A_718 : i32 to index
          %get3A_863 = arith.constant 48 : index
          %get3A_864 = tpu.vector_load %arg11[%get3A_862, %get3A_863] {strides = array<i32>} : memref<32x128xf32, #tpu.memory_space<vmem>>, vector<1x16xf32>,
          %get3A_865 = vector.shape_cast %get3A_864 : vector<1x16xf32> to vector<16xf32>
          %add3A_866 = arith.addf %add3A_861, %get3A_865 : vector<16xf32>
          %get3A_867 = arith.index_cast %scan3A_718 : i32 to index
          %get3A_868 = arith.constant 48 : index
          %get3A_869 = tpu.vector_load %arg12[%get3A_867, %get3A_868] {strides = array<i32>} : memref<32x128xf32, #tpu.memory_space<vmem>>, vector<1x16xf32>,
          %get3A_870 = vector.shape_cast %get3A_869 : vector<1x16xf32> to vector<16xf32>
          %add3A_871 = arith.addf %add3A_866, %get3A_870 : vector<16xf32>
          %get3A_872 = arith.index_cast %scan3A_718 : i32 to index
          %get3A_873 = arith.constant 48 : index
          %get3A_874 = tpu.vector_load %arg13[%get3A_872, %get3A_873] {strides = array<i32>} : memref<32x128xf32, #tpu.memory_space<vmem>>, vector<1x16xf32>,
          %get3A_875 = vector.shape_cast %get3A_874 : vector<1x16xf32> to vector<16xf32>
          %add3A_876 = arith.addf %add3A_871, %get3A_875 : vector<16xf32>
          %get3A_877 = arith.index_cast %scan3A_718 : i32 to index
          %get3A_878 = arith.constant 48 : index
          %get3A_879 = tpu.vector_load %arg14[%get3A_877, %get3A_878] {strides = array<i32>} : memref<32x128xf32, #tpu.memory_space<vmem>>, vector<1x16xf32>,
          %get3A_880 = vector.shape_cast %get3A_879 : vector<1x16xf32> to vector<16xf32>
          %add3A_881 = arith.addf %add3A_876, %get3A_880 : vector<16xf32>
          %add3A_882 = arith.addf %add3A_881, %add3A_146 : vector<16xf32>
          %mul3A_883 = arith.constant 0.142857149 : f32
          %mul3A_884 = vector.broadcast %mul3A_883 : f32 to vector<16xf32>
          %mul3A_885 = arith.mulf %add3A_882, %mul3A_884 : vector<16xf32>
          %swap3A_886 = arith.index_cast %scan3A_718 : i32 to index
          %swap3A_887 = arith.constant 48 : index
          %swap3A_888 = tpu.vector_load %arg29[%swap3A_886, %swap3A_887] {strides = array<i32>} : memref<32x128xf32, #tpu.memory_space<vmem>>, vector<1x16xf32>,
          %swap3A_889 = vector.shape_cast %swap3A_888 : vector<1x16xf32> to vector<16xf32>
          %swap3A_890 = vector.shape_cast %mul3A_885 : vector<16xf32> to vector<1x16xf32>
          tpu.vector_store %arg29[%swap3A_886, %swap3A_887], %swap3A_890 {strides = array<i32>} : memref<32x128xf32, #tpu.memory_space<vmem>>, vector<1x16xf32>,
          %get3A_891 = arith.index_cast %scan3A_718 : i32 to index
          %get3A_892 = arith.constant 64 : index
          %get3A_893 = tpu.vector_load %arg8[%get3A_891, %get3A_892] {strides = array<i32>} : memref<32x128xf32, #tpu.memory_space<vmem>>, vector<1x16xf32>,
          %get3A_894 = vector.shape_cast %get3A_893 : vector<1x16xf32> to vector<16xf32>
          %get3A_895 = arith.index_cast %scan3A_718 : i32 to index
          %get3A_896 = arith.constant 64 : index
          %get3A_897 = tpu.vector_load %arg9[%get3A_895, %get3A_896] {strides = array<i32>} : memref<32x128xf32, #tpu.memory_space<vmem>>, vector<1x16xf32>,
          %get3A_898 = vector.shape_cast %get3A_897 : vector<1x16xf32> to vector<16xf32>
          %add3A_899 = arith.addf %get3A_894, %get3A_898 : vector<16xf32>
          %get3A_900 = arith.index_cast %scan3A_718 : i32 to index
          %get3A_901 = arith.constant 64 : index
          %get3A_902 = tpu.vector_load %arg10[%get3A_900, %get3A_901] {strides = array<i32>} : memref<32x128xf32, #tpu.memory_space<vmem>>, vector<1x16xf32>,
          %get3A_903 = vector.shape_cast %get3A_902 : vector<1x16xf32> to vector<16xf32>
          %add3A_904 = arith.addf %add3A_899, %get3A_903 : vector<16xf32>
          %get3A_905 = arith.index_cast %scan3A_718 : i32 to index
          %get3A_906 = arith.constant 64 : index
          %get3A_907 = tpu.vector_load %arg11[%get3A_905, %get3A_906] {strides = array<i32>} : memref<32x128xf32, #tpu.memory_space<vmem>>, vector<1x16xf32>,
          %get3A_908 = vector.shape_cast %get3A_907 : vector<1x16xf32> to vector<16xf32>
          %add3A_909 = arith.addf %add3A_904, %get3A_908 : vector<16xf32>
          %get3A_910 = arith.index_cast %scan3A_718 : i32 to index
          %get3A_911 = arith.constant 64 : index
          %get3A_912 = tpu.vector_load %arg12[%get3A_910, %get3A_911] {strides = array<i32>} : memref<32x128xf32, #tpu.memory_space<vmem>>, vector<1x16xf32>,
          %get3A_913 = vector.shape_cast %get3A_912 : vector<1x16xf32> to vector<16xf32>
          %add3A_914 = arith.addf %add3A_909, %get3A_913 : vector<16xf32>
          %get3A_915 = arith.index_cast %scan3A_718 : i32 to index
          %get3A_916 = arith.constant 64 : index
          %get3A_917 = tpu.vector_load %arg13[%get3A_915, %get3A_916] {strides = array<i32>} : memref<32x128xf32, #tpu.memory_space<vmem>>, vector<1x16xf32>,
          %get3A_918 = vector.shape_cast %get3A_917 : vector<1x16xf32> to vector<16xf32>
          %add3A_919 = arith.addf %add3A_914, %get3A_918 : vector<16xf32>
          %get3A_920 = arith.index_cast %scan3A_718 : i32 to index
          %get3A_921 = arith.constant 64 : index
          %get3A_922 = tpu.vector_load %arg14[%get3A_920, %get3A_921] {strides = array<i32>} : memref<32x128xf32, #tpu.memory_space<vmem>>, vector<1x16xf32>,
          %get3A_923 = vector.shape_cast %get3A_922 : vector<1x16xf32> to vector<16xf32>
          %add3A_924 = arith.addf %add3A_919, %get3A_923 : vector<16xf32>
          %add3A_925 = arith.addf %add3A_924, %add3A_181 : vector<16xf32>
          %mul3A_926 = arith.constant 0.142857149 : f32
          %mul3A_927 = vector.broadcast %mul3A_926 : f32 to vector<16xf32>
          %mul3A_928 = arith.mulf %add3A_925, %mul3A_927 : vector<16xf32>
          %swap3A_929 = arith.index_cast %scan3A_718 : i32 to index
          %swap3A_930 = arith.constant 64 : index
          %swap3A_931 = tpu.vector_load %arg29[%swap3A_929, %swap3A_930] {strides = array<i32>} : memref<32x128xf32, #tpu.memory_space<vmem>>, vector<1x16xf32>,
          %swap3A_932 = vector.shape_cast %swap3A_931 : vector<1x16xf32> to vector<16xf32>
          %swap3A_933 = vector.shape_cast %mul3A_928 : vector<16xf32> to vector<1x16xf32>
          tpu.vector_store %arg29[%swap3A_929, %swap3A_930], %swap3A_933 {strides = array<i32>} : memref<32x128xf32, #tpu.memory_space<vmem>>, vector<1x16xf32>,
          %get3A_934 = arith.index_cast %scan3A_718 : i32 to index
          %get3A_935 = arith.constant 80 : index
          %get3A_936 = tpu.vector_load %arg8[%get3A_934, %get3A_935] {strides = array<i32>} : memref<32x128xf32, #tpu.memory_space<vmem>>, vector<1x16xf32>,
          %get3A_937 = vector.shape_cast %get3A_936 : vector<1x16xf32> to vector<16xf32>
          %get3A_938 = arith.index_cast %scan3A_718 : i32 to index
          %get3A_939 = arith.constant 80 : index
          %get3A_940 = tpu.vector_load %arg9[%get3A_938, %get3A_939] {strides = array<i32>} : memref<32x128xf32, #tpu.memory_space<vmem>>, vector<1x16xf32>,
          %get3A_941 = vector.shape_cast %get3A_940 : vector<1x16xf32> to vector<16xf32>
          %add3A_942 = arith.addf %get3A_937, %get3A_941 : vector<16xf32>
          %get3A_943 = arith.index_cast %scan3A_718 : i32 to index
          %get3A_944 = arith.constant 80 : index
          %get3A_945 = tpu.vector_load %arg10[%get3A_943, %get3A_944] {strides = array<i32>} : memref<32x128xf32, #tpu.memory_space<vmem>>, vector<1x16xf32>,
          %get3A_946 = vector.shape_cast %get3A_945 : vector<1x16xf32> to vector<16xf32>
          %add3A_947 = arith.addf %add3A_942, %get3A_946 : vector<16xf32>
          %get3A_948 = arith.index_cast %scan3A_718 : i32 to index
          %get3A_949 = arith.constant 80 : index
          %get3A_950 = tpu.vector_load %arg11[%get3A_948, %get3A_949] {strides = array<i32>} : memref<32x128xf32, #tpu.memory_space<vmem>>, vector<1x16xf32>,
          %get3A_951 = vector.shape_cast %get3A_950 : vector<1x16xf32> to vector<16xf32>
          %add3A_952 = arith.addf %add3A_947, %get3A_951 : vector<16xf32>
          %get3A_953 = arith.index_cast %scan3A_718 : i32 to index
          %get3A_954 = arith.constant 80 : index
          %get3A_955 = tpu.vector_load %arg12[%get3A_953, %get3A_954] {strides = array<i32>} : memref<32x128xf32, #tpu.memory_space<vmem>>, vector<1x16xf32>,
          %get3A_956 = vector.shape_cast %get3A_955 : vector<1x16xf32> to vector<16xf32>
          %add3A_957 = arith.addf %add3A_952, %get3A_956 : vector<16xf32>
          %get3A_958 = arith.index_cast %scan3A_718 : i32 to index
          %get3A_959 = arith.constant 80 : index
          %get3A_960 = tpu.vector_load %arg13[%get3A_958, %get3A_959] {strides = array<i32>} : memref<32x128xf32, #tpu.memory_space<vmem>>, vector<1x16xf32>,
          %get3A_961 = vector.shape_cast %get3A_960 : vector<1x16xf32> to vector<16xf32>
          %add3A_962 = arith.addf %add3A_957, %get3A_961 : vector<16xf32>
          %get3A_963 = arith.index_cast %scan3A_718 : i32 to index
          %get3A_964 = arith.constant 80 : index
          %get3A_965 = tpu.vector_load %arg14[%get3A_963, %get3A_964] {strides = array<i32>} : memref<32x128xf32, #tpu.memory_space<vmem>>, vector<1x16xf32>,
          %get3A_966 = vector.shape_cast %get3A_965 : vector<1x16xf32> to vector<16xf32>
          %add3A_967 = arith.addf %add3A_962, %get3A_966 : vector<16xf32>
          %add3A_968 = arith.addf %add3A_967, %add3A_216 : vector<16xf32>
          %mul3A_969 = arith.constant 0.142857149 : f32
          %mul3A_970 = vector.broadcast %mul3A_969 : f32 to vector<16xf32>
          %mul3A_971 = arith.mulf %add3A_968, %mul3A_970 : vector<16xf32>
          %swap3A_972 = arith.index_cast %scan3A_718 : i32 to index
          %swap3A_973 = arith.constant 80 : index
          %swap3A_974 = tpu.vector_load %arg29[%swap3A_972, %swap3A_973] {strides = array<i32>} : memref<32x128xf32, #tpu.memory_space<vmem>>, vector<1x16xf32>,
          %swap3A_975 = vector.shape_cast %swap3A_974 : vector<1x16xf32> to vector<16xf32>
          %swap3A_976 = vector.shape_cast %mul3A_971 : vector<16xf32> to vector<1x16xf32>
          tpu.vector_store %arg29[%swap3A_972, %swap3A_973], %swap3A_976 {strides = array<i32>} : memref<32x128xf32, #tpu.memory_space<vmem>>, vector<1x16xf32>,
          %get3A_977 = arith.index_cast %scan3A_718 : i32 to index
          %get3A_978 = arith.constant 96 : index
          %get3A_979 = tpu.vector_load %arg8[%get3A_977, %get3A_978] {strides = array<i32>} : memref<32x128xf32, #tpu.memory_space<vmem>>, vector<1x16xf32>,
          %get3A_980 = vector.shape_cast %get3A_979 : vector<1x16xf32> to vector<16xf32>
          %get3A_981 = arith.index_cast %scan3A_718 : i32 to index
          %get3A_982 = arith.constant 96 : index
          %get3A_983 = tpu.vector_load %arg9[%get3A_981, %get3A_982] {strides = array<i32>} : memref<32x128xf32, #tpu.memory_space<vmem>>, vector<1x16xf32>,
          %get3A_984 = vector.shape_cast %get3A_983 : vector<1x16xf32> to vector<16xf32>
          %add3A_985 = arith.addf %get3A_980, %get3A_984 : vector<16xf32>
          %get3A_986 = arith.index_cast %scan3A_718 : i32 to index
          %get3A_987 = arith.constant 96 : index
          %get3A_988 = tpu.vector_load %arg10[%get3A_986, %get3A_987] {strides = array<i32>} : memref<32x128xf32, #tpu.memory_space<vmem>>, vector<1x16xf32>,
          %get3A_989 = vector.shape_cast %get3A_988 : vector<1x16xf32> to vector<16xf32>
          %add3A_990 = arith.addf %add3A_985, %get3A_989 : vector<16xf32>
          %get3A_991 = arith.index_cast %scan3A_718 : i32 to index
          %get3A_992 = arith.constant 96 : index
          %get3A_993 = tpu.vector_load %arg11[%get3A_991, %get3A_992] {strides = array<i32>} : memref<32x128xf32, #tpu.memory_space<vmem>>, vector<1x16xf32>,
          %get3A_994 = vector.shape_cast %get3A_993 : vector<1x16xf32> to vector<16xf32>
          %add3A_995 = arith.addf %add3A_990, %get3A_994 : vector<16xf32>
          %get3A_996 = arith.index_cast %scan3A_718 : i32 to index
          %get3A_997 = arith.constant 96 : index
          %get3A_998 = tpu.vector_load %arg12[%get3A_996, %get3A_997] {strides = array<i32>} : memref<32x128xf32, #tpu.memory_space<vmem>>, vector<1x16xf32>,
          %get3A_999 = vector.shape_cast %get3A_998 : vector<1x16xf32> to vector<16xf32>
          %add3A_1000 = arith.addf %add3A_995, %get3A_999 : vector<16xf32>
          %get3A_1001 = arith.index_cast %scan3A_718 : i32 to index
          %get3A_1002 = arith.constant 96 : index
          %get3A_1003 = tpu.vector_load %arg13[%get3A_1001, %get3A_1002] {strides = array<i32>} : memref<32x128xf32, #tpu.memory_space<vmem>>, vector<1x16xf32>,
          %get3A_1004 = vector.shape_cast %get3A_1003 : vector<1x16xf32> to vector<16xf32>
          %add3A_1005 = arith.addf %add3A_1000, %get3A_1004 : vector<16xf32>
          %get3A_1006 = arith.index_cast %scan3A_718 : i32 to index
          %get3A_1007 = arith.constant 96 : index
          %get3A_1008 = tpu.vector_load %arg14[%get3A_1006, %get3A_1007] {strides = array<i32>} : memref<32x128xf32, #tpu.memory_space<vmem>>, vector<1x16xf32>,
          %get3A_1009 = vector.shape_cast %get3A_1008 : vector<1x16xf32> to vector<16xf32>
          %add3A_1010 = arith.addf %add3A_1005, %get3A_1009 : vector<16xf32>
          %add3A_1011 = arith.addf %add3A_1010, %add3A_251 : vector<16xf32>
          %mul3A_1012 = arith.constant 0.142857149 : f32
          %mul3A_1013 = vector.broadcast %mul3A_1012 : f32 to vector<16xf32>
          %mul3A_1014 = arith.mulf %add3A_1011, %mul3A_1013 : vector<16xf32>
          %swap3A_1015 = arith.index_cast %scan3A_718 : i32 to index
          %swap3A_1016 = arith.constant 96 : index
          %swap3A_1017 = tpu.vector_load %arg29[%swap3A_1015, %swap3A_1016] {strides = array<i32>} : memref<32x128xf32, #tpu.memory_space<vmem>>, vector<1x16xf32>,
          %swap3A_1018 = vector.shape_cast %swap3A_1017 : vector<1x16xf32> to vector<16xf32>
          %swap3A_1019 = vector.shape_cast %mul3A_1014 : vector<16xf32> to vector<1x16xf32>
          tpu.vector_store %arg29[%swap3A_1015, %swap3A_1016], %swap3A_1019 {strides = array<i32>} : memref<32x128xf32, #tpu.memory_space<vmem>>, vector<1x16xf32>,
          %get3A_1020 = arith.index_cast %scan3A_718 : i32 to index
          %get3A_1021 = arith.constant 112 : index
          %get3A_1022 = tpu.vector_load %arg8[%get3A_1020, %get3A_1021] {strides = array<i32>} : memref<32x128xf32, #tpu.memory_space<vmem>>, vector<1x16xf32>,
          %get3A_1023 = vector.shape_cast %get3A_1022 : vector<1x16xf32> to vector<16xf32>
          %get3A_1024 = arith.index_cast %scan3A_718 : i32 to index
          %get3A_1025 = arith.constant 112 : index
          %get3A_1026 = tpu.vector_load %arg9[%get3A_1024, %get3A_1025] {strides = array<i32>} : memref<32x128xf32, #tpu.memory_space<vmem>>, vector<1x16xf32>,
          %get3A_1027 = vector.shape_cast %get3A_1026 : vector<1x16xf32> to vector<16xf32>
          %add3A_1028 = arith.addf %get3A_1023, %get3A_1027 : vector<16xf32>
          %get3A_1029 = arith.index_cast %scan3A_718 : i32 to index
          %get3A_1030 = arith.constant 112 : index
          %get3A_1031 = tpu.vector_load %arg10[%get3A_1029, %get3A_1030] {strides = array<i32>} : memref<32x128xf32, #tpu.memory_space<vmem>>, vector<1x16xf32>,
          %get3A_1032 = vector.shape_cast %get3A_1031 : vector<1x16xf32> to vector<16xf32>
          %add3A_1033 = arith.addf %add3A_1028, %get3A_1032 : vector<16xf32>
          %get3A_1034 = arith.index_cast %scan3A_718 : i32 to index
          %get3A_1035 = arith.constant 112 : index
          %get3A_1036 = tpu.vector_load %arg11[%get3A_1034, %get3A_1035] {strides = array<i32>} : memref<32x128xf32, #tpu.memory_space<vmem>>, vector<1x16xf32>,
          %get3A_1037 = vector.shape_cast %get3A_1036 : vector<1x16xf32> to vector<16xf32>
          %add3A_1038 = arith.addf %add3A_1033, %get3A_1037 : vector<16xf32>
          %get3A_1039 = arith.index_cast %scan3A_718 : i32 to index
          %get3A_1040 = arith.constant 112 : index
          %get3A_1041 = tpu.vector_load %arg12[%get3A_1039, %get3A_1040] {strides = array<i32>} : memref<32x128xf32, #tpu.memory_space<vmem>>, vector<1x16xf32>,
          %get3A_1042 = vector.shape_cast %get3A_1041 : vector<1x16xf32> to vector<16xf32>
          %add3A_1043 = arith.addf %add3A_1038, %get3A_1042 : vector<16xf32>
          %get3A_1044 = arith.index_cast %scan3A_718 : i32 to index
          %get3A_1045 = arith.constant 112 : index
          %get3A_1046 = tpu.vector_load %arg13[%get3A_1044, %get3A_1045] {strides = array<i32>} : memref<32x128xf32, #tpu.memory_space<vmem>>, vector<1x16xf32>,
          %get3A_1047 = vector.shape_cast %get3A_1046 : vector<1x16xf32> to vector<16xf32>
          %add3A_1048 = arith.addf %add3A_1043, %get3A_1047 : vector<16xf32>
          %get3A_1049 = arith.index_cast %scan3A_718 : i32 to index
          %get3A_1050 = arith.constant 112 : index
          %get3A_1051 = tpu.vector_load %arg14[%get3A_1049, %get3A_1050] {strides = array<i32>} : memref<32x128xf32, #tpu.memory_space<vmem>>, vector<1x16xf32>,
          %get3A_1052 = vector.shape_cast %get3A_1051 : vector<1x16xf32> to vector<16xf32>
          %add3A_1053 = arith.addf %add3A_1048, %get3A_1052 : vector<16xf32>
          %add3A_1054 = arith.addf %add3A_1053, %add3A_286 : vector<16xf32>
          %mul3A_1055 = arith.constant 0.142857149 : f32
          %mul3A_1056 = vector.broadcast %mul3A_1055 : f32 to vector<16xf32>
          %mul3A_1057 = arith.mulf %add3A_1054, %mul3A_1056 : vector<16xf32>
          %swap3A_1058 = arith.index_cast %scan3A_718 : i32 to index
          %swap3A_1059 = arith.constant 112 : index
          %swap3A_1060 = tpu.vector_load %arg29[%swap3A_1058, %swap3A_1059] {strides = array<i32>} : memref<32x128xf32, #tpu.memory_space<vmem>>, vector<1x16xf32>,
          %swap3A_1061 = vector.shape_cast %swap3A_1060 : vector<1x16xf32> to vector<16xf32>
          %swap3A_1062 = vector.shape_cast %mul3A_1057 : vector<16xf32> to vector<1x16xf32>
          tpu.vector_store %arg29[%swap3A_1058, %swap3A_1059], %swap3A_1062 {strides = array<i32>} : memref<32x128xf32, #tpu.memory_space<vmem>>, vector<1x16xf32>,
        }
        %scan3A_703 = arith.constant 32 : i32
        %mul3A_704 = arith.constant 32 : i32
        %mul3A_705 = arith.muli %add3A_632, %mul3A_704 : i32
        %add3A_706 = arith.addi %mul3A_2, %mul3A_705 : i32
        %dma_start3A_707 = arith.constant 0 : i32
        %dma_start3A_708 = tpu.memref_slice %arg6[%add3A_706, %dma_start3A_707] : memref<32768x128xf32, #tpu.memory_space<hbm>> -> memref<32x128xf32, #tpu.memory_space<hbm>>
        %dma_start3A_709 = arith.constant 0 : i32
        %dma_start3A_710 = tpu.memref_slice %arg6[%add3A_706, %dma_start3A_709] : memref<32768x128xf32, #tpu.memory_space<hbm>> -> memref<32x128xf32, #tpu.memory_space<hbm>>
        tpu.enqueue_dma source(%arg29 : memref<32x128xf32, #tpu.memory_space<vmem>>) target(%dma_start3A_710 : memref<32x128xf32, #tpu.memory_space<hbm>>) target_semaphore(%arg38 : memref<!tpu.dma_semaphore, #tpu.memory_space<semaphore_mem>>)
        %add3A_711 = arith.constant 3 : i32
        %add3A_712 = arith.addi %add3A_632, %add3A_711 : i32
        %lt3A_713 = arith.constant 32 : i32
        %lt3A_714 = arith.cmpi slt, %add3A_712, %lt3A_713 : i32
        %convert_element_type3A_715 = arith.extui %lt3A_714 : i1 to i32
        %cond3A_716 = arith.constant 0 : i32
        %cond3A_717 = arith.cmpi ne, %convert_element_type3A_715, %cond3A_716 : i32
        scf.if %cond3A_717 {
          %add3A_718 = arith.constant 3 : i32
          %add3A_719 = arith.addi %add3A_632, %add3A_718 : i32
          %mul3A_720 = arith.constant 2 : i32
          %mul3A_721 = arith.muli %mul3A_720, %add3A_719 : i32
          %add3A_722 = arith.constant 1 : i32
          %add3A_723 = arith.addi %mul3A_721, %add3A_722 : i32
          %add3A_724 = arith.constant 0 : i32
          %add3A_725 = arith.addi %add3A_723, %add3A_724 : i32
          %mul3A_726 = arith.constant 16 : i32
          %mul3A_727 = arith.muli %add3A_725, %mul3A_726 : i32
          %get3A_728 = arith.index_cast %mul3A_727 : i32 to index
          %get3A_729 = tpu.vector_load %arg33[%get3A_728] {strides = array<i32>} : memref<1040xi32, #tpu.memory_space<vmem>>, vector<16xi32>,
          %get3A_730 = vector.shape_cast %get3A_729 : vector<16xi32> to vector<16xi32>
          %swap3A_731 = arith.constant 0 : i32
          %swap3A_732 = arith.constant 0 : i32
          %swap3A_733 = arith.index_cast %swap3A_731 : i32 to index
          %swap3A_734 = arith.index_cast %swap3A_732 : i32 to index
          %swap3A_735 = arith.constant 0 : index
          %swap3A_736 = tpu.vector_load %arg7[%swap3A_733, %swap3A_734, %swap3A_735] {strides = array<i32>} : memref<3x7x32xi32, #tpu.memory_space<vmem>>, vector<1x1x16xi32>,
          %swap3A_737 = vector.shape_cast %swap3A_736 : vector<1x1x16xi32> to vector<16xi32>
          %swap3A_738 = vector.shape_cast %get3A_730 : vector<16xi32> to vector<1x1x16xi32>
          tpu.vector_store %arg7[%swap3A_733, %swap3A_734, %swap3A_735], %swap3A_738 {strides = array<i32>} : memref<3x7x32xi32, #tpu.memory_space<vmem>>, vector<1x1x16xi32>,
          %mul3A_739 = arith.constant 2 : i32
          %mul3A_740 = arith.muli %mul3A_739, %add3A_719 : i32
          %add3A_741 = arith.constant 1 : i32
          %add3A_742 = arith.addi %mul3A_740, %add3A_741 : i32
          %add3A_743 = arith.constant 1 : i32
          %add3A_744 = arith.addi %add3A_742, %add3A_743 : i32
          %mul3A_745 = arith.constant 16 : i32
          %mul3A_746 = arith.muli %add3A_744, %mul3A_745 : i32
          %get3A_747 = arith.index_cast %mul3A_746 : i32 to index
          %get3A_748 = tpu.vector_load %arg33[%get3A_747] {strides = array<i32>} : memref<1040xi32, #tpu.memory_space<vmem>>, vector<16xi32>,
          %get3A_749 = vector.shape_cast %get3A_748 : vector<16xi32> to vector<16xi32>
          %swap3A_750 = arith.constant 0 : i32
          %swap3A_751 = arith.constant 0 : i32
          %swap3A_752 = arith.index_cast %swap3A_750 : i32 to index
          %swap3A_753 = arith.index_cast %swap3A_751 : i32 to index
          %swap3A_754 = arith.constant 16 : index
          %swap3A_755 = tpu.vector_load %arg7[%swap3A_752, %swap3A_753, %swap3A_754] {strides = array<i32>} : memref<3x7x32xi32, #tpu.memory_space<vmem>>, vector<1x1x16xi32>,
          %swap3A_756 = vector.shape_cast %swap3A_755 : vector<1x1x16xi32> to vector<16xi32>
          %swap3A_757 = vector.shape_cast %get3A_749 : vector<16xi32> to vector<1x1x16xi32>
          tpu.vector_store %arg7[%swap3A_752, %swap3A_753, %swap3A_754], %swap3A_757 {strides = array<i32>} : memref<3x7x32xi32, #tpu.memory_space<vmem>>, vector<1x1x16xi32>,
          %scan3A_758 = arith.constant 0 : i32
          %scan3A_759 = arith.constant 2 : i32
          %scan3A_760 = arith.constant 7 : i32
          %scan3A_761 = arith.addi %scan3A_759, %scan3A_760 : i32
          %scan3A_762 = arith.constant 1 : i32
          scf.for %scan3A_820 = %scan3A_759 to %scan3A_761 step %scan3A_762  : i32 {
            %mul3A_821 = arith.constant 2 : i32
            %mul3A_822 = arith.muli %mul3A_821, %add3A_719 : i32
            %add3A_823 = arith.constant 1 : i32
            %add3A_824 = arith.addi %mul3A_822, %add3A_823 : i32
            %add3A_825 = arith.constant 0 : i32
            %add3A_826 = arith.addi %add3A_824, %add3A_825 : i32
            %mul3A_827 = arith.constant 16 : i32
            %mul3A_828 = arith.muli %add3A_826, %mul3A_827 : i32
            %sub3A = arith.constant 2 : i32
            %sub3A_829 = arith.subi %scan3A_820, %sub3A : i32
            %mul3A_830 = arith.constant 1056 : i32
            %mul3A_831 = arith.muli %sub3A_829, %mul3A_830 : i32
            %add3A_832 = arith.constant 15 : i32
            %add3A_833 = arith.addi %mul3A_831, %add3A_832 : i32
            %add3A_834 = arith.addi %add3A_833, %mul3A_828 : i32
            %get3A_835 = arith.index_cast %add3A_834 : i32 to index
            %get3A_836 = tpu.vector_load %arg34[%get3A_835] {strides = array<i32>} : memref<8448xi32, #tpu.memory_space<vmem>>, vector<16xi32>,
            %get3A_837 = vector.shape_cast %get3A_836 : vector<16xi32> to vector<16xi32>
            %get3A_838 = arith.index_cast %mul3A_828 : i32 to index
            %get3A_839 = tpu.vector_load %arg33[%get3A_838] {strides = array<i32>} : memref<1040xi32, #tpu.memory_space<vmem>>, vector<16xi32>,
            %get3A_840 = vector.shape_cast %get3A_839 : vector<16xi32> to vector<16xi32>
            %mul3A_841 = arith.constant 260 : i32
            %mul3A_842 = vector.broadcast %mul3A_841 : i32 to vector<16xi32>
            %mul3A_843 = arith.muli %get3A_837, %mul3A_842 : vector<16xi32>
            %add3A_844 = arith.addi %mul3A_843, %get3A_840 : vector<16xi32>
            %and3A = arith.constant 8388607 : i32
            %and3A_845 = vector.broadcast %and3A : i32 to vector<16xi32>
            %and3A_846 = arith.andi %add3A_844, %and3A_845 : vector<16xi32>
            %sub3A_847 = arith.constant 1 : i32
            %sub3A_848 = arith.subi %scan3A_820, %sub3A_847 : i32
            %mul3A_849 = arith.constant 1056 : i32
            %mul3A_850 = arith.muli %sub3A_848, %mul3A_849 : i32
            %add3A_851 = arith.constant 16 : i32
            %add3A_852 = arith.addi %mul3A_850, %add3A_851 : i32
            %add3A_853 = arith.addi %add3A_852, %mul3A_828 : i32
            %swap3A_854 = arith.index_cast %add3A_853 : i32 to index
            %swap3A_855 = tpu.vector_load %arg34[%swap3A_854] {strides = array<i32>} : memref<8448xi32, #tpu.memory_space<vmem>>, vector<16xi32>,
            %swap3A_856 = vector.shape_cast %swap3A_855 : vector<16xi32> to vector<16xi32>
            %swap3A_857 = vector.shape_cast %and3A_846 : vector<16xi32> to vector<16xi32>
            tpu.vector_store %arg34[%swap3A_854], %swap3A_857 {strides = array<i32>} : memref<8448xi32, #tpu.memory_space<vmem>>, vector<16xi32>,
            %ge3A_858 = arith.constant 3 : i32
            %ge3A_859 = arith.cmpi sge, %scan3A_820, %ge3A_858 : i32
            %convert_element_type3A_860 = arith.extui %ge3A_859 : i1 to i32
            %cond3A_861 = arith.constant 0 : i32
            %cond3A_862 = arith.cmpi ne, %convert_element_type3A_860, %cond3A_861 : i32
            scf.if %cond3A_862 {
              %ge3A_907 = arith.constant 8000000 : i32
              %ge3A_908 = vector.broadcast %ge3A_907 : i32 to vector<16xi32>
              %ge3A_909 = arith.cmpi sge, %and3A_846, %ge3A_908 : vector<16xi32>
              %sub3A_910 = arith.constant 8000000 : i32
              %sub3A_911 = vector.broadcast %sub3A_910 : i32 to vector<16xi32>
              %sub3A_912 = arith.subi %and3A_846, %sub3A_911 : vector<16xi32>
              %select_n3A = arith.select %ge3A_909, %sub3A_912, %and3A_846 : vector<16xi1>, vector<16xi32>
              %ge3A_913 = arith.constant 4000000 : i32
              %ge3A_914 = vector.broadcast %ge3A_913 : i32 to vector<16xi32>
              %ge3A_915 = arith.cmpi sge, %select_n3A, %ge3A_914 : vector<16xi32>
              %sub3A_916 = arith.constant 4000000 : i32
              %sub3A_917 = vector.broadcast %sub3A_916 : i32 to vector<16xi32>
              %sub3A_918 = arith.subi %select_n3A, %sub3A_917 : vector<16xi32>
              %select_n3A_919 = arith.select %ge3A_915, %sub3A_918, %select_n3A : vector<16xi1>, vector<16xi32>
              %ge3A_920 = arith.constant 2000000 : i32
              %ge3A_921 = vector.broadcast %ge3A_920 : i32 to vector<16xi32>
              %ge3A_922 = arith.cmpi sge, %select_n3A_919, %ge3A_921 : vector<16xi32>
              %sub3A_923 = arith.constant 2000000 : i32
              %sub3A_924 = vector.broadcast %sub3A_923 : i32 to vector<16xi32>
              %sub3A_925 = arith.subi %select_n3A_919, %sub3A_924 : vector<16xi32>
              %select_n3A_926 = arith.select %ge3A_922, %sub3A_925, %select_n3A_919 : vector<16xi1>, vector<16xi32>
              %ge3A_927 = arith.constant 1000000 : i32
              %ge3A_928 = vector.broadcast %ge3A_927 : i32 to vector<16xi32>
              %ge3A_929 = arith.cmpi sge, %select_n3A_926, %ge3A_928 : vector<16xi32>
              %sub3A_930 = arith.constant 1000000 : i32
              %sub3A_931 = vector.broadcast %sub3A_930 : i32 to vector<16xi32>
              %sub3A_932 = arith.subi %select_n3A_926, %sub3A_931 : vector<16xi32>
              %select_n3A_933 = arith.select %ge3A_929, %sub3A_932, %select_n3A_926 : vector<16xi1>, vector<16xi32>
              %ge3A_934 = arith.constant 500000 : i32
              %ge3A_935 = vector.broadcast %ge3A_934 : i32 to vector<16xi32>
              %ge3A_936 = arith.cmpi sge, %select_n3A_933, %ge3A_935 : vector<16xi32>
              %sub3A_937 = arith.constant 500000 : i32
              %sub3A_938 = vector.broadcast %sub3A_937 : i32 to vector<16xi32>
              %sub3A_939 = arith.subi %select_n3A_933, %sub3A_938 : vector<16xi32>
              %select_n3A_940 = arith.select %ge3A_936, %sub3A_939, %select_n3A_933 : vector<16xi1>, vector<16xi32>
              %sub3A_941 = arith.constant 16 : i32
              %sub3A_942 = arith.subi %mul3A_828, %sub3A_941 : i32
              %add3A_943 = arith.addi %mul3A_5, %sub3A_942 : i32
              %add3A_944 = vector.broadcast %add3A_943 : i32 to vector<16xi32>
              %add3A_945 = arith.addi %add3A_944, %iota3A : vector<16xi32>
              %sub3A_946 = arith.constant 1 : i32
              %sub3A_947 = arith.subi %scan3A_820, %sub3A_946 : i32
              %lt3A_948 = vector.broadcast %sub3A_947 : i32 to vector<16xi32>
              %lt3A_949 = arith.cmpi slt, %add3A_945, %lt3A_948 : vector<16xi32>
              %jit3A = arith.constant 0 : i32
              %broadcast_in_dim3A = vector.broadcast %jit3A : i32 to vector<16xi32>
              %select_n3A_950 = arith.select %lt3A_949, %broadcast_in_dim3A, %select_n3A_940 : vector<16xi1>, vector<16xi32>
              %sub3A_951 = arith.constant 2 : i32
              %sub3A_952 = arith.subi %scan3A_820, %sub3A_951 : i32
              %swap3A_953 = arith.constant 0 : i32
              %swap3A_954 = arith.index_cast %swap3A_953 : i32 to index
              %swap3A_955 = arith.index_cast %sub3A_952 : i32 to index
              %swap3A_956 = arith.constant 0 : index
              %swap3A_957 = tpu.vector_load %arg7[%swap3A_954, %swap3A_955, %swap3A_956] {strides = array<i32>} : memref<3x7x32xi32, #tpu.memory_space<vmem>>, vector<1x1x16xi32>,
              %swap3A_958 = vector.shape_cast %swap3A_957 : vector<1x1x16xi32> to vector<16xi32>
              %swap3A_959 = vector.shape_cast %select_n3A_950 : vector<16xi32> to vector<1x1x16xi32>
              tpu.vector_store %arg7[%swap3A_954, %swap3A_955, %swap3A_956], %swap3A_959 {strides = array<i32>} : memref<3x7x32xi32, #tpu.memory_space<vmem>>, vector<1x1x16xi32>,
            } else {
            }
            %mul3A_863 = arith.constant 2 : i32
            %mul3A_864 = arith.muli %mul3A_863, %add3A_719 : i32
            %add3A_865 = arith.constant 1 : i32
            %add3A_866 = arith.addi %mul3A_864, %add3A_865 : i32
            %add3A_867 = arith.constant 1 : i32
            %add3A_868 = arith.addi %add3A_866, %add3A_867 : i32
            %mul3A_869 = arith.constant 16 : i32
            %mul3A_870 = arith.muli %add3A_868, %mul3A_869 : i32
            %sub3A_871 = arith.constant 2 : i32
            %sub3A_872 = arith.subi %scan3A_820, %sub3A_871 : i32
            %mul3A_873 = arith.constant 1056 : i32
            %mul3A_874 = arith.muli %sub3A_872, %mul3A_873 : i32
            %add3A_875 = arith.constant 15 : i32
            %add3A_876 = arith.addi %mul3A_874, %add3A_875 : i32
            %add3A_877 = arith.addi %add3A_876, %mul3A_870 : i32
            %get3A_878 = arith.index_cast %add3A_877 : i32 to index
            %get3A_879 = tpu.vector_load %arg34[%get3A_878] {strides = array<i32>} : memref<8448xi32, #tpu.memory_space<vmem>>, vector<16xi32>,
            %get3A_880 = vector.shape_cast %get3A_879 : vector<16xi32> to vector<16xi32>
            %get3A_881 = arith.index_cast %mul3A_870 : i32 to index
            %get3A_882 = tpu.vector_load %arg33[%get3A_881] {strides = array<i32>} : memref<1040xi32, #tpu.memory_space<vmem>>, vector<16xi32>,
            %get3A_883 = vector.shape_cast %get3A_882 : vector<16xi32> to vector<16xi32>
            %mul3A_884 = arith.constant 260 : i32
            %mul3A_885 = vector.broadcast %mul3A_884 : i32 to vector<16xi32>
            %mul3A_886 = arith.muli %get3A_880, %mul3A_885 : vector<16xi32>
            %add3A_887 = arith.addi %mul3A_886, %get3A_883 : vector<16xi32>
            %and3A_888 = arith.constant 8388607 : i32
            %and3A_889 = vector.broadcast %and3A_888 : i32 to vector<16xi32>
            %and3A_890 = arith.andi %add3A_887, %and3A_889 : vector<16xi32>
            %sub3A_891 = arith.constant 1 : i32
            %sub3A_892 = arith.subi %scan3A_820, %sub3A_891 : i32
            %mul3A_893 = arith.constant 1056 : i32
            %mul3A_894 = arith.muli %sub3A_892, %mul3A_893 : i32
            %add3A_895 = arith.constant 16 : i32
            %add3A_896 = arith.addi %mul3A_894, %add3A_895 : i32
            %add3A_897 = arith.addi %add3A_896, %mul3A_870 : i32
            %swap3A_898 = arith.index_cast %add3A_897 : i32 to index
            %swap3A_899 = tpu.vector_load %arg34[%swap3A_898] {strides = array<i32>} : memref<8448xi32, #tpu.memory_space<vmem>>, vector<16xi32>,
            %swap3A_900 = vector.shape_cast %swap3A_899 : vector<16xi32> to vector<16xi32>
            %swap3A_901 = vector.shape_cast %and3A_890 : vector<16xi32> to vector<16xi32>
            tpu.vector_store %arg34[%swap3A_898], %swap3A_901 {strides = array<i32>} : memref<8448xi32, #tpu.memory_space<vmem>>, vector<16xi32>,
            %ge3A_902 = arith.constant 3 : i32
            %ge3A_903 = arith.cmpi sge, %scan3A_820, %ge3A_902 : i32
            %convert_element_type3A_904 = arith.extui %ge3A_903 : i1 to i32
            %cond3A_905 = arith.constant 0 : i32
            %cond3A_906 = arith.cmpi ne, %convert_element_type3A_904, %cond3A_905 : i32
            scf.if %cond3A_906 {
              %ge3A_907 = arith.constant 8000000 : i32
              %ge3A_908 = vector.broadcast %ge3A_907 : i32 to vector<16xi32>
              %ge3A_909 = arith.cmpi sge, %and3A_890, %ge3A_908 : vector<16xi32>
              %sub3A_910 = arith.constant 8000000 : i32
              %sub3A_911 = vector.broadcast %sub3A_910 : i32 to vector<16xi32>
              %sub3A_912 = arith.subi %and3A_890, %sub3A_911 : vector<16xi32>
              %select_n3A = arith.select %ge3A_909, %sub3A_912, %and3A_890 : vector<16xi1>, vector<16xi32>
              %ge3A_913 = arith.constant 4000000 : i32
              %ge3A_914 = vector.broadcast %ge3A_913 : i32 to vector<16xi32>
              %ge3A_915 = arith.cmpi sge, %select_n3A, %ge3A_914 : vector<16xi32>
              %sub3A_916 = arith.constant 4000000 : i32
              %sub3A_917 = vector.broadcast %sub3A_916 : i32 to vector<16xi32>
              %sub3A_918 = arith.subi %select_n3A, %sub3A_917 : vector<16xi32>
              %select_n3A_919 = arith.select %ge3A_915, %sub3A_918, %select_n3A : vector<16xi1>, vector<16xi32>
              %ge3A_920 = arith.constant 2000000 : i32
              %ge3A_921 = vector.broadcast %ge3A_920 : i32 to vector<16xi32>
              %ge3A_922 = arith.cmpi sge, %select_n3A_919, %ge3A_921 : vector<16xi32>
              %sub3A_923 = arith.constant 2000000 : i32
              %sub3A_924 = vector.broadcast %sub3A_923 : i32 to vector<16xi32>
              %sub3A_925 = arith.subi %select_n3A_919, %sub3A_924 : vector<16xi32>
              %select_n3A_926 = arith.select %ge3A_922, %sub3A_925, %select_n3A_919 : vector<16xi1>, vector<16xi32>
              %ge3A_927 = arith.constant 1000000 : i32
              %ge3A_928 = vector.broadcast %ge3A_927 : i32 to vector<16xi32>
              %ge3A_929 = arith.cmpi sge, %select_n3A_926, %ge3A_928 : vector<16xi32>
              %sub3A_930 = arith.constant 1000000 : i32
              %sub3A_931 = vector.broadcast %sub3A_930 : i32 to vector<16xi32>
              %sub3A_932 = arith.subi %select_n3A_926, %sub3A_931 : vector<16xi32>
              %select_n3A_933 = arith.select %ge3A_929, %sub3A_932, %select_n3A_926 : vector<16xi1>, vector<16xi32>
              %ge3A_934 = arith.constant 500000 : i32
              %ge3A_935 = vector.broadcast %ge3A_934 : i32 to vector<16xi32>
              %ge3A_936 = arith.cmpi sge, %select_n3A_933, %ge3A_935 : vector<16xi32>
              %sub3A_937 = arith.constant 500000 : i32
              %sub3A_938 = vector.broadcast %sub3A_937 : i32 to vector<16xi32>
              %sub3A_939 = arith.subi %select_n3A_933, %sub3A_938 : vector<16xi32>
              %select_n3A_940 = arith.select %ge3A_936, %sub3A_939, %select_n3A_933 : vector<16xi1>, vector<16xi32>
              %sub3A_941 = arith.constant 16 : i32
              %sub3A_942 = arith.subi %mul3A_870, %sub3A_941 : i32
              %add3A_943 = arith.addi %mul3A_5, %sub3A_942 : i32
              %add3A_944 = vector.broadcast %add3A_943 : i32 to vector<16xi32>
              %add3A_945 = arith.addi %add3A_944, %iota3A : vector<16xi32>
              %sub3A_946 = arith.constant 1 : i32
              %sub3A_947 = arith.subi %scan3A_820, %sub3A_946 : i32
              %lt3A_948 = vector.broadcast %sub3A_947 : i32 to vector<16xi32>
              %lt3A_949 = arith.cmpi slt, %add3A_945, %lt3A_948 : vector<16xi32>
              %jit3A = arith.constant 0 : i32
              %broadcast_in_dim3A = vector.broadcast %jit3A : i32 to vector<16xi32>
              %select_n3A_950 = arith.select %lt3A_949, %broadcast_in_dim3A, %select_n3A_940 : vector<16xi1>, vector<16xi32>
              %sub3A_951 = arith.constant 2 : i32
              %sub3A_952 = arith.subi %scan3A_820, %sub3A_951 : i32
              %swap3A_953 = arith.constant 0 : i32
              %swap3A_954 = arith.index_cast %swap3A_953 : i32 to index
              %swap3A_955 = arith.index_cast %sub3A_952 : i32 to index
              %swap3A_956 = arith.constant 16 : index
              %swap3A_957 = tpu.vector_load %arg7[%swap3A_954, %swap3A_955, %swap3A_956] {strides = array<i32>} : memref<3x7x32xi32, #tpu.memory_space<vmem>>, vector<1x1x16xi32>,
              %swap3A_958 = vector.shape_cast %swap3A_957 : vector<1x1x16xi32> to vector<16xi32>
              %swap3A_959 = vector.shape_cast %select_n3A_950 : vector<16xi32> to vector<1x1x16xi32>
              tpu.vector_store %arg7[%swap3A_954, %swap3A_955, %swap3A_956], %swap3A_959 {strides = array<i32>} : memref<3x7x32xi32, #tpu.memory_space<vmem>>, vector<1x1x16xi32>,
            } else {
            }
          }
          %scan3A_763 = arith.constant 7 : i32
          %dma_start3A_764 = arith.constant 0 : i32
          %dma_start3A_765 = arith.constant 0 : i32
          %dma_start3A_766 = arith.constant 0 : i32
          %dma_start3A_767 = tpu.memref_slice %arg7[%dma_start3A_764, %dma_start3A_765, %dma_start3A_766] : memref<3x7x32xi32, #tpu.memory_space<vmem>> -> memref<1x1x32xi32, #tpu.memory_space<vmem>>
          %dma_start3A_768 = tpu.memref_squeeze %dma_start3A_767 : memref<1x1x32xi32, #tpu.memory_space<vmem>> -> memref<32xi32, #tpu.memory_space<vmem>>
          %dma_start3A_769 = arith.constant 0 : i32
          %dma_start3A_770 = arith.constant 0 : i32
          %dma_start3A_771 = tpu.memref_slice %arg3[%dma_start3A_769, %dma_start3A_770] : memref<259x128xf32, #tpu.memory_space<hbm>> -> memref<259x128xf32, #tpu.memory_space<hbm>>
          tpu.enqueue_indirect_dma source(%dma_start3A_771 : memref<259x128xf32, #tpu.memory_space<hbm>>) target(%arg8 : memref<32x128xf32, #tpu.memory_space<vmem>>) offsets(%dma_start3A_768 : memref<32xi32, #tpu.memory_space<vmem>>) semaphore(%arg35 : memref<!tpu.dma_semaphore, #tpu.memory_space<semaphore_mem>>)
          %dma_start3A_772 = arith.constant 0 : i32
          %dma_start3A_773 = arith.constant 1 : i32
          %dma_start3A_774 = arith.constant 0 : i32
          %dma_start3A_775 = tpu.memref_slice %arg7[%dma_start3A_772, %dma_start3A_773, %dma_start3A_774] : memref<3x7x32xi32, #tpu.memory_space<vmem>> -> memref<1x1x32xi32, #tpu.memory_space<vmem>>
          %dma_start3A_776 = tpu.memref_squeeze %dma_start3A_775 : memref<1x1x32xi32, #tpu.memory_space<vmem>> -> memref<32xi32, #tpu.memory_space<vmem>>
          %dma_start3A_777 = arith.constant 0 : i32
          %dma_start3A_778 = arith.constant 0 : i32
          %dma_start3A_779 = tpu.memref_slice %arg4[%dma_start3A_777, %dma_start3A_778] : memref<500000x128xf32, #tpu.memory_space<hbm>> -> memref<500000x128xf32, #tpu.memory_space<hbm>>
          tpu.enqueue_indirect_dma source(%dma_start3A_779 : memref<500000x128xf32, #tpu.memory_space<hbm>>) target(%arg9 : memref<32x128xf32, #tpu.memory_space<vmem>>) offsets(%dma_start3A_776 : memref<32xi32, #tpu.memory_space<vmem>>) semaphore(%arg35 : memref<!tpu.dma_semaphore, #tpu.memory_space<semaphore_mem>>)
          %dma_start3A_780 = arith.constant 0 : i32
          %dma_start3A_781 = arith.constant 2 : i32
          %dma_start3A_782 = arith.constant 0 : i32
          %dma_start3A_783 = tpu.memref_slice %arg7[%dma_start3A_780, %dma_start3A_781, %dma_start3A_782] : memref<3x7x32xi32, #tpu.memory_space<vmem>> -> memref<1x1x32xi32, #tpu.memory_space<vmem>>
          %dma_start3A_784 = tpu.memref_squeeze %dma_start3A_783 : memref<1x1x32xi32, #tpu.memory_space<vmem>> -> memref<32xi32, #tpu.memory_space<vmem>>
          %dma_start3A_785 = arith.constant 0 : i32
          %dma_start3A_786 = arith.constant 0 : i32
          %dma_start3A_787 = tpu.memref_slice %arg4[%dma_start3A_785, %dma_start3A_786] : memref<500000x128xf32, #tpu.memory_space<hbm>> -> memref<500000x128xf32, #tpu.memory_space<hbm>>
          tpu.enqueue_indirect_dma source(%dma_start3A_787 : memref<500000x128xf32, #tpu.memory_space<hbm>>) target(%arg10 : memref<32x128xf32, #tpu.memory_space<vmem>>) offsets(%dma_start3A_784 : memref<32xi32, #tpu.memory_space<vmem>>) semaphore(%arg35 : memref<!tpu.dma_semaphore, #tpu.memory_space<semaphore_mem>>)
          %dma_start3A_788 = arith.constant 0 : i32
          %dma_start3A_789 = arith.constant 3 : i32
          %dma_start3A_790 = arith.constant 0 : i32
          %dma_start3A_791 = tpu.memref_slice %arg7[%dma_start3A_788, %dma_start3A_789, %dma_start3A_790] : memref<3x7x32xi32, #tpu.memory_space<vmem>> -> memref<1x1x32xi32, #tpu.memory_space<vmem>>
          %dma_start3A_792 = tpu.memref_squeeze %dma_start3A_791 : memref<1x1x32xi32, #tpu.memory_space<vmem>> -> memref<32xi32, #tpu.memory_space<vmem>>
          %dma_start3A_793 = arith.constant 0 : i32
          %dma_start3A_794 = arith.constant 0 : i32
          %dma_start3A_795 = tpu.memref_slice %arg4[%dma_start3A_793, %dma_start3A_794] : memref<500000x128xf32, #tpu.memory_space<hbm>> -> memref<500000x128xf32, #tpu.memory_space<hbm>>
          tpu.enqueue_indirect_dma source(%dma_start3A_795 : memref<500000x128xf32, #tpu.memory_space<hbm>>) target(%arg11 : memref<32x128xf32, #tpu.memory_space<vmem>>) offsets(%dma_start3A_792 : memref<32xi32, #tpu.memory_space<vmem>>) semaphore(%arg35 : memref<!tpu.dma_semaphore, #tpu.memory_space<semaphore_mem>>)
          %dma_start3A_796 = arith.constant 0 : i32
          %dma_start3A_797 = arith.constant 4 : i32
          %dma_start3A_798 = arith.constant 0 : i32
          %dma_start3A_799 = tpu.memref_slice %arg7[%dma_start3A_796, %dma_start3A_797, %dma_start3A_798] : memref<3x7x32xi32, #tpu.memory_space<vmem>> -> memref<1x1x32xi32, #tpu.memory_space<vmem>>
          %dma_start3A_800 = tpu.memref_squeeze %dma_start3A_799 : memref<1x1x32xi32, #tpu.memory_space<vmem>> -> memref<32xi32, #tpu.memory_space<vmem>>
          %dma_start3A_801 = arith.constant 0 : i32
          %dma_start3A_802 = arith.constant 0 : i32
          %dma_start3A_803 = tpu.memref_slice %arg4[%dma_start3A_801, %dma_start3A_802] : memref<500000x128xf32, #tpu.memory_space<hbm>> -> memref<500000x128xf32, #tpu.memory_space<hbm>>
          tpu.enqueue_indirect_dma source(%dma_start3A_803 : memref<500000x128xf32, #tpu.memory_space<hbm>>) target(%arg12 : memref<32x128xf32, #tpu.memory_space<vmem>>) offsets(%dma_start3A_800 : memref<32xi32, #tpu.memory_space<vmem>>) semaphore(%arg35 : memref<!tpu.dma_semaphore, #tpu.memory_space<semaphore_mem>>)
          %dma_start3A_804 = arith.constant 0 : i32
          %dma_start3A_805 = arith.constant 5 : i32
          %dma_start3A_806 = arith.constant 0 : i32
          %dma_start3A_807 = tpu.memref_slice %arg7[%dma_start3A_804, %dma_start3A_805, %dma_start3A_806] : memref<3x7x32xi32, #tpu.memory_space<vmem>> -> memref<1x1x32xi32, #tpu.memory_space<vmem>>
          %dma_start3A_808 = tpu.memref_squeeze %dma_start3A_807 : memref<1x1x32xi32, #tpu.memory_space<vmem>> -> memref<32xi32, #tpu.memory_space<vmem>>
          %dma_start3A_809 = arith.constant 0 : i32
          %dma_start3A_810 = arith.constant 0 : i32
          %dma_start3A_811 = tpu.memref_slice %arg4[%dma_start3A_809, %dma_start3A_810] : memref<500000x128xf32, #tpu.memory_space<hbm>> -> memref<500000x128xf32, #tpu.memory_space<hbm>>
          tpu.enqueue_indirect_dma source(%dma_start3A_811 : memref<500000x128xf32, #tpu.memory_space<hbm>>) target(%arg13 : memref<32x128xf32, #tpu.memory_space<vmem>>) offsets(%dma_start3A_808 : memref<32xi32, #tpu.memory_space<vmem>>) semaphore(%arg35 : memref<!tpu.dma_semaphore, #tpu.memory_space<semaphore_mem>>)
          %dma_start3A_812 = arith.constant 0 : i32
          %dma_start3A_813 = arith.constant 6 : i32
          %dma_start3A_814 = arith.constant 0 : i32
          %dma_start3A_815 = tpu.memref_slice %arg7[%dma_start3A_812, %dma_start3A_813, %dma_start3A_814] : memref<3x7x32xi32, #tpu.memory_space<vmem>> -> memref<1x1x32xi32, #tpu.memory_space<vmem>>
          %dma_start3A_816 = tpu.memref_squeeze %dma_start3A_815 : memref<1x1x32xi32, #tpu.memory_space<vmem>> -> memref<32xi32, #tpu.memory_space<vmem>>
          %dma_start3A_817 = arith.constant 0 : i32
          %dma_start3A_818 = arith.constant 0 : i32
          %dma_start3A_819 = tpu.memref_slice %arg4[%dma_start3A_817, %dma_start3A_818] : memref<500000x128xf32, #tpu.memory_space<hbm>> -> memref<500000x128xf32, #tpu.memory_space<hbm>>
          tpu.enqueue_indirect_dma source(%dma_start3A_819 : memref<500000x128xf32, #tpu.memory_space<hbm>>) target(%arg14 : memref<32x128xf32, #tpu.memory_space<vmem>>) offsets(%dma_start3A_816 : memref<32xi32, #tpu.memory_space<vmem>>) semaphore(%arg35 : memref<!tpu.dma_semaphore, #tpu.memory_space<semaphore_mem>>)
        } else {
        }
      } else {
      }
      %mul3A_635 = arith.constant 3 : i32
      %mul3A_636 = arith.muli %scan3A_628, %mul3A_635 : i32
      %add3A_637 = arith.constant 1 : i32
      %add3A_638 = arith.addi %mul3A_636, %add3A_637 : i32
      %lt3A_639 = arith.constant 32 : i32
      %lt3A_640 = arith.cmpi slt, %add3A_638, %lt3A_639 : i32
      %convert_element_type3A_641 = arith.extui %lt3A_640 : i1 to i32
      %cond3A_642 = arith.constant 0 : i32
      %cond3A_643 = arith.cmpi ne, %convert_element_type3A_641, %cond3A_642 : i32
      scf.if %cond3A_643 {
        %dma_wait3A_653 = arith.constant 0 : i32
        %dma_wait3A_654 = arith.constant 0 : i32
        %dma_wait3A_655 = tpu.memref_slice %arg4[%dma_wait3A_653, %dma_wait3A_654] : memref<500000x128xf32, #tpu.memory_space<hbm>> -> memref<32x128xf32, #tpu.memory_space<hbm>>
        %dma_wait3A_656 = arith.constant 0 : i32
        %dma_wait3A_657 = arith.constant 0 : i32
        %dma_wait3A_658 = tpu.memref_slice %arg4[%dma_wait3A_656, %dma_wait3A_657] : memref<500000x128xf32, #tpu.memory_space<hbm>> -> memref<32x128xf32, #tpu.memory_space<hbm>>
        tpu.wait_dma2 semaphore(%arg36 : memref<!tpu.dma_semaphore, #tpu.memory_space<semaphore_mem>>) src(%dma_wait3A_658 : memref<32x128xf32, #tpu.memory_space<hbm>>) dst(%arg15 : memref<32x128xf32, #tpu.memory_space<vmem>>)
        %dma_wait3A_659 = arith.constant 0 : i32
        %dma_wait3A_660 = arith.constant 0 : i32
        %dma_wait3A_661 = tpu.memref_slice %arg4[%dma_wait3A_659, %dma_wait3A_660] : memref<500000x128xf32, #tpu.memory_space<hbm>> -> memref<32x128xf32, #tpu.memory_space<hbm>>
        %dma_wait3A_662 = arith.constant 0 : i32
        %dma_wait3A_663 = arith.constant 0 : i32
        %dma_wait3A_664 = tpu.memref_slice %arg4[%dma_wait3A_662, %dma_wait3A_663] : memref<500000x128xf32, #tpu.memory_space<hbm>> -> memref<32x128xf32, #tpu.memory_space<hbm>>
        tpu.wait_dma2 semaphore(%arg36 : memref<!tpu.dma_semaphore, #tpu.memory_space<semaphore_mem>>) src(%dma_wait3A_664 : memref<32x128xf32, #tpu.memory_space<hbm>>) dst(%arg16 : memref<32x128xf32, #tpu.memory_space<vmem>>)
        %dma_wait3A_665 = arith.constant 0 : i32
        %dma_wait3A_666 = arith.constant 0 : i32
        %dma_wait3A_667 = tpu.memref_slice %arg4[%dma_wait3A_665, %dma_wait3A_666] : memref<500000x128xf32, #tpu.memory_space<hbm>> -> memref<32x128xf32, #tpu.memory_space<hbm>>
        %dma_wait3A_668 = arith.constant 0 : i32
        %dma_wait3A_669 = arith.constant 0 : i32
        %dma_wait3A_670 = tpu.memref_slice %arg4[%dma_wait3A_668, %dma_wait3A_669] : memref<500000x128xf32, #tpu.memory_space<hbm>> -> memref<32x128xf32, #tpu.memory_space<hbm>>
        tpu.wait_dma2 semaphore(%arg36 : memref<!tpu.dma_semaphore, #tpu.memory_space<semaphore_mem>>) src(%dma_wait3A_670 : memref<32x128xf32, #tpu.memory_space<hbm>>) dst(%arg17 : memref<32x128xf32, #tpu.memory_space<vmem>>)
        %dma_wait3A_671 = arith.constant 0 : i32
        %dma_wait3A_672 = arith.constant 0 : i32
        %dma_wait3A_673 = tpu.memref_slice %arg4[%dma_wait3A_671, %dma_wait3A_672] : memref<500000x128xf32, #tpu.memory_space<hbm>> -> memref<32x128xf32, #tpu.memory_space<hbm>>
        %dma_wait3A_674 = arith.constant 0 : i32
        %dma_wait3A_675 = arith.constant 0 : i32
        %dma_wait3A_676 = tpu.memref_slice %arg4[%dma_wait3A_674, %dma_wait3A_675] : memref<500000x128xf32, #tpu.memory_space<hbm>> -> memref<32x128xf32, #tpu.memory_space<hbm>>
        tpu.wait_dma2 semaphore(%arg36 : memref<!tpu.dma_semaphore, #tpu.memory_space<semaphore_mem>>) src(%dma_wait3A_676 : memref<32x128xf32, #tpu.memory_space<hbm>>) dst(%arg18 : memref<32x128xf32, #tpu.memory_space<vmem>>)
        %dma_wait3A_677 = arith.constant 0 : i32
        %dma_wait3A_678 = arith.constant 0 : i32
        %dma_wait3A_679 = tpu.memref_slice %arg4[%dma_wait3A_677, %dma_wait3A_678] : memref<500000x128xf32, #tpu.memory_space<hbm>> -> memref<32x128xf32, #tpu.memory_space<hbm>>
        %dma_wait3A_680 = arith.constant 0 : i32
        %dma_wait3A_681 = arith.constant 0 : i32
        %dma_wait3A_682 = tpu.memref_slice %arg4[%dma_wait3A_680, %dma_wait3A_681] : memref<500000x128xf32, #tpu.memory_space<hbm>> -> memref<32x128xf32, #tpu.memory_space<hbm>>
        tpu.wait_dma2 semaphore(%arg36 : memref<!tpu.dma_semaphore, #tpu.memory_space<semaphore_mem>>) src(%dma_wait3A_682 : memref<32x128xf32, #tpu.memory_space<hbm>>) dst(%arg19 : memref<32x128xf32, #tpu.memory_space<vmem>>)
        %dma_wait3A_683 = arith.constant 0 : i32
        %dma_wait3A_684 = arith.constant 0 : i32
        %dma_wait3A_685 = tpu.memref_slice %arg4[%dma_wait3A_683, %dma_wait3A_684] : memref<500000x128xf32, #tpu.memory_space<hbm>> -> memref<32x128xf32, #tpu.memory_space<hbm>>
        %dma_wait3A_686 = arith.constant 0 : i32
        %dma_wait3A_687 = arith.constant 0 : i32
        %dma_wait3A_688 = tpu.memref_slice %arg4[%dma_wait3A_686, %dma_wait3A_687] : memref<500000x128xf32, #tpu.memory_space<hbm>> -> memref<32x128xf32, #tpu.memory_space<hbm>>
        tpu.wait_dma2 semaphore(%arg36 : memref<!tpu.dma_semaphore, #tpu.memory_space<semaphore_mem>>) src(%dma_wait3A_688 : memref<32x128xf32, #tpu.memory_space<hbm>>) dst(%arg20 : memref<32x128xf32, #tpu.memory_space<vmem>>)
        %dma_wait3A_689 = arith.constant 0 : i32
        %dma_wait3A_690 = arith.constant 0 : i32
        %dma_wait3A_691 = tpu.memref_slice %arg4[%dma_wait3A_689, %dma_wait3A_690] : memref<500000x128xf32, #tpu.memory_space<hbm>> -> memref<32x128xf32, #tpu.memory_space<hbm>>
        %dma_wait3A_692 = arith.constant 0 : i32
        %dma_wait3A_693 = arith.constant 0 : i32
        %dma_wait3A_694 = tpu.memref_slice %arg4[%dma_wait3A_692, %dma_wait3A_693] : memref<500000x128xf32, #tpu.memory_space<hbm>> -> memref<32x128xf32, #tpu.memory_space<hbm>>
        tpu.wait_dma2 semaphore(%arg36 : memref<!tpu.dma_semaphore, #tpu.memory_space<semaphore_mem>>) src(%dma_wait3A_694 : memref<32x128xf32, #tpu.memory_space<hbm>>) dst(%arg21 : memref<32x128xf32, #tpu.memory_space<vmem>>)
        %ge3A = arith.constant 3 : i32
        %ge3A_695 = arith.cmpi sge, %add3A_638, %ge3A : i32
        %convert_element_type3A_696 = arith.extui %ge3A_695 : i1 to i32
        %cond3A_697 = arith.constant 0 : i32
        %cond3A_698 = arith.cmpi ne, %convert_element_type3A_696, %cond3A_697 : i32
        scf.if %cond3A_698 {
          %dma_wait3A_718 = arith.constant 0 : i32
          %dma_wait3A_719 = arith.constant 0 : i32
          %dma_wait3A_720 = tpu.memref_slice %arg6[%dma_wait3A_718, %dma_wait3A_719] : memref<32768x128xf32, #tpu.memory_space<hbm>> -> memref<32x128xf32, #tpu.memory_space<hbm>>
          %dma_wait3A_721 = arith.constant 0 : i32
          %dma_wait3A_722 = arith.constant 0 : i32
          %dma_wait3A_723 = tpu.memref_slice %arg6[%dma_wait3A_721, %dma_wait3A_722] : memref<32768x128xf32, #tpu.memory_space<hbm>> -> memref<32x128xf32, #tpu.memory_space<hbm>>
          tpu.wait_dma2 semaphore(%arg39 : memref<!tpu.dma_semaphore, #tpu.memory_space<semaphore_mem>>) src(%arg30 : memref<32x128xf32, #tpu.memory_space<vmem>>) dst(%dma_wait3A_723 : memref<32x128xf32, #tpu.memory_space<hbm>>)
        } else {
        }
        %scan3A_699 = arith.constant 0 : i32
        %scan3A_700 = arith.constant 32 : i32
        %scan3A_701 = arith.addi %scan3A_699, %scan3A_700 : i32
        %scan3A_702 = arith.constant 1 : i32
        scf.for %scan3A_718 = %scan3A_699 to %scan3A_701 step %scan3A_702  : i32 {
          %get3A_719 = arith.index_cast %scan3A_718 : i32 to index
          %get3A_720 = arith.constant 0 : index
          %get3A_721 = tpu.vector_load %arg15[%get3A_719, %get3A_720] {strides = array<i32>} : memref<32x128xf32, #tpu.memory_space<vmem>>, vector<1x16xf32>,
          %get3A_722 = vector.shape_cast %get3A_721 : vector<1x16xf32> to vector<16xf32>
          %get3A_723 = arith.index_cast %scan3A_718 : i32 to index
          %get3A_724 = arith.constant 0 : index
          %get3A_725 = tpu.vector_load %arg16[%get3A_723, %get3A_724] {strides = array<i32>} : memref<32x128xf32, #tpu.memory_space<vmem>>, vector<1x16xf32>,
          %get3A_726 = vector.shape_cast %get3A_725 : vector<1x16xf32> to vector<16xf32>
          %add3A_727 = arith.addf %get3A_722, %get3A_726 : vector<16xf32>
          %get3A_728 = arith.index_cast %scan3A_718 : i32 to index
          %get3A_729 = arith.constant 0 : index
          %get3A_730 = tpu.vector_load %arg17[%get3A_728, %get3A_729] {strides = array<i32>} : memref<32x128xf32, #tpu.memory_space<vmem>>, vector<1x16xf32>,
          %get3A_731 = vector.shape_cast %get3A_730 : vector<1x16xf32> to vector<16xf32>
          %add3A_732 = arith.addf %add3A_727, %get3A_731 : vector<16xf32>
          %get3A_733 = arith.index_cast %scan3A_718 : i32 to index
          %get3A_734 = arith.constant 0 : index
          %get3A_735 = tpu.vector_load %arg18[%get3A_733, %get3A_734] {strides = array<i32>} : memref<32x128xf32, #tpu.memory_space<vmem>>, vector<1x16xf32>,
          %get3A_736 = vector.shape_cast %get3A_735 : vector<1x16xf32> to vector<16xf32>
          %add3A_737 = arith.addf %add3A_732, %get3A_736 : vector<16xf32>
          %get3A_738 = arith.index_cast %scan3A_718 : i32 to index
          %get3A_739 = arith.constant 0 : index
          %get3A_740 = tpu.vector_load %arg19[%get3A_738, %get3A_739] {strides = array<i32>} : memref<32x128xf32, #tpu.memory_space<vmem>>, vector<1x16xf32>,
          %get3A_741 = vector.shape_cast %get3A_740 : vector<1x16xf32> to vector<16xf32>
          %add3A_742 = arith.addf %add3A_737, %get3A_741 : vector<16xf32>
          %get3A_743 = arith.index_cast %scan3A_718 : i32 to index
          %get3A_744 = arith.constant 0 : index
          %get3A_745 = tpu.vector_load %arg20[%get3A_743, %get3A_744] {strides = array<i32>} : memref<32x128xf32, #tpu.memory_space<vmem>>, vector<1x16xf32>,
          %get3A_746 = vector.shape_cast %get3A_745 : vector<1x16xf32> to vector<16xf32>
          %add3A_747 = arith.addf %add3A_742, %get3A_746 : vector<16xf32>
          %get3A_748 = arith.index_cast %scan3A_718 : i32 to index
          %get3A_749 = arith.constant 0 : index
          %get3A_750 = tpu.vector_load %arg21[%get3A_748, %get3A_749] {strides = array<i32>} : memref<32x128xf32, #tpu.memory_space<vmem>>, vector<1x16xf32>,
          %get3A_751 = vector.shape_cast %get3A_750 : vector<1x16xf32> to vector<16xf32>
          %add3A_752 = arith.addf %add3A_747, %get3A_751 : vector<16xf32>
          %add3A_753 = arith.addf %add3A_752, %add3A_41 : vector<16xf32>
          %mul3A_754 = arith.constant 0.142857149 : f32
          %mul3A_755 = vector.broadcast %mul3A_754 : f32 to vector<16xf32>
          %mul3A_756 = arith.mulf %add3A_753, %mul3A_755 : vector<16xf32>
          %swap3A_757 = arith.index_cast %scan3A_718 : i32 to index
          %swap3A_758 = arith.constant 0 : index
          %swap3A_759 = tpu.vector_load %arg30[%swap3A_757, %swap3A_758] {strides = array<i32>} : memref<32x128xf32, #tpu.memory_space<vmem>>, vector<1x16xf32>,
          %swap3A_760 = vector.shape_cast %swap3A_759 : vector<1x16xf32> to vector<16xf32>
          %swap3A_761 = vector.shape_cast %mul3A_756 : vector<16xf32> to vector<1x16xf32>
          tpu.vector_store %arg30[%swap3A_757, %swap3A_758], %swap3A_761 {strides = array<i32>} : memref<32x128xf32, #tpu.memory_space<vmem>>, vector<1x16xf32>,
          %get3A_762 = arith.index_cast %scan3A_718 : i32 to index
          %get3A_763 = arith.constant 16 : index
          %get3A_764 = tpu.vector_load %arg15[%get3A_762, %get3A_763] {strides = array<i32>} : memref<32x128xf32, #tpu.memory_space<vmem>>, vector<1x16xf32>,
          %get3A_765 = vector.shape_cast %get3A_764 : vector<1x16xf32> to vector<16xf32>
          %get3A_766 = arith.index_cast %scan3A_718 : i32 to index
          %get3A_767 = arith.constant 16 : index
          %get3A_768 = tpu.vector_load %arg16[%get3A_766, %get3A_767] {strides = array<i32>} : memref<32x128xf32, #tpu.memory_space<vmem>>, vector<1x16xf32>,
          %get3A_769 = vector.shape_cast %get3A_768 : vector<1x16xf32> to vector<16xf32>
          %add3A_770 = arith.addf %get3A_765, %get3A_769 : vector<16xf32>
          %get3A_771 = arith.index_cast %scan3A_718 : i32 to index
          %get3A_772 = arith.constant 16 : index
          %get3A_773 = tpu.vector_load %arg17[%get3A_771, %get3A_772] {strides = array<i32>} : memref<32x128xf32, #tpu.memory_space<vmem>>, vector<1x16xf32>,
          %get3A_774 = vector.shape_cast %get3A_773 : vector<1x16xf32> to vector<16xf32>
          %add3A_775 = arith.addf %add3A_770, %get3A_774 : vector<16xf32>
          %get3A_776 = arith.index_cast %scan3A_718 : i32 to index
          %get3A_777 = arith.constant 16 : index
          %get3A_778 = tpu.vector_load %arg18[%get3A_776, %get3A_777] {strides = array<i32>} : memref<32x128xf32, #tpu.memory_space<vmem>>, vector<1x16xf32>,
          %get3A_779 = vector.shape_cast %get3A_778 : vector<1x16xf32> to vector<16xf32>
          %add3A_780 = arith.addf %add3A_775, %get3A_779 : vector<16xf32>
          %get3A_781 = arith.index_cast %scan3A_718 : i32 to index
          %get3A_782 = arith.constant 16 : index
          %get3A_783 = tpu.vector_load %arg19[%get3A_781, %get3A_782] {strides = array<i32>} : memref<32x128xf32, #tpu.memory_space<vmem>>, vector<1x16xf32>,
          %get3A_784 = vector.shape_cast %get3A_783 : vector<1x16xf32> to vector<16xf32>
          %add3A_785 = arith.addf %add3A_780, %get3A_784 : vector<16xf32>
          %get3A_786 = arith.index_cast %scan3A_718 : i32 to index
          %get3A_787 = arith.constant 16 : index
          %get3A_788 = tpu.vector_load %arg20[%get3A_786, %get3A_787] {strides = array<i32>} : memref<32x128xf32, #tpu.memory_space<vmem>>, vector<1x16xf32>,
          %get3A_789 = vector.shape_cast %get3A_788 : vector<1x16xf32> to vector<16xf32>
          %add3A_790 = arith.addf %add3A_785, %get3A_789 : vector<16xf32>
          %get3A_791 = arith.index_cast %scan3A_718 : i32 to index
          %get3A_792 = arith.constant 16 : index
          %get3A_793 = tpu.vector_load %arg21[%get3A_791, %get3A_792] {strides = array<i32>} : memref<32x128xf32, #tpu.memory_space<vmem>>, vector<1x16xf32>,
          %get3A_794 = vector.shape_cast %get3A_793 : vector<1x16xf32> to vector<16xf32>
          %add3A_795 = arith.addf %add3A_790, %get3A_794 : vector<16xf32>
          %add3A_796 = arith.addf %add3A_795, %add3A_76 : vector<16xf32>
          %mul3A_797 = arith.constant 0.142857149 : f32
          %mul3A_798 = vector.broadcast %mul3A_797 : f32 to vector<16xf32>
          %mul3A_799 = arith.mulf %add3A_796, %mul3A_798 : vector<16xf32>
          %swap3A_800 = arith.index_cast %scan3A_718 : i32 to index
          %swap3A_801 = arith.constant 16 : index
          %swap3A_802 = tpu.vector_load %arg30[%swap3A_800, %swap3A_801] {strides = array<i32>} : memref<32x128xf32, #tpu.memory_space<vmem>>, vector<1x16xf32>,
          %swap3A_803 = vector.shape_cast %swap3A_802 : vector<1x16xf32> to vector<16xf32>
          %swap3A_804 = vector.shape_cast %mul3A_799 : vector<16xf32> to vector<1x16xf32>
          tpu.vector_store %arg30[%swap3A_800, %swap3A_801], %swap3A_804 {strides = array<i32>} : memref<32x128xf32, #tpu.memory_space<vmem>>, vector<1x16xf32>,
          %get3A_805 = arith.index_cast %scan3A_718 : i32 to index
          %get3A_806 = arith.constant 32 : index
          %get3A_807 = tpu.vector_load %arg15[%get3A_805, %get3A_806] {strides = array<i32>} : memref<32x128xf32, #tpu.memory_space<vmem>>, vector<1x16xf32>,
          %get3A_808 = vector.shape_cast %get3A_807 : vector<1x16xf32> to vector<16xf32>
          %get3A_809 = arith.index_cast %scan3A_718 : i32 to index
          %get3A_810 = arith.constant 32 : index
          %get3A_811 = tpu.vector_load %arg16[%get3A_809, %get3A_810] {strides = array<i32>} : memref<32x128xf32, #tpu.memory_space<vmem>>, vector<1x16xf32>,
          %get3A_812 = vector.shape_cast %get3A_811 : vector<1x16xf32> to vector<16xf32>
          %add3A_813 = arith.addf %get3A_808, %get3A_812 : vector<16xf32>
          %get3A_814 = arith.index_cast %scan3A_718 : i32 to index
          %get3A_815 = arith.constant 32 : index
          %get3A_816 = tpu.vector_load %arg17[%get3A_814, %get3A_815] {strides = array<i32>} : memref<32x128xf32, #tpu.memory_space<vmem>>, vector<1x16xf32>,
          %get3A_817 = vector.shape_cast %get3A_816 : vector<1x16xf32> to vector<16xf32>
          %add3A_818 = arith.addf %add3A_813, %get3A_817 : vector<16xf32>
          %get3A_819 = arith.index_cast %scan3A_718 : i32 to index
          %get3A_820 = arith.constant 32 : index
          %get3A_821 = tpu.vector_load %arg18[%get3A_819, %get3A_820] {strides = array<i32>} : memref<32x128xf32, #tpu.memory_space<vmem>>, vector<1x16xf32>,
          %get3A_822 = vector.shape_cast %get3A_821 : vector<1x16xf32> to vector<16xf32>
          %add3A_823 = arith.addf %add3A_818, %get3A_822 : vector<16xf32>
          %get3A_824 = arith.index_cast %scan3A_718 : i32 to index
          %get3A_825 = arith.constant 32 : index
          %get3A_826 = tpu.vector_load %arg19[%get3A_824, %get3A_825] {strides = array<i32>} : memref<32x128xf32, #tpu.memory_space<vmem>>, vector<1x16xf32>,
          %get3A_827 = vector.shape_cast %get3A_826 : vector<1x16xf32> to vector<16xf32>
          %add3A_828 = arith.addf %add3A_823, %get3A_827 : vector<16xf32>
          %get3A_829 = arith.index_cast %scan3A_718 : i32 to index
          %get3A_830 = arith.constant 32 : index
          %get3A_831 = tpu.vector_load %arg20[%get3A_829, %get3A_830] {strides = array<i32>} : memref<32x128xf32, #tpu.memory_space<vmem>>, vector<1x16xf32>,
          %get3A_832 = vector.shape_cast %get3A_831 : vector<1x16xf32> to vector<16xf32>
          %add3A_833 = arith.addf %add3A_828, %get3A_832 : vector<16xf32>
          %get3A_834 = arith.index_cast %scan3A_718 : i32 to index
          %get3A_835 = arith.constant 32 : index
          %get3A_836 = tpu.vector_load %arg21[%get3A_834, %get3A_835] {strides = array<i32>} : memref<32x128xf32, #tpu.memory_space<vmem>>, vector<1x16xf32>,
          %get3A_837 = vector.shape_cast %get3A_836 : vector<1x16xf32> to vector<16xf32>
          %add3A_838 = arith.addf %add3A_833, %get3A_837 : vector<16xf32>
          %add3A_839 = arith.addf %add3A_838, %add3A_111 : vector<16xf32>
          %mul3A_840 = arith.constant 0.142857149 : f32
          %mul3A_841 = vector.broadcast %mul3A_840 : f32 to vector<16xf32>
          %mul3A_842 = arith.mulf %add3A_839, %mul3A_841 : vector<16xf32>
          %swap3A_843 = arith.index_cast %scan3A_718 : i32 to index
          %swap3A_844 = arith.constant 32 : index
          %swap3A_845 = tpu.vector_load %arg30[%swap3A_843, %swap3A_844] {strides = array<i32>} : memref<32x128xf32, #tpu.memory_space<vmem>>, vector<1x16xf32>,
          %swap3A_846 = vector.shape_cast %swap3A_845 : vector<1x16xf32> to vector<16xf32>
          %swap3A_847 = vector.shape_cast %mul3A_842 : vector<16xf32> to vector<1x16xf32>
          tpu.vector_store %arg30[%swap3A_843, %swap3A_844], %swap3A_847 {strides = array<i32>} : memref<32x128xf32, #tpu.memory_space<vmem>>, vector<1x16xf32>,
          %get3A_848 = arith.index_cast %scan3A_718 : i32 to index
          %get3A_849 = arith.constant 48 : index
          %get3A_850 = tpu.vector_load %arg15[%get3A_848, %get3A_849] {strides = array<i32>} : memref<32x128xf32, #tpu.memory_space<vmem>>, vector<1x16xf32>,
          %get3A_851 = vector.shape_cast %get3A_850 : vector<1x16xf32> to vector<16xf32>
          %get3A_852 = arith.index_cast %scan3A_718 : i32 to index
          %get3A_853 = arith.constant 48 : index
          %get3A_854 = tpu.vector_load %arg16[%get3A_852, %get3A_853] {strides = array<i32>} : memref<32x128xf32, #tpu.memory_space<vmem>>, vector<1x16xf32>,
          %get3A_855 = vector.shape_cast %get3A_854 : vector<1x16xf32> to vector<16xf32>
          %add3A_856 = arith.addf %get3A_851, %get3A_855 : vector<16xf32>
          %get3A_857 = arith.index_cast %scan3A_718 : i32 to index
          %get3A_858 = arith.constant 48 : index
          %get3A_859 = tpu.vector_load %arg17[%get3A_857, %get3A_858] {strides = array<i32>} : memref<32x128xf32, #tpu.memory_space<vmem>>, vector<1x16xf32>,
          %get3A_860 = vector.shape_cast %get3A_859 : vector<1x16xf32> to vector<16xf32>
          %add3A_861 = arith.addf %add3A_856, %get3A_860 : vector<16xf32>
          %get3A_862 = arith.index_cast %scan3A_718 : i32 to index
          %get3A_863 = arith.constant 48 : index
          %get3A_864 = tpu.vector_load %arg18[%get3A_862, %get3A_863] {strides = array<i32>} : memref<32x128xf32, #tpu.memory_space<vmem>>, vector<1x16xf32>,
          %get3A_865 = vector.shape_cast %get3A_864 : vector<1x16xf32> to vector<16xf32>
          %add3A_866 = arith.addf %add3A_861, %get3A_865 : vector<16xf32>
          %get3A_867 = arith.index_cast %scan3A_718 : i32 to index
          %get3A_868 = arith.constant 48 : index
          %get3A_869 = tpu.vector_load %arg19[%get3A_867, %get3A_868] {strides = array<i32>} : memref<32x128xf32, #tpu.memory_space<vmem>>, vector<1x16xf32>,
          %get3A_870 = vector.shape_cast %get3A_869 : vector<1x16xf32> to vector<16xf32>
          %add3A_871 = arith.addf %add3A_866, %get3A_870 : vector<16xf32>
          %get3A_872 = arith.index_cast %scan3A_718 : i32 to index
          %get3A_873 = arith.constant 48 : index
          %get3A_874 = tpu.vector_load %arg20[%get3A_872, %get3A_873] {strides = array<i32>} : memref<32x128xf32, #tpu.memory_space<vmem>>, vector<1x16xf32>,
          %get3A_875 = vector.shape_cast %get3A_874 : vector<1x16xf32> to vector<16xf32>
          %add3A_876 = arith.addf %add3A_871, %get3A_875 : vector<16xf32>
          %get3A_877 = arith.index_cast %scan3A_718 : i32 to index
          %get3A_878 = arith.constant 48 : index
          %get3A_879 = tpu.vector_load %arg21[%get3A_877, %get3A_878] {strides = array<i32>} : memref<32x128xf32, #tpu.memory_space<vmem>>, vector<1x16xf32>,
          %get3A_880 = vector.shape_cast %get3A_879 : vector<1x16xf32> to vector<16xf32>
          %add3A_881 = arith.addf %add3A_876, %get3A_880 : vector<16xf32>
          %add3A_882 = arith.addf %add3A_881, %add3A_146 : vector<16xf32>
          %mul3A_883 = arith.constant 0.142857149 : f32
          %mul3A_884 = vector.broadcast %mul3A_883 : f32 to vector<16xf32>
          %mul3A_885 = arith.mulf %add3A_882, %mul3A_884 : vector<16xf32>
          %swap3A_886 = arith.index_cast %scan3A_718 : i32 to index
          %swap3A_887 = arith.constant 48 : index
          %swap3A_888 = tpu.vector_load %arg30[%swap3A_886, %swap3A_887] {strides = array<i32>} : memref<32x128xf32, #tpu.memory_space<vmem>>, vector<1x16xf32>,
          %swap3A_889 = vector.shape_cast %swap3A_888 : vector<1x16xf32> to vector<16xf32>
          %swap3A_890 = vector.shape_cast %mul3A_885 : vector<16xf32> to vector<1x16xf32>
          tpu.vector_store %arg30[%swap3A_886, %swap3A_887], %swap3A_890 {strides = array<i32>} : memref<32x128xf32, #tpu.memory_space<vmem>>, vector<1x16xf32>,
          %get3A_891 = arith.index_cast %scan3A_718 : i32 to index
          %get3A_892 = arith.constant 64 : index
          %get3A_893 = tpu.vector_load %arg15[%get3A_891, %get3A_892] {strides = array<i32>} : memref<32x128xf32, #tpu.memory_space<vmem>>, vector<1x16xf32>,
          %get3A_894 = vector.shape_cast %get3A_893 : vector<1x16xf32> to vector<16xf32>
          %get3A_895 = arith.index_cast %scan3A_718 : i32 to index
          %get3A_896 = arith.constant 64 : index
          %get3A_897 = tpu.vector_load %arg16[%get3A_895, %get3A_896] {strides = array<i32>} : memref<32x128xf32, #tpu.memory_space<vmem>>, vector<1x16xf32>,
          %get3A_898 = vector.shape_cast %get3A_897 : vector<1x16xf32> to vector<16xf32>
          %add3A_899 = arith.addf %get3A_894, %get3A_898 : vector<16xf32>
          %get3A_900 = arith.index_cast %scan3A_718 : i32 to index
          %get3A_901 = arith.constant 64 : index
          %get3A_902 = tpu.vector_load %arg17[%get3A_900, %get3A_901] {strides = array<i32>} : memref<32x128xf32, #tpu.memory_space<vmem>>, vector<1x16xf32>,
          %get3A_903 = vector.shape_cast %get3A_902 : vector<1x16xf32> to vector<16xf32>
          %add3A_904 = arith.addf %add3A_899, %get3A_903 : vector<16xf32>
          %get3A_905 = arith.index_cast %scan3A_718 : i32 to index
          %get3A_906 = arith.constant 64 : index
          %get3A_907 = tpu.vector_load %arg18[%get3A_905, %get3A_906] {strides = array<i32>} : memref<32x128xf32, #tpu.memory_space<vmem>>, vector<1x16xf32>,
          %get3A_908 = vector.shape_cast %get3A_907 : vector<1x16xf32> to vector<16xf32>
          %add3A_909 = arith.addf %add3A_904, %get3A_908 : vector<16xf32>
          %get3A_910 = arith.index_cast %scan3A_718 : i32 to index
          %get3A_911 = arith.constant 64 : index
          %get3A_912 = tpu.vector_load %arg19[%get3A_910, %get3A_911] {strides = array<i32>} : memref<32x128xf32, #tpu.memory_space<vmem>>, vector<1x16xf32>,
          %get3A_913 = vector.shape_cast %get3A_912 : vector<1x16xf32> to vector<16xf32>
          %add3A_914 = arith.addf %add3A_909, %get3A_913 : vector<16xf32>
          %get3A_915 = arith.index_cast %scan3A_718 : i32 to index
          %get3A_916 = arith.constant 64 : index
          %get3A_917 = tpu.vector_load %arg20[%get3A_915, %get3A_916] {strides = array<i32>} : memref<32x128xf32, #tpu.memory_space<vmem>>, vector<1x16xf32>,
          %get3A_918 = vector.shape_cast %get3A_917 : vector<1x16xf32> to vector<16xf32>
          %add3A_919 = arith.addf %add3A_914, %get3A_918 : vector<16xf32>
          %get3A_920 = arith.index_cast %scan3A_718 : i32 to index
          %get3A_921 = arith.constant 64 : index
          %get3A_922 = tpu.vector_load %arg21[%get3A_920, %get3A_921] {strides = array<i32>} : memref<32x128xf32, #tpu.memory_space<vmem>>, vector<1x16xf32>,
          %get3A_923 = vector.shape_cast %get3A_922 : vector<1x16xf32> to vector<16xf32>
          %add3A_924 = arith.addf %add3A_919, %get3A_923 : vector<16xf32>
          %add3A_925 = arith.addf %add3A_924, %add3A_181 : vector<16xf32>
          %mul3A_926 = arith.constant 0.142857149 : f32
          %mul3A_927 = vector.broadcast %mul3A_926 : f32 to vector<16xf32>
          %mul3A_928 = arith.mulf %add3A_925, %mul3A_927 : vector<16xf32>
          %swap3A_929 = arith.index_cast %scan3A_718 : i32 to index
          %swap3A_930 = arith.constant 64 : index
          %swap3A_931 = tpu.vector_load %arg30[%swap3A_929, %swap3A_930] {strides = array<i32>} : memref<32x128xf32, #tpu.memory_space<vmem>>, vector<1x16xf32>,
          %swap3A_932 = vector.shape_cast %swap3A_931 : vector<1x16xf32> to vector<16xf32>
          %swap3A_933 = vector.shape_cast %mul3A_928 : vector<16xf32> to vector<1x16xf32>
          tpu.vector_store %arg30[%swap3A_929, %swap3A_930], %swap3A_933 {strides = array<i32>} : memref<32x128xf32, #tpu.memory_space<vmem>>, vector<1x16xf32>,
          %get3A_934 = arith.index_cast %scan3A_718 : i32 to index
          %get3A_935 = arith.constant 80 : index
          %get3A_936 = tpu.vector_load %arg15[%get3A_934, %get3A_935] {strides = array<i32>} : memref<32x128xf32, #tpu.memory_space<vmem>>, vector<1x16xf32>,
          %get3A_937 = vector.shape_cast %get3A_936 : vector<1x16xf32> to vector<16xf32>
          %get3A_938 = arith.index_cast %scan3A_718 : i32 to index
          %get3A_939 = arith.constant 80 : index
          %get3A_940 = tpu.vector_load %arg16[%get3A_938, %get3A_939] {strides = array<i32>} : memref<32x128xf32, #tpu.memory_space<vmem>>, vector<1x16xf32>,
          %get3A_941 = vector.shape_cast %get3A_940 : vector<1x16xf32> to vector<16xf32>
          %add3A_942 = arith.addf %get3A_937, %get3A_941 : vector<16xf32>
          %get3A_943 = arith.index_cast %scan3A_718 : i32 to index
          %get3A_944 = arith.constant 80 : index
          %get3A_945 = tpu.vector_load %arg17[%get3A_943, %get3A_944] {strides = array<i32>} : memref<32x128xf32, #tpu.memory_space<vmem>>, vector<1x16xf32>,
          %get3A_946 = vector.shape_cast %get3A_945 : vector<1x16xf32> to vector<16xf32>
          %add3A_947 = arith.addf %add3A_942, %get3A_946 : vector<16xf32>
          %get3A_948 = arith.index_cast %scan3A_718 : i32 to index
          %get3A_949 = arith.constant 80 : index
          %get3A_950 = tpu.vector_load %arg18[%get3A_948, %get3A_949] {strides = array<i32>} : memref<32x128xf32, #tpu.memory_space<vmem>>, vector<1x16xf32>,
          %get3A_951 = vector.shape_cast %get3A_950 : vector<1x16xf32> to vector<16xf32>
          %add3A_952 = arith.addf %add3A_947, %get3A_951 : vector<16xf32>
          %get3A_953 = arith.index_cast %scan3A_718 : i32 to index
          %get3A_954 = arith.constant 80 : index
          %get3A_955 = tpu.vector_load %arg19[%get3A_953, %get3A_954] {strides = array<i32>} : memref<32x128xf32, #tpu.memory_space<vmem>>, vector<1x16xf32>,
          %get3A_956 = vector.shape_cast %get3A_955 : vector<1x16xf32> to vector<16xf32>
          %add3A_957 = arith.addf %add3A_952, %get3A_956 : vector<16xf32>
          %get3A_958 = arith.index_cast %scan3A_718 : i32 to index
          %get3A_959 = arith.constant 80 : index
          %get3A_960 = tpu.vector_load %arg20[%get3A_958, %get3A_959] {strides = array<i32>} : memref<32x128xf32, #tpu.memory_space<vmem>>, vector<1x16xf32>,
          %get3A_961 = vector.shape_cast %get3A_960 : vector<1x16xf32> to vector<16xf32>
          %add3A_962 = arith.addf %add3A_957, %get3A_961 : vector<16xf32>
          %get3A_963 = arith.index_cast %scan3A_718 : i32 to index
          %get3A_964 = arith.constant 80 : index
          %get3A_965 = tpu.vector_load %arg21[%get3A_963, %get3A_964] {strides = array<i32>} : memref<32x128xf32, #tpu.memory_space<vmem>>, vector<1x16xf32>,
          %get3A_966 = vector.shape_cast %get3A_965 : vector<1x16xf32> to vector<16xf32>
          %add3A_967 = arith.addf %add3A_962, %get3A_966 : vector<16xf32>
          %add3A_968 = arith.addf %add3A_967, %add3A_216 : vector<16xf32>
          %mul3A_969 = arith.constant 0.142857149 : f32
          %mul3A_970 = vector.broadcast %mul3A_969 : f32 to vector<16xf32>
          %mul3A_971 = arith.mulf %add3A_968, %mul3A_970 : vector<16xf32>
          %swap3A_972 = arith.index_cast %scan3A_718 : i32 to index
          %swap3A_973 = arith.constant 80 : index
          %swap3A_974 = tpu.vector_load %arg30[%swap3A_972, %swap3A_973] {strides = array<i32>} : memref<32x128xf32, #tpu.memory_space<vmem>>, vector<1x16xf32>,
          %swap3A_975 = vector.shape_cast %swap3A_974 : vector<1x16xf32> to vector<16xf32>
          %swap3A_976 = vector.shape_cast %mul3A_971 : vector<16xf32> to vector<1x16xf32>
          tpu.vector_store %arg30[%swap3A_972, %swap3A_973], %swap3A_976 {strides = array<i32>} : memref<32x128xf32, #tpu.memory_space<vmem>>, vector<1x16xf32>,
          %get3A_977 = arith.index_cast %scan3A_718 : i32 to index
          %get3A_978 = arith.constant 96 : index
          %get3A_979 = tpu.vector_load %arg15[%get3A_977, %get3A_978] {strides = array<i32>} : memref<32x128xf32, #tpu.memory_space<vmem>>, vector<1x16xf32>,
          %get3A_980 = vector.shape_cast %get3A_979 : vector<1x16xf32> to vector<16xf32>
          %get3A_981 = arith.index_cast %scan3A_718 : i32 to index
          %get3A_982 = arith.constant 96 : index
          %get3A_983 = tpu.vector_load %arg16[%get3A_981, %get3A_982] {strides = array<i32>} : memref<32x128xf32, #tpu.memory_space<vmem>>, vector<1x16xf32>,
          %get3A_984 = vector.shape_cast %get3A_983 : vector<1x16xf32> to vector<16xf32>
          %add3A_985 = arith.addf %get3A_980, %get3A_984 : vector<16xf32>
          %get3A_986 = arith.index_cast %scan3A_718 : i32 to index
          %get3A_987 = arith.constant 96 : index
          %get3A_988 = tpu.vector_load %arg17[%get3A_986, %get3A_987] {strides = array<i32>} : memref<32x128xf32, #tpu.memory_space<vmem>>, vector<1x16xf32>,
          %get3A_989 = vector.shape_cast %get3A_988 : vector<1x16xf32> to vector<16xf32>
          %add3A_990 = arith.addf %add3A_985, %get3A_989 : vector<16xf32>
          %get3A_991 = arith.index_cast %scan3A_718 : i32 to index
          %get3A_992 = arith.constant 96 : index
          %get3A_993 = tpu.vector_load %arg18[%get3A_991, %get3A_992] {strides = array<i32>} : memref<32x128xf32, #tpu.memory_space<vmem>>, vector<1x16xf32>,
          %get3A_994 = vector.shape_cast %get3A_993 : vector<1x16xf32> to vector<16xf32>
          %add3A_995 = arith.addf %add3A_990, %get3A_994 : vector<16xf32>
          %get3A_996 = arith.index_cast %scan3A_718 : i32 to index
          %get3A_997 = arith.constant 96 : index
          %get3A_998 = tpu.vector_load %arg19[%get3A_996, %get3A_997] {strides = array<i32>} : memref<32x128xf32, #tpu.memory_space<vmem>>, vector<1x16xf32>,
          %get3A_999 = vector.shape_cast %get3A_998 : vector<1x16xf32> to vector<16xf32>
          %add3A_1000 = arith.addf %add3A_995, %get3A_999 : vector<16xf32>
          %get3A_1001 = arith.index_cast %scan3A_718 : i32 to index
          %get3A_1002 = arith.constant 96 : index
          %get3A_1003 = tpu.vector_load %arg20[%get3A_1001, %get3A_1002] {strides = array<i32>} : memref<32x128xf32, #tpu.memory_space<vmem>>, vector<1x16xf32>,
          %get3A_1004 = vector.shape_cast %get3A_1003 : vector<1x16xf32> to vector<16xf32>
          %add3A_1005 = arith.addf %add3A_1000, %get3A_1004 : vector<16xf32>
          %get3A_1006 = arith.index_cast %scan3A_718 : i32 to index
          %get3A_1007 = arith.constant 96 : index
          %get3A_1008 = tpu.vector_load %arg21[%get3A_1006, %get3A_1007] {strides = array<i32>} : memref<32x128xf32, #tpu.memory_space<vmem>>, vector<1x16xf32>,
          %get3A_1009 = vector.shape_cast %get3A_1008 : vector<1x16xf32> to vector<16xf32>
          %add3A_1010 = arith.addf %add3A_1005, %get3A_1009 : vector<16xf32>
          %add3A_1011 = arith.addf %add3A_1010, %add3A_251 : vector<16xf32>
          %mul3A_1012 = arith.constant 0.142857149 : f32
          %mul3A_1013 = vector.broadcast %mul3A_1012 : f32 to vector<16xf32>
          %mul3A_1014 = arith.mulf %add3A_1011, %mul3A_1013 : vector<16xf32>
          %swap3A_1015 = arith.index_cast %scan3A_718 : i32 to index
          %swap3A_1016 = arith.constant 96 : index
          %swap3A_1017 = tpu.vector_load %arg30[%swap3A_1015, %swap3A_1016] {strides = array<i32>} : memref<32x128xf32, #tpu.memory_space<vmem>>, vector<1x16xf32>,
          %swap3A_1018 = vector.shape_cast %swap3A_1017 : vector<1x16xf32> to vector<16xf32>
          %swap3A_1019 = vector.shape_cast %mul3A_1014 : vector<16xf32> to vector<1x16xf32>
          tpu.vector_store %arg30[%swap3A_1015, %swap3A_1016], %swap3A_1019 {strides = array<i32>} : memref<32x128xf32, #tpu.memory_space<vmem>>, vector<1x16xf32>,
          %get3A_1020 = arith.index_cast %scan3A_718 : i32 to index
          %get3A_1021 = arith.constant 112 : index
          %get3A_1022 = tpu.vector_load %arg15[%get3A_1020, %get3A_1021] {strides = array<i32>} : memref<32x128xf32, #tpu.memory_space<vmem>>, vector<1x16xf32>,
          %get3A_1023 = vector.shape_cast %get3A_1022 : vector<1x16xf32> to vector<16xf32>
          %get3A_1024 = arith.index_cast %scan3A_718 : i32 to index
          %get3A_1025 = arith.constant 112 : index
          %get3A_1026 = tpu.vector_load %arg16[%get3A_1024, %get3A_1025] {strides = array<i32>} : memref<32x128xf32, #tpu.memory_space<vmem>>, vector<1x16xf32>,
          %get3A_1027 = vector.shape_cast %get3A_1026 : vector<1x16xf32> to vector<16xf32>
          %add3A_1028 = arith.addf %get3A_1023, %get3A_1027 : vector<16xf32>
          %get3A_1029 = arith.index_cast %scan3A_718 : i32 to index
          %get3A_1030 = arith.constant 112 : index
          %get3A_1031 = tpu.vector_load %arg17[%get3A_1029, %get3A_1030] {strides = array<i32>} : memref<32x128xf32, #tpu.memory_space<vmem>>, vector<1x16xf32>,
          %get3A_1032 = vector.shape_cast %get3A_1031 : vector<1x16xf32> to vector<16xf32>
          %add3A_1033 = arith.addf %add3A_1028, %get3A_1032 : vector<16xf32>
          %get3A_1034 = arith.index_cast %scan3A_718 : i32 to index
          %get3A_1035 = arith.constant 112 : index
          %get3A_1036 = tpu.vector_load %arg18[%get3A_1034, %get3A_1035] {strides = array<i32>} : memref<32x128xf32, #tpu.memory_space<vmem>>, vector<1x16xf32>,
          %get3A_1037 = vector.shape_cast %get3A_1036 : vector<1x16xf32> to vector<16xf32>
          %add3A_1038 = arith.addf %add3A_1033, %get3A_1037 : vector<16xf32>
          %get3A_1039 = arith.index_cast %scan3A_718 : i32 to index
          %get3A_1040 = arith.constant 112 : index
          %get3A_1041 = tpu.vector_load %arg19[%get3A_1039, %get3A_1040] {strides = array<i32>} : memref<32x128xf32, #tpu.memory_space<vmem>>, vector<1x16xf32>,
          %get3A_1042 = vector.shape_cast %get3A_1041 : vector<1x16xf32> to vector<16xf32>
          %add3A_1043 = arith.addf %add3A_1038, %get3A_1042 : vector<16xf32>
          %get3A_1044 = arith.index_cast %scan3A_718 : i32 to index
          %get3A_1045 = arith.constant 112 : index
          %get3A_1046 = tpu.vector_load %arg20[%get3A_1044, %get3A_1045] {strides = array<i32>} : memref<32x128xf32, #tpu.memory_space<vmem>>, vector<1x16xf32>,
          %get3A_1047 = vector.shape_cast %get3A_1046 : vector<1x16xf32> to vector<16xf32>
          %add3A_1048 = arith.addf %add3A_1043, %get3A_1047 : vector<16xf32>
          %get3A_1049 = arith.index_cast %scan3A_718 : i32 to index
          %get3A_1050 = arith.constant 112 : index
          %get3A_1051 = tpu.vector_load %arg21[%get3A_1049, %get3A_1050] {strides = array<i32>} : memref<32x128xf32, #tpu.memory_space<vmem>>, vector<1x16xf32>,
          %get3A_1052 = vector.shape_cast %get3A_1051 : vector<1x16xf32> to vector<16xf32>
          %add3A_1053 = arith.addf %add3A_1048, %get3A_1052 : vector<16xf32>
          %add3A_1054 = arith.addf %add3A_1053, %add3A_286 : vector<16xf32>
          %mul3A_1055 = arith.constant 0.142857149 : f32
          %mul3A_1056 = vector.broadcast %mul3A_1055 : f32 to vector<16xf32>
          %mul3A_1057 = arith.mulf %add3A_1054, %mul3A_1056 : vector<16xf32>
          %swap3A_1058 = arith.index_cast %scan3A_718 : i32 to index
          %swap3A_1059 = arith.constant 112 : index
          %swap3A_1060 = tpu.vector_load %arg30[%swap3A_1058, %swap3A_1059] {strides = array<i32>} : memref<32x128xf32, #tpu.memory_space<vmem>>, vector<1x16xf32>,
          %swap3A_1061 = vector.shape_cast %swap3A_1060 : vector<1x16xf32> to vector<16xf32>
          %swap3A_1062 = vector.shape_cast %mul3A_1057 : vector<16xf32> to vector<1x16xf32>
          tpu.vector_store %arg30[%swap3A_1058, %swap3A_1059], %swap3A_1062 {strides = array<i32>} : memref<32x128xf32, #tpu.memory_space<vmem>>, vector<1x16xf32>,
        }
        %scan3A_703 = arith.constant 32 : i32
        %mul3A_704 = arith.constant 32 : i32
        %mul3A_705 = arith.muli %add3A_638, %mul3A_704 : i32
        %add3A_706 = arith.addi %mul3A_2, %mul3A_705 : i32
        %dma_start3A_707 = arith.constant 0 : i32
        %dma_start3A_708 = tpu.memref_slice %arg6[%add3A_706, %dma_start3A_707] : memref<32768x128xf32, #tpu.memory_space<hbm>> -> memref<32x128xf32, #tpu.memory_space<hbm>>
        %dma_start3A_709 = arith.constant 0 : i32
        %dma_start3A_710 = tpu.memref_slice %arg6[%add3A_706, %dma_start3A_709] : memref<32768x128xf32, #tpu.memory_space<hbm>> -> memref<32x128xf32, #tpu.memory_space<hbm>>
        tpu.enqueue_dma source(%arg30 : memref<32x128xf32, #tpu.memory_space<vmem>>) target(%dma_start3A_710 : memref<32x128xf32, #tpu.memory_space<hbm>>) target_semaphore(%arg39 : memref<!tpu.dma_semaphore, #tpu.memory_space<semaphore_mem>>)
        %add3A_711 = arith.constant 3 : i32
        %add3A_712 = arith.addi %add3A_638, %add3A_711 : i32
        %lt3A_713 = arith.constant 32 : i32
        %lt3A_714 = arith.cmpi slt, %add3A_712, %lt3A_713 : i32
        %convert_element_type3A_715 = arith.extui %lt3A_714 : i1 to i32
        %cond3A_716 = arith.constant 0 : i32
        %cond3A_717 = arith.cmpi ne, %convert_element_type3A_715, %cond3A_716 : i32
        scf.if %cond3A_717 {
          %add3A_718 = arith.constant 3 : i32
          %add3A_719 = arith.addi %add3A_638, %add3A_718 : i32
          %mul3A_720 = arith.constant 2 : i32
          %mul3A_721 = arith.muli %mul3A_720, %add3A_719 : i32
          %add3A_722 = arith.constant 1 : i32
          %add3A_723 = arith.addi %mul3A_721, %add3A_722 : i32
          %add3A_724 = arith.constant 0 : i32
          %add3A_725 = arith.addi %add3A_723, %add3A_724 : i32
          %mul3A_726 = arith.constant 16 : i32
          %mul3A_727 = arith.muli %add3A_725, %mul3A_726 : i32
          %get3A_728 = arith.index_cast %mul3A_727 : i32 to index
          %get3A_729 = tpu.vector_load %arg33[%get3A_728] {strides = array<i32>} : memref<1040xi32, #tpu.memory_space<vmem>>, vector<16xi32>,
          %get3A_730 = vector.shape_cast %get3A_729 : vector<16xi32> to vector<16xi32>
          %swap3A_731 = arith.constant 1 : i32
          %swap3A_732 = arith.constant 0 : i32
          %swap3A_733 = arith.index_cast %swap3A_731 : i32 to index
          %swap3A_734 = arith.index_cast %swap3A_732 : i32 to index
          %swap3A_735 = arith.constant 0 : index
          %swap3A_736 = tpu.vector_load %arg7[%swap3A_733, %swap3A_734, %swap3A_735] {strides = array<i32>} : memref<3x7x32xi32, #tpu.memory_space<vmem>>, vector<1x1x16xi32>,
          %swap3A_737 = vector.shape_cast %swap3A_736 : vector<1x1x16xi32> to vector<16xi32>
          %swap3A_738 = vector.shape_cast %get3A_730 : vector<16xi32> to vector<1x1x16xi32>
          tpu.vector_store %arg7[%swap3A_733, %swap3A_734, %swap3A_735], %swap3A_738 {strides = array<i32>} : memref<3x7x32xi32, #tpu.memory_space<vmem>>, vector<1x1x16xi32>,
          %mul3A_739 = arith.constant 2 : i32
          %mul3A_740 = arith.muli %mul3A_739, %add3A_719 : i32
          %add3A_741 = arith.constant 1 : i32
          %add3A_742 = arith.addi %mul3A_740, %add3A_741 : i32
          %add3A_743 = arith.constant 1 : i32
          %add3A_744 = arith.addi %add3A_742, %add3A_743 : i32
          %mul3A_745 = arith.constant 16 : i32
          %mul3A_746 = arith.muli %add3A_744, %mul3A_745 : i32
          %get3A_747 = arith.index_cast %mul3A_746 : i32 to index
          %get3A_748 = tpu.vector_load %arg33[%get3A_747] {strides = array<i32>} : memref<1040xi32, #tpu.memory_space<vmem>>, vector<16xi32>,
          %get3A_749 = vector.shape_cast %get3A_748 : vector<16xi32> to vector<16xi32>
          %swap3A_750 = arith.constant 1 : i32
          %swap3A_751 = arith.constant 0 : i32
          %swap3A_752 = arith.index_cast %swap3A_750 : i32 to index
          %swap3A_753 = arith.index_cast %swap3A_751 : i32 to index
          %swap3A_754 = arith.constant 16 : index
          %swap3A_755 = tpu.vector_load %arg7[%swap3A_752, %swap3A_753, %swap3A_754] {strides = array<i32>} : memref<3x7x32xi32, #tpu.memory_space<vmem>>, vector<1x1x16xi32>,
          %swap3A_756 = vector.shape_cast %swap3A_755 : vector<1x1x16xi32> to vector<16xi32>
          %swap3A_757 = vector.shape_cast %get3A_749 : vector<16xi32> to vector<1x1x16xi32>
          tpu.vector_store %arg7[%swap3A_752, %swap3A_753, %swap3A_754], %swap3A_757 {strides = array<i32>} : memref<3x7x32xi32, #tpu.memory_space<vmem>>, vector<1x1x16xi32>,
          %scan3A_758 = arith.constant 0 : i32
          %scan3A_759 = arith.constant 2 : i32
          %scan3A_760 = arith.constant 7 : i32
          %scan3A_761 = arith.addi %scan3A_759, %scan3A_760 : i32
          %scan3A_762 = arith.constant 1 : i32
          scf.for %scan3A_820 = %scan3A_759 to %scan3A_761 step %scan3A_762  : i32 {
            %mul3A_821 = arith.constant 2 : i32
            %mul3A_822 = arith.muli %mul3A_821, %add3A_719 : i32
            %add3A_823 = arith.constant 1 : i32
            %add3A_824 = arith.addi %mul3A_822, %add3A_823 : i32
            %add3A_825 = arith.constant 0 : i32
            %add3A_826 = arith.addi %add3A_824, %add3A_825 : i32
            %mul3A_827 = arith.constant 16 : i32
            %mul3A_828 = arith.muli %add3A_826, %mul3A_827 : i32
            %sub3A = arith.constant 2 : i32
            %sub3A_829 = arith.subi %scan3A_820, %sub3A : i32
            %mul3A_830 = arith.constant 1056 : i32
            %mul3A_831 = arith.muli %sub3A_829, %mul3A_830 : i32
            %add3A_832 = arith.constant 15 : i32
            %add3A_833 = arith.addi %mul3A_831, %add3A_832 : i32
            %add3A_834 = arith.addi %add3A_833, %mul3A_828 : i32
            %get3A_835 = arith.index_cast %add3A_834 : i32 to index
            %get3A_836 = tpu.vector_load %arg34[%get3A_835] {strides = array<i32>} : memref<8448xi32, #tpu.memory_space<vmem>>, vector<16xi32>,
            %get3A_837 = vector.shape_cast %get3A_836 : vector<16xi32> to vector<16xi32>
            %get3A_838 = arith.index_cast %mul3A_828 : i32 to index
            %get3A_839 = tpu.vector_load %arg33[%get3A_838] {strides = array<i32>} : memref<1040xi32, #tpu.memory_space<vmem>>, vector<16xi32>,
            %get3A_840 = vector.shape_cast %get3A_839 : vector<16xi32> to vector<16xi32>
            %mul3A_841 = arith.constant 260 : i32
            %mul3A_842 = vector.broadcast %mul3A_841 : i32 to vector<16xi32>
            %mul3A_843 = arith.muli %get3A_837, %mul3A_842 : vector<16xi32>
            %add3A_844 = arith.addi %mul3A_843, %get3A_840 : vector<16xi32>
            %and3A = arith.constant 8388607 : i32
            %and3A_845 = vector.broadcast %and3A : i32 to vector<16xi32>
            %and3A_846 = arith.andi %add3A_844, %and3A_845 : vector<16xi32>
            %sub3A_847 = arith.constant 1 : i32
            %sub3A_848 = arith.subi %scan3A_820, %sub3A_847 : i32
            %mul3A_849 = arith.constant 1056 : i32
            %mul3A_850 = arith.muli %sub3A_848, %mul3A_849 : i32
            %add3A_851 = arith.constant 16 : i32
            %add3A_852 = arith.addi %mul3A_850, %add3A_851 : i32
            %add3A_853 = arith.addi %add3A_852, %mul3A_828 : i32
            %swap3A_854 = arith.index_cast %add3A_853 : i32 to index
            %swap3A_855 = tpu.vector_load %arg34[%swap3A_854] {strides = array<i32>} : memref<8448xi32, #tpu.memory_space<vmem>>, vector<16xi32>,
            %swap3A_856 = vector.shape_cast %swap3A_855 : vector<16xi32> to vector<16xi32>
            %swap3A_857 = vector.shape_cast %and3A_846 : vector<16xi32> to vector<16xi32>
            tpu.vector_store %arg34[%swap3A_854], %swap3A_857 {strides = array<i32>} : memref<8448xi32, #tpu.memory_space<vmem>>, vector<16xi32>,
            %ge3A_858 = arith.constant 3 : i32
            %ge3A_859 = arith.cmpi sge, %scan3A_820, %ge3A_858 : i32
            %convert_element_type3A_860 = arith.extui %ge3A_859 : i1 to i32
            %cond3A_861 = arith.constant 0 : i32
            %cond3A_862 = arith.cmpi ne, %convert_element_type3A_860, %cond3A_861 : i32
            scf.if %cond3A_862 {
              %ge3A_907 = arith.constant 8000000 : i32
              %ge3A_908 = vector.broadcast %ge3A_907 : i32 to vector<16xi32>
              %ge3A_909 = arith.cmpi sge, %and3A_846, %ge3A_908 : vector<16xi32>
              %sub3A_910 = arith.constant 8000000 : i32
              %sub3A_911 = vector.broadcast %sub3A_910 : i32 to vector<16xi32>
              %sub3A_912 = arith.subi %and3A_846, %sub3A_911 : vector<16xi32>
              %select_n3A = arith.select %ge3A_909, %sub3A_912, %and3A_846 : vector<16xi1>, vector<16xi32>
              %ge3A_913 = arith.constant 4000000 : i32
              %ge3A_914 = vector.broadcast %ge3A_913 : i32 to vector<16xi32>
              %ge3A_915 = arith.cmpi sge, %select_n3A, %ge3A_914 : vector<16xi32>
              %sub3A_916 = arith.constant 4000000 : i32
              %sub3A_917 = vector.broadcast %sub3A_916 : i32 to vector<16xi32>
              %sub3A_918 = arith.subi %select_n3A, %sub3A_917 : vector<16xi32>
              %select_n3A_919 = arith.select %ge3A_915, %sub3A_918, %select_n3A : vector<16xi1>, vector<16xi32>
              %ge3A_920 = arith.constant 2000000 : i32
              %ge3A_921 = vector.broadcast %ge3A_920 : i32 to vector<16xi32>
              %ge3A_922 = arith.cmpi sge, %select_n3A_919, %ge3A_921 : vector<16xi32>
              %sub3A_923 = arith.constant 2000000 : i32
              %sub3A_924 = vector.broadcast %sub3A_923 : i32 to vector<16xi32>
              %sub3A_925 = arith.subi %select_n3A_919, %sub3A_924 : vector<16xi32>
              %select_n3A_926 = arith.select %ge3A_922, %sub3A_925, %select_n3A_919 : vector<16xi1>, vector<16xi32>
              %ge3A_927 = arith.constant 1000000 : i32
              %ge3A_928 = vector.broadcast %ge3A_927 : i32 to vector<16xi32>
              %ge3A_929 = arith.cmpi sge, %select_n3A_926, %ge3A_928 : vector<16xi32>
              %sub3A_930 = arith.constant 1000000 : i32
              %sub3A_931 = vector.broadcast %sub3A_930 : i32 to vector<16xi32>
              %sub3A_932 = arith.subi %select_n3A_926, %sub3A_931 : vector<16xi32>
              %select_n3A_933 = arith.select %ge3A_929, %sub3A_932, %select_n3A_926 : vector<16xi1>, vector<16xi32>
              %ge3A_934 = arith.constant 500000 : i32
              %ge3A_935 = vector.broadcast %ge3A_934 : i32 to vector<16xi32>
              %ge3A_936 = arith.cmpi sge, %select_n3A_933, %ge3A_935 : vector<16xi32>
              %sub3A_937 = arith.constant 500000 : i32
              %sub3A_938 = vector.broadcast %sub3A_937 : i32 to vector<16xi32>
              %sub3A_939 = arith.subi %select_n3A_933, %sub3A_938 : vector<16xi32>
              %select_n3A_940 = arith.select %ge3A_936, %sub3A_939, %select_n3A_933 : vector<16xi1>, vector<16xi32>
              %sub3A_941 = arith.constant 16 : i32
              %sub3A_942 = arith.subi %mul3A_828, %sub3A_941 : i32
              %add3A_943 = arith.addi %mul3A_5, %sub3A_942 : i32
              %add3A_944 = vector.broadcast %add3A_943 : i32 to vector<16xi32>
              %add3A_945 = arith.addi %add3A_944, %iota3A : vector<16xi32>
              %sub3A_946 = arith.constant 1 : i32
              %sub3A_947 = arith.subi %scan3A_820, %sub3A_946 : i32
              %lt3A_948 = vector.broadcast %sub3A_947 : i32 to vector<16xi32>
              %lt3A_949 = arith.cmpi slt, %add3A_945, %lt3A_948 : vector<16xi32>
              %jit3A = arith.constant 0 : i32
              %broadcast_in_dim3A = vector.broadcast %jit3A : i32 to vector<16xi32>
              %select_n3A_950 = arith.select %lt3A_949, %broadcast_in_dim3A, %select_n3A_940 : vector<16xi1>, vector<16xi32>
              %sub3A_951 = arith.constant 2 : i32
              %sub3A_952 = arith.subi %scan3A_820, %sub3A_951 : i32
              %swap3A_953 = arith.constant 1 : i32
              %swap3A_954 = arith.index_cast %swap3A_953 : i32 to index
              %swap3A_955 = arith.index_cast %sub3A_952 : i32 to index
              %swap3A_956 = arith.constant 0 : index
              %swap3A_957 = tpu.vector_load %arg7[%swap3A_954, %swap3A_955, %swap3A_956] {strides = array<i32>} : memref<3x7x32xi32, #tpu.memory_space<vmem>>, vector<1x1x16xi32>,
              %swap3A_958 = vector.shape_cast %swap3A_957 : vector<1x1x16xi32> to vector<16xi32>
              %swap3A_959 = vector.shape_cast %select_n3A_950 : vector<16xi32> to vector<1x1x16xi32>
              tpu.vector_store %arg7[%swap3A_954, %swap3A_955, %swap3A_956], %swap3A_959 {strides = array<i32>} : memref<3x7x32xi32, #tpu.memory_space<vmem>>, vector<1x1x16xi32>,
            } else {
            }
            %mul3A_863 = arith.constant 2 : i32
            %mul3A_864 = arith.muli %mul3A_863, %add3A_719 : i32
            %add3A_865 = arith.constant 1 : i32
            %add3A_866 = arith.addi %mul3A_864, %add3A_865 : i32
            %add3A_867 = arith.constant 1 : i32
            %add3A_868 = arith.addi %add3A_866, %add3A_867 : i32
            %mul3A_869 = arith.constant 16 : i32
            %mul3A_870 = arith.muli %add3A_868, %mul3A_869 : i32
            %sub3A_871 = arith.constant 2 : i32
            %sub3A_872 = arith.subi %scan3A_820, %sub3A_871 : i32
            %mul3A_873 = arith.constant 1056 : i32
            %mul3A_874 = arith.muli %sub3A_872, %mul3A_873 : i32
            %add3A_875 = arith.constant 15 : i32
            %add3A_876 = arith.addi %mul3A_874, %add3A_875 : i32
            %add3A_877 = arith.addi %add3A_876, %mul3A_870 : i32
            %get3A_878 = arith.index_cast %add3A_877 : i32 to index
            %get3A_879 = tpu.vector_load %arg34[%get3A_878] {strides = array<i32>} : memref<8448xi32, #tpu.memory_space<vmem>>, vector<16xi32>,
            %get3A_880 = vector.shape_cast %get3A_879 : vector<16xi32> to vector<16xi32>
            %get3A_881 = arith.index_cast %mul3A_870 : i32 to index
            %get3A_882 = tpu.vector_load %arg33[%get3A_881] {strides = array<i32>} : memref<1040xi32, #tpu.memory_space<vmem>>, vector<16xi32>,
            %get3A_883 = vector.shape_cast %get3A_882 : vector<16xi32> to vector<16xi32>
            %mul3A_884 = arith.constant 260 : i32
            %mul3A_885 = vector.broadcast %mul3A_884 : i32 to vector<16xi32>
            %mul3A_886 = arith.muli %get3A_880, %mul3A_885 : vector<16xi32>
            %add3A_887 = arith.addi %mul3A_886, %get3A_883 : vector<16xi32>
            %and3A_888 = arith.constant 8388607 : i32
            %and3A_889 = vector.broadcast %and3A_888 : i32 to vector<16xi32>
            %and3A_890 = arith.andi %add3A_887, %and3A_889 : vector<16xi32>
            %sub3A_891 = arith.constant 1 : i32
            %sub3A_892 = arith.subi %scan3A_820, %sub3A_891 : i32
            %mul3A_893 = arith.constant 1056 : i32
            %mul3A_894 = arith.muli %sub3A_892, %mul3A_893 : i32
            %add3A_895 = arith.constant 16 : i32
            %add3A_896 = arith.addi %mul3A_894, %add3A_895 : i32
            %add3A_897 = arith.addi %add3A_896, %mul3A_870 : i32
            %swap3A_898 = arith.index_cast %add3A_897 : i32 to index
            %swap3A_899 = tpu.vector_load %arg34[%swap3A_898] {strides = array<i32>} : memref<8448xi32, #tpu.memory_space<vmem>>, vector<16xi32>,
            %swap3A_900 = vector.shape_cast %swap3A_899 : vector<16xi32> to vector<16xi32>
            %swap3A_901 = vector.shape_cast %and3A_890 : vector<16xi32> to vector<16xi32>
            tpu.vector_store %arg34[%swap3A_898], %swap3A_901 {strides = array<i32>} : memref<8448xi32, #tpu.memory_space<vmem>>, vector<16xi32>,
            %ge3A_902 = arith.constant 3 : i32
            %ge3A_903 = arith.cmpi sge, %scan3A_820, %ge3A_902 : i32
            %convert_element_type3A_904 = arith.extui %ge3A_903 : i1 to i32
            %cond3A_905 = arith.constant 0 : i32
            %cond3A_906 = arith.cmpi ne, %convert_element_type3A_904, %cond3A_905 : i32
            scf.if %cond3A_906 {
              %ge3A_907 = arith.constant 8000000 : i32
              %ge3A_908 = vector.broadcast %ge3A_907 : i32 to vector<16xi32>
              %ge3A_909 = arith.cmpi sge, %and3A_890, %ge3A_908 : vector<16xi32>
              %sub3A_910 = arith.constant 8000000 : i32
              %sub3A_911 = vector.broadcast %sub3A_910 : i32 to vector<16xi32>
              %sub3A_912 = arith.subi %and3A_890, %sub3A_911 : vector<16xi32>
              %select_n3A = arith.select %ge3A_909, %sub3A_912, %and3A_890 : vector<16xi1>, vector<16xi32>
              %ge3A_913 = arith.constant 4000000 : i32
              %ge3A_914 = vector.broadcast %ge3A_913 : i32 to vector<16xi32>
              %ge3A_915 = arith.cmpi sge, %select_n3A, %ge3A_914 : vector<16xi32>
              %sub3A_916 = arith.constant 4000000 : i32
              %sub3A_917 = vector.broadcast %sub3A_916 : i32 to vector<16xi32>
              %sub3A_918 = arith.subi %select_n3A, %sub3A_917 : vector<16xi32>
              %select_n3A_919 = arith.select %ge3A_915, %sub3A_918, %select_n3A : vector<16xi1>, vector<16xi32>
              %ge3A_920 = arith.constant 2000000 : i32
              %ge3A_921 = vector.broadcast %ge3A_920 : i32 to vector<16xi32>
              %ge3A_922 = arith.cmpi sge, %select_n3A_919, %ge3A_921 : vector<16xi32>
              %sub3A_923 = arith.constant 2000000 : i32
              %sub3A_924 = vector.broadcast %sub3A_923 : i32 to vector<16xi32>
              %sub3A_925 = arith.subi %select_n3A_919, %sub3A_924 : vector<16xi32>
              %select_n3A_926 = arith.select %ge3A_922, %sub3A_925, %select_n3A_919 : vector<16xi1>, vector<16xi32>
              %ge3A_927 = arith.constant 1000000 : i32
              %ge3A_928 = vector.broadcast %ge3A_927 : i32 to vector<16xi32>
              %ge3A_929 = arith.cmpi sge, %select_n3A_926, %ge3A_928 : vector<16xi32>
              %sub3A_930 = arith.constant 1000000 : i32
              %sub3A_931 = vector.broadcast %sub3A_930 : i32 to vector<16xi32>
              %sub3A_932 = arith.subi %select_n3A_926, %sub3A_931 : vector<16xi32>
              %select_n3A_933 = arith.select %ge3A_929, %sub3A_932, %select_n3A_926 : vector<16xi1>, vector<16xi32>
              %ge3A_934 = arith.constant 500000 : i32
              %ge3A_935 = vector.broadcast %ge3A_934 : i32 to vector<16xi32>
              %ge3A_936 = arith.cmpi sge, %select_n3A_933, %ge3A_935 : vector<16xi32>
              %sub3A_937 = arith.constant 500000 : i32
              %sub3A_938 = vector.broadcast %sub3A_937 : i32 to vector<16xi32>
              %sub3A_939 = arith.subi %select_n3A_933, %sub3A_938 : vector<16xi32>
              %select_n3A_940 = arith.select %ge3A_936, %sub3A_939, %select_n3A_933 : vector<16xi1>, vector<16xi32>
              %sub3A_941 = arith.constant 16 : i32
              %sub3A_942 = arith.subi %mul3A_870, %sub3A_941 : i32
              %add3A_943 = arith.addi %mul3A_5, %sub3A_942 : i32
              %add3A_944 = vector.broadcast %add3A_943 : i32 to vector<16xi32>
              %add3A_945 = arith.addi %add3A_944, %iota3A : vector<16xi32>
              %sub3A_946 = arith.constant 1 : i32
              %sub3A_947 = arith.subi %scan3A_820, %sub3A_946 : i32
              %lt3A_948 = vector.broadcast %sub3A_947 : i32 to vector<16xi32>
              %lt3A_949 = arith.cmpi slt, %add3A_945, %lt3A_948 : vector<16xi32>
              %jit3A = arith.constant 0 : i32
              %broadcast_in_dim3A = vector.broadcast %jit3A : i32 to vector<16xi32>
              %select_n3A_950 = arith.select %lt3A_949, %broadcast_in_dim3A, %select_n3A_940 : vector<16xi1>, vector<16xi32>
              %sub3A_951 = arith.constant 2 : i32
              %sub3A_952 = arith.subi %scan3A_820, %sub3A_951 : i32
              %swap3A_953 = arith.constant 1 : i32
              %swap3A_954 = arith.index_cast %swap3A_953 : i32 to index
              %swap3A_955 = arith.index_cast %sub3A_952 : i32 to index
              %swap3A_956 = arith.constant 16 : index
              %swap3A_957 = tpu.vector_load %arg7[%swap3A_954, %swap3A_955, %swap3A_956] {strides = array<i32>} : memref<3x7x32xi32, #tpu.memory_space<vmem>>, vector<1x1x16xi32>,
              %swap3A_958 = vector.shape_cast %swap3A_957 : vector<1x1x16xi32> to vector<16xi32>
              %swap3A_959 = vector.shape_cast %select_n3A_950 : vector<16xi32> to vector<1x1x16xi32>
              tpu.vector_store %arg7[%swap3A_954, %swap3A_955, %swap3A_956], %swap3A_959 {strides = array<i32>} : memref<3x7x32xi32, #tpu.memory_space<vmem>>, vector<1x1x16xi32>,
            } else {
            }
          }
          %scan3A_763 = arith.constant 7 : i32
          %dma_start3A_764 = arith.constant 1 : i32
          %dma_start3A_765 = arith.constant 0 : i32
          %dma_start3A_766 = arith.constant 0 : i32
          %dma_start3A_767 = tpu.memref_slice %arg7[%dma_start3A_764, %dma_start3A_765, %dma_start3A_766] : memref<3x7x32xi32, #tpu.memory_space<vmem>> -> memref<1x1x32xi32, #tpu.memory_space<vmem>>
          %dma_start3A_768 = tpu.memref_squeeze %dma_start3A_767 : memref<1x1x32xi32, #tpu.memory_space<vmem>> -> memref<32xi32, #tpu.memory_space<vmem>>
          %dma_start3A_769 = arith.constant 0 : i32
          %dma_start3A_770 = arith.constant 0 : i32
          %dma_start3A_771 = tpu.memref_slice %arg3[%dma_start3A_769, %dma_start3A_770] : memref<259x128xf32, #tpu.memory_space<hbm>> -> memref<259x128xf32, #tpu.memory_space<hbm>>
          tpu.enqueue_indirect_dma source(%dma_start3A_771 : memref<259x128xf32, #tpu.memory_space<hbm>>) target(%arg15 : memref<32x128xf32, #tpu.memory_space<vmem>>) offsets(%dma_start3A_768 : memref<32xi32, #tpu.memory_space<vmem>>) semaphore(%arg36 : memref<!tpu.dma_semaphore, #tpu.memory_space<semaphore_mem>>)
          %dma_start3A_772 = arith.constant 1 : i32
          %dma_start3A_773 = arith.constant 1 : i32
          %dma_start3A_774 = arith.constant 0 : i32
          %dma_start3A_775 = tpu.memref_slice %arg7[%dma_start3A_772, %dma_start3A_773, %dma_start3A_774] : memref<3x7x32xi32, #tpu.memory_space<vmem>> -> memref<1x1x32xi32, #tpu.memory_space<vmem>>
          %dma_start3A_776 = tpu.memref_squeeze %dma_start3A_775 : memref<1x1x32xi32, #tpu.memory_space<vmem>> -> memref<32xi32, #tpu.memory_space<vmem>>
          %dma_start3A_777 = arith.constant 0 : i32
          %dma_start3A_778 = arith.constant 0 : i32
          %dma_start3A_779 = tpu.memref_slice %arg4[%dma_start3A_777, %dma_start3A_778] : memref<500000x128xf32, #tpu.memory_space<hbm>> -> memref<500000x128xf32, #tpu.memory_space<hbm>>
          tpu.enqueue_indirect_dma source(%dma_start3A_779 : memref<500000x128xf32, #tpu.memory_space<hbm>>) target(%arg16 : memref<32x128xf32, #tpu.memory_space<vmem>>) offsets(%dma_start3A_776 : memref<32xi32, #tpu.memory_space<vmem>>) semaphore(%arg36 : memref<!tpu.dma_semaphore, #tpu.memory_space<semaphore_mem>>)
          %dma_start3A_780 = arith.constant 1 : i32
          %dma_start3A_781 = arith.constant 2 : i32
          %dma_start3A_782 = arith.constant 0 : i32
          %dma_start3A_783 = tpu.memref_slice %arg7[%dma_start3A_780, %dma_start3A_781, %dma_start3A_782] : memref<3x7x32xi32, #tpu.memory_space<vmem>> -> memref<1x1x32xi32, #tpu.memory_space<vmem>>
          %dma_start3A_784 = tpu.memref_squeeze %dma_start3A_783 : memref<1x1x32xi32, #tpu.memory_space<vmem>> -> memref<32xi32, #tpu.memory_space<vmem>>
          %dma_start3A_785 = arith.constant 0 : i32
          %dma_start3A_786 = arith.constant 0 : i32
          %dma_start3A_787 = tpu.memref_slice %arg4[%dma_start3A_785, %dma_start3A_786] : memref<500000x128xf32, #tpu.memory_space<hbm>> -> memref<500000x128xf32, #tpu.memory_space<hbm>>
          tpu.enqueue_indirect_dma source(%dma_start3A_787 : memref<500000x128xf32, #tpu.memory_space<hbm>>) target(%arg17 : memref<32x128xf32, #tpu.memory_space<vmem>>) offsets(%dma_start3A_784 : memref<32xi32, #tpu.memory_space<vmem>>) semaphore(%arg36 : memref<!tpu.dma_semaphore, #tpu.memory_space<semaphore_mem>>)
          %dma_start3A_788 = arith.constant 1 : i32
          %dma_start3A_789 = arith.constant 3 : i32
          %dma_start3A_790 = arith.constant 0 : i32
          %dma_start3A_791 = tpu.memref_slice %arg7[%dma_start3A_788, %dma_start3A_789, %dma_start3A_790] : memref<3x7x32xi32, #tpu.memory_space<vmem>> -> memref<1x1x32xi32, #tpu.memory_space<vmem>>
          %dma_start3A_792 = tpu.memref_squeeze %dma_start3A_791 : memref<1x1x32xi32, #tpu.memory_space<vmem>> -> memref<32xi32, #tpu.memory_space<vmem>>
          %dma_start3A_793 = arith.constant 0 : i32
          %dma_start3A_794 = arith.constant 0 : i32
          %dma_start3A_795 = tpu.memref_slice %arg4[%dma_start3A_793, %dma_start3A_794] : memref<500000x128xf32, #tpu.memory_space<hbm>> -> memref<500000x128xf32, #tpu.memory_space<hbm>>
          tpu.enqueue_indirect_dma source(%dma_start3A_795 : memref<500000x128xf32, #tpu.memory_space<hbm>>) target(%arg18 : memref<32x128xf32, #tpu.memory_space<vmem>>) offsets(%dma_start3A_792 : memref<32xi32, #tpu.memory_space<vmem>>) semaphore(%arg36 : memref<!tpu.dma_semaphore, #tpu.memory_space<semaphore_mem>>)
          %dma_start3A_796 = arith.constant 1 : i32
          %dma_start3A_797 = arith.constant 4 : i32
          %dma_start3A_798 = arith.constant 0 : i32
          %dma_start3A_799 = tpu.memref_slice %arg7[%dma_start3A_796, %dma_start3A_797, %dma_start3A_798] : memref<3x7x32xi32, #tpu.memory_space<vmem>> -> memref<1x1x32xi32, #tpu.memory_space<vmem>>
          %dma_start3A_800 = tpu.memref_squeeze %dma_start3A_799 : memref<1x1x32xi32, #tpu.memory_space<vmem>> -> memref<32xi32, #tpu.memory_space<vmem>>
          %dma_start3A_801 = arith.constant 0 : i32
          %dma_start3A_802 = arith.constant 0 : i32
          %dma_start3A_803 = tpu.memref_slice %arg4[%dma_start3A_801, %dma_start3A_802] : memref<500000x128xf32, #tpu.memory_space<hbm>> -> memref<500000x128xf32, #tpu.memory_space<hbm>>
          tpu.enqueue_indirect_dma source(%dma_start3A_803 : memref<500000x128xf32, #tpu.memory_space<hbm>>) target(%arg19 : memref<32x128xf32, #tpu.memory_space<vmem>>) offsets(%dma_start3A_800 : memref<32xi32, #tpu.memory_space<vmem>>) semaphore(%arg36 : memref<!tpu.dma_semaphore, #tpu.memory_space<semaphore_mem>>)
          %dma_start3A_804 = arith.constant 1 : i32
          %dma_start3A_805 = arith.constant 5 : i32
          %dma_start3A_806 = arith.constant 0 : i32
          %dma_start3A_807 = tpu.memref_slice %arg7[%dma_start3A_804, %dma_start3A_805, %dma_start3A_806] : memref<3x7x32xi32, #tpu.memory_space<vmem>> -> memref<1x1x32xi32, #tpu.memory_space<vmem>>
          %dma_start3A_808 = tpu.memref_squeeze %dma_start3A_807 : memref<1x1x32xi32, #tpu.memory_space<vmem>> -> memref<32xi32, #tpu.memory_space<vmem>>
          %dma_start3A_809 = arith.constant 0 : i32
          %dma_start3A_810 = arith.constant 0 : i32
          %dma_start3A_811 = tpu.memref_slice %arg4[%dma_start3A_809, %dma_start3A_810] : memref<500000x128xf32, #tpu.memory_space<hbm>> -> memref<500000x128xf32, #tpu.memory_space<hbm>>
          tpu.enqueue_indirect_dma source(%dma_start3A_811 : memref<500000x128xf32, #tpu.memory_space<hbm>>) target(%arg20 : memref<32x128xf32, #tpu.memory_space<vmem>>) offsets(%dma_start3A_808 : memref<32xi32, #tpu.memory_space<vmem>>) semaphore(%arg36 : memref<!tpu.dma_semaphore, #tpu.memory_space<semaphore_mem>>)
          %dma_start3A_812 = arith.constant 1 : i32
          %dma_start3A_813 = arith.constant 6 : i32
          %dma_start3A_814 = arith.constant 0 : i32
          %dma_start3A_815 = tpu.memref_slice %arg7[%dma_start3A_812, %dma_start3A_813, %dma_start3A_814] : memref<3x7x32xi32, #tpu.memory_space<vmem>> -> memref<1x1x32xi32, #tpu.memory_space<vmem>>
          %dma_start3A_816 = tpu.memref_squeeze %dma_start3A_815 : memref<1x1x32xi32, #tpu.memory_space<vmem>> -> memref<32xi32, #tpu.memory_space<vmem>>
          %dma_start3A_817 = arith.constant 0 : i32
          %dma_start3A_818 = arith.constant 0 : i32
          %dma_start3A_819 = tpu.memref_slice %arg4[%dma_start3A_817, %dma_start3A_818] : memref<500000x128xf32, #tpu.memory_space<hbm>> -> memref<500000x128xf32, #tpu.memory_space<hbm>>
          tpu.enqueue_indirect_dma source(%dma_start3A_819 : memref<500000x128xf32, #tpu.memory_space<hbm>>) target(%arg21 : memref<32x128xf32, #tpu.memory_space<vmem>>) offsets(%dma_start3A_816 : memref<32xi32, #tpu.memory_space<vmem>>) semaphore(%arg36 : memref<!tpu.dma_semaphore, #tpu.memory_space<semaphore_mem>>)
        } else {
        }
      } else {
      }
      %mul3A_644 = arith.constant 3 : i32
      %mul3A_645 = arith.muli %scan3A_628, %mul3A_644 : i32
      %add3A_646 = arith.constant 2 : i32
      %add3A_647 = arith.addi %mul3A_645, %add3A_646 : i32
      %lt3A_648 = arith.constant 32 : i32
      %lt3A_649 = arith.cmpi slt, %add3A_647, %lt3A_648 : i32
      %convert_element_type3A_650 = arith.extui %lt3A_649 : i1 to i32
      %cond3A_651 = arith.constant 0 : i32
      %cond3A_652 = arith.cmpi ne, %convert_element_type3A_650, %cond3A_651 : i32
      scf.if %cond3A_652 {
        %dma_wait3A_653 = arith.constant 0 : i32
        %dma_wait3A_654 = arith.constant 0 : i32
        %dma_wait3A_655 = tpu.memref_slice %arg4[%dma_wait3A_653, %dma_wait3A_654] : memref<500000x128xf32, #tpu.memory_space<hbm>> -> memref<32x128xf32, #tpu.memory_space<hbm>>
        %dma_wait3A_656 = arith.constant 0 : i32
        %dma_wait3A_657 = arith.constant 0 : i32
        %dma_wait3A_658 = tpu.memref_slice %arg4[%dma_wait3A_656, %dma_wait3A_657] : memref<500000x128xf32, #tpu.memory_space<hbm>> -> memref<32x128xf32, #tpu.memory_space<hbm>>
        tpu.wait_dma2 semaphore(%arg37 : memref<!tpu.dma_semaphore, #tpu.memory_space<semaphore_mem>>) src(%dma_wait3A_658 : memref<32x128xf32, #tpu.memory_space<hbm>>) dst(%arg22 : memref<32x128xf32, #tpu.memory_space<vmem>>)
        %dma_wait3A_659 = arith.constant 0 : i32
        %dma_wait3A_660 = arith.constant 0 : i32
        %dma_wait3A_661 = tpu.memref_slice %arg4[%dma_wait3A_659, %dma_wait3A_660] : memref<500000x128xf32, #tpu.memory_space<hbm>> -> memref<32x128xf32, #tpu.memory_space<hbm>>
        %dma_wait3A_662 = arith.constant 0 : i32
        %dma_wait3A_663 = arith.constant 0 : i32
        %dma_wait3A_664 = tpu.memref_slice %arg4[%dma_wait3A_662, %dma_wait3A_663] : memref<500000x128xf32, #tpu.memory_space<hbm>> -> memref<32x128xf32, #tpu.memory_space<hbm>>
        tpu.wait_dma2 semaphore(%arg37 : memref<!tpu.dma_semaphore, #tpu.memory_space<semaphore_mem>>) src(%dma_wait3A_664 : memref<32x128xf32, #tpu.memory_space<hbm>>) dst(%arg23 : memref<32x128xf32, #tpu.memory_space<vmem>>)
        %dma_wait3A_665 = arith.constant 0 : i32
        %dma_wait3A_666 = arith.constant 0 : i32
        %dma_wait3A_667 = tpu.memref_slice %arg4[%dma_wait3A_665, %dma_wait3A_666] : memref<500000x128xf32, #tpu.memory_space<hbm>> -> memref<32x128xf32, #tpu.memory_space<hbm>>
        %dma_wait3A_668 = arith.constant 0 : i32
        %dma_wait3A_669 = arith.constant 0 : i32
        %dma_wait3A_670 = tpu.memref_slice %arg4[%dma_wait3A_668, %dma_wait3A_669] : memref<500000x128xf32, #tpu.memory_space<hbm>> -> memref<32x128xf32, #tpu.memory_space<hbm>>
        tpu.wait_dma2 semaphore(%arg37 : memref<!tpu.dma_semaphore, #tpu.memory_space<semaphore_mem>>) src(%dma_wait3A_670 : memref<32x128xf32, #tpu.memory_space<hbm>>) dst(%arg24 : memref<32x128xf32, #tpu.memory_space<vmem>>)
        %dma_wait3A_671 = arith.constant 0 : i32
        %dma_wait3A_672 = arith.constant 0 : i32
        %dma_wait3A_673 = tpu.memref_slice %arg4[%dma_wait3A_671, %dma_wait3A_672] : memref<500000x128xf32, #tpu.memory_space<hbm>> -> memref<32x128xf32, #tpu.memory_space<hbm>>
        %dma_wait3A_674 = arith.constant 0 : i32
        %dma_wait3A_675 = arith.constant 0 : i32
        %dma_wait3A_676 = tpu.memref_slice %arg4[%dma_wait3A_674, %dma_wait3A_675] : memref<500000x128xf32, #tpu.memory_space<hbm>> -> memref<32x128xf32, #tpu.memory_space<hbm>>
        tpu.wait_dma2 semaphore(%arg37 : memref<!tpu.dma_semaphore, #tpu.memory_space<semaphore_mem>>) src(%dma_wait3A_676 : memref<32x128xf32, #tpu.memory_space<hbm>>) dst(%arg25 : memref<32x128xf32, #tpu.memory_space<vmem>>)
        %dma_wait3A_677 = arith.constant 0 : i32
        %dma_wait3A_678 = arith.constant 0 : i32
        %dma_wait3A_679 = tpu.memref_slice %arg4[%dma_wait3A_677, %dma_wait3A_678] : memref<500000x128xf32, #tpu.memory_space<hbm>> -> memref<32x128xf32, #tpu.memory_space<hbm>>
        %dma_wait3A_680 = arith.constant 0 : i32
        %dma_wait3A_681 = arith.constant 0 : i32
        %dma_wait3A_682 = tpu.memref_slice %arg4[%dma_wait3A_680, %dma_wait3A_681] : memref<500000x128xf32, #tpu.memory_space<hbm>> -> memref<32x128xf32, #tpu.memory_space<hbm>>
        tpu.wait_dma2 semaphore(%arg37 : memref<!tpu.dma_semaphore, #tpu.memory_space<semaphore_mem>>) src(%dma_wait3A_682 : memref<32x128xf32, #tpu.memory_space<hbm>>) dst(%arg26 : memref<32x128xf32, #tpu.memory_space<vmem>>)
        %dma_wait3A_683 = arith.constant 0 : i32
        %dma_wait3A_684 = arith.constant 0 : i32
        %dma_wait3A_685 = tpu.memref_slice %arg4[%dma_wait3A_683, %dma_wait3A_684] : memref<500000x128xf32, #tpu.memory_space<hbm>> -> memref<32x128xf32, #tpu.memory_space<hbm>>
        %dma_wait3A_686 = arith.constant 0 : i32
        %dma_wait3A_687 = arith.constant 0 : i32
        %dma_wait3A_688 = tpu.memref_slice %arg4[%dma_wait3A_686, %dma_wait3A_687] : memref<500000x128xf32, #tpu.memory_space<hbm>> -> memref<32x128xf32, #tpu.memory_space<hbm>>
        tpu.wait_dma2 semaphore(%arg37 : memref<!tpu.dma_semaphore, #tpu.memory_space<semaphore_mem>>) src(%dma_wait3A_688 : memref<32x128xf32, #tpu.memory_space<hbm>>) dst(%arg27 : memref<32x128xf32, #tpu.memory_space<vmem>>)
        %dma_wait3A_689 = arith.constant 0 : i32
        %dma_wait3A_690 = arith.constant 0 : i32
        %dma_wait3A_691 = tpu.memref_slice %arg4[%dma_wait3A_689, %dma_wait3A_690] : memref<500000x128xf32, #tpu.memory_space<hbm>> -> memref<32x128xf32, #tpu.memory_space<hbm>>
        %dma_wait3A_692 = arith.constant 0 : i32
        %dma_wait3A_693 = arith.constant 0 : i32
        %dma_wait3A_694 = tpu.memref_slice %arg4[%dma_wait3A_692, %dma_wait3A_693] : memref<500000x128xf32, #tpu.memory_space<hbm>> -> memref<32x128xf32, #tpu.memory_space<hbm>>
        tpu.wait_dma2 semaphore(%arg37 : memref<!tpu.dma_semaphore, #tpu.memory_space<semaphore_mem>>) src(%dma_wait3A_694 : memref<32x128xf32, #tpu.memory_space<hbm>>) dst(%arg28 : memref<32x128xf32, #tpu.memory_space<vmem>>)
        %ge3A = arith.constant 3 : i32
        %ge3A_695 = arith.cmpi sge, %add3A_647, %ge3A : i32
        %convert_element_type3A_696 = arith.extui %ge3A_695 : i1 to i32
        %cond3A_697 = arith.constant 0 : i32
        %cond3A_698 = arith.cmpi ne, %convert_element_type3A_696, %cond3A_697 : i32
        scf.if %cond3A_698 {
          %dma_wait3A_718 = arith.constant 0 : i32
          %dma_wait3A_719 = arith.constant 0 : i32
          %dma_wait3A_720 = tpu.memref_slice %arg6[%dma_wait3A_718, %dma_wait3A_719] : memref<32768x128xf32, #tpu.memory_space<hbm>> -> memref<32x128xf32, #tpu.memory_space<hbm>>
          %dma_wait3A_721 = arith.constant 0 : i32
          %dma_wait3A_722 = arith.constant 0 : i32
          %dma_wait3A_723 = tpu.memref_slice %arg6[%dma_wait3A_721, %dma_wait3A_722] : memref<32768x128xf32, #tpu.memory_space<hbm>> -> memref<32x128xf32, #tpu.memory_space<hbm>>
          tpu.wait_dma2 semaphore(%arg40 : memref<!tpu.dma_semaphore, #tpu.memory_space<semaphore_mem>>) src(%arg31 : memref<32x128xf32, #tpu.memory_space<vmem>>) dst(%dma_wait3A_723 : memref<32x128xf32, #tpu.memory_space<hbm>>)
        } else {
        }
        %scan3A_699 = arith.constant 0 : i32
        %scan3A_700 = arith.constant 32 : i32
        %scan3A_701 = arith.addi %scan3A_699, %scan3A_700 : i32
        %scan3A_702 = arith.constant 1 : i32
        scf.for %scan3A_718 = %scan3A_699 to %scan3A_701 step %scan3A_702  : i32 {
          %get3A_719 = arith.index_cast %scan3A_718 : i32 to index
          %get3A_720 = arith.constant 0 : index
          %get3A_721 = tpu.vector_load %arg22[%get3A_719, %get3A_720] {strides = array<i32>} : memref<32x128xf32, #tpu.memory_space<vmem>>, vector<1x16xf32>,
          %get3A_722 = vector.shape_cast %get3A_721 : vector<1x16xf32> to vector<16xf32>
          %get3A_723 = arith.index_cast %scan3A_718 : i32 to index
          %get3A_724 = arith.constant 0 : index
          %get3A_725 = tpu.vector_load %arg23[%get3A_723, %get3A_724] {strides = array<i32>} : memref<32x128xf32, #tpu.memory_space<vmem>>, vector<1x16xf32>,
          %get3A_726 = vector.shape_cast %get3A_725 : vector<1x16xf32> to vector<16xf32>
          %add3A_727 = arith.addf %get3A_722, %get3A_726 : vector<16xf32>
          %get3A_728 = arith.index_cast %scan3A_718 : i32 to index
          %get3A_729 = arith.constant 0 : index
          %get3A_730 = tpu.vector_load %arg24[%get3A_728, %get3A_729] {strides = array<i32>} : memref<32x128xf32, #tpu.memory_space<vmem>>, vector<1x16xf32>,
          %get3A_731 = vector.shape_cast %get3A_730 : vector<1x16xf32> to vector<16xf32>
          %add3A_732 = arith.addf %add3A_727, %get3A_731 : vector<16xf32>
          %get3A_733 = arith.index_cast %scan3A_718 : i32 to index
          %get3A_734 = arith.constant 0 : index
          %get3A_735 = tpu.vector_load %arg25[%get3A_733, %get3A_734] {strides = array<i32>} : memref<32x128xf32, #tpu.memory_space<vmem>>, vector<1x16xf32>,
          %get3A_736 = vector.shape_cast %get3A_735 : vector<1x16xf32> to vector<16xf32>
          %add3A_737 = arith.addf %add3A_732, %get3A_736 : vector<16xf32>
          %get3A_738 = arith.index_cast %scan3A_718 : i32 to index
          %get3A_739 = arith.constant 0 : index
          %get3A_740 = tpu.vector_load %arg26[%get3A_738, %get3A_739] {strides = array<i32>} : memref<32x128xf32, #tpu.memory_space<vmem>>, vector<1x16xf32>,
          %get3A_741 = vector.shape_cast %get3A_740 : vector<1x16xf32> to vector<16xf32>
          %add3A_742 = arith.addf %add3A_737, %get3A_741 : vector<16xf32>
          %get3A_743 = arith.index_cast %scan3A_718 : i32 to index
          %get3A_744 = arith.constant 0 : index
          %get3A_745 = tpu.vector_load %arg27[%get3A_743, %get3A_744] {strides = array<i32>} : memref<32x128xf32, #tpu.memory_space<vmem>>, vector<1x16xf32>,
          %get3A_746 = vector.shape_cast %get3A_745 : vector<1x16xf32> to vector<16xf32>
          %add3A_747 = arith.addf %add3A_742, %get3A_746 : vector<16xf32>
          %get3A_748 = arith.index_cast %scan3A_718 : i32 to index
          %get3A_749 = arith.constant 0 : index
          %get3A_750 = tpu.vector_load %arg28[%get3A_748, %get3A_749] {strides = array<i32>} : memref<32x128xf32, #tpu.memory_space<vmem>>, vector<1x16xf32>,
          %get3A_751 = vector.shape_cast %get3A_750 : vector<1x16xf32> to vector<16xf32>
          %add3A_752 = arith.addf %add3A_747, %get3A_751 : vector<16xf32>
          %add3A_753 = arith.addf %add3A_752, %add3A_41 : vector<16xf32>
          %mul3A_754 = arith.constant 0.142857149 : f32
          %mul3A_755 = vector.broadcast %mul3A_754 : f32 to vector<16xf32>
          %mul3A_756 = arith.mulf %add3A_753, %mul3A_755 : vector<16xf32>
          %swap3A_757 = arith.index_cast %scan3A_718 : i32 to index
          %swap3A_758 = arith.constant 0 : index
          %swap3A_759 = tpu.vector_load %arg31[%swap3A_757, %swap3A_758] {strides = array<i32>} : memref<32x128xf32, #tpu.memory_space<vmem>>, vector<1x16xf32>,
          %swap3A_760 = vector.shape_cast %swap3A_759 : vector<1x16xf32> to vector<16xf32>
          %swap3A_761 = vector.shape_cast %mul3A_756 : vector<16xf32> to vector<1x16xf32>
          tpu.vector_store %arg31[%swap3A_757, %swap3A_758], %swap3A_761 {strides = array<i32>} : memref<32x128xf32, #tpu.memory_space<vmem>>, vector<1x16xf32>,
          %get3A_762 = arith.index_cast %scan3A_718 : i32 to index
          %get3A_763 = arith.constant 16 : index
          %get3A_764 = tpu.vector_load %arg22[%get3A_762, %get3A_763] {strides = array<i32>} : memref<32x128xf32, #tpu.memory_space<vmem>>, vector<1x16xf32>,
          %get3A_765 = vector.shape_cast %get3A_764 : vector<1x16xf32> to vector<16xf32>
          %get3A_766 = arith.index_cast %scan3A_718 : i32 to index
          %get3A_767 = arith.constant 16 : index
          %get3A_768 = tpu.vector_load %arg23[%get3A_766, %get3A_767] {strides = array<i32>} : memref<32x128xf32, #tpu.memory_space<vmem>>, vector<1x16xf32>,
          %get3A_769 = vector.shape_cast %get3A_768 : vector<1x16xf32> to vector<16xf32>
          %add3A_770 = arith.addf %get3A_765, %get3A_769 : vector<16xf32>
          %get3A_771 = arith.index_cast %scan3A_718 : i32 to index
          %get3A_772 = arith.constant 16 : index
          %get3A_773 = tpu.vector_load %arg24[%get3A_771, %get3A_772] {strides = array<i32>} : memref<32x128xf32, #tpu.memory_space<vmem>>, vector<1x16xf32>,
          %get3A_774 = vector.shape_cast %get3A_773 : vector<1x16xf32> to vector<16xf32>
          %add3A_775 = arith.addf %add3A_770, %get3A_774 : vector<16xf32>
          %get3A_776 = arith.index_cast %scan3A_718 : i32 to index
          %get3A_777 = arith.constant 16 : index
          %get3A_778 = tpu.vector_load %arg25[%get3A_776, %get3A_777] {strides = array<i32>} : memref<32x128xf32, #tpu.memory_space<vmem>>, vector<1x16xf32>,
          %get3A_779 = vector.shape_cast %get3A_778 : vector<1x16xf32> to vector<16xf32>
          %add3A_780 = arith.addf %add3A_775, %get3A_779 : vector<16xf32>
          %get3A_781 = arith.index_cast %scan3A_718 : i32 to index
          %get3A_782 = arith.constant 16 : index
          %get3A_783 = tpu.vector_load %arg26[%get3A_781, %get3A_782] {strides = array<i32>} : memref<32x128xf32, #tpu.memory_space<vmem>>, vector<1x16xf32>,
          %get3A_784 = vector.shape_cast %get3A_783 : vector<1x16xf32> to vector<16xf32>
          %add3A_785 = arith.addf %add3A_780, %get3A_784 : vector<16xf32>
          %get3A_786 = arith.index_cast %scan3A_718 : i32 to index
          %get3A_787 = arith.constant 16 : index
          %get3A_788 = tpu.vector_load %arg27[%get3A_786, %get3A_787] {strides = array<i32>} : memref<32x128xf32, #tpu.memory_space<vmem>>, vector<1x16xf32>,
          %get3A_789 = vector.shape_cast %get3A_788 : vector<1x16xf32> to vector<16xf32>
          %add3A_790 = arith.addf %add3A_785, %get3A_789 : vector<16xf32>
          %get3A_791 = arith.index_cast %scan3A_718 : i32 to index
          %get3A_792 = arith.constant 16 : index
          %get3A_793 = tpu.vector_load %arg28[%get3A_791, %get3A_792] {strides = array<i32>} : memref<32x128xf32, #tpu.memory_space<vmem>>, vector<1x16xf32>,
          %get3A_794 = vector.shape_cast %get3A_793 : vector<1x16xf32> to vector<16xf32>
          %add3A_795 = arith.addf %add3A_790, %get3A_794 : vector<16xf32>
          %add3A_796 = arith.addf %add3A_795, %add3A_76 : vector<16xf32>
          %mul3A_797 = arith.constant 0.142857149 : f32
          %mul3A_798 = vector.broadcast %mul3A_797 : f32 to vector<16xf32>
          %mul3A_799 = arith.mulf %add3A_796, %mul3A_798 : vector<16xf32>
          %swap3A_800 = arith.index_cast %scan3A_718 : i32 to index
          %swap3A_801 = arith.constant 16 : index
          %swap3A_802 = tpu.vector_load %arg31[%swap3A_800, %swap3A_801] {strides = array<i32>} : memref<32x128xf32, #tpu.memory_space<vmem>>, vector<1x16xf32>,
          %swap3A_803 = vector.shape_cast %swap3A_802 : vector<1x16xf32> to vector<16xf32>
          %swap3A_804 = vector.shape_cast %mul3A_799 : vector<16xf32> to vector<1x16xf32>
          tpu.vector_store %arg31[%swap3A_800, %swap3A_801], %swap3A_804 {strides = array<i32>} : memref<32x128xf32, #tpu.memory_space<vmem>>, vector<1x16xf32>,
          %get3A_805 = arith.index_cast %scan3A_718 : i32 to index
          %get3A_806 = arith.constant 32 : index
          %get3A_807 = tpu.vector_load %arg22[%get3A_805, %get3A_806] {strides = array<i32>} : memref<32x128xf32, #tpu.memory_space<vmem>>, vector<1x16xf32>,
          %get3A_808 = vector.shape_cast %get3A_807 : vector<1x16xf32> to vector<16xf32>
          %get3A_809 = arith.index_cast %scan3A_718 : i32 to index
          %get3A_810 = arith.constant 32 : index
          %get3A_811 = tpu.vector_load %arg23[%get3A_809, %get3A_810] {strides = array<i32>} : memref<32x128xf32, #tpu.memory_space<vmem>>, vector<1x16xf32>,
          %get3A_812 = vector.shape_cast %get3A_811 : vector<1x16xf32> to vector<16xf32>
          %add3A_813 = arith.addf %get3A_808, %get3A_812 : vector<16xf32>
          %get3A_814 = arith.index_cast %scan3A_718 : i32 to index
          %get3A_815 = arith.constant 32 : index
          %get3A_816 = tpu.vector_load %arg24[%get3A_814, %get3A_815] {strides = array<i32>} : memref<32x128xf32, #tpu.memory_space<vmem>>, vector<1x16xf32>,
          %get3A_817 = vector.shape_cast %get3A_816 : vector<1x16xf32> to vector<16xf32>
          %add3A_818 = arith.addf %add3A_813, %get3A_817 : vector<16xf32>
          %get3A_819 = arith.index_cast %scan3A_718 : i32 to index
          %get3A_820 = arith.constant 32 : index
          %get3A_821 = tpu.vector_load %arg25[%get3A_819, %get3A_820] {strides = array<i32>} : memref<32x128xf32, #tpu.memory_space<vmem>>, vector<1x16xf32>,
          %get3A_822 = vector.shape_cast %get3A_821 : vector<1x16xf32> to vector<16xf32>
          %add3A_823 = arith.addf %add3A_818, %get3A_822 : vector<16xf32>
          %get3A_824 = arith.index_cast %scan3A_718 : i32 to index
          %get3A_825 = arith.constant 32 : index
          %get3A_826 = tpu.vector_load %arg26[%get3A_824, %get3A_825] {strides = array<i32>} : memref<32x128xf32, #tpu.memory_space<vmem>>, vector<1x16xf32>,
          %get3A_827 = vector.shape_cast %get3A_826 : vector<1x16xf32> to vector<16xf32>
          %add3A_828 = arith.addf %add3A_823, %get3A_827 : vector<16xf32>
          %get3A_829 = arith.index_cast %scan3A_718 : i32 to index
          %get3A_830 = arith.constant 32 : index
          %get3A_831 = tpu.vector_load %arg27[%get3A_829, %get3A_830] {strides = array<i32>} : memref<32x128xf32, #tpu.memory_space<vmem>>, vector<1x16xf32>,
          %get3A_832 = vector.shape_cast %get3A_831 : vector<1x16xf32> to vector<16xf32>
          %add3A_833 = arith.addf %add3A_828, %get3A_832 : vector<16xf32>
          %get3A_834 = arith.index_cast %scan3A_718 : i32 to index
          %get3A_835 = arith.constant 32 : index
          %get3A_836 = tpu.vector_load %arg28[%get3A_834, %get3A_835] {strides = array<i32>} : memref<32x128xf32, #tpu.memory_space<vmem>>, vector<1x16xf32>,
          %get3A_837 = vector.shape_cast %get3A_836 : vector<1x16xf32> to vector<16xf32>
          %add3A_838 = arith.addf %add3A_833, %get3A_837 : vector<16xf32>
          %add3A_839 = arith.addf %add3A_838, %add3A_111 : vector<16xf32>
          %mul3A_840 = arith.constant 0.142857149 : f32
          %mul3A_841 = vector.broadcast %mul3A_840 : f32 to vector<16xf32>
          %mul3A_842 = arith.mulf %add3A_839, %mul3A_841 : vector<16xf32>
          %swap3A_843 = arith.index_cast %scan3A_718 : i32 to index
          %swap3A_844 = arith.constant 32 : index
          %swap3A_845 = tpu.vector_load %arg31[%swap3A_843, %swap3A_844] {strides = array<i32>} : memref<32x128xf32, #tpu.memory_space<vmem>>, vector<1x16xf32>,
          %swap3A_846 = vector.shape_cast %swap3A_845 : vector<1x16xf32> to vector<16xf32>
          %swap3A_847 = vector.shape_cast %mul3A_842 : vector<16xf32> to vector<1x16xf32>
          tpu.vector_store %arg31[%swap3A_843, %swap3A_844], %swap3A_847 {strides = array<i32>} : memref<32x128xf32, #tpu.memory_space<vmem>>, vector<1x16xf32>,
          %get3A_848 = arith.index_cast %scan3A_718 : i32 to index
          %get3A_849 = arith.constant 48 : index
          %get3A_850 = tpu.vector_load %arg22[%get3A_848, %get3A_849] {strides = array<i32>} : memref<32x128xf32, #tpu.memory_space<vmem>>, vector<1x16xf32>,
          %get3A_851 = vector.shape_cast %get3A_850 : vector<1x16xf32> to vector<16xf32>
          %get3A_852 = arith.index_cast %scan3A_718 : i32 to index
          %get3A_853 = arith.constant 48 : index
          %get3A_854 = tpu.vector_load %arg23[%get3A_852, %get3A_853] {strides = array<i32>} : memref<32x128xf32, #tpu.memory_space<vmem>>, vector<1x16xf32>,
          %get3A_855 = vector.shape_cast %get3A_854 : vector<1x16xf32> to vector<16xf32>
          %add3A_856 = arith.addf %get3A_851, %get3A_855 : vector<16xf32>
          %get3A_857 = arith.index_cast %scan3A_718 : i32 to index
          %get3A_858 = arith.constant 48 : index
          %get3A_859 = tpu.vector_load %arg24[%get3A_857, %get3A_858] {strides = array<i32>} : memref<32x128xf32, #tpu.memory_space<vmem>>, vector<1x16xf32>,
          %get3A_860 = vector.shape_cast %get3A_859 : vector<1x16xf32> to vector<16xf32>
          %add3A_861 = arith.addf %add3A_856, %get3A_860 : vector<16xf32>
          %get3A_862 = arith.index_cast %scan3A_718 : i32 to index
          %get3A_863 = arith.constant 48 : index
          %get3A_864 = tpu.vector_load %arg25[%get3A_862, %get3A_863] {strides = array<i32>} : memref<32x128xf32, #tpu.memory_space<vmem>>, vector<1x16xf32>,
          %get3A_865 = vector.shape_cast %get3A_864 : vector<1x16xf32> to vector<16xf32>
          %add3A_866 = arith.addf %add3A_861, %get3A_865 : vector<16xf32>
          %get3A_867 = arith.index_cast %scan3A_718 : i32 to index
          %get3A_868 = arith.constant 48 : index
          %get3A_869 = tpu.vector_load %arg26[%get3A_867, %get3A_868] {strides = array<i32>} : memref<32x128xf32, #tpu.memory_space<vmem>>, vector<1x16xf32>,
          %get3A_870 = vector.shape_cast %get3A_869 : vector<1x16xf32> to vector<16xf32>
          %add3A_871 = arith.addf %add3A_866, %get3A_870 : vector<16xf32>
          %get3A_872 = arith.index_cast %scan3A_718 : i32 to index
          %get3A_873 = arith.constant 48 : index
          %get3A_874 = tpu.vector_load %arg27[%get3A_872, %get3A_873] {strides = array<i32>} : memref<32x128xf32, #tpu.memory_space<vmem>>, vector<1x16xf32>,
          %get3A_875 = vector.shape_cast %get3A_874 : vector<1x16xf32> to vector<16xf32>
          %add3A_876 = arith.addf %add3A_871, %get3A_875 : vector<16xf32>
          %get3A_877 = arith.index_cast %scan3A_718 : i32 to index
          %get3A_878 = arith.constant 48 : index
          %get3A_879 = tpu.vector_load %arg28[%get3A_877, %get3A_878] {strides = array<i32>} : memref<32x128xf32, #tpu.memory_space<vmem>>, vector<1x16xf32>,
          %get3A_880 = vector.shape_cast %get3A_879 : vector<1x16xf32> to vector<16xf32>
          %add3A_881 = arith.addf %add3A_876, %get3A_880 : vector<16xf32>
          %add3A_882 = arith.addf %add3A_881, %add3A_146 : vector<16xf32>
          %mul3A_883 = arith.constant 0.142857149 : f32
          %mul3A_884 = vector.broadcast %mul3A_883 : f32 to vector<16xf32>
          %mul3A_885 = arith.mulf %add3A_882, %mul3A_884 : vector<16xf32>
          %swap3A_886 = arith.index_cast %scan3A_718 : i32 to index
          %swap3A_887 = arith.constant 48 : index
          %swap3A_888 = tpu.vector_load %arg31[%swap3A_886, %swap3A_887] {strides = array<i32>} : memref<32x128xf32, #tpu.memory_space<vmem>>, vector<1x16xf32>,
          %swap3A_889 = vector.shape_cast %swap3A_888 : vector<1x16xf32> to vector<16xf32>
          %swap3A_890 = vector.shape_cast %mul3A_885 : vector<16xf32> to vector<1x16xf32>
          tpu.vector_store %arg31[%swap3A_886, %swap3A_887], %swap3A_890 {strides = array<i32>} : memref<32x128xf32, #tpu.memory_space<vmem>>, vector<1x16xf32>,
          %get3A_891 = arith.index_cast %scan3A_718 : i32 to index
          %get3A_892 = arith.constant 64 : index
          %get3A_893 = tpu.vector_load %arg22[%get3A_891, %get3A_892] {strides = array<i32>} : memref<32x128xf32, #tpu.memory_space<vmem>>, vector<1x16xf32>,
          %get3A_894 = vector.shape_cast %get3A_893 : vector<1x16xf32> to vector<16xf32>
          %get3A_895 = arith.index_cast %scan3A_718 : i32 to index
          %get3A_896 = arith.constant 64 : index
          %get3A_897 = tpu.vector_load %arg23[%get3A_895, %get3A_896] {strides = array<i32>} : memref<32x128xf32, #tpu.memory_space<vmem>>, vector<1x16xf32>,
          %get3A_898 = vector.shape_cast %get3A_897 : vector<1x16xf32> to vector<16xf32>
          %add3A_899 = arith.addf %get3A_894, %get3A_898 : vector<16xf32>
          %get3A_900 = arith.index_cast %scan3A_718 : i32 to index
          %get3A_901 = arith.constant 64 : index
          %get3A_902 = tpu.vector_load %arg24[%get3A_900, %get3A_901] {strides = array<i32>} : memref<32x128xf32, #tpu.memory_space<vmem>>, vector<1x16xf32>,
          %get3A_903 = vector.shape_cast %get3A_902 : vector<1x16xf32> to vector<16xf32>
          %add3A_904 = arith.addf %add3A_899, %get3A_903 : vector<16xf32>
          %get3A_905 = arith.index_cast %scan3A_718 : i32 to index
          %get3A_906 = arith.constant 64 : index
          %get3A_907 = tpu.vector_load %arg25[%get3A_905, %get3A_906] {strides = array<i32>} : memref<32x128xf32, #tpu.memory_space<vmem>>, vector<1x16xf32>,
          %get3A_908 = vector.shape_cast %get3A_907 : vector<1x16xf32> to vector<16xf32>
          %add3A_909 = arith.addf %add3A_904, %get3A_908 : vector<16xf32>
          %get3A_910 = arith.index_cast %scan3A_718 : i32 to index
          %get3A_911 = arith.constant 64 : index
          %get3A_912 = tpu.vector_load %arg26[%get3A_910, %get3A_911] {strides = array<i32>} : memref<32x128xf32, #tpu.memory_space<vmem>>, vector<1x16xf32>,
          %get3A_913 = vector.shape_cast %get3A_912 : vector<1x16xf32> to vector<16xf32>
          %add3A_914 = arith.addf %add3A_909, %get3A_913 : vector<16xf32>
          %get3A_915 = arith.index_cast %scan3A_718 : i32 to index
          %get3A_916 = arith.constant 64 : index
          %get3A_917 = tpu.vector_load %arg27[%get3A_915, %get3A_916] {strides = array<i32>} : memref<32x128xf32, #tpu.memory_space<vmem>>, vector<1x16xf32>,
          %get3A_918 = vector.shape_cast %get3A_917 : vector<1x16xf32> to vector<16xf32>
          %add3A_919 = arith.addf %add3A_914, %get3A_918 : vector<16xf32>
          %get3A_920 = arith.index_cast %scan3A_718 : i32 to index
          %get3A_921 = arith.constant 64 : index
          %get3A_922 = tpu.vector_load %arg28[%get3A_920, %get3A_921] {strides = array<i32>} : memref<32x128xf32, #tpu.memory_space<vmem>>, vector<1x16xf32>,
          %get3A_923 = vector.shape_cast %get3A_922 : vector<1x16xf32> to vector<16xf32>
          %add3A_924 = arith.addf %add3A_919, %get3A_923 : vector<16xf32>
          %add3A_925 = arith.addf %add3A_924, %add3A_181 : vector<16xf32>
          %mul3A_926 = arith.constant 0.142857149 : f32
          %mul3A_927 = vector.broadcast %mul3A_926 : f32 to vector<16xf32>
          %mul3A_928 = arith.mulf %add3A_925, %mul3A_927 : vector<16xf32>
          %swap3A_929 = arith.index_cast %scan3A_718 : i32 to index
          %swap3A_930 = arith.constant 64 : index
          %swap3A_931 = tpu.vector_load %arg31[%swap3A_929, %swap3A_930] {strides = array<i32>} : memref<32x128xf32, #tpu.memory_space<vmem>>, vector<1x16xf32>,
          %swap3A_932 = vector.shape_cast %swap3A_931 : vector<1x16xf32> to vector<16xf32>
          %swap3A_933 = vector.shape_cast %mul3A_928 : vector<16xf32> to vector<1x16xf32>
          tpu.vector_store %arg31[%swap3A_929, %swap3A_930], %swap3A_933 {strides = array<i32>} : memref<32x128xf32, #tpu.memory_space<vmem>>, vector<1x16xf32>,
          %get3A_934 = arith.index_cast %scan3A_718 : i32 to index
          %get3A_935 = arith.constant 80 : index
          %get3A_936 = tpu.vector_load %arg22[%get3A_934, %get3A_935] {strides = array<i32>} : memref<32x128xf32, #tpu.memory_space<vmem>>, vector<1x16xf32>,
          %get3A_937 = vector.shape_cast %get3A_936 : vector<1x16xf32> to vector<16xf32>
          %get3A_938 = arith.index_cast %scan3A_718 : i32 to index
          %get3A_939 = arith.constant 80 : index
          %get3A_940 = tpu.vector_load %arg23[%get3A_938, %get3A_939] {strides = array<i32>} : memref<32x128xf32, #tpu.memory_space<vmem>>, vector<1x16xf32>,
          %get3A_941 = vector.shape_cast %get3A_940 : vector<1x16xf32> to vector<16xf32>
          %add3A_942 = arith.addf %get3A_937, %get3A_941 : vector<16xf32>
          %get3A_943 = arith.index_cast %scan3A_718 : i32 to index
          %get3A_944 = arith.constant 80 : index
          %get3A_945 = tpu.vector_load %arg24[%get3A_943, %get3A_944] {strides = array<i32>} : memref<32x128xf32, #tpu.memory_space<vmem>>, vector<1x16xf32>,
          %get3A_946 = vector.shape_cast %get3A_945 : vector<1x16xf32> to vector<16xf32>
          %add3A_947 = arith.addf %add3A_942, %get3A_946 : vector<16xf32>
          %get3A_948 = arith.index_cast %scan3A_718 : i32 to index
          %get3A_949 = arith.constant 80 : index
          %get3A_950 = tpu.vector_load %arg25[%get3A_948, %get3A_949] {strides = array<i32>} : memref<32x128xf32, #tpu.memory_space<vmem>>, vector<1x16xf32>,
          %get3A_951 = vector.shape_cast %get3A_950 : vector<1x16xf32> to vector<16xf32>
          %add3A_952 = arith.addf %add3A_947, %get3A_951 : vector<16xf32>
          %get3A_953 = arith.index_cast %scan3A_718 : i32 to index
          %get3A_954 = arith.constant 80 : index
          %get3A_955 = tpu.vector_load %arg26[%get3A_953, %get3A_954] {strides = array<i32>} : memref<32x128xf32, #tpu.memory_space<vmem>>, vector<1x16xf32>,
          %get3A_956 = vector.shape_cast %get3A_955 : vector<1x16xf32> to vector<16xf32>
          %add3A_957 = arith.addf %add3A_952, %get3A_956 : vector<16xf32>
          %get3A_958 = arith.index_cast %scan3A_718 : i32 to index
          %get3A_959 = arith.constant 80 : index
          %get3A_960 = tpu.vector_load %arg27[%get3A_958, %get3A_959] {strides = array<i32>} : memref<32x128xf32, #tpu.memory_space<vmem>>, vector<1x16xf32>,
          %get3A_961 = vector.shape_cast %get3A_960 : vector<1x16xf32> to vector<16xf32>
          %add3A_962 = arith.addf %add3A_957, %get3A_961 : vector<16xf32>
          %get3A_963 = arith.index_cast %scan3A_718 : i32 to index
          %get3A_964 = arith.constant 80 : index
          %get3A_965 = tpu.vector_load %arg28[%get3A_963, %get3A_964] {strides = array<i32>} : memref<32x128xf32, #tpu.memory_space<vmem>>, vector<1x16xf32>,
          %get3A_966 = vector.shape_cast %get3A_965 : vector<1x16xf32> to vector<16xf32>
          %add3A_967 = arith.addf %add3A_962, %get3A_966 : vector<16xf32>
          %add3A_968 = arith.addf %add3A_967, %add3A_216 : vector<16xf32>
          %mul3A_969 = arith.constant 0.142857149 : f32
          %mul3A_970 = vector.broadcast %mul3A_969 : f32 to vector<16xf32>
          %mul3A_971 = arith.mulf %add3A_968, %mul3A_970 : vector<16xf32>
          %swap3A_972 = arith.index_cast %scan3A_718 : i32 to index
          %swap3A_973 = arith.constant 80 : index
          %swap3A_974 = tpu.vector_load %arg31[%swap3A_972, %swap3A_973] {strides = array<i32>} : memref<32x128xf32, #tpu.memory_space<vmem>>, vector<1x16xf32>,
          %swap3A_975 = vector.shape_cast %swap3A_974 : vector<1x16xf32> to vector<16xf32>
          %swap3A_976 = vector.shape_cast %mul3A_971 : vector<16xf32> to vector<1x16xf32>
          tpu.vector_store %arg31[%swap3A_972, %swap3A_973], %swap3A_976 {strides = array<i32>} : memref<32x128xf32, #tpu.memory_space<vmem>>, vector<1x16xf32>,
          %get3A_977 = arith.index_cast %scan3A_718 : i32 to index
          %get3A_978 = arith.constant 96 : index
          %get3A_979 = tpu.vector_load %arg22[%get3A_977, %get3A_978] {strides = array<i32>} : memref<32x128xf32, #tpu.memory_space<vmem>>, vector<1x16xf32>,
          %get3A_980 = vector.shape_cast %get3A_979 : vector<1x16xf32> to vector<16xf32>
          %get3A_981 = arith.index_cast %scan3A_718 : i32 to index
          %get3A_982 = arith.constant 96 : index
          %get3A_983 = tpu.vector_load %arg23[%get3A_981, %get3A_982] {strides = array<i32>} : memref<32x128xf32, #tpu.memory_space<vmem>>, vector<1x16xf32>,
          %get3A_984 = vector.shape_cast %get3A_983 : vector<1x16xf32> to vector<16xf32>
          %add3A_985 = arith.addf %get3A_980, %get3A_984 : vector<16xf32>
          %get3A_986 = arith.index_cast %scan3A_718 : i32 to index
          %get3A_987 = arith.constant 96 : index
          %get3A_988 = tpu.vector_load %arg24[%get3A_986, %get3A_987] {strides = array<i32>} : memref<32x128xf32, #tpu.memory_space<vmem>>, vector<1x16xf32>,
          %get3A_989 = vector.shape_cast %get3A_988 : vector<1x16xf32> to vector<16xf32>
          %add3A_990 = arith.addf %add3A_985, %get3A_989 : vector<16xf32>
          %get3A_991 = arith.index_cast %scan3A_718 : i32 to index
          %get3A_992 = arith.constant 96 : index
          %get3A_993 = tpu.vector_load %arg25[%get3A_991, %get3A_992] {strides = array<i32>} : memref<32x128xf32, #tpu.memory_space<vmem>>, vector<1x16xf32>,
          %get3A_994 = vector.shape_cast %get3A_993 : vector<1x16xf32> to vector<16xf32>
          %add3A_995 = arith.addf %add3A_990, %get3A_994 : vector<16xf32>
          %get3A_996 = arith.index_cast %scan3A_718 : i32 to index
          %get3A_997 = arith.constant 96 : index
          %get3A_998 = tpu.vector_load %arg26[%get3A_996, %get3A_997] {strides = array<i32>} : memref<32x128xf32, #tpu.memory_space<vmem>>, vector<1x16xf32>,
          %get3A_999 = vector.shape_cast %get3A_998 : vector<1x16xf32> to vector<16xf32>
          %add3A_1000 = arith.addf %add3A_995, %get3A_999 : vector<16xf32>
          %get3A_1001 = arith.index_cast %scan3A_718 : i32 to index
          %get3A_1002 = arith.constant 96 : index
          %get3A_1003 = tpu.vector_load %arg27[%get3A_1001, %get3A_1002] {strides = array<i32>} : memref<32x128xf32, #tpu.memory_space<vmem>>, vector<1x16xf32>,
          %get3A_1004 = vector.shape_cast %get3A_1003 : vector<1x16xf32> to vector<16xf32>
          %add3A_1005 = arith.addf %add3A_1000, %get3A_1004 : vector<16xf32>
          %get3A_1006 = arith.index_cast %scan3A_718 : i32 to index
          %get3A_1007 = arith.constant 96 : index
          %get3A_1008 = tpu.vector_load %arg28[%get3A_1006, %get3A_1007] {strides = array<i32>} : memref<32x128xf32, #tpu.memory_space<vmem>>, vector<1x16xf32>,
          %get3A_1009 = vector.shape_cast %get3A_1008 : vector<1x16xf32> to vector<16xf32>
          %add3A_1010 = arith.addf %add3A_1005, %get3A_1009 : vector<16xf32>
          %add3A_1011 = arith.addf %add3A_1010, %add3A_251 : vector<16xf32>
          %mul3A_1012 = arith.constant 0.142857149 : f32
          %mul3A_1013 = vector.broadcast %mul3A_1012 : f32 to vector<16xf32>
          %mul3A_1014 = arith.mulf %add3A_1011, %mul3A_1013 : vector<16xf32>
          %swap3A_1015 = arith.index_cast %scan3A_718 : i32 to index
          %swap3A_1016 = arith.constant 96 : index
          %swap3A_1017 = tpu.vector_load %arg31[%swap3A_1015, %swap3A_1016] {strides = array<i32>} : memref<32x128xf32, #tpu.memory_space<vmem>>, vector<1x16xf32>,
          %swap3A_1018 = vector.shape_cast %swap3A_1017 : vector<1x16xf32> to vector<16xf32>
          %swap3A_1019 = vector.shape_cast %mul3A_1014 : vector<16xf32> to vector<1x16xf32>
          tpu.vector_store %arg31[%swap3A_1015, %swap3A_1016], %swap3A_1019 {strides = array<i32>} : memref<32x128xf32, #tpu.memory_space<vmem>>, vector<1x16xf32>,
          %get3A_1020 = arith.index_cast %scan3A_718 : i32 to index
          %get3A_1021 = arith.constant 112 : index
          %get3A_1022 = tpu.vector_load %arg22[%get3A_1020, %get3A_1021] {strides = array<i32>} : memref<32x128xf32, #tpu.memory_space<vmem>>, vector<1x16xf32>,
          %get3A_1023 = vector.shape_cast %get3A_1022 : vector<1x16xf32> to vector<16xf32>
          %get3A_1024 = arith.index_cast %scan3A_718 : i32 to index
          %get3A_1025 = arith.constant 112 : index
          %get3A_1026 = tpu.vector_load %arg23[%get3A_1024, %get3A_1025] {strides = array<i32>} : memref<32x128xf32, #tpu.memory_space<vmem>>, vector<1x16xf32>,
          %get3A_1027 = vector.shape_cast %get3A_1026 : vector<1x16xf32> to vector<16xf32>
          %add3A_1028 = arith.addf %get3A_1023, %get3A_1027 : vector<16xf32>
          %get3A_1029 = arith.index_cast %scan3A_718 : i32 to index
          %get3A_1030 = arith.constant 112 : index
          %get3A_1031 = tpu.vector_load %arg24[%get3A_1029, %get3A_1030] {strides = array<i32>} : memref<32x128xf32, #tpu.memory_space<vmem>>, vector<1x16xf32>,
          %get3A_1032 = vector.shape_cast %get3A_1031 : vector<1x16xf32> to vector<16xf32>
          %add3A_1033 = arith.addf %add3A_1028, %get3A_1032 : vector<16xf32>
          %get3A_1034 = arith.index_cast %scan3A_718 : i32 to index
          %get3A_1035 = arith.constant 112 : index
          %get3A_1036 = tpu.vector_load %arg25[%get3A_1034, %get3A_1035] {strides = array<i32>} : memref<32x128xf32, #tpu.memory_space<vmem>>, vector<1x16xf32>,
          %get3A_1037 = vector.shape_cast %get3A_1036 : vector<1x16xf32> to vector<16xf32>
          %add3A_1038 = arith.addf %add3A_1033, %get3A_1037 : vector<16xf32>
          %get3A_1039 = arith.index_cast %scan3A_718 : i32 to index
          %get3A_1040 = arith.constant 112 : index
          %get3A_1041 = tpu.vector_load %arg26[%get3A_1039, %get3A_1040] {strides = array<i32>} : memref<32x128xf32, #tpu.memory_space<vmem>>, vector<1x16xf32>,
          %get3A_1042 = vector.shape_cast %get3A_1041 : vector<1x16xf32> to vector<16xf32>
          %add3A_1043 = arith.addf %add3A_1038, %get3A_1042 : vector<16xf32>
          %get3A_1044 = arith.index_cast %scan3A_718 : i32 to index
          %get3A_1045 = arith.constant 112 : index
          %get3A_1046 = tpu.vector_load %arg27[%get3A_1044, %get3A_1045] {strides = array<i32>} : memref<32x128xf32, #tpu.memory_space<vmem>>, vector<1x16xf32>,
          %get3A_1047 = vector.shape_cast %get3A_1046 : vector<1x16xf32> to vector<16xf32>
          %add3A_1048 = arith.addf %add3A_1043, %get3A_1047 : vector<16xf32>
          %get3A_1049 = arith.index_cast %scan3A_718 : i32 to index
          %get3A_1050 = arith.constant 112 : index
          %get3A_1051 = tpu.vector_load %arg28[%get3A_1049, %get3A_1050] {strides = array<i32>} : memref<32x128xf32, #tpu.memory_space<vmem>>, vector<1x16xf32>,
          %get3A_1052 = vector.shape_cast %get3A_1051 : vector<1x16xf32> to vector<16xf32>
          %add3A_1053 = arith.addf %add3A_1048, %get3A_1052 : vector<16xf32>
          %add3A_1054 = arith.addf %add3A_1053, %add3A_286 : vector<16xf32>
          %mul3A_1055 = arith.constant 0.142857149 : f32
          %mul3A_1056 = vector.broadcast %mul3A_1055 : f32 to vector<16xf32>
          %mul3A_1057 = arith.mulf %add3A_1054, %mul3A_1056 : vector<16xf32>
          %swap3A_1058 = arith.index_cast %scan3A_718 : i32 to index
          %swap3A_1059 = arith.constant 112 : index
          %swap3A_1060 = tpu.vector_load %arg31[%swap3A_1058, %swap3A_1059] {strides = array<i32>} : memref<32x128xf32, #tpu.memory_space<vmem>>, vector<1x16xf32>,
          %swap3A_1061 = vector.shape_cast %swap3A_1060 : vector<1x16xf32> to vector<16xf32>
          %swap3A_1062 = vector.shape_cast %mul3A_1057 : vector<16xf32> to vector<1x16xf32>
          tpu.vector_store %arg31[%swap3A_1058, %swap3A_1059], %swap3A_1062 {strides = array<i32>} : memref<32x128xf32, #tpu.memory_space<vmem>>, vector<1x16xf32>,
        }
        %scan3A_703 = arith.constant 32 : i32
        %mul3A_704 = arith.constant 32 : i32
        %mul3A_705 = arith.muli %add3A_647, %mul3A_704 : i32
        %add3A_706 = arith.addi %mul3A_2, %mul3A_705 : i32
        %dma_start3A_707 = arith.constant 0 : i32
        %dma_start3A_708 = tpu.memref_slice %arg6[%add3A_706, %dma_start3A_707] : memref<32768x128xf32, #tpu.memory_space<hbm>> -> memref<32x128xf32, #tpu.memory_space<hbm>>
        %dma_start3A_709 = arith.constant 0 : i32
        %dma_start3A_710 = tpu.memref_slice %arg6[%add3A_706, %dma_start3A_709] : memref<32768x128xf32, #tpu.memory_space<hbm>> -> memref<32x128xf32, #tpu.memory_space<hbm>>
        tpu.enqueue_dma source(%arg31 : memref<32x128xf32, #tpu.memory_space<vmem>>) target(%dma_start3A_710 : memref<32x128xf32, #tpu.memory_space<hbm>>) target_semaphore(%arg40 : memref<!tpu.dma_semaphore, #tpu.memory_space<semaphore_mem>>)
        %add3A_711 = arith.constant 3 : i32
        %add3A_712 = arith.addi %add3A_647, %add3A_711 : i32
        %lt3A_713 = arith.constant 32 : i32
        %lt3A_714 = arith.cmpi slt, %add3A_712, %lt3A_713 : i32
        %convert_element_type3A_715 = arith.extui %lt3A_714 : i1 to i32
        %cond3A_716 = arith.constant 0 : i32
        %cond3A_717 = arith.cmpi ne, %convert_element_type3A_715, %cond3A_716 : i32
        scf.if %cond3A_717 {
          %add3A_718 = arith.constant 3 : i32
          %add3A_719 = arith.addi %add3A_647, %add3A_718 : i32
          %mul3A_720 = arith.constant 2 : i32
          %mul3A_721 = arith.muli %mul3A_720, %add3A_719 : i32
          %add3A_722 = arith.constant 1 : i32
          %add3A_723 = arith.addi %mul3A_721, %add3A_722 : i32
          %add3A_724 = arith.constant 0 : i32
          %add3A_725 = arith.addi %add3A_723, %add3A_724 : i32
          %mul3A_726 = arith.constant 16 : i32
          %mul3A_727 = arith.muli %add3A_725, %mul3A_726 : i32
          %get3A_728 = arith.index_cast %mul3A_727 : i32 to index
          %get3A_729 = tpu.vector_load %arg33[%get3A_728] {strides = array<i32>} : memref<1040xi32, #tpu.memory_space<vmem>>, vector<16xi32>,
          %get3A_730 = vector.shape_cast %get3A_729 : vector<16xi32> to vector<16xi32>
          %swap3A_731 = arith.constant 2 : i32
          %swap3A_732 = arith.constant 0 : i32
          %swap3A_733 = arith.index_cast %swap3A_731 : i32 to index
          %swap3A_734 = arith.index_cast %swap3A_732 : i32 to index
          %swap3A_735 = arith.constant 0 : index
          %swap3A_736 = tpu.vector_load %arg7[%swap3A_733, %swap3A_734, %swap3A_735] {strides = array<i32>} : memref<3x7x32xi32, #tpu.memory_space<vmem>>, vector<1x1x16xi32>,
          %swap3A_737 = vector.shape_cast %swap3A_736 : vector<1x1x16xi32> to vector<16xi32>
          %swap3A_738 = vector.shape_cast %get3A_730 : vector<16xi32> to vector<1x1x16xi32>
          tpu.vector_store %arg7[%swap3A_733, %swap3A_734, %swap3A_735], %swap3A_738 {strides = array<i32>} : memref<3x7x32xi32, #tpu.memory_space<vmem>>, vector<1x1x16xi32>,
          %mul3A_739 = arith.constant 2 : i32
          %mul3A_740 = arith.muli %mul3A_739, %add3A_719 : i32
          %add3A_741 = arith.constant 1 : i32
          %add3A_742 = arith.addi %mul3A_740, %add3A_741 : i32
          %add3A_743 = arith.constant 1 : i32
          %add3A_744 = arith.addi %add3A_742, %add3A_743 : i32
          %mul3A_745 = arith.constant 16 : i32
          %mul3A_746 = arith.muli %add3A_744, %mul3A_745 : i32
          %get3A_747 = arith.index_cast %mul3A_746 : i32 to index
          %get3A_748 = tpu.vector_load %arg33[%get3A_747] {strides = array<i32>} : memref<1040xi32, #tpu.memory_space<vmem>>, vector<16xi32>,
          %get3A_749 = vector.shape_cast %get3A_748 : vector<16xi32> to vector<16xi32>
          %swap3A_750 = arith.constant 2 : i32
          %swap3A_751 = arith.constant 0 : i32
          %swap3A_752 = arith.index_cast %swap3A_750 : i32 to index
          %swap3A_753 = arith.index_cast %swap3A_751 : i32 to index
          %swap3A_754 = arith.constant 16 : index
          %swap3A_755 = tpu.vector_load %arg7[%swap3A_752, %swap3A_753, %swap3A_754] {strides = array<i32>} : memref<3x7x32xi32, #tpu.memory_space<vmem>>, vector<1x1x16xi32>,
          %swap3A_756 = vector.shape_cast %swap3A_755 : vector<1x1x16xi32> to vector<16xi32>
          %swap3A_757 = vector.shape_cast %get3A_749 : vector<16xi32> to vector<1x1x16xi32>
          tpu.vector_store %arg7[%swap3A_752, %swap3A_753, %swap3A_754], %swap3A_757 {strides = array<i32>} : memref<3x7x32xi32, #tpu.memory_space<vmem>>, vector<1x1x16xi32>,
          %scan3A_758 = arith.constant 0 : i32
          %scan3A_759 = arith.constant 2 : i32
          %scan3A_760 = arith.constant 7 : i32
          %scan3A_761 = arith.addi %scan3A_759, %scan3A_760 : i32
          %scan3A_762 = arith.constant 1 : i32
          scf.for %scan3A_820 = %scan3A_759 to %scan3A_761 step %scan3A_762  : i32 {
            %mul3A_821 = arith.constant 2 : i32
            %mul3A_822 = arith.muli %mul3A_821, %add3A_719 : i32
            %add3A_823 = arith.constant 1 : i32
            %add3A_824 = arith.addi %mul3A_822, %add3A_823 : i32
            %add3A_825 = arith.constant 0 : i32
            %add3A_826 = arith.addi %add3A_824, %add3A_825 : i32
            %mul3A_827 = arith.constant 16 : i32
            %mul3A_828 = arith.muli %add3A_826, %mul3A_827 : i32
            %sub3A = arith.constant 2 : i32
            %sub3A_829 = arith.subi %scan3A_820, %sub3A : i32
            %mul3A_830 = arith.constant 1056 : i32
            %mul3A_831 = arith.muli %sub3A_829, %mul3A_830 : i32
            %add3A_832 = arith.constant 15 : i32
            %add3A_833 = arith.addi %mul3A_831, %add3A_832 : i32
            %add3A_834 = arith.addi %add3A_833, %mul3A_828 : i32
            %get3A_835 = arith.index_cast %add3A_834 : i32 to index
            %get3A_836 = tpu.vector_load %arg34[%get3A_835] {strides = array<i32>} : memref<8448xi32, #tpu.memory_space<vmem>>, vector<16xi32>,
            %get3A_837 = vector.shape_cast %get3A_836 : vector<16xi32> to vector<16xi32>
            %get3A_838 = arith.index_cast %mul3A_828 : i32 to index
            %get3A_839 = tpu.vector_load %arg33[%get3A_838] {strides = array<i32>} : memref<1040xi32, #tpu.memory_space<vmem>>, vector<16xi32>,
            %get3A_840 = vector.shape_cast %get3A_839 : vector<16xi32> to vector<16xi32>
            %mul3A_841 = arith.constant 260 : i32
            %mul3A_842 = vector.broadcast %mul3A_841 : i32 to vector<16xi32>
            %mul3A_843 = arith.muli %get3A_837, %mul3A_842 : vector<16xi32>
            %add3A_844 = arith.addi %mul3A_843, %get3A_840 : vector<16xi32>
            %and3A = arith.constant 8388607 : i32
            %and3A_845 = vector.broadcast %and3A : i32 to vector<16xi32>
            %and3A_846 = arith.andi %add3A_844, %and3A_845 : vector<16xi32>
            %sub3A_847 = arith.constant 1 : i32
            %sub3A_848 = arith.subi %scan3A_820, %sub3A_847 : i32
            %mul3A_849 = arith.constant 1056 : i32
            %mul3A_850 = arith.muli %sub3A_848, %mul3A_849 : i32
            %add3A_851 = arith.constant 16 : i32
            %add3A_852 = arith.addi %mul3A_850, %add3A_851 : i32
            %add3A_853 = arith.addi %add3A_852, %mul3A_828 : i32
            %swap3A_854 = arith.index_cast %add3A_853 : i32 to index
            %swap3A_855 = tpu.vector_load %arg34[%swap3A_854] {strides = array<i32>} : memref<8448xi32, #tpu.memory_space<vmem>>, vector<16xi32>,
            %swap3A_856 = vector.shape_cast %swap3A_855 : vector<16xi32> to vector<16xi32>
            %swap3A_857 = vector.shape_cast %and3A_846 : vector<16xi32> to vector<16xi32>
            tpu.vector_store %arg34[%swap3A_854], %swap3A_857 {strides = array<i32>} : memref<8448xi32, #tpu.memory_space<vmem>>, vector<16xi32>,
            %ge3A_858 = arith.constant 3 : i32
            %ge3A_859 = arith.cmpi sge, %scan3A_820, %ge3A_858 : i32
            %convert_element_type3A_860 = arith.extui %ge3A_859 : i1 to i32
            %cond3A_861 = arith.constant 0 : i32
            %cond3A_862 = arith.cmpi ne, %convert_element_type3A_860, %cond3A_861 : i32
            scf.if %cond3A_862 {
              %ge3A_907 = arith.constant 8000000 : i32
              %ge3A_908 = vector.broadcast %ge3A_907 : i32 to vector<16xi32>
              %ge3A_909 = arith.cmpi sge, %and3A_846, %ge3A_908 : vector<16xi32>
              %sub3A_910 = arith.constant 8000000 : i32
              %sub3A_911 = vector.broadcast %sub3A_910 : i32 to vector<16xi32>
              %sub3A_912 = arith.subi %and3A_846, %sub3A_911 : vector<16xi32>
              %select_n3A = arith.select %ge3A_909, %sub3A_912, %and3A_846 : vector<16xi1>, vector<16xi32>
              %ge3A_913 = arith.constant 4000000 : i32
              %ge3A_914 = vector.broadcast %ge3A_913 : i32 to vector<16xi32>
              %ge3A_915 = arith.cmpi sge, %select_n3A, %ge3A_914 : vector<16xi32>
              %sub3A_916 = arith.constant 4000000 : i32
              %sub3A_917 = vector.broadcast %sub3A_916 : i32 to vector<16xi32>
              %sub3A_918 = arith.subi %select_n3A, %sub3A_917 : vector<16xi32>
              %select_n3A_919 = arith.select %ge3A_915, %sub3A_918, %select_n3A : vector<16xi1>, vector<16xi32>
              %ge3A_920 = arith.constant 2000000 : i32
              %ge3A_921 = vector.broadcast %ge3A_920 : i32 to vector<16xi32>
              %ge3A_922 = arith.cmpi sge, %select_n3A_919, %ge3A_921 : vector<16xi32>
              %sub3A_923 = arith.constant 2000000 : i32
              %sub3A_924 = vector.broadcast %sub3A_923 : i32 to vector<16xi32>
              %sub3A_925 = arith.subi %select_n3A_919, %sub3A_924 : vector<16xi32>
              %select_n3A_926 = arith.select %ge3A_922, %sub3A_925, %select_n3A_919 : vector<16xi1>, vector<16xi32>
              %ge3A_927 = arith.constant 1000000 : i32
              %ge3A_928 = vector.broadcast %ge3A_927 : i32 to vector<16xi32>
              %ge3A_929 = arith.cmpi sge, %select_n3A_926, %ge3A_928 : vector<16xi32>
              %sub3A_930 = arith.constant 1000000 : i32
              %sub3A_931 = vector.broadcast %sub3A_930 : i32 to vector<16xi32>
              %sub3A_932 = arith.subi %select_n3A_926, %sub3A_931 : vector<16xi32>
              %select_n3A_933 = arith.select %ge3A_929, %sub3A_932, %select_n3A_926 : vector<16xi1>, vector<16xi32>
              %ge3A_934 = arith.constant 500000 : i32
              %ge3A_935 = vector.broadcast %ge3A_934 : i32 to vector<16xi32>
              %ge3A_936 = arith.cmpi sge, %select_n3A_933, %ge3A_935 : vector<16xi32>
              %sub3A_937 = arith.constant 500000 : i32
              %sub3A_938 = vector.broadcast %sub3A_937 : i32 to vector<16xi32>
              %sub3A_939 = arith.subi %select_n3A_933, %sub3A_938 : vector<16xi32>
              %select_n3A_940 = arith.select %ge3A_936, %sub3A_939, %select_n3A_933 : vector<16xi1>, vector<16xi32>
              %sub3A_941 = arith.constant 16 : i32
              %sub3A_942 = arith.subi %mul3A_828, %sub3A_941 : i32
              %add3A_943 = arith.addi %mul3A_5, %sub3A_942 : i32
              %add3A_944 = vector.broadcast %add3A_943 : i32 to vector<16xi32>
              %add3A_945 = arith.addi %add3A_944, %iota3A : vector<16xi32>
              %sub3A_946 = arith.constant 1 : i32
              %sub3A_947 = arith.subi %scan3A_820, %sub3A_946 : i32
              %lt3A_948 = vector.broadcast %sub3A_947 : i32 to vector<16xi32>
              %lt3A_949 = arith.cmpi slt, %add3A_945, %lt3A_948 : vector<16xi32>
              %jit3A = arith.constant 0 : i32
              %broadcast_in_dim3A = vector.broadcast %jit3A : i32 to vector<16xi32>
              %select_n3A_950 = arith.select %lt3A_949, %broadcast_in_dim3A, %select_n3A_940 : vector<16xi1>, vector<16xi32>
              %sub3A_951 = arith.constant 2 : i32
              %sub3A_952 = arith.subi %scan3A_820, %sub3A_951 : i32
              %swap3A_953 = arith.constant 2 : i32
              %swap3A_954 = arith.index_cast %swap3A_953 : i32 to index
              %swap3A_955 = arith.index_cast %sub3A_952 : i32 to index
              %swap3A_956 = arith.constant 0 : index
              %swap3A_957 = tpu.vector_load %arg7[%swap3A_954, %swap3A_955, %swap3A_956] {strides = array<i32>} : memref<3x7x32xi32, #tpu.memory_space<vmem>>, vector<1x1x16xi32>,
              %swap3A_958 = vector.shape_cast %swap3A_957 : vector<1x1x16xi32> to vector<16xi32>
              %swap3A_959 = vector.shape_cast %select_n3A_950 : vector<16xi32> to vector<1x1x16xi32>
              tpu.vector_store %arg7[%swap3A_954, %swap3A_955, %swap3A_956], %swap3A_959 {strides = array<i32>} : memref<3x7x32xi32, #tpu.memory_space<vmem>>, vector<1x1x16xi32>,
            } else {
            }
            %mul3A_863 = arith.constant 2 : i32
            %mul3A_864 = arith.muli %mul3A_863, %add3A_719 : i32
            %add3A_865 = arith.constant 1 : i32
            %add3A_866 = arith.addi %mul3A_864, %add3A_865 : i32
            %add3A_867 = arith.constant 1 : i32
            %add3A_868 = arith.addi %add3A_866, %add3A_867 : i32
            %mul3A_869 = arith.constant 16 : i32
            %mul3A_870 = arith.muli %add3A_868, %mul3A_869 : i32
            %sub3A_871 = arith.constant 2 : i32
            %sub3A_872 = arith.subi %scan3A_820, %sub3A_871 : i32
            %mul3A_873 = arith.constant 1056 : i32
            %mul3A_874 = arith.muli %sub3A_872, %mul3A_873 : i32
            %add3A_875 = arith.constant 15 : i32
            %add3A_876 = arith.addi %mul3A_874, %add3A_875 : i32
            %add3A_877 = arith.addi %add3A_876, %mul3A_870 : i32
            %get3A_878 = arith.index_cast %add3A_877 : i32 to index
            %get3A_879 = tpu.vector_load %arg34[%get3A_878] {strides = array<i32>} : memref<8448xi32, #tpu.memory_space<vmem>>, vector<16xi32>,
            %get3A_880 = vector.shape_cast %get3A_879 : vector<16xi32> to vector<16xi32>
            %get3A_881 = arith.index_cast %mul3A_870 : i32 to index
            %get3A_882 = tpu.vector_load %arg33[%get3A_881] {strides = array<i32>} : memref<1040xi32, #tpu.memory_space<vmem>>, vector<16xi32>,
            %get3A_883 = vector.shape_cast %get3A_882 : vector<16xi32> to vector<16xi32>
            %mul3A_884 = arith.constant 260 : i32
            %mul3A_885 = vector.broadcast %mul3A_884 : i32 to vector<16xi32>
            %mul3A_886 = arith.muli %get3A_880, %mul3A_885 : vector<16xi32>
            %add3A_887 = arith.addi %mul3A_886, %get3A_883 : vector<16xi32>
            %and3A_888 = arith.constant 8388607 : i32
            %and3A_889 = vector.broadcast %and3A_888 : i32 to vector<16xi32>
            %and3A_890 = arith.andi %add3A_887, %and3A_889 : vector<16xi32>
            %sub3A_891 = arith.constant 1 : i32
            %sub3A_892 = arith.subi %scan3A_820, %sub3A_891 : i32
            %mul3A_893 = arith.constant 1056 : i32
            %mul3A_894 = arith.muli %sub3A_892, %mul3A_893 : i32
            %add3A_895 = arith.constant 16 : i32
            %add3A_896 = arith.addi %mul3A_894, %add3A_895 : i32
            %add3A_897 = arith.addi %add3A_896, %mul3A_870 : i32
            %swap3A_898 = arith.index_cast %add3A_897 : i32 to index
            %swap3A_899 = tpu.vector_load %arg34[%swap3A_898] {strides = array<i32>} : memref<8448xi32, #tpu.memory_space<vmem>>, vector<16xi32>,
            %swap3A_900 = vector.shape_cast %swap3A_899 : vector<16xi32> to vector<16xi32>
            %swap3A_901 = vector.shape_cast %and3A_890 : vector<16xi32> to vector<16xi32>
            tpu.vector_store %arg34[%swap3A_898], %swap3A_901 {strides = array<i32>} : memref<8448xi32, #tpu.memory_space<vmem>>, vector<16xi32>,
            %ge3A_902 = arith.constant 3 : i32
            %ge3A_903 = arith.cmpi sge, %scan3A_820, %ge3A_902 : i32
            %convert_element_type3A_904 = arith.extui %ge3A_903 : i1 to i32
            %cond3A_905 = arith.constant 0 : i32
            %cond3A_906 = arith.cmpi ne, %convert_element_type3A_904, %cond3A_905 : i32
            scf.if %cond3A_906 {
              %ge3A_907 = arith.constant 8000000 : i32
              %ge3A_908 = vector.broadcast %ge3A_907 : i32 to vector<16xi32>
              %ge3A_909 = arith.cmpi sge, %and3A_890, %ge3A_908 : vector<16xi32>
              %sub3A_910 = arith.constant 8000000 : i32
              %sub3A_911 = vector.broadcast %sub3A_910 : i32 to vector<16xi32>
              %sub3A_912 = arith.subi %and3A_890, %sub3A_911 : vector<16xi32>
              %select_n3A = arith.select %ge3A_909, %sub3A_912, %and3A_890 : vector<16xi1>, vector<16xi32>
              %ge3A_913 = arith.constant 4000000 : i32
              %ge3A_914 = vector.broadcast %ge3A_913 : i32 to vector<16xi32>
              %ge3A_915 = arith.cmpi sge, %select_n3A, %ge3A_914 : vector<16xi32>
              %sub3A_916 = arith.constant 4000000 : i32
              %sub3A_917 = vector.broadcast %sub3A_916 : i32 to vector<16xi32>
              %sub3A_918 = arith.subi %select_n3A, %sub3A_917 : vector<16xi32>
              %select_n3A_919 = arith.select %ge3A_915, %sub3A_918, %select_n3A : vector<16xi1>, vector<16xi32>
              %ge3A_920 = arith.constant 2000000 : i32
              %ge3A_921 = vector.broadcast %ge3A_920 : i32 to vector<16xi32>
              %ge3A_922 = arith.cmpi sge, %select_n3A_919, %ge3A_921 : vector<16xi32>
              %sub3A_923 = arith.constant 2000000 : i32
              %sub3A_924 = vector.broadcast %sub3A_923 : i32 to vector<16xi32>
              %sub3A_925 = arith.subi %select_n3A_919, %sub3A_924 : vector<16xi32>
              %select_n3A_926 = arith.select %ge3A_922, %sub3A_925, %select_n3A_919 : vector<16xi1>, vector<16xi32>
              %ge3A_927 = arith.constant 1000000 : i32
              %ge3A_928 = vector.broadcast %ge3A_927 : i32 to vector<16xi32>
              %ge3A_929 = arith.cmpi sge, %select_n3A_926, %ge3A_928 : vector<16xi32>
              %sub3A_930 = arith.constant 1000000 : i32
              %sub3A_931 = vector.broadcast %sub3A_930 : i32 to vector<16xi32>
              %sub3A_932 = arith.subi %select_n3A_926, %sub3A_931 : vector<16xi32>
              %select_n3A_933 = arith.select %ge3A_929, %sub3A_932, %select_n3A_926 : vector<16xi1>, vector<16xi32>
              %ge3A_934 = arith.constant 500000 : i32
              %ge3A_935 = vector.broadcast %ge3A_934 : i32 to vector<16xi32>
              %ge3A_936 = arith.cmpi sge, %select_n3A_933, %ge3A_935 : vector<16xi32>
              %sub3A_937 = arith.constant 500000 : i32
              %sub3A_938 = vector.broadcast %sub3A_937 : i32 to vector<16xi32>
              %sub3A_939 = arith.subi %select_n3A_933, %sub3A_938 : vector<16xi32>
              %select_n3A_940 = arith.select %ge3A_936, %sub3A_939, %select_n3A_933 : vector<16xi1>, vector<16xi32>
              %sub3A_941 = arith.constant 16 : i32
              %sub3A_942 = arith.subi %mul3A_870, %sub3A_941 : i32
              %add3A_943 = arith.addi %mul3A_5, %sub3A_942 : i32
              %add3A_944 = vector.broadcast %add3A_943 : i32 to vector<16xi32>
              %add3A_945 = arith.addi %add3A_944, %iota3A : vector<16xi32>
              %sub3A_946 = arith.constant 1 : i32
              %sub3A_947 = arith.subi %scan3A_820, %sub3A_946 : i32
              %lt3A_948 = vector.broadcast %sub3A_947 : i32 to vector<16xi32>
              %lt3A_949 = arith.cmpi slt, %add3A_945, %lt3A_948 : vector<16xi32>
              %jit3A = arith.constant 0 : i32
              %broadcast_in_dim3A = vector.broadcast %jit3A : i32 to vector<16xi32>
              %select_n3A_950 = arith.select %lt3A_949, %broadcast_in_dim3A, %select_n3A_940 : vector<16xi1>, vector<16xi32>
              %sub3A_951 = arith.constant 2 : i32
              %sub3A_952 = arith.subi %scan3A_820, %sub3A_951 : i32
              %swap3A_953 = arith.constant 2 : i32
              %swap3A_954 = arith.index_cast %swap3A_953 : i32 to index
              %swap3A_955 = arith.index_cast %sub3A_952 : i32 to index
              %swap3A_956 = arith.constant 16 : index
              %swap3A_957 = tpu.vector_load %arg7[%swap3A_954, %swap3A_955, %swap3A_956] {strides = array<i32>} : memref<3x7x32xi32, #tpu.memory_space<vmem>>, vector<1x1x16xi32>,
              %swap3A_958 = vector.shape_cast %swap3A_957 : vector<1x1x16xi32> to vector<16xi32>
              %swap3A_959 = vector.shape_cast %select_n3A_950 : vector<16xi32> to vector<1x1x16xi32>
              tpu.vector_store %arg7[%swap3A_954, %swap3A_955, %swap3A_956], %swap3A_959 {strides = array<i32>} : memref<3x7x32xi32, #tpu.memory_space<vmem>>, vector<1x1x16xi32>,
            } else {
            }
          }
          %scan3A_763 = arith.constant 7 : i32
          %dma_start3A_764 = arith.constant 2 : i32
          %dma_start3A_765 = arith.constant 0 : i32
          %dma_start3A_766 = arith.constant 0 : i32
          %dma_start3A_767 = tpu.memref_slice %arg7[%dma_start3A_764, %dma_start3A_765, %dma_start3A_766] : memref<3x7x32xi32, #tpu.memory_space<vmem>> -> memref<1x1x32xi32, #tpu.memory_space<vmem>>
          %dma_start3A_768 = tpu.memref_squeeze %dma_start3A_767 : memref<1x1x32xi32, #tpu.memory_space<vmem>> -> memref<32xi32, #tpu.memory_space<vmem>>
          %dma_start3A_769 = arith.constant 0 : i32
          %dma_start3A_770 = arith.constant 0 : i32
          %dma_start3A_771 = tpu.memref_slice %arg3[%dma_start3A_769, %dma_start3A_770] : memref<259x128xf32, #tpu.memory_space<hbm>> -> memref<259x128xf32, #tpu.memory_space<hbm>>
          tpu.enqueue_indirect_dma source(%dma_start3A_771 : memref<259x128xf32, #tpu.memory_space<hbm>>) target(%arg22 : memref<32x128xf32, #tpu.memory_space<vmem>>) offsets(%dma_start3A_768 : memref<32xi32, #tpu.memory_space<vmem>>) semaphore(%arg37 : memref<!tpu.dma_semaphore, #tpu.memory_space<semaphore_mem>>)
          %dma_start3A_772 = arith.constant 2 : i32
          %dma_start3A_773 = arith.constant 1 : i32
          %dma_start3A_774 = arith.constant 0 : i32
          %dma_start3A_775 = tpu.memref_slice %arg7[%dma_start3A_772, %dma_start3A_773, %dma_start3A_774] : memref<3x7x32xi32, #tpu.memory_space<vmem>> -> memref<1x1x32xi32, #tpu.memory_space<vmem>>
          %dma_start3A_776 = tpu.memref_squeeze %dma_start3A_775 : memref<1x1x32xi32, #tpu.memory_space<vmem>> -> memref<32xi32, #tpu.memory_space<vmem>>
          %dma_start3A_777 = arith.constant 0 : i32
          %dma_start3A_778 = arith.constant 0 : i32
          %dma_start3A_779 = tpu.memref_slice %arg4[%dma_start3A_777, %dma_start3A_778] : memref<500000x128xf32, #tpu.memory_space<hbm>> -> memref<500000x128xf32, #tpu.memory_space<hbm>>
          tpu.enqueue_indirect_dma source(%dma_start3A_779 : memref<500000x128xf32, #tpu.memory_space<hbm>>) target(%arg23 : memref<32x128xf32, #tpu.memory_space<vmem>>) offsets(%dma_start3A_776 : memref<32xi32, #tpu.memory_space<vmem>>) semaphore(%arg37 : memref<!tpu.dma_semaphore, #tpu.memory_space<semaphore_mem>>)
          %dma_start3A_780 = arith.constant 2 : i32
          %dma_start3A_781 = arith.constant 2 : i32
          %dma_start3A_782 = arith.constant 0 : i32
          %dma_start3A_783 = tpu.memref_slice %arg7[%dma_start3A_780, %dma_start3A_781, %dma_start3A_782] : memref<3x7x32xi32, #tpu.memory_space<vmem>> -> memref<1x1x32xi32, #tpu.memory_space<vmem>>
          %dma_start3A_784 = tpu.memref_squeeze %dma_start3A_783 : memref<1x1x32xi32, #tpu.memory_space<vmem>> -> memref<32xi32, #tpu.memory_space<vmem>>
          %dma_start3A_785 = arith.constant 0 : i32
          %dma_start3A_786 = arith.constant 0 : i32
          %dma_start3A_787 = tpu.memref_slice %arg4[%dma_start3A_785, %dma_start3A_786] : memref<500000x128xf32, #tpu.memory_space<hbm>> -> memref<500000x128xf32, #tpu.memory_space<hbm>>
          tpu.enqueue_indirect_dma source(%dma_start3A_787 : memref<500000x128xf32, #tpu.memory_space<hbm>>) target(%arg24 : memref<32x128xf32, #tpu.memory_space<vmem>>) offsets(%dma_start3A_784 : memref<32xi32, #tpu.memory_space<vmem>>) semaphore(%arg37 : memref<!tpu.dma_semaphore, #tpu.memory_space<semaphore_mem>>)
          %dma_start3A_788 = arith.constant 2 : i32
          %dma_start3A_789 = arith.constant 3 : i32
          %dma_start3A_790 = arith.constant 0 : i32
          %dma_start3A_791 = tpu.memref_slice %arg7[%dma_start3A_788, %dma_start3A_789, %dma_start3A_790] : memref<3x7x32xi32, #tpu.memory_space<vmem>> -> memref<1x1x32xi32, #tpu.memory_space<vmem>>
          %dma_start3A_792 = tpu.memref_squeeze %dma_start3A_791 : memref<1x1x32xi32, #tpu.memory_space<vmem>> -> memref<32xi32, #tpu.memory_space<vmem>>
          %dma_start3A_793 = arith.constant 0 : i32
          %dma_start3A_794 = arith.constant 0 : i32
          %dma_start3A_795 = tpu.memref_slice %arg4[%dma_start3A_793, %dma_start3A_794] : memref<500000x128xf32, #tpu.memory_space<hbm>> -> memref<500000x128xf32, #tpu.memory_space<hbm>>
          tpu.enqueue_indirect_dma source(%dma_start3A_795 : memref<500000x128xf32, #tpu.memory_space<hbm>>) target(%arg25 : memref<32x128xf32, #tpu.memory_space<vmem>>) offsets(%dma_start3A_792 : memref<32xi32, #tpu.memory_space<vmem>>) semaphore(%arg37 : memref<!tpu.dma_semaphore, #tpu.memory_space<semaphore_mem>>)
          %dma_start3A_796 = arith.constant 2 : i32
          %dma_start3A_797 = arith.constant 4 : i32
          %dma_start3A_798 = arith.constant 0 : i32
          %dma_start3A_799 = tpu.memref_slice %arg7[%dma_start3A_796, %dma_start3A_797, %dma_start3A_798] : memref<3x7x32xi32, #tpu.memory_space<vmem>> -> memref<1x1x32xi32, #tpu.memory_space<vmem>>
          %dma_start3A_800 = tpu.memref_squeeze %dma_start3A_799 : memref<1x1x32xi32, #tpu.memory_space<vmem>> -> memref<32xi32, #tpu.memory_space<vmem>>
          %dma_start3A_801 = arith.constant 0 : i32
          %dma_start3A_802 = arith.constant 0 : i32
          %dma_start3A_803 = tpu.memref_slice %arg4[%dma_start3A_801, %dma_start3A_802] : memref<500000x128xf32, #tpu.memory_space<hbm>> -> memref<500000x128xf32, #tpu.memory_space<hbm>>
          tpu.enqueue_indirect_dma source(%dma_start3A_803 : memref<500000x128xf32, #tpu.memory_space<hbm>>) target(%arg26 : memref<32x128xf32, #tpu.memory_space<vmem>>) offsets(%dma_start3A_800 : memref<32xi32, #tpu.memory_space<vmem>>) semaphore(%arg37 : memref<!tpu.dma_semaphore, #tpu.memory_space<semaphore_mem>>)
          %dma_start3A_804 = arith.constant 2 : i32
          %dma_start3A_805 = arith.constant 5 : i32
          %dma_start3A_806 = arith.constant 0 : i32
          %dma_start3A_807 = tpu.memref_slice %arg7[%dma_start3A_804, %dma_start3A_805, %dma_start3A_806] : memref<3x7x32xi32, #tpu.memory_space<vmem>> -> memref<1x1x32xi32, #tpu.memory_space<vmem>>
          %dma_start3A_808 = tpu.memref_squeeze %dma_start3A_807 : memref<1x1x32xi32, #tpu.memory_space<vmem>> -> memref<32xi32, #tpu.memory_space<vmem>>
          %dma_start3A_809 = arith.constant 0 : i32
          %dma_start3A_810 = arith.constant 0 : i32
          %dma_start3A_811 = tpu.memref_slice %arg4[%dma_start3A_809, %dma_start3A_810] : memref<500000x128xf32, #tpu.memory_space<hbm>> -> memref<500000x128xf32, #tpu.memory_space<hbm>>
          tpu.enqueue_indirect_dma source(%dma_start3A_811 : memref<500000x128xf32, #tpu.memory_space<hbm>>) target(%arg27 : memref<32x128xf32, #tpu.memory_space<vmem>>) offsets(%dma_start3A_808 : memref<32xi32, #tpu.memory_space<vmem>>) semaphore(%arg37 : memref<!tpu.dma_semaphore, #tpu.memory_space<semaphore_mem>>)
          %dma_start3A_812 = arith.constant 2 : i32
          %dma_start3A_813 = arith.constant 6 : i32
          %dma_start3A_814 = arith.constant 0 : i32
          %dma_start3A_815 = tpu.memref_slice %arg7[%dma_start3A_812, %dma_start3A_813, %dma_start3A_814] : memref<3x7x32xi32, #tpu.memory_space<vmem>> -> memref<1x1x32xi32, #tpu.memory_space<vmem>>
          %dma_start3A_816 = tpu.memref_squeeze %dma_start3A_815 : memref<1x1x32xi32, #tpu.memory_space<vmem>> -> memref<32xi32, #tpu.memory_space<vmem>>
          %dma_start3A_817 = arith.constant 0 : i32
          %dma_start3A_818 = arith.constant 0 : i32
          %dma_start3A_819 = tpu.memref_slice %arg4[%dma_start3A_817, %dma_start3A_818] : memref<500000x128xf32, #tpu.memory_space<hbm>> -> memref<500000x128xf32, #tpu.memory_space<hbm>>
          tpu.enqueue_indirect_dma source(%dma_start3A_819 : memref<500000x128xf32, #tpu.memory_space<hbm>>) target(%arg28 : memref<32x128xf32, #tpu.memory_space<vmem>>) offsets(%dma_start3A_816 : memref<32xi32, #tpu.memory_space<vmem>>) semaphore(%arg37 : memref<!tpu.dma_semaphore, #tpu.memory_space<semaphore_mem>>)
        } else {
        }
      } else {
      }
    }
    %scan3A_610 = arith.constant 11 : i32
    %dma_wait3A = arith.constant 0 : i32
    %dma_wait3A_611 = arith.constant 0 : i32
    %dma_wait3A_612 = tpu.memref_slice %arg6[%dma_wait3A, %dma_wait3A_611] : memref<32768x128xf32, #tpu.memory_space<hbm>> -> memref<32x128xf32, #tpu.memory_space<hbm>>
    %dma_wait3A_613 = arith.constant 0 : i32
    %dma_wait3A_614 = arith.constant 0 : i32
    %dma_wait3A_615 = tpu.memref_slice %arg6[%dma_wait3A_613, %dma_wait3A_614] : memref<32768x128xf32, #tpu.memory_space<hbm>> -> memref<32x128xf32, #tpu.memory_space<hbm>>
    tpu.wait_dma2 semaphore(%arg38 : memref<!tpu.dma_semaphore, #tpu.memory_space<semaphore_mem>>) src(%arg29 : memref<32x128xf32, #tpu.memory_space<vmem>>) dst(%dma_wait3A_615 : memref<32x128xf32, #tpu.memory_space<hbm>>)
    %dma_wait3A_616 = arith.constant 0 : i32
    %dma_wait3A_617 = arith.constant 0 : i32
    %dma_wait3A_618 = tpu.memref_slice %arg6[%dma_wait3A_616, %dma_wait3A_617] : memref<32768x128xf32, #tpu.memory_space<hbm>> -> memref<32x128xf32, #tpu.memory_space<hbm>>
    %dma_wait3A_619 = arith.constant 0 : i32
    %dma_wait3A_620 = arith.constant 0 : i32
    %dma_wait3A_621 = tpu.memref_slice %arg6[%dma_wait3A_619, %dma_wait3A_620] : memref<32768x128xf32, #tpu.memory_space<hbm>> -> memref<32x128xf32, #tpu.memory_space<hbm>>
    tpu.wait_dma2 semaphore(%arg39 : memref<!tpu.dma_semaphore, #tpu.memory_space<semaphore_mem>>) src(%arg30 : memref<32x128xf32, #tpu.memory_space<vmem>>) dst(%dma_wait3A_621 : memref<32x128xf32, #tpu.memory_space<hbm>>)
    %dma_wait3A_622 = arith.constant 0 : i32
    %dma_wait3A_623 = arith.constant 0 : i32
    %dma_wait3A_624 = tpu.memref_slice %arg6[%dma_wait3A_622, %dma_wait3A_623] : memref<32768x128xf32, #tpu.memory_space<hbm>> -> memref<32x128xf32, #tpu.memory_space<hbm>>
    %dma_wait3A_625 = arith.constant 0 : i32
    %dma_wait3A_626 = arith.constant 0 : i32
    %dma_wait3A_627 = tpu.memref_slice %arg6[%dma_wait3A_625, %dma_wait3A_626] : memref<32768x128xf32, #tpu.memory_space<hbm>> -> memref<32x128xf32, #tpu.memory_space<hbm>>
    tpu.wait_dma2 semaphore(%arg40 : memref<!tpu.dma_semaphore, #tpu.memory_space<semaphore_mem>>) src(%arg31 : memref<32x128xf32, #tpu.memory_space<vmem>>) dst(%dma_wait3A_627 : memref<32x128xf32, #tpu.memory_space<hbm>>)
    return
  }
}

module attributes {stable_mosaic.version = 14 : i64} {
  func.func @_pad_body(%arg0: memref<256x128xi32, #tpu.memory_space<vmem>>, %arg1: memref<258x128xi32, #tpu.memory_space<vmem>>) attributes {dimension_semantics = [], scalar_prefetch = 0 : i64, scratch_operands = 0 : i64, tpu.core_type = #tpu.core_type<tc>} {
    %broadcast_in_dim3A = arith.constant 0 : i32
    %broadcast_in_dim3A_0 = vector.broadcast %broadcast_in_dim3A : i32 to vector<1x128xi32>
    %swap3A = arith.constant 0 : index
    %swap3A_1 = arith.constant 0 : index
    %swap3A_2 = vector.load %arg1[%swap3A, %swap3A_1] : memref<258x128xi32, #tpu.memory_space<vmem>>, vector<1x128xi32>
    tpu.vector_store %arg1[%swap3A, %swap3A_1], %broadcast_in_dim3A_0 {strides = array<i32>} : memref<258x128xi32, #tpu.memory_space<vmem>>, vector<1x128xi32>,
    %get3A = arith.constant 0 : index
    %get3A_3 = arith.constant 0 : index
    %get3A_4 = vector.load %arg0[%get3A, %get3A_3] : memref<256x128xi32, #tpu.memory_space<vmem>>, vector<256x128xi32>
    %swap3A_5 = arith.constant 1 : index
    %swap3A_6 = arith.constant 0 : index
    %swap3A_7 = vector.load %arg1[%swap3A_5, %swap3A_6] : memref<258x128xi32, #tpu.memory_space<vmem>>, vector<256x128xi32>
    tpu.vector_store %arg1[%swap3A_5, %swap3A_6], %get3A_4 {strides = array<i32>} : memref<258x128xi32, #tpu.memory_space<vmem>>, vector<256x128xi32>,
    %swap3A_8 = arith.constant 257 : index
    %swap3A_9 = arith.constant 0 : index
    %swap3A_10 = vector.load %arg1[%swap3A_8, %swap3A_9] : memref<258x128xi32, #tpu.memory_space<vmem>>, vector<1x128xi32>
    tpu.vector_store %arg1[%swap3A_8, %swap3A_9], %broadcast_in_dim3A_0 {strides = array<i32>} : memref<258x128xi32, #tpu.memory_space<vmem>>, vector<1x128xi32>,
    return
  }
}

</mosaic_0001>

<sc_bundles>
// kernel: kernel.4.cloned.1.call-start
scs
__scs_entry_jumppad:
0x0: {  	(pc) =	sbr.rel $0x88, $3  }
0x1: {  	(tag) =	ssettag $0x0;
	lr =	simm.s32 $0x1  }
0x2: {  	[smem:$0x3F9D] =	sst lr;
	_ =	strace $0xD0000000  }
0x3: {  	_ = 	snop  }
0x4: {  	_ = 	snop  }
0x5: {  	_ = 	snop  }
0x6: {  	_ = 	snop  }
0x7: {  	_ = 	snop  }
__scs_overlays_trampoline_lowered:
0x8: {  	[smem:$0x3FAC] =	sst s0  }
0x9: {  	[smem:$0x3FAD] =	sst s1  }
0xa: {  	[smem:$0x3FAE] =	sst s2  }
0xb: {  	[smem:$0x3FAF] =	sst s3  }
0xc: {  	[smem:$0x3FB0] =	sst s4  }
0xd: {  	[smem:$0x3FB1] =	sst s5  }
0xe: {  	[smem:$0x3FB2] =	sst s6  }
0xf: {  	[smem:$0x3FB3] =	sst s7  }
0x10: {  	[smem:$0x3FB4] =	sst s8  }
0x11: {  	[smem:$0x3FB5] =	sst s9;
	s0 =	simm.s32 @!p0 $0x0  }
0x12: {  	s1 =	sld [smem:$0x3F9B];
	s0 =	simm.s32 @p0 $0x1  }
0x13: {  	[smem:$0x3FB6] =	sst s0;
	s0 =	simm.s32 @!p1 $0x0  }
0x14: {  	s2 =	sld [smem:$0x3F9A];
	s0 =	simm.s32 @p1 $0x1  }
0x15: {  	[smem:$0x3FB7] =	sst s0;
	s0 =	simm.s32 @!p2 $0x0  }
0x16: {  	s3 =	sld [smem:$0x3FDB];
	s0 =	simm.s32 @p2 $0x1  }
0x17: {  	s4 =	simm.s32 $0x1BF5;
	[smem:$0x3FB9] =	sst s0  }
0x18: {  	s0 =	sld [smem:$0x3F9C];
	_ =	swait.ge [sflag:s4], $0x0  }
0x19: {  	s7 =	sld [smem:$0x3F9D]  }
0x1a: {  	s8 =	sadd.s32 $0xFFFFE003, lr  }
0x1b: {  	s9 =	sadd.s32 $0xFFFFFEF7, lr;
	s5 =	simm.s32 $0xFFFFFFFF;
	p2 =	slt.u32 s8, $0xFFFFF086  }
0x1c: {  	p1 =	slt.u32 s9, $0xF7A;
	s5 =	simm.s32 @!p2 $0x0  }
0x1d: {  	s5 =	simm.s32 @p1 $0x1;
	p0 =	seq.s32 s7, s2  }
0x1e: {  	s7 =	smul.u32 @!p0 $0xF7A, s2;
	p2 =	seq.s32 @!p0 s5, $0x0  }
0x1f: {  	s9 =	smul.u32 $0xF7A, s1;
	s8 =	simm.s32 @!p0 $0x1BF5;
	p2 =	por !p2, p0  }
0x20: {  	[sflag:s8] =	ssyncset.s32 @!p0 $0xFFFFF086;
	s6 =	sadd.s32 @!p0 s3, s7;
	s7 =	simm.s32 @!p0 $0x108  }
0x21: {  	s3 =	sadd.s32 s3, s9;
	s6 =	sadd.s32 @!p0 $0x88, s6;
	s7 =	simm.s32 @p2 $0x1082  }
0x22: {  	[simem:s7], [sflag:s8] =	dma.local @!p0 [hbm:s6], $0xF7A  }
0x23: {  	s9 =	sor.u32 $0xD0000000, s2;
	s6 =	simm.s32 $0x108;
	_ =	swait.ge @!p0 [sflag:s8], $0x0  }
0x24: {  	s3 =	sadd.s32 $0x88, s3;
	s6 =	simm.s32 @!p1 $0x1082;
	[sflag:s4] =	ssyncset.s32 $0xFFFFF086  }
0x25: {  	[simem:s6], [sflag:s4] =	dma.local [hbm:s3], $0xF7A  }
0x26: {  	[smem:$0x3F9D] =	sst s1;
	(tag) =	ssettag s2;
	_ =	strace s9  }
0x27: {  	s1 =	sld [smem:$0x3FAD]  }
0x28: {  	s2 =	sld [smem:$0x3FAE]  }
0x29: {  	s4 =	sld [smem:$0x3FB0]  }
0x2a: {  	p0 =	seq.s32 s5, $0x0;
	s5 =	sld [smem:$0x3FB1]  }
0x2b: {  	s6 =	sld [smem:$0x3FB2]  }
0x2c: {  	s7 =	sld [smem:$0x3FB3]  }
0x2d: {  	s3 =	simm.s32 $0x108;
	s8 =	sld [smem:$0x3FB4]  }
0x2e: {  	s3 =	simm.s32 @!p0 $0x1082;
	s9 =	sld [smem:$0x3FB5]  }
0x2f: {  	lr =	sadd.s32 s0, s3;
	s0 =	sld [smem:$0x3FAC]  }
0x30: {  	s3 =	sld [smem:$0x3FAF]  }
0x31: {  	[smem:$0x3FB8] =	sst s10  }
0x32: {  	s10 =	sld [smem:$0x3FB6];
	_ =	sdelay $0x3  }
0x33: {  	p0 =	seq.s32 s10, $0x1;
	s10 =	sld [smem:$0x3FB8];
	_ =	sdelay $0x3  }
0x34: {  	[smem:$0x3FB8] =	sst s10  }
0x35: {  	s10 =	sld [smem:$0x3FB7];
	_ =	sdelay $0x3  }
0x36: {  	p1 =	seq.s32 s10, $0x1;
	s10 =	sld [smem:$0x3FB8];
	_ =	sdelay $0x3  }
0x37: {  	[smem:$0x3FB8] =	sst s10  }
0x38: {  	s10 =	sld [smem:$0x3FB9]  }
0x39: {  	_ = 	snop;
	(pc) =	sbr.ind lr, $3  }
0x3a: {  	_ = 	snop  }
0x3b: {  	_ = 	snop  }
0x3c: {  	p2 =	seq.s32 s10, $0x1;
	s10 =	sld [smem:$0x3FB8]  }
0x3d: {  	_ =	shalt  }
0x3e: {  	_ =	shalt  }
0x3f: {  	_ =	shalt  }
0x40: {  	_ =	shalt  }
0x41: {  	_ =	shalt  }
0x42: {  	_ =	shalt  }
0x43: {  	_ =	shalt  }
0x44: {  	_ =	shalt  }
0x45: {  	_ =	shalt  }
0x46: {  	_ =	shalt  }
0x47: {  	_ =	shalt  }
0x48: {  	_ =	shalt  }
0x49: {  	_ =	shalt  }
0x4a: {  	_ =	shalt  }
0x4b: {  	_ =	shalt  }
0x4c: {  	_ =	shalt  }
0x4d: {  	_ =	shalt  }
0x4e: {  	_ =	shalt  }
0x4f: {  	_ =	shalt  }
0x50: {  	_ =	shalt  }
0x51: {  	_ =	shalt  }
0x52: {  	_ =	shalt  }
0x53: {  	_ =	shalt  }
0x54: {  	_ =	shalt  }
0x55: {  	_ =	shalt  }
0x56: {  	_ =	shalt  }
0x57: {  	_ =	shalt  }
0x58: {  	_ =	shalt  }
0x59: {  	_ =	shalt  }
0x5a: {  	_ =	shalt  }
0x5b: {  	_ =	shalt  }
0x5c: {  	_ =	shalt  }
0x5d: {  	_ =	shalt  }
0x5e: {  	_ =	shalt  }
0x5f: {  	_ =	shalt  }
0x60: {  	_ =	shalt  }
0x61: {  	_ =	shalt  }
0x62: {  	_ =	shalt  }
0x63: {  	_ =	shalt  }
0x64: {  	_ =	shalt  }
0x65: {  	_ =	shalt  }
0x66: {  	_ =	shalt  }
0x67: {  	_ =	shalt  }
0x68: {  	_ =	shalt  }
0x69: {  	_ =	shalt  }
0x6a: {  	_ =	shalt  }
0x6b: {  	_ =	shalt  }
0x6c: {  	_ =	shalt  }
0x6d: {  	_ =	shalt  }
0x6e: {  	_ =	shalt  }
0x6f: {  	_ =	shalt  }
0x70: {  	_ =	shalt  }
0x71: {  	_ =	shalt  }
0x72: {  	_ =	shalt  }
0x73: {  	_ =	shalt  }
0x74: {  	_ =	shalt  }
0x75: {  	_ =	shalt  }
0x76: {  	_ =	shalt  }
0x77: {  	_ =	shalt  }
0x78: {  	_ =	shalt  }
0x79: {  	_ =	shalt  }
0x7a: {  	_ =	shalt  }
0x7b: {  	_ =	shalt  }
0x7c: {  	_ =	shalt  }
0x7d: {  	_ =	shalt  }
0x7e: {  	_ =	shalt  }
0x7f: {  	_ =	shalt  }
0x80: {  	_ =	shalt  }
0x81: {  	_ =	shalt  }
0x82: {  	_ =	shalt  }
0x83: {  	_ =	shalt  }
0x84: {  	_ =	shalt  }
0x85: {  	_ =	shalt  }
0x86: {  	_ =	shalt  }
0x87: {  	_ =	shalt  }
.Lfunc_end0:
.L_simem_size_0:
called_computation_lowered:
.L_overlay_start_0:
0x88: {  	s2 =	sld [smem:$0x3FD9]  }
0x89: {  	s3 =	sld [smem:$0x3FFE];
	_ =	sdelay $0x1  }
0x8a: {  	s1 =	srdreg.scid  }
0x8b: {  	s0 =	sand.u32 $0x1, s1  }
0x8c: {  	s17 =	sshll.u32 s0, $0xA;
	s2 =	sadd.s32 s3, s2  }
0x8d: {  	s2 =	sadd.s32 s2, s17  }
0x8e: {  	[smem:$0x3FC4] =	sst s2  }
0x8f: {  	_ = 	snop  }
0x90: {  	s2 =	sld [smem:$0x3FC8]  }
0x91: {  	s18 =	sld [smem:$0x3FC7]  }
0x92: {  	s4 =	sld [smem:$0x3FC6]  }
0x93: {  	s5 =	sld [smem:$0x3FD0];
	(tm) =	ssettm $0x1  }
0x94: {  	s6 =	sld [smem:$0x3FFB];
	_ =	sdelay $0x3  }
0x95: {  	_ =	strace s6  }
0x96: {  	s6 =	sld [smem:$0x3FFC];
	_ =	sdelay $0x3  }
0x97: {  	_ =	strace s6  }
0x98: {  	s6 =	sld [smem:$0x3FFD];
	_ =	sdelay $0x3  }
0x99: {  	_ =	strace s6  }
0x9a: {  	_ =	strace $0x8FFFFFFF  }
0x9b: {  	s19 =	sld [smem:$0x3FDB];
	_ =	sdelay $0x1  }
0x9c: {  	s7 =	simm.s32 $_scs_section_size  }
0x9d: {  	s8 =	simm.s32 $_size__tile_overlayer_lowered;
	s9 =	simm.s32 $_tile_overlayer_lowered  }
0x9e: {  	s22 =	simm.s32 $0x1BFF;
	s21 =	sshll.u32 s9, $0x1;
	s6 =	sadd.s32 s7, s19  }
0x9f: {  	s10 =	simm.s32 $0x0;
	s20 =	sshll.u32 s8, $0x1;
	s8 =	sadd.s32 s21, s6  }
0xa0: {  	[timem:s10], [sflag:s22] =	dma.local [hbm:s8], s20  }
0xa1: {  	_ =	swait.ge [sflag:s22], s20  }
0xa2: {  	s7 =	ssub.s32 $0x0, s20;
	[sflag:s22] =	ssyncset.done $0x0  }
0xa3: {  	[sflag:s22] =	ssyncadd.s32 s7;
	_ =	sdelay $0x1  }
0xa4: {  	s23 =	simm.s32 $0x1B8B  }
0xa5: {  	_ =	swait.ge [sflag:s23], $0x1  }
0xa6: {  	[sflag:s23] =	ssyncset.done $0x0  }
0xa7: {  	s25 =	simm.s32 $0x1B8E;
	s24 =	sld [smem:$0x3FFE];
	[sflag:s23] =	ssyncadd.s32 $0xFFFFFFFF  }
0xa8: {  	s26 =	simm.s32 $execute0_lowered;
	[smem:$0x3FD2] =	sst s25  }
0xa9: {  	s8 =	sshll.u32 s26, $0x1;
	_ =	strace $0x80000046;
	[dreg:$0x1] =	wrdreg $0xFFFFFFFF  }
0xaa: {  	s28 =	simm.s32 $_size_execute0_lowered;
	s6 =	sadd.s32 s6, s8;
	[dreg:$0x0] =	wrdreg $0x0  }
0xab: {  	s8 =	sshll.u32 s28, $0x1;
	[dreg:$0x2] =	wrdreg s6  }
0xac: {  	[dreg:$0x3] =	wrdreg s8  }
0xad: {  	[dreg:$0x4] =	wrdreg $0xC0  }
0xae: {  	_ =	task [dreg:s10], $0x5FFFF  }
0xaf: {  	[dreg:$0x1] =	wrdreg $0xFFFFFFFF  }
0xb0: {  	[dreg:$0x0] =	wrdreg $0x60  }
0xb1: {  	[dreg:$0x2] =	wrdreg s24  }
0xb2: {  	[dreg:$0x3] =	wrdreg s2  }
0xb3: {  	[dreg:$0x4] =	wrdreg s18  }
0xb4: {  	[dreg:$0x5] =	wrdreg s4  }
0xb5: {  	[dreg:$0x6] =	wrdreg s5  }
0xb6: {  	[dreg:$0x7] =	wrdreg $0x9  }
0xb7: {  	_ =	task.clear_ibuf [dreg:s10], $0x8FFFF;
	_ =	strace $0x90000046  }
0xb8: {  	s29 =	simm.s32 $0x9;
	_ =	strace $0x80000048  }
0xb9: {  	_ =	swait.ge [sflag:s29], $0x1  }
0xba: {  	[sflag:s29] =	ssyncadd.s32 $0xFFFFFFFF  }
0xbb: {  	_ =	strace $0x90000048  }
0xbc: {  	_ =	sfence  }
0xbd: {  	s30 =	sld [smem:$0x0];
	_ =	sdelay $0x2  }
0xbe: {  	s31 =	sshll.u32 s1, $0xD;
	s1 =	sshrl.u32 s1, $0x2  }
0xbf: {  	s3 =	sand.u32 $0x4000, s31;
	s1 =	sadd.s32 s1, s30  }
0xc0: {  	s0 =	sor.u32 s3, s0;
	s1 =	sshll.u32 s1, $0x11  }
0xc1: {  	s0 =	sor.u32 s1, s0  }
0xc2: {  	s0 =	sadd.s32 $0x8F2B, s0  }
0xc3: {  	[sflag:s0] =	ssyncadd.remote.s32 $0x1  }
0xc4: {  	_ =	sfence.sel $0xFFFF  }
0xc5: {  	[dreg:$0x0] =	wrdreg $0xFFFFFFFF;
	(pc) =	sbr.abs _section_cstart, $3  }
0xc6: {  	[dreg:$0x1] =	wrdreg $0xFFFFFFFF  }
0xc7: {  	_ =	task.clear_ibuf [dreg:s10], $0x2FFFF;
	_ =	strace $0x9FFFFFFF  }
0xc8: {  	(tm) =	ssettm $0x7FFFFFFF  }
0xc9: {  	_ =	shalt  }
tec
execute0_lowered:
.L_overlay_start_1:
0x0: {  	(tag) =	ssettag $0x1  }
0x1: {  	s0 =	rddreg [dreg:$0x0]  }
0x2: {  	s1 =	rddreg [dreg:$0x1]  }
0x3: {  	s2 =	rddreg [dreg:$0x2]  }
0x4: {  	s4 =	rddreg [dreg:$0x4];
	s3 =	srdreg.scid  }
0x5: {  	s6 =	simm.s32 $0x0;
	s8 =	stileid.u32;
	s16 =	simm.s32 $0x20  }
0x6: {  	s12 =	simm.s32 $0xAC00;
	s14 =	simm.s32 $0x600;
	s17 =	simm.s32 $0xBC00  }
0x7: {  	s18 =	simm.s32 $0x680;
	s19 =	simm.s32 $0xCC00;
	s20 =	simm.s32 $0x700  }
0x8: {  	s21 =	simm.s32 $0xDC00;
	s22 =	simm.s32 $0x1;
	s3 =	sand.u32 $0x1, s3  }
0x9: {  	s24 =	simm.s32 $0x2;
	[smem:$0x7FF] =	sst s6;
	s5 =	sshll.u32 s3, $0x4  }
0xa: {  	_ =	strace $0x80000047;
	s3 =	ssub.s32 $0x2, s3;
	s5 =	sor.u32 s8, s5  }
0xb: {  	s29 =	sshrl.u32 s3, $0x1;
	s8 =	sshll.u32 s8, $0xA;
	s7 =	sshll.u32 s5, $0x7  }
0xc: {  	s3 =	ssub.s32 s3, s29;
	s31 =	sshll.u32 s5, $0xE;
	s5 =	sshll.u32 s5, $0x11  }
0xd: {  	s0 =	sadd.s32 s7, s0;
	s7 =	sand.u32 $0x400, s8;
	s9 =	sadd.s32 s4, s31  }
.Ltmp0:
0xe: {  	s10 =	sor.u32 $0x1000, s5;
	s11 =	sor.u32 $0x2000, s5;
	(pc) =	sbr.rel .LBB2_1-.Ltmp0, $4  }
0xf: {  	s3 =	smax.u32 s3, $0x1;
	s8 =	simm.s32 $0x580;
	s0 =	sadd.s32 $0x60E, s0  }
0x10: {  	v0 =	vlaneseq.u32;
	s13 =	sor.u32 $0x10, s7;
	s23 =	sor.u32 $0x20, s7;
	s25 =	sor.u32 $0x30, s7  }
0x11: {  	s30 =	sor.u32 $0x40, s7;
	s26 =	sor.u32 $0x50, s7;
	[dreg:$0x7] =	wrdreg s3;
	v6 =	vor.u32 s7, v0;
	v1 =	vor.u32 s13, v0;
	v2 =	vor.u32 s23, v0  }
0x12: {  	s5 =	simm.s32 $0x0;
	[dreg:$0x6] =	wrdreg s0;
	v3 =	vor.u32 s25, v0;
	v4 =	vor.u32 s30, v0;
	v5 =	vor.u32 s26, v0;
	s26 =	simm.s32 $0x3  }
.LBB2_28:
0x13: {  	s0 =	simm.s32 $0x4  }
0x14: {  	_ =	swait.ge [sflag:s0], $0x1000  }
0x15: {  	[sflag:s0] =	ssyncset.done $0x0  }
0x16: {  	s30 =	simm.s32 $0x5;
	[sflag:s0] =	ssyncadd.s32 $0xFFFFF000  }
0x17: {  	_ =	swait.ge [sflag:s30], $0x1000  }
0x18: {  	[sflag:s30] =	ssyncset.done $0x0  }
0x19: {  	s3 =	simm.s32 $0x6;
	[sflag:s30] =	ssyncadd.s32 $0xFFFFF000  }
0x1a: {  	_ =	swait.ge [sflag:s3], $0x1000  }
0x1b: {  	s5 =	rddreg [dreg:$0x8]  }
0x1c: {  	s31 =	rddreg [dreg:$0x7];
	s5 =	sadd.s32 $0x1, s5  }
0x1d: {  	p0 =	sne.s32 s5, s31  }
.Ltmp1:
0x1e: {  	_ = 	snop;
	(pc) =	sbr.rel @!p0 .LBB2_29-.Ltmp1, $3  }
0x1f: {  	_ =	sdelay $0x1  }
0x20: {  	[sflag:s3] =	ssyncset.done $0x0  }
0x21: {  	[sflag:s3] =	ssyncadd.s32 $0xFFFFF000  }
.LBB2_1:
0x22: {  	[dreg:$0x8] =	wrdreg s5  }
0x23: {  	s0 =	rddreg [dreg:$0x6];
	s3 =	simm.s32 $0x19000;
	s29 =	simm.s32 $0x7  }
0x24: {  	[tilespmem:s3], [sflag:$0x7] =	stream.linear.gather [hbm4b:s0+s6], $0x410, $0x38;
	[tilespmem:$0x1B580] =	vst v63  }
0x25: {  	_ =	swait.ge [sflag:s29], $0x410  }
0x26: {  	[sflag:s29] =	ssyncset.done $0x0  }
0x27: {  	[sflag:s29] =	ssyncadd.s32 $0xFFFFFBF0  }
0x28: {  	s31 =	simm.s32 $0x18C00;
	s30 =	rddreg [dreg:$0x3]  }
0x29: {  	[tilespmem:s31], [sflag:$0x7] =	stream.linear.gather [hbm4b:s30+s6], $0x300, $0x38;
	[tilespmem:$0x1B580] =	vst v63  }
0x2a: {  	_ =	swait.ge [sflag:s29], $0x300  }
0x2b: {  	[sflag:s29] =	ssyncset.done $0x0  }
0x2c: {  	[sflag:s29] =	ssyncadd.s32 $0xFFFFFD00  }
0x2d: {  	v22 =	vld [tilespmem:$0x18C00]  }
0x2e: {  	v26 =	vld [tilespmem:$0x18C80]  }
0x2f: {  	v19 =	vld [tilespmem:$0x18D00]  }
0x30: {  	v10 =	vld [tilespmem:$0x18D80]  }
0x31: {  	v8 =	vld [tilespmem:$0x18E00]  }
0x32: {  	v7 =	vld [tilespmem:$0x18E80]  }
0x33: {  	v34 =	vld [tilespmem:$0x18C10]  }
0x34: {  	v37 =	vld [tilespmem:$0x18C90]  }
0x35: {  	v31 =	vld [tilespmem:$0x18D10]  }
0x36: {  	v23 =	vld [tilespmem:$0x18D90]  }
0x37: {  	v17 =	vld [tilespmem:$0x18E10]  }
0x38: {  	v9 =	vld [tilespmem:$0x18E90]  }
0x39: {  	v44 =	vld [tilespmem:$0x18C20]  }
0x3a: {  	v46 =	vld [tilespmem:$0x18CA0]  }
0x3b: {  	v41 =	vld [tilespmem:$0x18D20]  }
0x3c: {  	v35 =	vld [tilespmem:$0x18DA0]  }
0x3d: {  	v27 =	vld [tilespmem:$0x18E20]  }
0x3e: {  	v18 =	vld [tilespmem:$0x18EA0]  }
0x3f: {  	v51 =	vld [tilespmem:$0x18C30]  }
0x40: {  	v52 =	vld [tilespmem:$0x18CB0]  }
0x41: {  	v49 =	vld [tilespmem:$0x18D30]  }
0x42: {  	v45 =	vld [tilespmem:$0x18DB0]  }
0x43: {  	v38 =	vld [tilespmem:$0x18E30]  }
0x44: {  	v29 =	vld [tilespmem:$0x18EB0]  }
0x45: {  	v28 =	vld [tilespmem:$0x18C40]  }
0x46: {  	v30 =	vld [tilespmem:$0x18CC0]  }
0x47: {  	v20 =	vld [tilespmem:$0x18D40]  }
0x48: {  	v14 =	vld [tilespmem:$0x18DC0]  }
0x49: {  	v12 =	vld [tilespmem:$0x18E40]  }
0x4a: {  	v11 =	vld [tilespmem:$0x18EC0]  }
0x4b: {  	v39 =	vld [tilespmem:$0x18C50]  }
0x4c: {  	v40 =	vld [tilespmem:$0x18CD0]  }
0x4d: {  	v32 =	vld [tilespmem:$0x18D50]  }
0x4e: {  	v21 =	vld [tilespmem:$0x18DD0]  }
0x4f: {  	v15 =	vld [tilespmem:$0x18E50]  }
0x50: {  	v13 =	vld [tilespmem:$0x18ED0]  }
0x51: {  	v47 =	vld [tilespmem:$0x18C60]  }
0x52: {  	v48 =	vld [tilespmem:$0x18CE0]  }
0x53: {  	v42 =	vld [tilespmem:$0x18D60]  }
0x54: {  	v33 =	vld [tilespmem:$0x18DE0]  }
0x55: {  	v24 =	vld [tilespmem:$0x18E60]  }
0x56: {  	v16 =	vld [tilespmem:$0x18EE0]  }
0x57: {  	v53 =	vld [tilespmem:$0x18C70]  }
0x58: {  	v54 =	vld [tilespmem:$0x18CF0]  }
0x59: {  	v50 =	vld [tilespmem:$0x18D70]  }
0x5a: {  	v43 =	vld [tilespmem:$0x18DF0]  }
0x5b: {  	v36 =	vld [tilespmem:$0x18E70]  }
0x5c: {  	s0 =	simm.s32 $0x0;
	v25 =	vld [tilespmem:$0x18EF0]  }
0x5d: {  	s3 =	simm.s32 $0x40;
	v55 =	vld [tilespmem:s0+$0x19000]  }
.LBB2_2:
0x5e: {  	p0 =	sne.s32 s3, $0x1000  }
.Ltmp2:
0x5f: {  	_ = 	snop;
	(pc) =	sbr.rel @p0 .LBB2_2-.Ltmp2, $3  }
0x60: {  	_ =	sdelay $0x1  }
0x61: {  	[tilespmem:s0+$0x19490] =	vst v55;
	s0 =	sshra.s32 s3, $0x2;
	s3 =	sadd.s32 $0x40, s3  }
0x62: {  	v55 =	vld [tilespmem:s0+$0x19000]  }
0x63: {  	_ =	sdelay $0x3  }
0x64: {  	[tilespmem:s0+$0x19490] =	vst v55  }
0x65: {  	v55 =	vld [tilespmem:$0x1948F];
	_ =	sdelay $0x1  }
0x66: {  	v56 =	vld [tilespmem:$0x19000];
	_ =	sdelay $0x2  }
0x67: {  	v55 =	vmul.u32 $0x104, v55;
	_ =	sdelay $0x1  }
0x68: {  	v55 =	vadd.s32 v56, v55  }
0x69: {  	v55 =	vand.u32 $0x7FFFFF, v55  }
0x6a: {  	[tilespmem:$0x198B0] =	vst v55  }
0x6b: {  	v55 =	vld [tilespmem:$0x198AF];
	_ =	sdelay $0x1  }
0x6c: {  	v61 =	vld [tilespmem:$0x19000];
	_ =	sdelay $0x2  }
0x6d: {  	v55 =	vmul.u32 $0x104, v55;
	_ =	sdelay $0x1  }
0x6e: {  	v55 =	vadd.s32 v61, v55  }
0x6f: {  	v55 =	vand.u32 $0x7FFFFF, v55  }
0x70: {  	[tilespmem:$0x19CD0] =	vst v55  }
0x71: {  	v55 =	vld [tilespmem:$0x19CCF];
	_ =	sdelay $0x1  }
0x72: {  	v62 =	vld [tilespmem:$0x19000];
	_ =	sdelay $0x2  }
0x73: {  	v55 =	vmul.u32 $0x104, v55;
	_ =	sdelay $0x1  }
0x74: {  	v55 =	vadd.s32 v62, v55  }
0x75: {  	v55 =	vand.u32 $0x7FFFFF, v55  }
0x76: {  	[tilespmem:$0x1A0F0] =	vst v55  }
0x77: {  	v55 =	vld [tilespmem:$0x1A0EF];
	_ =	sdelay $0x1  }
0x78: {  	v63 =	vld [tilespmem:$0x19000];
	_ =	sdelay $0x2  }
0x79: {  	v55 =	vmul.u32 $0x104, v55;
	_ =	sdelay $0x1  }
0x7a: {  	v55 =	vadd.s32 v63, v55  }
0x7b: {  	v55 =	vand.u32 $0x7FFFFF, v55  }
0x7c: {  	[tilespmem:$0x1A510] =	vst v55  }
0x7d: {  	v55 =	vld [tilespmem:$0x1A50F];
	_ =	sdelay $0x1  }
0x7e: {  	v60 =	vld [tilespmem:$0x19000];
	_ =	sdelay $0x2  }
0x7f: {  	v55 =	vmul.u32 $0x104, v55;
	_ =	sdelay $0x1  }
0x80: {  	v55 =	vadd.s32 v60, v55  }
0x81: {  	v55 =	vand.u32 $0x7FFFFF, v55  }
0x82: {  	[tilespmem:$0x1A930] =	vst v55  }
0x83: {  	v55 =	vld [tilespmem:$0x1A92F];
	_ =	sdelay $0x1  }
0x84: {  	v61 =	vld [tilespmem:$0x19000];
	_ =	sdelay $0x2  }
0x85: {  	v55 =	vmul.u32 $0x104, v55;
	_ =	sdelay $0x1  }
0x86: {  	v55 =	vadd.s32 v61, v55  }
0x87: {  	v55 =	vand.u32 $0x7FFFFF, v55  }
0x88: {  	[tilespmem:$0x1AD50] =	vst v55  }
0x89: {  	v55 =	vld [tilespmem:$0x1AD4F]  }
0x8a: {  	v57 =	vld [tilespmem:$0x19010]  }
0x8b: {  	v62 =	vld [tilespmem:$0x19000]  }
0x8c: {  	v58 =	vld [tilespmem:$0x19020];
	_ =	sdelay $0x1  }
0x8d: {  	v55 =	vmul.u32 $0x104, v55;
	_ =	sdelay $0x1  }
0x8e: {  	[tilespmem:$0x0] =	vst v57;
	v55 =	vadd.s32 v62, v55  }
0x8f: {  	[tilespmem:$0x10] =	vst v58;
	v55 =	vand.u32 $0x7FFFFF, v55  }
0x90: {  	s3 =	simm.s32 $0x198D0;
	[tilespmem:$0x1B170] =	vst v55  }
0x91: {  	v55 =	vld [tilespmem:s3+$0xFFFFFBCF];
	_ =	sdelay $0x1  }
0x92: {  	v63 =	vld [tilespmem:$0x19010];
	_ =	sdelay $0x2  }
0x93: {  	v55 =	vmul.u32 $0x104, v55;
	_ =	sdelay $0x1  }
0x94: {  	v55 =	vadd.s32 v63, v55  }
0x95: {  	p0 =	por $0x1, $0x1;
	v55 =	vand.u32 $0x7FFFFF, v55  }
0x96: {  	v56 =	vadd.s32 @!p0 $0xFF85EE00, v55  }
0x97: {  	v57 =	vld @p0 [tilespmem:s3+$0xFFFFFBDF];
	v56 =	vmin.u32 @!p0 v56, v55  }
0x98: {  	[tilespmem:s3+$0xFFFFFFF0] =	vst v55;
	vm0 =	vgt.s32 @!p0 v56, $0x3D08FF;
	v55 =	vadd.s32 @!p0 $0xFFC2F700, v56  }
0x99: {  	v58 =	vld @p0 [tilespmem:$0x19020];
	v55 =	vsel @!p0 vm0, v55, v56  }
0x9a: {  	vm0 =	vgt.s32 @!p0 v55, $0x1E847F;
	v56 =	vadd.s32 @!p0 $0xFFE17B80, v55  }
0x9b: {  	v55 =	vsel @!p0 vm0, v56, v55  }
0x9c: {  	v56 =	vmul.u32 @p0 $0x104, v57;
	vm0 =	vgt.s32 @!p0 v55, $0xF423F;
	v57 =	vadd.s32 @!p0 $0xFFF0BDC0, v55  }
0x9d: {  	v55 =	vsel @!p0 vm0, v57, v55  }
0x9e: {  	s5 =	simm.s32 $0x1;
	v56 =	vadd.s32 @p0 v58, v56;
	vm0 =	vgt.s32 @!p0 v55, $0x7A11F;
	v57 =	vadd.s32 @!p0 $0xFFF85EE0, v55  }
0x9f: {  	v56 =	vand.u32 @p0 $0x7FFFFF, v56;
	v55 =	vsel @!p0 vm0, v57, v55;
	vm0 =	vlt.s32 @!p0 v6, s5  }
0xa0: {  	s0 =	simm.s32 $0x10;
	[tilespmem:s3+$0x0] =	vst @p0 v56;
	v55 =	vsel @!p0 vm0, $0x0, v55  }
0xa1: {  	[tilespmem:s0+$0xFFFFFFF0] =	vst @!p0 v55  }
0xa2: {  	v55 =	vld @!p0 [tilespmem:s3+$0xFFFFFBDF];
	_ =	sdelay $0x1  }
0xa3: {  	v56 =	vld @!p0 [tilespmem:$0x19020];
	_ =	sdelay $0x2  }
0xa4: {  	v55 =	vmul.u32 @!p0 $0x104, v55;
	_ =	sdelay $0x1  }
0xa5: {  	v55 =	vadd.s32 @!p0 v56, v55  }
0xa6: {  	v55 =	vand.u32 @!p0 $0x7FFFFF, v55  }
0xa7: {  	v56 =	vadd.s32 @!p0 $0xFF85EE00, v55  }
0xa8: {  	v56 =	vmin.u32 @!p0 v56, v55  }
0xa9: {  	vm0 =	vgt.s32 @!p0 v56, $0x3D08FF;
	v57 =	vadd.s32 @!p0 $0xFFC2F700, v56  }
0xaa: {  	v56 =	vsel @!p0 vm0, v57, v56  }
0xab: {  	vm0 =	vgt.s32 @!p0 v56, $0x1E847F;
	v57 =	vadd.s32 @!p0 $0xFFE17B80, v56  }
0xac: {  	v56 =	vsel @!p0 vm0, v57, v56  }
0xad: {  	vm0 =	vgt.s32 @!p0 v56, $0xF423F;
	v57 =	vadd.s32 @!p0 $0xFFF0BDC0, v56  }
0xae: {  	v56 =	vsel @!p0 vm0, v57, v56  }
0xaf: {  	vm0 =	vgt.s32 @!p0 v56, $0x7A11F;
	v57 =	vadd.s32 @!p0 $0xFFF85EE0, v56  }
0xb0: {  	v56 =	vsel @!p0 vm0, v57, v56;
	vm0 =	vlt.s32 @!p0 v1, s5  }
0xb1: {  	[tilespmem:s3+$0x0] =	vst @!p0 v55;
	v55 =	vsel @!p0 vm0, $0x0, v56  }
0xb2: {  	s3 =	simm.s32 $0x3;
	s5 =	simm.s32 $0x19CF0;
	[tilespmem:s0+$0x0] =	vst @!p0 v55  }
.LBB2_4:
0xb3: {  	v55 =	vld [tilespmem:s5+$0xFFFFFBCF];
	s13 =	smov.u32 s3;
	s3 =	sadd.s32 $0x1, s3  }
0xb4: {  	v56 =	vld [tilespmem:$0x19010];
	p0 =	sne.s32 s3, $0x9;
	_ =	sdelay $0x3  }
0xb5: {  	v55 =	vmul.u32 $0x104, v55;
	_ =	sdelay $0x1  }
0xb6: {  	v55 =	vadd.s32 v56, v55  }
0xb7: {  	p1 =	slt.u32 s13, $0x3;
	v55 =	vand.u32 $0x7FFFFF, v55  }
0xb8: {  	v56 =	vadd.s32 @!p1 $0xFF85EE00, v55  }
0xb9: {  	v57 =	vld @p1 [tilespmem:s5+$0xFFFFFBDF];
	v56 =	vmin.u32 @!p1 v56, v55  }
0xba: {  	[tilespmem:s5+$0xFFFFFFF0] =	vst v55;
	vm0 =	vgt.s32 @!p1 v56, $0x3D08FF;
	v55 =	vadd.s32 @!p1 $0xFFC2F700, v56  }
0xbb: {  	v58 =	vld @p1 [tilespmem:$0x19020];
	v55 =	vsel @!p1 vm0, v55, v56  }
0xbc: {  	vm0 =	vgt.s32 @!p1 v55, $0x1E847F;
	v56 =	vadd.s32 @!p1 $0xFFE17B80, v55  }
0xbd: {  	v55 =	vsel @!p1 vm0, v56, v55  }
0xbe: {  	v56 =	vmul.u32 @p1 $0x104, v57;
	vm0 =	vgt.s32 @!p1 v55, $0xF423F;
	v57 =	vadd.s32 @!p1 $0xFFF0BDC0, v55  }
0xbf: {  	v55 =	vsel @!p1 vm0, v57, v55  }
0xc0: {  	s13 =	sadd.s32 $0xFFFFFFFF, s13;
	v56 =	vadd.s32 @p1 v58, v56;
	vm0 =	vgt.s32 @!p1 v55, $0x7A11F;
	v57 =	vadd.s32 @!p1 $0xFFF85EE0, v55  }
0xc1: {  	v56 =	vand.u32 @p1 $0x7FFFFF, v56;
	v55 =	vsel @!p1 vm0, v57, v55;
	vm0 =	vlt.s32 @!p1 v6, s13  }
0xc2: {  	s0 =	sadd.s32 $0x80, s0;
	[tilespmem:s5+$0x0] =	vst @p1 v56;
	v55 =	vsel @!p1 vm0, $0x0, v55  }
0xc3: {  	[tilespmem:s0+$0xFFFFFFF0] =	vst @!p1 v55  }
0xc4: {  	v55 =	vld @!p1 [tilespmem:s5+$0xFFFFFBDF];
	_ =	sdelay $0x1  }
0xc5: {  	v56 =	vld @!p1 [tilespmem:$0x19020];
	_ =	sdelay $0x2  }
0xc6: {  	v55 =	vmul.u32 @!p1 $0x104, v55;
	_ =	sdelay $0x1  }
0xc7: {  	v55 =	vadd.s32 @!p1 v56, v55  }
0xc8: {  	v55 =	vand.u32 @!p1 $0x7FFFFF, v55  }
0xc9: {  	[tilespmem:s5+$0x0] =	vst @!p1 v55;
	v56 =	vadd.s32 @!p1 $0xFF85EE00, v55  }
0xca: {  	v55 =	vmin.u32 @!p1 v56, v55  }
0xcb: {  	vm0 =	vgt.s32 @!p1 v55, $0x3D08FF;
	v56 =	vadd.s32 @!p1 $0xFFC2F700, v55  }
0xcc: {  	v55 =	vsel @!p1 vm0, v56, v55  }
0xcd: {  	vm0 =	vgt.s32 @!p1 v55, $0x1E847F;
	v56 =	vadd.s32 @!p1 $0xFFE17B80, v55  }
0xce: {  	v55 =	vsel @!p1 vm0, v56, v55  }
0xcf: {  	vm0 =	vgt.s32 @!p1 v55, $0xF423F;
	v56 =	vadd.s32 @!p1 $0xFFF0BDC0, v55  }
.Ltmp3:
0xd0: {  	v55 =	vsel @!p1 vm0, v56, v55;
	(pc) =	sbr.rel @p0 .LBB2_4-.Ltmp3, $4  }
0xd1: {  	vm0 =	vgt.s32 @!p1 v55, $0x7A11F;
	v56 =	vadd.s32 @!p1 $0xFFF85EE0, v55  }
0xd2: {  	v55 =	vsel @!p1 vm0, v56, v55;
	vm0 =	vlt.s32 @!p1 v1, s13  }
0xd3: {  	v55 =	vsel @!p1 vm0, $0x0, v55  }
0xd4: {  	s5 =	sadd.s32 $0x420, s5;
	[tilespmem:s0+$0x0] =	vst @!p1 v55  }
0xd5: {  	s0 =	simm.s32 $0xC00  }
0xd6: {  	[tilespmem:s0], [sflag:$0x1] =	stream.indirect.gather [hbm4b:s1+s16], $0x80, s6, s16, $0xb8;
	[tilespmem:$0x1B580] =	vst v63  }
0xd7: {  	s31 =	simm.s32 $0x80;
	s3 =	simm.s32 $0x1C00  }
0xd8: {  	[tilespmem:s3], [sflag:$0x1] =	stream.indirect.gather [hbm4b:s2+s16], $0x80, s31, s16, $0xb8;
	[tilespmem:$0x1B580] =	vst v63  }
0xd9: {  	s5 =	simm.s32 $0x2C00;
	s3 =	simm.s32 $0x100  }
0xda: {  	[tilespmem:s5], [sflag:$0x1] =	stream.indirect.gather [hbm4b:s2+s16], $0x80, s3, s16, $0xb8;
	[tilespmem:$0x1B580] =	vst v63  }
0xdb: {  	s13 =	simm.s32 $0x180;
	s15 =	simm.s32 $0x3C00  }
0xdc: {  	[tilespmem:s15], [sflag:$0x1] =	stream.indirect.gather [hbm4b:s2+s16], $0x80, s13, s16, $0xb8;
	[tilespmem:$0x1B580] =	vst v63  }
0xdd: {  	s23 =	simm.s32 $0x200;
	s25 =	simm.s32 $0x4C00  }
0xde: {  	[tilespmem:s25], [sflag:$0x1] =	stream.indirect.gather [hbm4b:s2+s16], $0x80, s23, s16, $0xb8;
	[tilespmem:$0x1B580] =	vst v63  }
0xdf: {  	s28 =	simm.s32 $0x280;
	s29 =	simm.s32 $0x5C00  }
0xe0: {  	[tilespmem:s29], [sflag:$0x1] =	stream.indirect.gather [hbm4b:s2+s16], $0x80, s28, s16, $0xb8;
	[tilespmem:$0x1B580] =	vst v63  }
0xe1: {  	s30 =	simm.s32 $0x300;
	s31 =	simm.s32 $0x6C00  }
0xe2: {  	[tilespmem:s31], [sflag:$0x1] =	stream.indirect.gather [hbm4b:s2+s16], $0x80, s30, s16, $0xb8;
	[tilespmem:$0x1B580] =	vst v63  }
0xe3: {  	v55 =	vld [tilespmem:$0x19030]  }
0xe4: {  	v56 =	vld [tilespmem:$0x19040];
	_ =	sdelay $0x3  }
0xe5: {  	[tilespmem:$0x400] =	vst v55  }
0xe6: {  	s3 =	simm.s32 $0x198F0;
	[tilespmem:$0x410] =	vst v56  }
0xe7: {  	v55 =	vld [tilespmem:s3+$0xFFFFFBCF];
	_ =	sdelay $0x1  }
0xe8: {  	v63 =	vld [tilespmem:$0x19030];
	_ =	sdelay $0x2  }
0xe9: {  	v55 =	vmul.u32 $0x104, v55;
	_ =	sdelay $0x1  }
0xea: {  	v55 =	vadd.s32 v63, v55  }
0xeb: {  	p0 =	por $0x1, $0x1;
	v55 =	vand.u32 $0x7FFFFF, v55  }
0xec: {  	v56 =	vadd.s32 @!p0 $0xFF85EE00, v55  }
0xed: {  	v57 =	vld @p0 [tilespmem:s3+$0xFFFFFBDF];
	v56 =	vmin.u32 @!p0 v56, v55  }
0xee: {  	[tilespmem:s3+$0xFFFFFFF0] =	vst v55;
	vm0 =	vgt.s32 @!p0 v56, $0x3D08FF;
	v55 =	vadd.s32 @!p0 $0xFFC2F700, v56  }
0xef: {  	v58 =	vld @p0 [tilespmem:$0x19040];
	v55 =	vsel @!p0 vm0, v55, v56  }
0xf0: {  	vm0 =	vgt.s32 @!p0 v55, $0x1E847F;
	v56 =	vadd.s32 @!p0 $0xFFE17B80, v55  }
0xf1: {  	v55 =	vsel @!p0 vm0, v56, v55  }
0xf2: {  	v56 =	vmul.u32 @p0 $0x104, v57;
	vm0 =	vgt.s32 @!p0 v55, $0xF423F;
	v57 =	vadd.s32 @!p0 $0xFFF0BDC0, v55  }
0xf3: {  	v55 =	vsel @!p0 vm0, v57, v55  }
0xf4: {  	s5 =	simm.s32 $0x1;
	v56 =	vadd.s32 @p0 v58, v56;
	vm0 =	vgt.s32 @!p0 v55, $0x7A11F;
	v57 =	vadd.s32 @!p0 $0xFFF85EE0, v55  }
0xf5: {  	v56 =	vand.u32 @p0 $0x7FFFFF, v56;
	v55 =	vsel @!p0 vm0, v57, v55;
	vm0 =	vlt.s32 @!p0 v2, s5  }
0xf6: {  	s0 =	simm.s32 $0x410;
	[tilespmem:s3+$0x0] =	vst @p0 v56;
	v55 =	vsel @!p0 vm0, $0x0, v55  }
0xf7: {  	[tilespmem:s0+$0xFFFFFFF0] =	vst @!p0 v55  }
0xf8: {  	v55 =	vld @!p0 [tilespmem:s3+$0xFFFFFBDF];
	_ =	sdelay $0x1  }
0xf9: {  	v56 =	vld @!p0 [tilespmem:$0x19040];
	_ =	sdelay $0x2  }
0xfa: {  	v55 =	vmul.u32 @!p0 $0x104, v55;
	_ =	sdelay $0x1  }
0xfb: {  	v55 =	vadd.s32 @!p0 v56, v55  }
0xfc: {  	v55 =	vand.u32 @!p0 $0x7FFFFF, v55  }
0xfd: {  	v56 =	vadd.s32 @!p0 $0xFF85EE00, v55  }
0xfe: {  	v56 =	vmin.u32 @!p0 v56, v55  }
0xff: {  	vm0 =	vgt.s32 @!p0 v56, $0x3D08FF;
	v57 =	vadd.s32 @!p0 $0xFFC2F700, v56  }
0x100: {  	v56 =	vsel @!p0 vm0, v57, v56  }
0x101: {  	vm0 =	vgt.s32 @!p0 v56, $0x1E847F;
	v57 =	vadd.s32 @!p0 $0xFFE17B80, v56  }
0x102: {  	v56 =	vsel @!p0 vm0, v57, v56  }
0x103: {  	vm0 =	vgt.s32 @!p0 v56, $0xF423F;
	v57 =	vadd.s32 @!p0 $0xFFF0BDC0, v56  }
0x104: {  	v56 =	vsel @!p0 vm0, v57, v56  }
0x105: {  	vm0 =	vgt.s32 @!p0 v56, $0x7A11F;
	v57 =	vadd.s32 @!p0 $0xFFF85EE0, v56  }
0x106: {  	v56 =	vsel @!p0 vm0, v57, v56;
	vm0 =	vlt.s32 @!p0 v3, s5  }
0x107: {  	[tilespmem:s3+$0x0] =	vst @!p0 v55;
	v55 =	vsel @!p0 vm0, $0x0, v56  }
0x108: {  	s3 =	simm.s32 $0x3;
	s5 =	simm.s32 $0x19D10;
	[tilespmem:s0+$0x0] =	vst @!p0 v55  }
.LBB2_6:
0x109: {  	v55 =	vld [tilespmem:s5+$0xFFFFFBCF];
	s13 =	smov.u32 s3;
	s3 =	sadd.s32 $0x1, s3  }
0x10a: {  	v56 =	vld [tilespmem:$0x19030];
	p0 =	sne.s32 s3, $0x9;
	_ =	sdelay $0x3  }
0x10b: {  	v55 =	vmul.u32 $0x104, v55;
	_ =	sdelay $0x1  }
0x10c: {  	v55 =	vadd.s32 v56, v55  }
0x10d: {  	p1 =	slt.u32 s13, $0x3;
	v55 =	vand.u32 $0x7FFFFF, v55  }
0x10e: {  	v56 =	vadd.s32 @!p1 $0xFF85EE00, v55  }
0x10f: {  	v57 =	vld @p1 [tilespmem:s5+$0xFFFFFBDF];
	v56 =	vmin.u32 @!p1 v56, v55  }
0x110: {  	[tilespmem:s5+$0xFFFFFFF0] =	vst v55;
	vm0 =	vgt.s32 @!p1 v56, $0x3D08FF;
	v55 =	vadd.s32 @!p1 $0xFFC2F700, v56  }
0x111: {  	v58 =	vld @p1 [tilespmem:$0x19040];
	v55 =	vsel @!p1 vm0, v55, v56  }
0x112: {  	vm0 =	vgt.s32 @!p1 v55, $0x1E847F;
	v56 =	vadd.s32 @!p1 $0xFFE17B80, v55  }
0x113: {  	v55 =	vsel @!p1 vm0, v56, v55  }
0x114: {  	v56 =	vmul.u32 @p1 $0x104, v57;
	vm0 =	vgt.s32 @!p1 v55, $0xF423F;
	v57 =	vadd.s32 @!p1 $0xFFF0BDC0, v55  }
0x115: {  	v55 =	vsel @!p1 vm0, v57, v55  }
0x116: {  	s13 =	sadd.s32 $0xFFFFFFFF, s13;
	v56 =	vadd.s32 @p1 v58, v56;
	vm0 =	vgt.s32 @!p1 v55, $0x7A11F;
	v57 =	vadd.s32 @!p1 $0xFFF85EE0, v55  }
0x117: {  	v56 =	vand.u32 @p1 $0x7FFFFF, v56;
	v55 =	vsel @!p1 vm0, v57, v55;
	vm0 =	vlt.s32 @!p1 v2, s13  }
0x118: {  	s0 =	sadd.s32 $0x80, s0;
	[tilespmem:s5+$0x0] =	vst @p1 v56;
	v55 =	vsel @!p1 vm0, $0x0, v55  }
0x119: {  	[tilespmem:s0+$0xFFFFFFF0] =	vst @!p1 v55  }
0x11a: {  	v55 =	vld @!p1 [tilespmem:s5+$0xFFFFFBDF];
	_ =	sdelay $0x1  }
0x11b: {  	v56 =	vld @!p1 [tilespmem:$0x19040];
	_ =	sdelay $0x2  }
0x11c: {  	v55 =	vmul.u32 @!p1 $0x104, v55;
	_ =	sdelay $0x1  }
0x11d: {  	v55 =	vadd.s32 @!p1 v56, v55  }
0x11e: {  	v55 =	vand.u32 @!p1 $0x7FFFFF, v55  }
0x11f: {  	[tilespmem:s5+$0x0] =	vst @!p1 v55;
	v56 =	vadd.s32 @!p1 $0xFF85EE00, v55  }
0x120: {  	v55 =	vmin.u32 @!p1 v56, v55  }
0x121: {  	vm0 =	vgt.s32 @!p1 v55, $0x3D08FF;
	v56 =	vadd.s32 @!p1 $0xFFC2F700, v55  }
0x122: {  	v55 =	vsel @!p1 vm0, v56, v55  }
0x123: {  	vm0 =	vgt.s32 @!p1 v55, $0x1E847F;
	v56 =	vadd.s32 @!p1 $0xFFE17B80, v55  }
0x124: {  	v55 =	vsel @!p1 vm0, v56, v55  }
0x125: {  	vm0 =	vgt.s32 @!p1 v55, $0xF423F;
	v56 =	vadd.s32 @!p1 $0xFFF0BDC0, v55  }
.Ltmp4:
0x126: {  	v55 =	vsel @!p1 vm0, v56, v55;
	(pc) =	sbr.rel @p0 .LBB2_6-.Ltmp4, $4  }
0x127: {  	vm0 =	vgt.s32 @!p1 v55, $0x7A11F;
	v56 =	vadd.s32 @!p1 $0xFFF85EE0, v55  }
0x128: {  	v55 =	vsel @!p1 vm0, v56, v55;
	vm0 =	vlt.s32 @!p1 v3, s13  }
0x129: {  	v55 =	vsel @!p1 vm0, $0x0, v55  }
0x12a: {  	s5 =	sadd.s32 $0x420, s5;
	[tilespmem:s0+$0x0] =	vst @!p1 v55  }
0x12b: {  	s0 =	simm.s32 $0x400;
	s3 =	simm.s32 $0x7C00  }
0x12c: {  	[tilespmem:s3], [sflag:$0x2] =	stream.indirect.gather [hbm4b:s1+s16], $0x80, s0, s16, $0xb8;
	[tilespmem:$0x1B580] =	vst v63  }
0x12d: {  	s28 =	simm.s32 $0x480;
	s29 =	simm.s32 $0x8C00  }
0x12e: {  	[tilespmem:s29], [sflag:$0x2] =	stream.indirect.gather [hbm4b:s2+s16], $0x80, s28, s16, $0xb8;
	[tilespmem:$0x1B580] =	vst v63  }
0x12f: {  	s30 =	simm.s32 $0x500;
	s31 =	simm.s32 $0x9C00  }
0x130: {  	[tilespmem:s31], [sflag:$0x2] =	stream.indirect.gather [hbm4b:s2+s16], $0x80, s30, s16, $0xb8;
	[tilespmem:$0x1B580] =	vst v63  }
0x131: {  	_ = 	snop  }
0x132: {  	[tilespmem:s12], [sflag:$0x2] =	stream.indirect.gather [hbm4b:s2+s16], $0x80, s8, s16, $0xb8;
	[tilespmem:$0x1B580] =	vst v63  }
0x133: {  	_ = 	snop  }
0x134: {  	[tilespmem:s17], [sflag:$0x2] =	stream.indirect.gather [hbm4b:s2+s16], $0x80, s14, s16, $0xb8;
	[tilespmem:$0x1B580] =	vst v63  }
0x135: {  	_ = 	snop  }
0x136: {  	[tilespmem:s19], [sflag:$0x2] =	stream.indirect.gather [hbm4b:s2+s16], $0x80, s18, s16, $0xb8;
	[tilespmem:$0x1B580] =	vst v63  }
0x137: {  	_ = 	snop  }
0x138: {  	[tilespmem:s21], [sflag:$0x2] =	stream.indirect.gather [hbm4b:s2+s16], $0x80, s20, s16, $0xb8;
	[tilespmem:$0x1B580] =	vst v63  }
0x139: {  	v55 =	vld [tilespmem:$0x19050]  }
0x13a: {  	v56 =	vld [tilespmem:$0x19060];
	_ =	sdelay $0x3  }
0x13b: {  	[tilespmem:$0x800] =	vst v55  }
0x13c: {  	s3 =	simm.s32 $0x19910;
	[tilespmem:$0x810] =	vst v56  }
0x13d: {  	v55 =	vld [tilespmem:s3+$0xFFFFFBCF];
	_ =	sdelay $0x1  }
0x13e: {  	v63 =	vld [tilespmem:$0x19050];
	_ =	sdelay $0x2  }
0x13f: {  	v55 =	vmul.u32 $0x104, v55;
	_ =	sdelay $0x1  }
0x140: {  	v55 =	vadd.s32 v63, v55  }
0x141: {  	p0 =	por $0x1, $0x1;
	v55 =	vand.u32 $0x7FFFFF, v55  }
0x142: {  	v56 =	vadd.s32 @!p0 $0xFF85EE00, v55  }
0x143: {  	v57 =	vld @p0 [tilespmem:s3+$0xFFFFFBDF];
	v56 =	vmin.u32 @!p0 v56, v55  }
0x144: {  	[tilespmem:s3+$0xFFFFFFF0] =	vst v55;
	vm0 =	vgt.s32 @!p0 v56, $0x3D08FF;
	v55 =	vadd.s32 @!p0 $0xFFC2F700, v56  }
0x145: {  	v58 =	vld @p0 [tilespmem:$0x19060];
	v55 =	vsel @!p0 vm0, v55, v56  }
0x146: {  	vm0 =	vgt.s32 @!p0 v55, $0x1E847F;
	v56 =	vadd.s32 @!p0 $0xFFE17B80, v55  }
0x147: {  	v55 =	vsel @!p0 vm0, v56, v55  }
0x148: {  	v56 =	vmul.u32 @p0 $0x104, v57;
	vm0 =	vgt.s32 @!p0 v55, $0xF423F;
	v57 =	vadd.s32 @!p0 $0xFFF0BDC0, v55  }
0x149: {  	v55 =	vsel @!p0 vm0, v57, v55  }
0x14a: {  	s5 =	simm.s32 $0x1;
	v56 =	vadd.s32 @p0 v58, v56;
	vm0 =	vgt.s32 @!p0 v55, $0x7A11F;
	v57 =	vadd.s32 @!p0 $0xFFF85EE0, v55  }
0x14b: {  	v56 =	vand.u32 @p0 $0x7FFFFF, v56;
	v55 =	vsel @!p0 vm0, v57, v55;
	vm0 =	vlt.s32 @!p0 v4, s5  }
0x14c: {  	s0 =	simm.s32 $0x810;
	[tilespmem:s3+$0x0] =	vst @p0 v56;
	v55 =	vsel @!p0 vm0, $0x0, v55  }
0x14d: {  	[tilespmem:s0+$0xFFFFFFF0] =	vst @!p0 v55  }
0x14e: {  	v55 =	vld @!p0 [tilespmem:s3+$0xFFFFFBDF];
	_ =	sdelay $0x1  }
0x14f: {  	v56 =	vld @!p0 [tilespmem:$0x19060];
	_ =	sdelay $0x2  }
0x150: {  	v55 =	vmul.u32 @!p0 $0x104, v55;
	_ =	sdelay $0x1  }
0x151: {  	v55 =	vadd.s32 @!p0 v56, v55  }
0x152: {  	v55 =	vand.u32 @!p0 $0x7FFFFF, v55  }
0x153: {  	v56 =	vadd.s32 @!p0 $0xFF85EE00, v55  }
0x154: {  	v56 =	vmin.u32 @!p0 v56, v55  }
0x155: {  	vm0 =	vgt.s32 @!p0 v56, $0x3D08FF;
	v57 =	vadd.s32 @!p0 $0xFFC2F700, v56  }
0x156: {  	v56 =	vsel @!p0 vm0, v57, v56  }
0x157: {  	vm0 =	vgt.s32 @!p0 v56, $0x1E847F;
	v57 =	vadd.s32 @!p0 $0xFFE17B80, v56  }
0x158: {  	v56 =	vsel @!p0 vm0, v57, v56  }
0x159: {  	vm0 =	vgt.s32 @!p0 v56, $0xF423F;
	v57 =	vadd.s32 @!p0 $0xFFF0BDC0, v56  }
0x15a: {  	v56 =	vsel @!p0 vm0, v57, v56  }
0x15b: {  	vm0 =	vgt.s32 @!p0 v56, $0x7A11F;
	v57 =	vadd.s32 @!p0 $0xFFF85EE0, v56  }
0x15c: {  	v56 =	vsel @!p0 vm0, v57, v56;
	vm0 =	vlt.s32 @!p0 v5, s5  }
0x15d: {  	[tilespmem:s3+$0x0] =	vst @!p0 v55;
	v55 =	vsel @!p0 vm0, $0x0, v56  }
0x15e: {  	s3 =	simm.s32 $0x3;
	s5 =	simm.s32 $0x19D30;
	[tilespmem:s0+$0x0] =	vst @!p0 v55  }
.LBB2_8:
0x15f: {  	v55 =	vld [tilespmem:s5+$0xFFFFFBCF];
	s13 =	smov.u32 s3;
	s3 =	sadd.s32 $0x1, s3  }
0x160: {  	v56 =	vld [tilespmem:$0x19050];
	p0 =	sne.s32 s3, $0x9;
	_ =	sdelay $0x3  }
0x161: {  	v55 =	vmul.u32 $0x104, v55;
	_ =	sdelay $0x1  }
0x162: {  	v55 =	vadd.s32 v56, v55  }
0x163: {  	p1 =	slt.u32 s13, $0x3;
	v55 =	vand.u32 $0x7FFFFF, v55  }
0x164: {  	v56 =	vadd.s32 @!p1 $0xFF85EE00, v55  }
0x165: {  	v57 =	vld @p1 [tilespmem:s5+$0xFFFFFBDF];
	v56 =	vmin.u32 @!p1 v56, v55  }
0x166: {  	[tilespmem:s5+$0xFFFFFFF0] =	vst v55;
	vm0 =	vgt.s32 @!p1 v56, $0x3D08FF;
	v55 =	vadd.s32 @!p1 $0xFFC2F700, v56  }
0x167: {  	v58 =	vld @p1 [tilespmem:$0x19060];
	v55 =	vsel @!p1 vm0, v55, v56  }
0x168: {  	vm0 =	vgt.s32 @!p1 v55, $0x1E847F;
	v56 =	vadd.s32 @!p1 $0xFFE17B80, v55  }
0x169: {  	v55 =	vsel @!p1 vm0, v56, v55  }
0x16a: {  	v56 =	vmul.u32 @p1 $0x104, v57;
	vm0 =	vgt.s32 @!p1 v55, $0xF423F;
	v57 =	vadd.s32 @!p1 $0xFFF0BDC0, v55  }
0x16b: {  	v55 =	vsel @!p1 vm0, v57, v55  }
0x16c: {  	s13 =	sadd.s32 $0xFFFFFFFF, s13;
	v56 =	vadd.s32 @p1 v58, v56;
	vm0 =	vgt.s32 @!p1 v55, $0x7A11F;
	v57 =	vadd.s32 @!p1 $0xFFF85EE0, v55  }
0x16d: {  	v56 =	vand.u32 @p1 $0x7FFFFF, v56;
	v55 =	vsel @!p1 vm0, v57, v55;
	vm0 =	vlt.s32 @!p1 v4, s13  }
0x16e: {  	s0 =	sadd.s32 $0x80, s0;
	[tilespmem:s5+$0x0] =	vst @p1 v56;
	v55 =	vsel @!p1 vm0, $0x0, v55  }
0x16f: {  	[tilespmem:s0+$0xFFFFFFF0] =	vst @!p1 v55  }
0x170: {  	v55 =	vld @!p1 [tilespmem:s5+$0xFFFFFBDF];
	_ =	sdelay $0x1  }
0x171: {  	v56 =	vld @!p1 [tilespmem:$0x19060];
	_ =	sdelay $0x2  }
0x172: {  	v55 =	vmul.u32 @!p1 $0x104, v55;
	_ =	sdelay $0x1  }
0x173: {  	v55 =	vadd.s32 @!p1 v56, v55  }
0x174: {  	v55 =	vand.u32 @!p1 $0x7FFFFF, v55  }
0x175: {  	[tilespmem:s5+$0x0] =	vst @!p1 v55;
	v56 =	vadd.s32 @!p1 $0xFF85EE00, v55  }
0x176: {  	v55 =	vmin.u32 @!p1 v56, v55  }
0x177: {  	vm0 =	vgt.s32 @!p1 v55, $0x3D08FF;
	v56 =	vadd.s32 @!p1 $0xFFC2F700, v55  }
0x178: {  	v55 =	vsel @!p1 vm0, v56, v55  }
0x179: {  	vm0 =	vgt.s32 @!p1 v55, $0x1E847F;
	v56 =	vadd.s32 @!p1 $0xFFE17B80, v55  }
0x17a: {  	v55 =	vsel @!p1 vm0, v56, v55  }
0x17b: {  	vm0 =	vgt.s32 @!p1 v55, $0xF423F;
	v56 =	vadd.s32 @!p1 $0xFFF0BDC0, v55  }
.Ltmp5:
0x17c: {  	v55 =	vsel @!p1 vm0, v56, v55;
	(pc) =	sbr.rel @p0 .LBB2_8-.Ltmp5, $4  }
0x17d: {  	vm0 =	vgt.s32 @!p1 v55, $0x7A11F;
	v56 =	vadd.s32 @!p1 $0xFFF85EE0, v55  }
0x17e: {  	v55 =	vsel @!p1 vm0, v56, v55;
	vm0 =	vlt.s32 @!p1 v5, s13  }
0x17f: {  	v55 =	vsel @!p1 vm0, $0x0, v55  }
0x180: {  	s5 =	sadd.s32 $0x420, s5;
	[tilespmem:s0+$0x0] =	vst @!p1 v55  }
0x181: {  	v22 =	vadd.f32 v26, v22;
	v60 =	vadd.f32 v37, v34  }
0x182: {  	v61 =	vadd.f32 v46, v44;
	v62 =	vadd.f32 v52, v51  }
0x183: {  	v55 =	vadd.f32 v30, v28;
	v56 =	vadd.f32 v40, v39  }
0x184: {  	v57 =	vadd.f32 v48, v47;
	v58 =	vadd.f32 v54, v53  }
0x185: {  	v19 =	vadd.f32 v19, v22;
	v63 =	vadd.f32 v31, v60  }
0x186: {  	s0 =	simm.s32 $0x800;
	s3 =	simm.s32 $0xEC00;
	v34 =	vadd.f32 v41, v61;
	v41 =	vadd.f32 v49, v62  }
0x187: {  	[tilespmem:s3], [sflag:$0x3] =	stream.indirect.gather [hbm4b:s1+s16], $0x80, s0, s16, $0xb8;
	v59 =	vadd.f32 v50, v58;
	v10 =	vadd.f32 v10, v19;
	[tilespmem:$0x1B580] =	vst v63  }
0x188: {  	s5 =	simm.s32 $0x880;
	s13 =	simm.s32 $0xFC00;
	v44 =	vadd.f32 v23, v63;
	v46 =	vadd.f32 v35, v34  }
0x189: {  	[tilespmem:s13], [sflag:$0x3] =	stream.indirect.gather [hbm4b:s2+s16], $0x80, s5, s16, $0xb8;
	v49 =	vadd.f32 v45, v41;
	v19 =	vadd.f32 v42, v57;
	[tilespmem:$0x1B580] =	vst v63  }
0x18a: {  	s15 =	simm.s32 $0x900;
	s23 =	simm.s32 $0x10C00;
	v8 =	vadd.f32 v8, v10;
	v10 =	vadd.f32 v17, v44  }
0x18b: {  	[tilespmem:s23], [sflag:$0x3] =	stream.indirect.gather [hbm4b:s2+s16], $0x80, s15, s16, $0xb8;
	v51 =	vadd.f32 v27, v46;
	v17 =	vadd.f32 v20, v55;
	[tilespmem:$0x1B580] =	vst v63  }
0x18c: {  	s25 =	simm.s32 $0x980;
	s31 =	simm.s32 $0x11C00;
	v7 =	vadd.f32 v7, v8;
	v8 =	vadd.f32 v9, v10  }
0x18d: {  	[tilespmem:s31], [sflag:$0x3] =	stream.indirect.gather [hbm4b:s2+s16], $0x80, s25, s16, $0xb8;
	v9 =	vadd.f32 v18, v51;
	v18 =	vadd.f32 v32, v56;
	[tilespmem:$0x1B580] =	vst v63  }
0x18e: {  	s5 =	simm.s32 $0xA00;
	s13 =	simm.s32 $0x12C00;
	v62 =	vadd.f32 v43, v59;
	v52 =	vadd.f32 v38, v49  }
0x18f: {  	v14 =	vadd.f32 v14, v17;
	[tilespmem:s13], [sflag:$0x3] =	stream.indirect.gather [hbm4b:s2+s16], $0x80, s5, s16, $0xb8;
	v60 =	vadd.f32 v21, v18;
	[tilespmem:$0x1B580] =	vst v63  }
.Ltmp6:
0x190: {  	s30 =	simm.s32 $0x0;
	s29 =	simm.s32 $0x19930;
	v61 =	vadd.f32 v33, v19;
	v63 =	vadd.f32 v36, v62;
	(pc) =	sbr.rel .LBB2_10-.Ltmp6, $4  }
0x191: {  	s28 =	simm.s32 $0x19950;
	s15 =	simm.s32 $0xA80;
	s23 =	simm.s32 $0x13C00;
	v12 =	vadd.f32 v12, v14;
	v14 =	vadd.f32 v15, v60  }
0x192: {  	v10 =	vadd.f32 v29, v52;
	[tilespmem:s23], [sflag:$0x3] =	stream.indirect.gather [hbm4b:s2+s16], $0x80, s15, s16, $0xb8;
	v15 =	vadd.f32 v24, v61;
	[tilespmem:$0x1B580] =	vst v63  }
0x193: {  	s25 =	simm.s32 $0xB00;
	s31 =	simm.s32 $0x14C00;
	s23 =	simm.s32 $0x19970;
	v11 =	vadd.f32 v11, v12;
	v12 =	vadd.f32 v13, v14  }
0x194: {  	[tilespmem:s31], [sflag:$0x3] =	stream.indirect.gather [hbm4b:s2+s16], $0x80, s25, s16, $0xb8;
	v13 =	vadd.f32 v16, v15;
	v14 =	vadd.f32 v25, v63;
	[tilespmem:$0x1B580] =	vst v63  }
.LBB2_27:
0x195: {  	s30 =	sadd.s32 $0x1, s30  }
0x196: {  	p0 =	sne.s32 s30, $0xB  }
.Ltmp7:
0x197: {  	_ = 	snop;
	(pc) =	sbr.rel @!p0 .LBB2_28-.Ltmp7, $2  }
0x198: {  	_ =	sdelay $0x2  }
0x199: {  	s29 =	sadd.s32 $0x60, s29;
	s28 =	sadd.s32 $0x60, s28;
	s23 =	sadd.s32 $0x60, s23  }
.LBB2_10:
0x19a: {  	_ =	swait.ge [sflag:s22], $0x1000  }
0x19b: {  	[sflag:s22] =	ssyncset.done $0x0  }
0x19c: {  	[sflag:s22] =	ssyncadd.s32 $0xFFFFF000  }
0x19d: {  	_ =	swait.ge [sflag:s22], $0x1000  }
0x19e: {  	[sflag:s22] =	ssyncset.done $0x0  }
0x19f: {  	[sflag:s22] =	ssyncadd.s32 $0xFFFFF000  }
0x1a0: {  	_ =	swait.ge [sflag:s22], $0x1000  }
0x1a1: {  	[sflag:s22] =	ssyncset.done $0x0  }
0x1a2: {  	[sflag:s22] =	ssyncadd.s32 $0xFFFFF000  }
0x1a3: {  	_ =	swait.ge [sflag:s22], $0x1000  }
0x1a4: {  	[sflag:s22] =	ssyncset.done $0x0  }
0x1a5: {  	[sflag:s22] =	ssyncadd.s32 $0xFFFFF000  }
0x1a6: {  	_ =	swait.ge [sflag:s22], $0x1000  }
0x1a7: {  	[sflag:s22] =	ssyncset.done $0x0  }
0x1a8: {  	[sflag:s22] =	ssyncadd.s32 $0xFFFFF000  }
0x1a9: {  	_ =	swait.ge [sflag:s22], $0x1000  }
0x1aa: {  	[sflag:s22] =	ssyncset.done $0x0  }
0x1ab: {  	[sflag:s22] =	ssyncadd.s32 $0xFFFFF000  }
0x1ac: {  	_ =	swait.ge [sflag:s22], $0x1000  }
0x1ad: {  	p0 =	seq.s32 s30, $0x0;
	[sflag:s22] =	ssyncset.done $0x0  }
0x1ae: {  	s0 =	simm.s32 @!p0 $0x4;
	[sflag:s22] =	ssyncadd.s32 $0xFFFFF000  }
0x1af: {  	_ =	swait.ge @!p0 [sflag:s0], $0x1000  }
0x1b0: {  	[sflag:s0] =	ssyncset.done @!p0 $0x0  }
0x1b1: {  	[sflag:s0] =	ssyncadd.s32 @!p0 $0xFFFFF000;
	s0 =	simm.s32 $0x0  }
0x1b2: {  	v15 =	vld [tilespmem:s0+$0xC70]  }
0x1b3: {  	v16 =	vld [tilespmem:s0+$0x1C70]  }
0x1b4: {  	v17 =	vld [tilespmem:s0+$0xC00]  }
0x1b5: {  	v18 =	vld [tilespmem:s0+$0x2C70]  }
0x1b6: {  	v19 =	vld [tilespmem:s0+$0x1C00]  }
0x1b7: {  	v20 =	vld [tilespmem:s0+$0x3C70]  }
0x1b8: {  	v21 =	vld [tilespmem:s0+$0xC10]  }
0x1b9: {  	v22 =	vld [tilespmem:s0+$0x1C10]  }
0x1ba: {  	v23 =	vld [tilespmem:s0+$0xC20]  }
0x1bb: {  	v24 =	vld [tilespmem:s0+$0x1C20]  }
0x1bc: {  	v25 =	vld [tilespmem:s0+$0x1C30]  }
0x1bd: {  	v26 =	vld [tilespmem:s0+$0x1C40]  }
0x1be: {  	v27 =	vld [tilespmem:s0+$0x1C50]  }
0x1bf: {  	v28 =	vld [tilespmem:s0+$0xC60]  }
0x1c0: {  	v29 =	vld [tilespmem:s0+$0x1C60]  }
0x1c1: {  	v30 =	vld [tilespmem:s0+$0x2C00]  }
0x1c2: {  	v31 =	vld [tilespmem:s0+$0x2C10]  }
0x1c3: {  	v32 =	vld [tilespmem:s0+$0x2C30]  }
0x1c4: {  	v33 =	vld [tilespmem:s0+$0x2C40]  }
0x1c5: {  	v34 =	vld [tilespmem:s0+$0x2C50]  }
0x1c6: {  	v35 =	vld [tilespmem:s0+$0x2C60]  }
0x1c7: {  	v36 =	vld [tilespmem:s0+$0x3C00]  }
0x1c8: {  	v37 =	vld [tilespmem:s0+$0x3C10]  }
0x1c9: {  	v38 =	vld [tilespmem:s0+$0x3C20]  }
0x1ca: {  	v39 =	vld [tilespmem:s0+$0x3C30];
	v15 =	vadd.f32 v16, v15  }
0x1cb: {  	v16 =	vld [tilespmem:s0+$0x4C70]  }
0x1cc: {  	v40 =	vld [tilespmem:s0+$0x3C40];
	v15 =	vadd.f32 v18, v15  }
0x1cd: {  	v18 =	vld [tilespmem:s0+$0x5C70]  }
0x1ce: {  	v41 =	vld [tilespmem:s0+$0x3C50];
	v15 =	vadd.f32 v20, v15  }
0x1cf: {  	v20 =	vld [tilespmem:s0+$0x6C70]  }
0x1d0: {  	v42 =	vld [tilespmem:s0+$0x3C60];
	v15 =	vadd.f32 v16, v15  }
0x1d1: {  	v43 =	vld [tilespmem:s0+$0x4C00]  }
0x1d2: {  	v44 =	vld [tilespmem:s0+$0x4C10];
	v15 =	vadd.f32 v18, v15  }
0x1d3: {  	v58 =	vld [tilespmem:s0+$0x5C10]  }
0x1d4: {  	v59 =	vld [tilespmem:s0+$0x5C20];
	v15 =	vadd.f32 v20, v15  }
0x1d5: {  	v60 =	vld [tilespmem:s0+$0x5C30];
	v17 =	vadd.f32 v19, v17;
	v21 =	vadd.f32 v22, v21  }
0x1d6: {  	v61 =	vld [tilespmem:s0+$0x5C40];
	v15 =	vadd.f32 v15, v14  }
0x1d7: {  	v17 =	vadd.f32 v30, v17;
	v21 =	vadd.f32 v31, v21;
	v16 =	vld [tilespmem:s0+$0xC30]  }
0x1d8: {  	v18 =	vld [tilespmem:s0+$0xC40];
	v15 =	vmul.f32 $1.428571490e-01, v15  }
0x1d9: {  	v17 =	vadd.f32 v36, v17;
	v21 =	vadd.f32 v37, v21;
	v20 =	vld [tilespmem:s0+$0xC50]  }
0x1da: {  	v22 =	vadd.f32 v24, v23;
	[tilespmem:s0+$0x15C70] =	vst v15;
	v15 =	vld [tilespmem:s0+$0x2C20]  }
0x1db: {  	v62 =	vld [tilespmem:s0+$0x5C50];
	v17 =	vadd.f32 v43, v17;
	v21 =	vadd.f32 v44, v21  }
0x1dc: {  	v19 =	vld [tilespmem:s0+$0x4C20];
	v16 =	vadd.f32 v25, v16;
	v25 =	vadd.f32 v29, v28  }
0x1dd: {  	v23 =	vld [tilespmem:s0+$0x4C30];
	v28 =	vadd.f32 v58, v21;
	v18 =	vadd.f32 v26, v18  }
0x1de: {  	v24 =	vld [tilespmem:s0+$0x4C40];
	v16 =	vadd.f32 v32, v16;
	v25 =	vadd.f32 v35, v25  }
0x1df: {  	v26 =	vld [tilespmem:s0+$0x4C50];
	v20 =	vadd.f32 v27, v20;
	v15 =	vadd.f32 v15, v22  }
0x1e0: {  	v27 =	vld [tilespmem:s0+$0x4C60];
	v18 =	vadd.f32 v33, v18;
	v16 =	vadd.f32 v39, v16  }
0x1e1: {  	v20 =	vadd.f32 v34, v20;
	v22 =	vld [tilespmem:s0+$0x5C00];
	v15 =	vadd.f32 v38, v15  }
0x1e2: {  	v63 =	vld [tilespmem:s0+$0x5C60];
	v25 =	vadd.f32 v42, v25;
	v18 =	vadd.f32 v40, v18  }
0x1e3: {  	v20 =	vadd.f32 v41, v20;
	v15 =	vadd.f32 v19, v15;
	v19 =	vld [tilespmem:s0+$0x6C00]  }
0x1e4: {  	v16 =	vadd.f32 v23, v16;
	v18 =	vadd.f32 v24, v18;
	v24 =	vld [tilespmem:s0+$0x6C10]  }
0x1e5: {  	v25 =	vadd.f32 v27, v25;
	v27 =	vld [tilespmem:s0+$0x6C20];
	v20 =	vadd.f32 v26, v20  }
0x1e6: {  	v23 =	vld [tilespmem:s0+$0x6C30];
	v21 =	vadd.f32 v60, v16;
	v26 =	vadd.f32 v22, v17  }
0x1e7: {  	v18 =	vadd.f32 v61, v18;
	v22 =	vld [tilespmem:s0+$0x6C40];
	v17 =	vadd.f32 v62, v20  }
0x1e8: {  	v20 =	vld [tilespmem:s0+$0x6C50];
	v29 =	vadd.f32 v59, v15;
	v26 =	vadd.f32 v19, v26  }
0x1e9: {  	s3 =	simm.s32 $0x80;
	v16 =	vadd.f32 v63, v25;
	v24 =	vadd.f32 v24, v28;
	v19 =	vld [tilespmem:s0+$0x6C60]  }
0x1ea: {  	s5 =	simm.s32 $0x400;
	v15 =	vld [tilespmem:s3+$0xC70];
	v25 =	vadd.f32 v27, v29;
	v26 =	vadd.f32 v26, v7  }
.LBB2_11:
0x1eb: {  	p1 =	sne.s32 s5, $0x3E00;
	v27 =	vld [tilespmem:s3+$0x1C70];
	v24 =	vadd.f32 v24, v8;
	v21 =	vadd.f32 v23, v21  }
0x1ec: {  	v23 =	vld [tilespmem:s3+$0xC00];
	v26 =	vmul.f32 $1.428571490e-01, v26;
	v25 =	vadd.f32 v25, v9;
	v18 =	vadd.f32 v22, v18  }
0x1ed: {  	v22 =	vld [tilespmem:s3+$0x2C70];
	v24 =	vmul.f32 $1.428571490e-01, v24;
	v21 =	vadd.f32 v21, v10;
	v17 =	vadd.f32 v20, v17  }
0x1ee: {  	v20 =	vld [tilespmem:s3+$0x1C00];
	[tilespmem:s0+$0x15C00] =	vst v26;
	v25 =	vmul.f32 $1.428571490e-01, v25;
	v18 =	vadd.f32 v18, v11;
	v16 =	vadd.f32 v19, v16  }
0x1ef: {  	v19 =	vld [tilespmem:s3+$0x3C70];
	[tilespmem:s0+$0x15C10] =	vst v24;
	v21 =	vmul.f32 $1.428571490e-01, v21;
	v17 =	vadd.f32 v17, v12  }
0x1f0: {  	v24 =	vld [tilespmem:s3+$0xC10];
	v15 =	vadd.f32 v27, v15;
	[tilespmem:s0+$0x15C20] =	vst v25;
	v18 =	vmul.f32 $1.428571490e-01, v18;
	v16 =	vadd.f32 v16, v13  }
0x1f1: {  	v25 =	vld [tilespmem:s3+$0x4C70];
	[tilespmem:s0+$0x15C30] =	vst v21;
	v17 =	vmul.f32 $1.428571490e-01, v17  }
0x1f2: {  	v21 =	vld [tilespmem:s3+$0x1C10];
	v15 =	vadd.f32 v22, v15;
	[tilespmem:s0+$0x15C40] =	vst v18;
	v16 =	vmul.f32 $1.428571490e-01, v16  }
0x1f3: {  	v18 =	vadd.f32 v20, v23;
	v20 =	vld [tilespmem:s3+$0x5C70];
	[tilespmem:s0+$0x15C50] =	vst v17  }
0x1f4: {  	v17 =	vld [tilespmem:s3+$0xC20];
	v15 =	vadd.f32 v19, v15;
	[tilespmem:s0+$0x15C60] =	vst v16;
	s0 =	smov.u32 s3  }
0x1f5: {  	v16 =	vld [tilespmem:s0+$0x6C70]  }
0x1f6: {  	v19 =	vld [tilespmem:s0+$0x1C20];
	v15 =	vadd.f32 v25, v15  }
0x1f7: {  	v21 =	vadd.f32 v21, v24;
	v22 =	vld [tilespmem:s0+$0xC30]  }
0x1f8: {  	v23 =	vld [tilespmem:s0+$0x1C30];
	v15 =	vadd.f32 v20, v15  }
0x1f9: {  	v20 =	vld [tilespmem:s0+$0xC40]  }
0x1fa: {  	v24 =	vld [tilespmem:s0+$0x1C40];
	v15 =	vadd.f32 v16, v15  }
0x1fb: {  	v16 =	vadd.f32 v19, v17;
	v17 =	vld [tilespmem:s0+$0xC50]  }
0x1fc: {  	v19 =	vld [tilespmem:s0+$0x1C50];
	v15 =	vadd.f32 v15, v14  }
0x1fd: {  	v22 =	vadd.f32 v23, v22;
	v23 =	vld [tilespmem:s0+$0xC60]  }
0x1fe: {  	v25 =	vld [tilespmem:s0+$0x1C60];
	v15 =	vmul.f32 $1.428571490e-01, v15  }
0x1ff: {  	v26 =	vld [tilespmem:s0+$0x2C00];
	v20 =	vadd.f32 v24, v20  }
0x200: {  	v24 =	vld [tilespmem:s0+$0x2C10];
	[tilespmem:s0+$0x15C70] =	vst v15  }
0x201: {  	v15 =	vld [tilespmem:s0+$0x2C20];
	v17 =	vadd.f32 v19, v17  }
0x202: {  	v19 =	vld [tilespmem:s0+$0x2C30]  }
0x203: {  	v27 =	vld [tilespmem:s0+$0x2C40];
	v23 =	vadd.f32 v25, v23  }
0x204: {  	v18 =	vadd.f32 v26, v18;
	v25 =	vld [tilespmem:s0+$0x2C50]  }
0x205: {  	v21 =	vadd.f32 v24, v21;
	v24 =	vld [tilespmem:s0+$0x2C60]  }
0x206: {  	v26 =	vld [tilespmem:s0+$0x3C00];
	v15 =	vadd.f32 v15, v16  }
0x207: {  	v16 =	vld [tilespmem:s0+$0x3C10];
	v19 =	vadd.f32 v19, v22  }
0x208: {  	v22 =	vld [tilespmem:s0+$0x3C20];
	v20 =	vadd.f32 v27, v20  }
0x209: {  	v27 =	vld [tilespmem:s0+$0x3C30];
	v17 =	vadd.f32 v25, v17  }
0x20a: {  	v25 =	vld [tilespmem:s0+$0x3C40];
	v23 =	vadd.f32 v24, v23  }
0x20b: {  	v18 =	vadd.f32 v26, v18;
	v24 =	vld [tilespmem:s0+$0x3C50]  }
0x20c: {  	v16 =	vadd.f32 v16, v21;
	v21 =	vld [tilespmem:s0+$0x3C60]  }
0x20d: {  	v26 =	vld [tilespmem:s0+$0x4C00];
	v15 =	vadd.f32 v22, v15  }
0x20e: {  	v22 =	vld [tilespmem:s0+$0x4C10];
	v19 =	vadd.f32 v27, v19  }
0x20f: {  	v27 =	vld [tilespmem:s0+$0x4C20];
	v20 =	vadd.f32 v25, v20  }
0x210: {  	v25 =	vld [tilespmem:s0+$0x4C30];
	v17 =	vadd.f32 v24, v17  }
0x211: {  	v24 =	vld [tilespmem:s0+$0x4C40];
	v21 =	vadd.f32 v21, v23  }
0x212: {  	v18 =	vadd.f32 v26, v18;
	v23 =	vld [tilespmem:s0+$0x4C50]  }
0x213: {  	v16 =	vadd.f32 v22, v16;
	v22 =	vld [tilespmem:s0+$0x4C60]  }
0x214: {  	v26 =	vld [tilespmem:s0+$0x5C00];
	v15 =	vadd.f32 v27, v15  }
0x215: {  	v27 =	vld [tilespmem:s0+$0x5C10];
	v19 =	vadd.f32 v25, v19  }
0x216: {  	v25 =	vld [tilespmem:s0+$0x5C20];
	v20 =	vadd.f32 v24, v20  }
0x217: {  	v24 =	vld [tilespmem:s0+$0x5C30];
	v17 =	vadd.f32 v23, v17  }
0x218: {  	v23 =	vld [tilespmem:s0+$0x5C40];
	v28 =	vadd.f32 v22, v21  }
0x219: {  	v26 =	vadd.f32 v26, v18;
	v22 =	vld [tilespmem:s0+$0x5C50]  }
0x21a: {  	v27 =	vadd.f32 v27, v16;
	v16 =	vld [tilespmem:s0+$0x5C60]  }
0x21b: {  	v29 =	vld [tilespmem:s0+$0x6C00];
	v25 =	vadd.f32 v25, v15  }
0x21c: {  	v15 =	vld [tilespmem:s0+$0x6C10];
	v21 =	vadd.f32 v24, v19  }
0x21d: {  	v30 =	vld [tilespmem:s0+$0x6C20];
	v18 =	vadd.f32 v23, v20  }
.Ltmp8:
0x21e: {  	v23 =	vld [tilespmem:s0+$0x6C30];
	v17 =	vadd.f32 v22, v17;
	(pc) =	sbr.rel @p1 .LBB2_11-.Ltmp8, $4  }
0x21f: {  	v22 =	vld [tilespmem:s0+$0x6C40];
	v16 =	vadd.f32 v16, v28  }
0x220: {  	v26 =	vadd.f32 v29, v26;
	v20 =	vld [tilespmem:s0+$0x6C50]  }
0x221: {  	s3 =	sshra.s32 s5, $0x2;
	v24 =	vadd.f32 v15, v27;
	v19 =	vld [tilespmem:s0+$0x6C60]  }
0x222: {  	s5 =	sadd.s32 $0x200, s5;
	v15 =	vld [tilespmem:s3+$0xC70];
	v26 =	vadd.f32 v26, v7;
	v25 =	vadd.f32 v30, v25  }
0x223: {  	v27 =	vld [tilespmem:s3+$0x1C70];
	v24 =	vadd.f32 v24, v8;
	v21 =	vadd.f32 v23, v21  }
0x224: {  	v28 =	vld [tilespmem:s3+$0xC00];
	v26 =	vmul.f32 $1.428571490e-01, v26;
	v46 =	vadd.f32 v25, v9;
	v18 =	vadd.f32 v22, v18  }
0x225: {  	v29 =	vld [tilespmem:s3+$0x2C70];
	v24 =	vmul.f32 $1.428571490e-01, v24;
	v21 =	vadd.f32 v21, v10;
	v17 =	vadd.f32 v20, v17  }
0x226: {  	v30 =	vld [tilespmem:s3+$0x1C00];
	[tilespmem:s0+$0x15C00] =	vst v26;
	v48 =	vmul.f32 $1.428571490e-01, v46;
	v18 =	vadd.f32 v18, v11;
	v16 =	vadd.f32 v19, v16  }
0x227: {  	v47 =	vld [tilespmem:s3+$0x3C70];
	[tilespmem:s0+$0x15C10] =	vst v24;
	v50 =	vmul.f32 $1.428571490e-01, v21;
	v17 =	vadd.f32 v17, v12  }
0x228: {  	v49 =	vld [tilespmem:s3+$0xC10];
	[tilespmem:s0+$0x15C20] =	vst v48;
	v18 =	vmul.f32 $1.428571490e-01, v18;
	v16 =	vadd.f32 v16, v13  }
0x229: {  	v51 =	vld [tilespmem:s3+$0x4C70];
	[tilespmem:s0+$0x15C30] =	vst v50;
	v17 =	vmul.f32 $1.428571490e-01, v17  }
0x22a: {  	v52 =	vld [tilespmem:s3+$0x1C10];
	[tilespmem:s0+$0x15C40] =	vst v18;
	v16 =	vmul.f32 $1.428571490e-01, v16  }
0x22b: {  	v18 =	vld [tilespmem:s3+$0x5C70];
	[tilespmem:s0+$0x15C50] =	vst v17  }
0x22c: {  	v17 =	vld [tilespmem:s3+$0xC20];
	[tilespmem:s0+$0x15C60] =	vst v16  }
0x22d: {  	v16 =	vld [tilespmem:s3+$0x6C70]  }
0x22e: {  	v20 =	vld [tilespmem:s3+$0x1C20]  }
0x22f: {  	v53 =	vld [tilespmem:s3+$0xC30]  }
0x230: {  	v22 =	vld [tilespmem:s3+$0x1C30]  }
0x231: {  	v54 =	vld [tilespmem:s3+$0xC40]  }
0x232: {  	v24 =	vld [tilespmem:s3+$0x1C40]  }
0x233: {  	v55 =	vld [tilespmem:s3+$0xC50]  }
0x234: {  	v56 =	vld [tilespmem:s3+$0x1C50]  }
0x235: {  	v26 =	vld [tilespmem:s3+$0xC60]  }
0x236: {  	v57 =	vld [tilespmem:s3+$0x1C60]  }
0x237: {  	v58 =	vld [tilespmem:s3+$0x2C00]  }
0x238: {  	v31 =	vld [tilespmem:s3+$0x2C10]  }
0x239: {  	v32 =	vld [tilespmem:s3+$0x2C30]  }
0x23a: {  	v33 =	vld [tilespmem:s3+$0x2C40]  }
0x23b: {  	v34 =	vld [tilespmem:s3+$0x2C50]  }
0x23c: {  	v35 =	vld [tilespmem:s3+$0x2C60]  }
0x23d: {  	v15 =	vadd.f32 v27, v15;
	v36 =	vld [tilespmem:s3+$0x3C00]  }
0x23e: {  	v37 =	vld [tilespmem:s3+$0x3C10]  }
0x23f: {  	v15 =	vadd.f32 v29, v15;
	v38 =	vld [tilespmem:s3+$0x3C20]  }
0x240: {  	v39 =	vld [tilespmem:s3+$0x3C30]  }
0x241: {  	v15 =	vadd.f32 v47, v15;
	v40 =	vld [tilespmem:s3+$0x3C40]  }
0x242: {  	v41 =	vld [tilespmem:s3+$0x3C50]  }
0x243: {  	v42 =	vld [tilespmem:s3+$0x3C60];
	v15 =	vadd.f32 v51, v15  }
0x244: {  	v43 =	vld [tilespmem:s3+$0x4C00]  }
0x245: {  	v44 =	vld [tilespmem:s3+$0x4C10];
	v15 =	vadd.f32 v18, v15  }
0x246: {  	v28 =	vadd.f32 v30, v28;
	v59 =	vld [tilespmem:s3+$0x4C20]  }
0x247: {  	v60 =	vld [tilespmem:s3+$0x4C30];
	v19 =	vadd.f32 v52, v49;
	v15 =	vadd.f32 v16, v15  }
0x248: {  	v61 =	vld [tilespmem:s3+$0x4C40];
	v17 =	vadd.f32 v20, v17;
	v21 =	vadd.f32 v22, v53  }
0x249: {  	v63 =	vld [tilespmem:s3+$0x4C50];
	v18 =	vadd.f32 v24, v54;
	v15 =	vadd.f32 v15, v14  }
0x24a: {  	v46 =	vld [tilespmem:s3+$0x4C60];
	v16 =	vadd.f32 v56, v55;
	v62 =	vadd.f32 v57, v26  }
0x24b: {  	v48 =	vld [tilespmem:s3+$0x5C00];
	v45 =	vadd.f32 v58, v28;
	v19 =	vadd.f32 v31, v19;
	v15 =	vmul.f32 $1.428571490e-01, v15  }
0x24c: {  	v50 =	vld [tilespmem:s3+$0x5C20];
	v47 =	vadd.f32 v32, v21;
	v18 =	vadd.f32 v33, v18  }
0x24d: {  	v16 =	vadd.f32 v34, v16;
	v23 =	vadd.f32 v35, v62;
	[tilespmem:s3+$0x15C70] =	vst v15;
	v15 =	vld [tilespmem:s3+$0x2C20]  }
0x24e: {  	v51 =	vld [tilespmem:s3+$0x5C30];
	v25 =	vadd.f32 v36, v45;
	v19 =	vadd.f32 v37, v19  }
0x24f: {  	v49 =	vld [tilespmem:s3+$0x5C10];
	v18 =	vadd.f32 v40, v18;
	v16 =	vadd.f32 v41, v16  }
0x250: {  	v52 =	vld [tilespmem:s3+$0x5C40];
	v23 =	vadd.f32 v42, v23;
	v25 =	vadd.f32 v43, v25  }
0x251: {  	v53 =	vld [tilespmem:s3+$0x5C50];
	v19 =	vadd.f32 v44, v19;
	v18 =	vadd.f32 v61, v18  }
0x252: {  	v55 =	vld [tilespmem:s3+$0x6C00];
	v16 =	vadd.f32 v63, v16;
	v15 =	vadd.f32 v15, v17  }
0x253: {  	v54 =	vld [tilespmem:s3+$0x5C60];
	v23 =	vadd.f32 v46, v23;
	v21 =	vadd.f32 v48, v25  }
0x254: {  	v56 =	vld [tilespmem:s3+$0x6C10];
	v19 =	vadd.f32 v49, v19;
	v15 =	vadd.f32 v38, v15  }
0x255: {  	v57 =	vld [tilespmem:s3+$0x6C20];
	v18 =	vadd.f32 v52, v18;
	v17 =	vadd.f32 v39, v47  }
0x256: {  	v58 =	vld [tilespmem:s3+$0x6C30];
	v16 =	vadd.f32 v53, v16;
	v15 =	vadd.f32 v59, v15  }
0x257: {  	v20 =	vadd.f32 v55, v21;
	v17 =	vadd.f32 v60, v17;
	v59 =	vld [tilespmem:s3+$0x6C40]  }
0x258: {  	v23 =	vadd.f32 v54, v23;
	v60 =	vld [tilespmem:s3+$0x6C50];
	v15 =	vadd.f32 v50, v15  }
0x259: {  	v61 =	vld [tilespmem:s3+$0x6C60];
	v19 =	vadd.f32 v56, v19;
	v17 =	vadd.f32 v51, v17  }
0x25a: {  	v20 =	vadd.f32 v20, v7;
	v15 =	vadd.f32 v57, v15  }
0x25b: {  	v19 =	vadd.f32 v19, v8;
	v17 =	vadd.f32 v58, v17  }
0x25c: {  	v20 =	vmul.f32 $1.428571490e-01, v20;
	v18 =	vadd.f32 v59, v18;
	v15 =	vadd.f32 v15, v9  }
0x25d: {  	v19 =	vmul.f32 $1.428571490e-01, v19;
	v16 =	vadd.f32 v60, v16;
	v17 =	vadd.f32 v17, v10  }
0x25e: {  	v62 =	vadd.f32 v61, v23;
	[tilespmem:s3+$0x15C00] =	vst v20;
	v18 =	vadd.f32 v18, v11;
	v15 =	vmul.f32 $1.428571490e-01, v15  }
0x25f: {  	[tilespmem:s3+$0x15C10] =	vst v19;
	v16 =	vadd.f32 v16, v12;
	v17 =	vmul.f32 $1.428571490e-01, v17  }
0x260: {  	p1 =	seq.s32 s30, $0xA;
	v63 =	vadd.f32 v62, v13;
	[tilespmem:s3+$0x15C20] =	vst v15;
	v15 =	vmul.f32 $1.428571490e-01, v18  }
.Ltmp9:
0x261: {  	v16 =	vmul.f32 $1.428571490e-01, v16;
	[tilespmem:s3+$0x15C30] =	vst v17;
	(pc) =	sbr.rel @p1 .LBB2_16-.Ltmp9, $4  }
0x262: {  	s25 =	smul.u32 $0x600, s30;
	[tilespmem:s3+$0x15C40] =	vst v15;
	v15 =	vmul.f32 $1.428571490e-01, v63  }
0x263: {  	[tilespmem:s3+$0x15C50] =	vst v16  }
0x264: {  	s31 =	simm.s32 $0x15C00;
	s0 =	sadd.s32 s25, s9;
	[tilespmem:s3+$0x15C60] =	vst v15  }
0x265: {  	[hbm4b:s0+s6] =	stream.linear.scatter [tilespmem:s31], [sflag:$0x4], $0x1000, $0x38;
	[tilespmem:$0x1B580] =	vst v63  }
0x266: {  	s0 =	smul.u32 $0x60, s30;
	_ =	sdelay $0x1  }
0x267: {  	v15 =	vld [tilespmem:s0+$0x19070];
	_ =	sdelay $0x4  }
0x268: {  	[tilespmem:$0x0] =	vst v15  }
0x269: {  	v15 =	vld [tilespmem:s0+$0x19080];
	_ =	sdelay $0x4  }
0x26a: {  	[tilespmem:$0x10] =	vst v15  }
0x26b: {  	v15 =	vld [tilespmem:s29+$0xFFFFFBCF];
	_ =	sdelay $0x1  }
0x26c: {  	v16 =	vld [tilespmem:s0+$0x19070];
	_ =	sdelay $0x2  }
0x26d: {  	v15 =	vmul.u32 $0x104, v15;
	_ =	sdelay $0x1  }
0x26e: {  	v15 =	vadd.s32 v16, v15  }
0x26f: {  	p2 =	por $0x1, $0x1;
	v15 =	vand.u32 $0x7FFFFF, v15  }
0x270: {  	v16 =	vadd.s32 @!p2 $0xFF85EE00, v15  }
0x271: {  	v17 =	vld @p2 [tilespmem:s29+$0xFFFFFBDF];
	v16 =	vmin.u32 @!p2 v16, v15  }
0x272: {  	[tilespmem:s29+$0xFFFFFFF0] =	vst v15;
	vm0 =	vgt.s32 @!p2 v16, $0x3D08FF;
	v15 =	vadd.s32 @!p2 $0xFFC2F700, v16  }
0x273: {  	v18 =	vld @p2 [tilespmem:s0+$0x19080];
	v15 =	vsel @!p2 vm0, v15, v16  }
0x274: {  	vm0 =	vgt.s32 @!p2 v15, $0x1E847F;
	v16 =	vadd.s32 @!p2 $0xFFE17B80, v15  }
0x275: {  	s5 =	sadd.s32 s7, s0;
	v16 =	vsel @!p2 vm0, v16, v15  }
0x276: {  	s3 =	sadd.s32 $0x60, s5;
	v17 =	vmul.u32 @p2 $0x104, v17;
	vm0 =	vgt.s32 @!p2 v16, $0xF423F;
	v19 =	vadd.s32 @!p2 $0xFFF0BDC0, v16  }
0x277: {  	v15 =	vor.u32 s3, v0;
	v16 =	vsel @!p2 vm0, v19, v16  }
0x278: {  	s13 =	simm.s32 $0x1;
	v17 =	vadd.s32 @p2 v18, v17;
	vm0 =	vgt.s32 @!p2 v16, $0x7A11F;
	v18 =	vadd.s32 @!p2 $0xFFF85EE0, v16  }
0x279: {  	v17 =	vand.u32 @p2 $0x7FFFFF, v17;
	v16 =	vsel @!p2 vm0, v18, v16;
	vm0 =	vlt.s32 @!p2 v15, s13  }
0x27a: {  	s3 =	simm.s32 $0x10;
	[tilespmem:s29+$0x0] =	vst @p2 v17;
	v16 =	vsel @!p2 vm0, $0x0, v16  }
0x27b: {  	[tilespmem:s3+$0xFFFFFFF0] =	vst @!p2 v16  }
0x27c: {  	v16 =	vld @!p2 [tilespmem:s29+$0xFFFFFBDF];
	_ =	sdelay $0x1  }
0x27d: {  	v17 =	vld @!p2 [tilespmem:s0+$0x19080];
	_ =	sdelay $0x2  }
0x27e: {  	v16 =	vmul.u32 @!p2 $0x104, v16;
	_ =	sdelay $0x1  }
0x27f: {  	v16 =	vadd.s32 @!p2 v17, v16  }
0x280: {  	v17 =	vand.u32 @!p2 $0x7FFFFF, v16  }
0x281: {  	v16 =	vadd.s32 @!p2 $0xFF85EE00, v17  }
0x282: {  	v16 =	vmin.u32 @!p2 v16, v17  }
0x283: {  	vm0 =	vgt.s32 @!p2 v16, $0x3D08FF;
	v18 =	vadd.s32 @!p2 $0xFFC2F700, v16  }
0x284: {  	v16 =	vsel @!p2 vm0, v18, v16  }
0x285: {  	vm0 =	vgt.s32 @!p2 v16, $0x1E847F;
	v18 =	vadd.s32 @!p2 $0xFFE17B80, v16  }
0x286: {  	v16 =	vsel @!p2 vm0, v18, v16  }
0x287: {  	vm0 =	vgt.s32 @!p2 v16, $0xF423F;
	v18 =	vadd.s32 @!p2 $0xFFF0BDC0, v16  }
0x288: {  	s5 =	sadd.s32 $0x70, s5;
	v18 =	vsel @!p2 vm0, v18, v16  }
0x289: {  	v16 =	vor.u32 s5, v0;
	vm0 =	vgt.s32 @!p2 v18, $0x7A11F;
	v19 =	vadd.s32 @!p2 $0xFFF85EE0, v18  }
0x28a: {  	v18 =	vsel @!p2 vm0, v19, v18;
	vm0 =	vlt.s32 @!p2 v16, s13  }
0x28b: {  	[tilespmem:s29+$0x0] =	vst @!p2 v17;
	v17 =	vsel @!p2 vm0, $0x0, v18  }
0x28c: {  	s5 =	simm.s32 $0x3;
	s13 =	sadd.s32 $0x420, s29;
	[tilespmem:s3+$0x0] =	vst @!p2 v17  }
.LBB2_14:
0x28d: {  	v17 =	vld [tilespmem:s13+$0xFFFFFBCF];
	s25 =	smov.u32 s5;
	s5 =	sadd.s32 $0x1, s5  }
0x28e: {  	v18 =	vld [tilespmem:s0+$0x19070];
	p2 =	sne.s32 s5, $0x9;
	_ =	sdelay $0x3  }
0x28f: {  	v17 =	vmul.u32 $0x104, v17;
	_ =	sdelay $0x1  }
0x290: {  	v17 =	vadd.s32 v18, v17  }
0x291: {  	p3 =	slt.u32 s25, $0x3;
	v17 =	vand.u32 $0x7FFFFF, v17  }
0x292: {  	v18 =	vadd.s32 @!p3 $0xFF85EE00, v17  }
0x293: {  	v19 =	vld @p3 [tilespmem:s13+$0xFFFFFBDF];
	v18 =	vmin.u32 @!p3 v18, v17  }
0x294: {  	[tilespmem:s13+$0xFFFFFFF0] =	vst v17;
	vm0 =	vgt.s32 @!p3 v18, $0x3D08FF;
	v17 =	vadd.s32 @!p3 $0xFFC2F700, v18  }
0x295: {  	v20 =	vld @p3 [tilespmem:s0+$0x19080];
	v17 =	vsel @!p3 vm0, v17, v18  }
0x296: {  	vm0 =	vgt.s32 @!p3 v17, $0x1E847F;
	v18 =	vadd.s32 @!p3 $0xFFE17B80, v17  }
0x297: {  	v17 =	vsel @!p3 vm0, v18, v17  }
0x298: {  	v18 =	vmul.u32 @p3 $0x104, v19;
	vm0 =	vgt.s32 @!p3 v17, $0xF423F;
	v19 =	vadd.s32 @!p3 $0xFFF0BDC0, v17  }
0x299: {  	v17 =	vsel @!p3 vm0, v19, v17  }
0x29a: {  	s25 =	sadd.s32 $0xFFFFFFFF, s25;
	v18 =	vadd.s32 @p3 v20, v18;
	vm0 =	vgt.s32 @!p3 v17, $0x7A11F;
	v19 =	vadd.s32 @!p3 $0xFFF85EE0, v17  }
0x29b: {  	v18 =	vand.u32 @p3 $0x7FFFFF, v18;
	v17 =	vsel @!p3 vm0, v19, v17;
	vm0 =	vlt.s32 @!p3 v15, s25  }
0x29c: {  	s3 =	sadd.s32 $0x80, s3;
	[tilespmem:s13+$0x0] =	vst @p3 v18;
	v17 =	vsel @!p3 vm0, $0x0, v17  }
0x29d: {  	[tilespmem:s3+$0xFFFFFFF0] =	vst @!p3 v17  }
0x29e: {  	v17 =	vld @!p3 [tilespmem:s13+$0xFFFFFBDF];
	_ =	sdelay $0x1  }
0x29f: {  	v18 =	vld @!p3 [tilespmem:s0+$0x19080];
	_ =	sdelay $0x2  }
0x2a0: {  	v17 =	vmul.u32 @!p3 $0x104, v17;
	_ =	sdelay $0x1  }
0x2a1: {  	v17 =	vadd.s32 @!p3 v18, v17  }
0x2a2: {  	v17 =	vand.u32 @!p3 $0x7FFFFF, v17  }
0x2a3: {  	[tilespmem:s13+$0x0] =	vst @!p3 v17;
	v18 =	vadd.s32 @!p3 $0xFF85EE00, v17  }
0x2a4: {  	v17 =	vmin.u32 @!p3 v18, v17  }
0x2a5: {  	vm0 =	vgt.s32 @!p3 v17, $0x3D08FF;
	v18 =	vadd.s32 @!p3 $0xFFC2F700, v17  }
0x2a6: {  	v17 =	vsel @!p3 vm0, v18, v17  }
0x2a7: {  	vm0 =	vgt.s32 @!p3 v17, $0x1E847F;
	v18 =	vadd.s32 @!p3 $0xFFE17B80, v17  }
0x2a8: {  	v17 =	vsel @!p3 vm0, v18, v17  }
0x2a9: {  	vm0 =	vgt.s32 @!p3 v17, $0xF423F;
	v18 =	vadd.s32 @!p3 $0xFFF0BDC0, v17  }
.Ltmp10:
0x2aa: {  	v17 =	vsel @!p3 vm0, v18, v17;
	(pc) =	sbr.rel @p2 .LBB2_14-.Ltmp10, $4  }
0x2ab: {  	vm0 =	vgt.s32 @!p3 v17, $0x7A11F;
	v18 =	vadd.s32 @!p3 $0xFFF85EE0, v17  }
0x2ac: {  	v17 =	vsel @!p3 vm0, v18, v17;
	vm0 =	vlt.s32 @!p3 v16, s25  }
0x2ad: {  	v17 =	vsel @!p3 vm0, $0x0, v17  }
0x2ae: {  	s13 =	sadd.s32 $0x420, s13;
	[tilespmem:s3+$0x0] =	vst @!p3 v17  }
0x2af: {  	s0 =	simm.s32 $0xC00  }
0x2b0: {  	[tilespmem:s0], [sflag:$0x1] =	stream.indirect.gather [hbm4b:s1+s16], $0x80, s6, s16, $0xb8;
	[tilespmem:$0x1B580] =	vst v63  }
0x2b1: {  	s5 =	simm.s32 $0x80;
	s3 =	simm.s32 $0x1C00  }
0x2b2: {  	[tilespmem:s3], [sflag:$0x1] =	stream.indirect.gather [hbm4b:s2+s16], $0x80, s5, s16, $0xb8;
	[tilespmem:$0x1B580] =	vst v63  }
0x2b3: {  	s13 =	simm.s32 $0x100;
	s15 =	simm.s32 $0x2C00  }
0x2b4: {  	[tilespmem:s15], [sflag:$0x1] =	stream.indirect.gather [hbm4b:s2+s16], $0x80, s13, s16, $0xb8;
	[tilespmem:$0x1B580] =	vst v63  }
0x2b5: {  	s25 =	simm.s32 $0x180;
	s31 =	simm.s32 $0x3C00  }
0x2b6: {  	[tilespmem:s31], [sflag:$0x1] =	stream.indirect.gather [hbm4b:s2+s16], $0x80, s25, s16, $0xb8;
	[tilespmem:$0x1B580] =	vst v63  }
0x2b7: {  	s3 =	simm.s32 $0x200;
	s5 =	simm.s32 $0x4C00  }
0x2b8: {  	[tilespmem:s5], [sflag:$0x1] =	stream.indirect.gather [hbm4b:s2+s16], $0x80, s3, s16, $0xb8;
	[tilespmem:$0x1B580] =	vst v63  }
0x2b9: {  	s13 =	simm.s32 $0x280;
	s15 =	simm.s32 $0x5C00  }
0x2ba: {  	[tilespmem:s15], [sflag:$0x1] =	stream.indirect.gather [hbm4b:s2+s16], $0x80, s13, s16, $0xb8;
	[tilespmem:$0x1B580] =	vst v63  }
0x2bb: {  	s25 =	simm.s32 $0x300;
	s31 =	simm.s32 $0x6C00  }
0x2bc: {  	[tilespmem:s31], [sflag:$0x1] =	stream.indirect.gather [hbm4b:s2+s16], $0x80, s25, s16, $0xb8;
	[tilespmem:$0x1B580] =	vst v63  }
.LBB2_16:
0x2bd: {  	_ =	swait.ge [sflag:s24], $0x1000  }
0x2be: {  	[sflag:s24] =	ssyncset.done $0x0  }
0x2bf: {  	[sflag:s24] =	ssyncadd.s32 $0xFFFFF000  }
0x2c0: {  	_ =	swait.ge [sflag:s24], $0x1000  }
0x2c1: {  	[sflag:s24] =	ssyncset.done $0x0  }
0x2c2: {  	[sflag:s24] =	ssyncadd.s32 $0xFFFFF000  }
0x2c3: {  	_ =	swait.ge [sflag:s24], $0x1000  }
0x2c4: {  	[sflag:s24] =	ssyncset.done $0x0  }
0x2c5: {  	[sflag:s24] =	ssyncadd.s32 $0xFFFFF000  }
0x2c6: {  	_ =	swait.ge [sflag:s24], $0x1000  }
0x2c7: {  	[sflag:s24] =	ssyncset.done $0x0  }
0x2c8: {  	[sflag:s24] =	ssyncadd.s32 $0xFFFFF000  }
0x2c9: {  	_ =	swait.ge [sflag:s24], $0x1000  }
0x2ca: {  	[sflag:s24] =	ssyncset.done $0x0  }
0x2cb: {  	[sflag:s24] =	ssyncadd.s32 $0xFFFFF000  }
0x2cc: {  	_ =	swait.ge [sflag:s24], $0x1000  }
0x2cd: {  	[sflag:s24] =	ssyncset.done $0x0  }
0x2ce: {  	[sflag:s24] =	ssyncadd.s32 $0xFFFFF000  }
0x2cf: {  	_ =	swait.ge [sflag:s24], $0x1000  }
0x2d0: {  	[sflag:s24] =	ssyncset.done $0x0  }
0x2d1: {  	s0 =	simm.s32 @!p0 $0x5;
	[sflag:s24] =	ssyncadd.s32 $0xFFFFF000  }
0x2d2: {  	_ =	swait.ge @!p0 [sflag:s0], $0x1000  }
0x2d3: {  	[sflag:s0] =	ssyncset.done @!p0 $0x0  }
0x2d4: {  	[sflag:s0] =	ssyncadd.s32 @!p0 $0xFFFFF000;
	s0 =	simm.s32 $0x0  }
0x2d5: {  	v15 =	vld [tilespmem:s0+$0x7C70]  }
0x2d6: {  	v16 =	vld [tilespmem:s0+$0x8C70]  }
0x2d7: {  	v17 =	vld [tilespmem:s0+$0x7C00]  }
0x2d8: {  	v18 =	vld [tilespmem:s0+$0x9C70]  }
0x2d9: {  	v19 =	vld [tilespmem:s0+$0x8C00]  }
0x2da: {  	v20 =	vld [tilespmem:s0+$0xAC70]  }
0x2db: {  	v21 =	vld [tilespmem:s0+$0x7C10]  }
0x2dc: {  	v22 =	vld [tilespmem:s0+$0x8C10]  }
0x2dd: {  	v23 =	vld [tilespmem:s0+$0x7C20]  }
0x2de: {  	v24 =	vld [tilespmem:s0+$0x8C20]  }
0x2df: {  	v25 =	vld [tilespmem:s0+$0x8C30]  }
0x2e0: {  	v26 =	vld [tilespmem:s0+$0x8C40]  }
0x2e1: {  	v27 =	vld [tilespmem:s0+$0x8C50]  }
0x2e2: {  	v28 =	vld [tilespmem:s0+$0x7C60]  }
0x2e3: {  	v29 =	vld [tilespmem:s0+$0x8C60]  }
0x2e4: {  	v30 =	vld [tilespmem:s0+$0x9C00]  }
0x2e5: {  	v31 =	vld [tilespmem:s0+$0x9C10]  }
0x2e6: {  	v32 =	vld [tilespmem:s0+$0x9C30]  }
0x2e7: {  	v33 =	vld [tilespmem:s0+$0x9C40]  }
0x2e8: {  	v34 =	vld [tilespmem:s0+$0x9C50]  }
0x2e9: {  	v35 =	vld [tilespmem:s0+$0x9C60]  }
0x2ea: {  	v36 =	vld [tilespmem:s0+$0xAC00]  }
0x2eb: {  	v37 =	vld [tilespmem:s0+$0xAC10]  }
0x2ec: {  	v38 =	vld [tilespmem:s0+$0xAC20]  }
0x2ed: {  	v39 =	vld [tilespmem:s0+$0xAC30];
	v15 =	vadd.f32 v16, v15  }
0x2ee: {  	v16 =	vld [tilespmem:s0+$0xBC70]  }
0x2ef: {  	v40 =	vld [tilespmem:s0+$0xAC40];
	v15 =	vadd.f32 v18, v15  }
0x2f0: {  	v18 =	vld [tilespmem:s0+$0xCC70]  }
0x2f1: {  	v41 =	vld [tilespmem:s0+$0xAC50];
	v15 =	vadd.f32 v20, v15  }
0x2f2: {  	v20 =	vld [tilespmem:s0+$0xDC70]  }
0x2f3: {  	v42 =	vld [tilespmem:s0+$0xAC60];
	v15 =	vadd.f32 v16, v15  }
0x2f4: {  	v43 =	vld [tilespmem:s0+$0xBC00]  }
0x2f5: {  	v44 =	vld [tilespmem:s0+$0xBC10];
	v15 =	vadd.f32 v18, v15  }
0x2f6: {  	v58 =	vld [tilespmem:s0+$0xCC10]  }
0x2f7: {  	v59 =	vld [tilespmem:s0+$0xCC20];
	v15 =	vadd.f32 v20, v15  }
0x2f8: {  	v60 =	vld [tilespmem:s0+$0xCC30];
	v17 =	vadd.f32 v19, v17;
	v21 =	vadd.f32 v22, v21  }
0x2f9: {  	v61 =	vld [tilespmem:s0+$0xCC40];
	v15 =	vadd.f32 v15, v14  }
0x2fa: {  	v17 =	vadd.f32 v30, v17;
	v21 =	vadd.f32 v31, v21;
	v16 =	vld [tilespmem:s0+$0x7C30]  }
0x2fb: {  	v18 =	vld [tilespmem:s0+$0x7C40];
	v15 =	vmul.f32 $1.428571490e-01, v15  }
0x2fc: {  	v17 =	vadd.f32 v36, v17;
	v21 =	vadd.f32 v37, v21;
	v20 =	vld [tilespmem:s0+$0x7C50]  }
0x2fd: {  	v22 =	vadd.f32 v24, v23;
	[tilespmem:s0+$0x16C70] =	vst v15;
	v15 =	vld [tilespmem:s0+$0x9C20]  }
0x2fe: {  	v62 =	vld [tilespmem:s0+$0xCC50];
	v17 =	vadd.f32 v43, v17;
	v21 =	vadd.f32 v44, v21  }
0x2ff: {  	v19 =	vld [tilespmem:s0+$0xBC20];
	v16 =	vadd.f32 v25, v16;
	v25 =	vadd.f32 v29, v28  }
0x300: {  	v23 =	vld [tilespmem:s0+$0xBC30];
	v28 =	vadd.f32 v58, v21;
	v18 =	vadd.f32 v26, v18  }
0x301: {  	v24 =	vld [tilespmem:s0+$0xBC40];
	v16 =	vadd.f32 v32, v16;
	v25 =	vadd.f32 v35, v25  }
0x302: {  	v26 =	vld [tilespmem:s0+$0xBC50];
	v20 =	vadd.f32 v27, v20;
	v15 =	vadd.f32 v15, v22  }
0x303: {  	v27 =	vld [tilespmem:s0+$0xBC60];
	v18 =	vadd.f32 v33, v18;
	v16 =	vadd.f32 v39, v16  }
0x304: {  	v20 =	vadd.f32 v34, v20;
	v22 =	vld [tilespmem:s0+$0xCC00];
	v15 =	vadd.f32 v38, v15  }
0x305: {  	v63 =	vld [tilespmem:s0+$0xCC60];
	v25 =	vadd.f32 v42, v25;
	v18 =	vadd.f32 v40, v18  }
0x306: {  	v20 =	vadd.f32 v41, v20;
	v15 =	vadd.f32 v19, v15;
	v19 =	vld [tilespmem:s0+$0xDC00]  }
0x307: {  	v16 =	vadd.f32 v23, v16;
	v18 =	vadd.f32 v24, v18;
	v24 =	vld [tilespmem:s0+$0xDC10]  }
0x308: {  	v25 =	vadd.f32 v27, v25;
	v27 =	vld [tilespmem:s0+$0xDC20];
	v20 =	vadd.f32 v26, v20  }
0x309: {  	v23 =	vld [tilespmem:s0+$0xDC30];
	v21 =	vadd.f32 v60, v16;
	v26 =	vadd.f32 v22, v17  }
0x30a: {  	v18 =	vadd.f32 v61, v18;
	v22 =	vld [tilespmem:s0+$0xDC40];
	v17 =	vadd.f32 v62, v20  }
0x30b: {  	v20 =	vld [tilespmem:s0+$0xDC50];
	v29 =	vadd.f32 v59, v15;
	v26 =	vadd.f32 v19, v26  }
0x30c: {  	s5 =	simm.s32 $0x80;
	v16 =	vadd.f32 v63, v25;
	v24 =	vadd.f32 v24, v28;
	v19 =	vld [tilespmem:s0+$0xDC60]  }
0x30d: {  	s3 =	simm.s32 $0x400;
	v15 =	vld [tilespmem:s5+$0x7C70];
	v25 =	vadd.f32 v27, v29;
	v26 =	vadd.f32 v26, v7  }
.LBB2_17:
0x30e: {  	p2 =	sne.s32 s3, $0x3E00;
	v27 =	vld [tilespmem:s5+$0x8C70];
	v24 =	vadd.f32 v24, v8;
	v21 =	vadd.f32 v23, v21  }
0x30f: {  	v23 =	vld [tilespmem:s5+$0x7C00];
	v26 =	vmul.f32 $1.428571490e-01, v26;
	v25 =	vadd.f32 v25, v9;
	v18 =	vadd.f32 v22, v18  }
0x310: {  	v22 =	vld [tilespmem:s5+$0x9C70];
	v24 =	vmul.f32 $1.428571490e-01, v24;
	v21 =	vadd.f32 v21, v10;
	v17 =	vadd.f32 v20, v17  }
0x311: {  	v20 =	vld [tilespmem:s5+$0x8C00];
	[tilespmem:s0+$0x16C00] =	vst v26;
	v25 =	vmul.f32 $1.428571490e-01, v25;
	v18 =	vadd.f32 v18, v11;
	v16 =	vadd.f32 v19, v16  }
0x312: {  	v19 =	vld [tilespmem:s5+$0xAC70];
	[tilespmem:s0+$0x16C10] =	vst v24;
	v21 =	vmul.f32 $1.428571490e-01, v21;
	v17 =	vadd.f32 v17, v12  }
0x313: {  	v24 =	vld [tilespmem:s5+$0x7C10];
	v15 =	vadd.f32 v27, v15;
	[tilespmem:s0+$0x16C20] =	vst v25;
	v18 =	vmul.f32 $1.428571490e-01, v18;
	v16 =	vadd.f32 v16, v13  }
0x314: {  	v25 =	vld [tilespmem:s5+$0xBC70];
	[tilespmem:s0+$0x16C30] =	vst v21;
	v17 =	vmul.f32 $1.428571490e-01, v17  }
0x315: {  	v21 =	vld [tilespmem:s5+$0x8C10];
	v15 =	vadd.f32 v22, v15;
	[tilespmem:s0+$0x16C40] =	vst v18;
	v16 =	vmul.f32 $1.428571490e-01, v16  }
0x316: {  	v18 =	vadd.f32 v20, v23;
	v20 =	vld [tilespmem:s5+$0xCC70];
	[tilespmem:s0+$0x16C50] =	vst v17  }
0x317: {  	v17 =	vld [tilespmem:s5+$0x7C20];
	v15 =	vadd.f32 v19, v15;
	[tilespmem:s0+$0x16C60] =	vst v16;
	s0 =	smov.u32 s5  }
0x318: {  	v16 =	vld [tilespmem:s0+$0xDC70]  }
0x319: {  	v19 =	vld [tilespmem:s0+$0x8C20];
	v15 =	vadd.f32 v25, v15  }
0x31a: {  	v21 =	vadd.f32 v21, v24;
	v22 =	vld [tilespmem:s0+$0x7C30]  }
0x31b: {  	v23 =	vld [tilespmem:s0+$0x8C30];
	v15 =	vadd.f32 v20, v15  }
0x31c: {  	v20 =	vld [tilespmem:s0+$0x7C40]  }
0x31d: {  	v24 =	vld [tilespmem:s0+$0x8C40];
	v15 =	vadd.f32 v16, v15  }
0x31e: {  	v16 =	vadd.f32 v19, v17;
	v17 =	vld [tilespmem:s0+$0x7C50]  }
0x31f: {  	v19 =	vld [tilespmem:s0+$0x8C50];
	v15 =	vadd.f32 v15, v14  }
0x320: {  	v22 =	vadd.f32 v23, v22;
	v23 =	vld [tilespmem:s0+$0x7C60]  }
0x321: {  	v25 =	vld [tilespmem:s0+$0x8C60];
	v15 =	vmul.f32 $1.428571490e-01, v15  }
0x322: {  	v26 =	vld [tilespmem:s0+$0x9C00];
	v20 =	vadd.f32 v24, v20  }
0x323: {  	v24 =	vld [tilespmem:s0+$0x9C10];
	[tilespmem:s0+$0x16C70] =	vst v15  }
0x324: {  	v15 =	vld [tilespmem:s0+$0x9C20];
	v17 =	vadd.f32 v19, v17  }
0x325: {  	v19 =	vld [tilespmem:s0+$0x9C30]  }
0x326: {  	v27 =	vld [tilespmem:s0+$0x9C40];
	v23 =	vadd.f32 v25, v23  }
0x327: {  	v18 =	vadd.f32 v26, v18;
	v25 =	vld [tilespmem:s0+$0x9C50]  }
0x328: {  	v21 =	vadd.f32 v24, v21;
	v24 =	vld [tilespmem:s0+$0x9C60]  }
0x329: {  	v26 =	vld [tilespmem:s0+$0xAC00];
	v15 =	vadd.f32 v15, v16  }
0x32a: {  	v16 =	vld [tilespmem:s0+$0xAC10];
	v19 =	vadd.f32 v19, v22  }
0x32b: {  	v22 =	vld [tilespmem:s0+$0xAC20];
	v20 =	vadd.f32 v27, v20  }
0x32c: {  	v27 =	vld [tilespmem:s0+$0xAC30];
	v17 =	vadd.f32 v25, v17  }
0x32d: {  	v25 =	vld [tilespmem:s0+$0xAC40];
	v23 =	vadd.f32 v24, v23  }
0x32e: {  	v18 =	vadd.f32 v26, v18;
	v24 =	vld [tilespmem:s0+$0xAC50]  }
0x32f: {  	v16 =	vadd.f32 v16, v21;
	v21 =	vld [tilespmem:s0+$0xAC60]  }
0x330: {  	v26 =	vld [tilespmem:s0+$0xBC00];
	v15 =	vadd.f32 v22, v15  }
0x331: {  	v22 =	vld [tilespmem:s0+$0xBC10];
	v19 =	vadd.f32 v27, v19  }
0x332: {  	v27 =	vld [tilespmem:s0+$0xBC20];
	v20 =	vadd.f32 v25, v20  }
0x333: {  	v25 =	vld [tilespmem:s0+$0xBC30];
	v17 =	vadd.f32 v24, v17  }
0x334: {  	v24 =	vld [tilespmem:s0+$0xBC40];
	v21 =	vadd.f32 v21, v23  }
0x335: {  	v18 =	vadd.f32 v26, v18;
	v23 =	vld [tilespmem:s0+$0xBC50]  }
0x336: {  	v16 =	vadd.f32 v22, v16;
	v22 =	vld [tilespmem:s0+$0xBC60]  }
0x337: {  	v26 =	vld [tilespmem:s0+$0xCC00];
	v15 =	vadd.f32 v27, v15  }
0x338: {  	v27 =	vld [tilespmem:s0+$0xCC10];
	v19 =	vadd.f32 v25, v19  }
0x339: {  	v25 =	vld [tilespmem:s0+$0xCC20];
	v20 =	vadd.f32 v24, v20  }
0x33a: {  	v24 =	vld [tilespmem:s0+$0xCC30];
	v17 =	vadd.f32 v23, v17  }
0x33b: {  	v23 =	vld [tilespmem:s0+$0xCC40];
	v28 =	vadd.f32 v22, v21  }
0x33c: {  	v26 =	vadd.f32 v26, v18;
	v22 =	vld [tilespmem:s0+$0xCC50]  }
0x33d: {  	v27 =	vadd.f32 v27, v16;
	v16 =	vld [tilespmem:s0+$0xCC60]  }
0x33e: {  	v29 =	vld [tilespmem:s0+$0xDC00];
	v25 =	vadd.f32 v25, v15  }
0x33f: {  	v15 =	vld [tilespmem:s0+$0xDC10];
	v21 =	vadd.f32 v24, v19  }
0x340: {  	v30 =	vld [tilespmem:s0+$0xDC20];
	v18 =	vadd.f32 v23, v20  }
.Ltmp11:
0x341: {  	v23 =	vld [tilespmem:s0+$0xDC30];
	v17 =	vadd.f32 v22, v17;
	(pc) =	sbr.rel @p2 .LBB2_17-.Ltmp11, $4  }
0x342: {  	v22 =	vld [tilespmem:s0+$0xDC40];
	v16 =	vadd.f32 v16, v28  }
0x343: {  	v26 =	vadd.f32 v29, v26;
	v20 =	vld [tilespmem:s0+$0xDC50]  }
0x344: {  	s5 =	sshra.s32 s3, $0x2;
	v24 =	vadd.f32 v15, v27;
	v19 =	vld [tilespmem:s0+$0xDC60]  }
0x345: {  	s3 =	sadd.s32 $0x200, s3;
	v15 =	vld [tilespmem:s5+$0x7C70];
	v26 =	vadd.f32 v26, v7;
	v25 =	vadd.f32 v30, v25  }
0x346: {  	v27 =	vld [tilespmem:s5+$0x8C70];
	v24 =	vadd.f32 v24, v8;
	v21 =	vadd.f32 v23, v21  }
0x347: {  	v28 =	vld [tilespmem:s5+$0x7C00];
	v26 =	vmul.f32 $1.428571490e-01, v26;
	v46 =	vadd.f32 v25, v9;
	v18 =	vadd.f32 v22, v18  }
0x348: {  	v29 =	vld [tilespmem:s5+$0x9C70];
	v24 =	vmul.f32 $1.428571490e-01, v24;
	v21 =	vadd.f32 v21, v10;
	v17 =	vadd.f32 v20, v17  }
0x349: {  	v30 =	vld [tilespmem:s5+$0x8C00];
	[tilespmem:s0+$0x16C00] =	vst v26;
	v48 =	vmul.f32 $1.428571490e-01, v46;
	v18 =	vadd.f32 v18, v11;
	v16 =	vadd.f32 v19, v16  }
0x34a: {  	v47 =	vld [tilespmem:s5+$0xAC70];
	[tilespmem:s0+$0x16C10] =	vst v24;
	v50 =	vmul.f32 $1.428571490e-01, v21;
	v17 =	vadd.f32 v17, v12  }
0x34b: {  	v49 =	vld [tilespmem:s5+$0x7C10];
	[tilespmem:s0+$0x16C20] =	vst v48;
	v18 =	vmul.f32 $1.428571490e-01, v18;
	v16 =	vadd.f32 v16, v13  }
0x34c: {  	v51 =	vld [tilespmem:s5+$0xBC70];
	[tilespmem:s0+$0x16C30] =	vst v50;
	v17 =	vmul.f32 $1.428571490e-01, v17  }
0x34d: {  	v52 =	vld [tilespmem:s5+$0x8C10];
	[tilespmem:s0+$0x16C40] =	vst v18;
	v16 =	vmul.f32 $1.428571490e-01, v16  }
0x34e: {  	v18 =	vld [tilespmem:s5+$0xCC70];
	[tilespmem:s0+$0x16C50] =	vst v17  }
0x34f: {  	v17 =	vld [tilespmem:s5+$0x7C20];
	[tilespmem:s0+$0x16C60] =	vst v16  }
0x350: {  	v16 =	vld [tilespmem:s5+$0xDC70]  }
0x351: {  	v20 =	vld [tilespmem:s5+$0x8C20]  }
0x352: {  	v53 =	vld [tilespmem:s5+$0x7C30]  }
0x353: {  	v22 =	vld [tilespmem:s5+$0x8C30]  }
0x354: {  	v54 =	vld [tilespmem:s5+$0x7C40]  }
0x355: {  	v24 =	vld [tilespmem:s5+$0x8C40]  }
0x356: {  	v55 =	vld [tilespmem:s5+$0x7C50]  }
0x357: {  	v56 =	vld [tilespmem:s5+$0x8C50]  }
0x358: {  	v26 =	vld [tilespmem:s5+$0x7C60]  }
0x359: {  	v57 =	vld [tilespmem:s5+$0x8C60]  }
0x35a: {  	v58 =	vld [tilespmem:s5+$0x9C00]  }
0x35b: {  	v31 =	vld [tilespmem:s5+$0x9C10]  }
0x35c: {  	v32 =	vld [tilespmem:s5+$0x9C30]  }
0x35d: {  	v33 =	vld [tilespmem:s5+$0x9C40]  }
0x35e: {  	v34 =	vld [tilespmem:s5+$0x9C50]  }
0x35f: {  	v35 =	vld [tilespmem:s5+$0x9C60]  }
0x360: {  	v15 =	vadd.f32 v27, v15;
	v36 =	vld [tilespmem:s5+$0xAC00]  }
0x361: {  	v37 =	vld [tilespmem:s5+$0xAC10]  }
0x362: {  	v15 =	vadd.f32 v29, v15;
	v38 =	vld [tilespmem:s5+$0xAC20]  }
0x363: {  	v39 =	vld [tilespmem:s5+$0xAC30]  }
0x364: {  	v15 =	vadd.f32 v47, v15;
	v40 =	vld [tilespmem:s5+$0xAC40]  }
0x365: {  	v41 =	vld [tilespmem:s5+$0xAC50]  }
0x366: {  	v42 =	vld [tilespmem:s5+$0xAC60];
	v15 =	vadd.f32 v51, v15  }
0x367: {  	v43 =	vld [tilespmem:s5+$0xBC00]  }
0x368: {  	v44 =	vld [tilespmem:s5+$0xBC10];
	v15 =	vadd.f32 v18, v15  }
0x369: {  	v28 =	vadd.f32 v30, v28;
	v59 =	vld [tilespmem:s5+$0xBC20]  }
0x36a: {  	v60 =	vld [tilespmem:s5+$0xBC30];
	v19 =	vadd.f32 v52, v49;
	v15 =	vadd.f32 v16, v15  }
0x36b: {  	v61 =	vld [tilespmem:s5+$0xBC40];
	v17 =	vadd.f32 v20, v17;
	v21 =	vadd.f32 v22, v53  }
0x36c: {  	v63 =	vld [tilespmem:s5+$0xBC50];
	v18 =	vadd.f32 v24, v54;
	v15 =	vadd.f32 v15, v14  }
0x36d: {  	v46 =	vld [tilespmem:s5+$0xBC60];
	v16 =	vadd.f32 v56, v55;
	v62 =	vadd.f32 v57, v26  }
0x36e: {  	v48 =	vld [tilespmem:s5+$0xCC00];
	v45 =	vadd.f32 v58, v28;
	v19 =	vadd.f32 v31, v19;
	v15 =	vmul.f32 $1.428571490e-01, v15  }
0x36f: {  	v50 =	vld [tilespmem:s5+$0xCC20];
	v47 =	vadd.f32 v32, v21;
	v18 =	vadd.f32 v33, v18  }
0x370: {  	v16 =	vadd.f32 v34, v16;
	v23 =	vadd.f32 v35, v62;
	[tilespmem:s5+$0x16C70] =	vst v15;
	v15 =	vld [tilespmem:s5+$0x9C20]  }
0x371: {  	v51 =	vld [tilespmem:s5+$0xCC30];
	v25 =	vadd.f32 v36, v45;
	v19 =	vadd.f32 v37, v19  }
0x372: {  	v49 =	vld [tilespmem:s5+$0xCC10];
	v18 =	vadd.f32 v40, v18;
	v16 =	vadd.f32 v41, v16  }
0x373: {  	v52 =	vld [tilespmem:s5+$0xCC40];
	v23 =	vadd.f32 v42, v23;
	v25 =	vadd.f32 v43, v25  }
0x374: {  	v53 =	vld [tilespmem:s5+$0xCC50];
	v19 =	vadd.f32 v44, v19;
	v18 =	vadd.f32 v61, v18  }
0x375: {  	v55 =	vld [tilespmem:s5+$0xDC00];
	v16 =	vadd.f32 v63, v16;
	v15 =	vadd.f32 v15, v17  }
0x376: {  	v54 =	vld [tilespmem:s5+$0xCC60];
	v23 =	vadd.f32 v46, v23;
	v21 =	vadd.f32 v48, v25  }
0x377: {  	v56 =	vld [tilespmem:s5+$0xDC10];
	v19 =	vadd.f32 v49, v19;
	v15 =	vadd.f32 v38, v15  }
0x378: {  	v57 =	vld [tilespmem:s5+$0xDC20];
	v18 =	vadd.f32 v52, v18;
	v17 =	vadd.f32 v39, v47  }
0x379: {  	v58 =	vld [tilespmem:s5+$0xDC30];
	v16 =	vadd.f32 v53, v16;
	v15 =	vadd.f32 v59, v15  }
0x37a: {  	v20 =	vadd.f32 v55, v21;
	v17 =	vadd.f32 v60, v17;
	v59 =	vld [tilespmem:s5+$0xDC40]  }
0x37b: {  	v23 =	vadd.f32 v54, v23;
	v60 =	vld [tilespmem:s5+$0xDC50];
	v15 =	vadd.f32 v50, v15  }
0x37c: {  	v61 =	vld [tilespmem:s5+$0xDC60];
	v19 =	vadd.f32 v56, v19;
	v17 =	vadd.f32 v51, v17  }
0x37d: {  	v20 =	vadd.f32 v20, v7;
	v15 =	vadd.f32 v57, v15  }
0x37e: {  	v19 =	vadd.f32 v19, v8;
	v17 =	vadd.f32 v58, v17  }
0x37f: {  	v20 =	vmul.f32 $1.428571490e-01, v20;
	v18 =	vadd.f32 v59, v18;
	v15 =	vadd.f32 v15, v9  }
0x380: {  	v19 =	vmul.f32 $1.428571490e-01, v19;
	v16 =	vadd.f32 v60, v16;
	v17 =	vadd.f32 v17, v10  }
0x381: {  	v62 =	vadd.f32 v61, v23;
	[tilespmem:s5+$0x16C00] =	vst v20;
	v18 =	vadd.f32 v18, v11;
	v15 =	vmul.f32 $1.428571490e-01, v15  }
0x382: {  	[tilespmem:s5+$0x16C10] =	vst v19;
	v16 =	vadd.f32 v16, v12;
	v17 =	vmul.f32 $1.428571490e-01, v17  }
0x383: {  	s0 =	smul.u32 $0x3000, s30;
	v63 =	vadd.f32 v62, v13;
	[tilespmem:s5+$0x16C20] =	vst v15;
	v15 =	vmul.f32 $1.428571490e-01, v18  }
.Ltmp12:
0x384: {  	v16 =	vmul.f32 $1.428571490e-01, v16;
	[tilespmem:s5+$0x16C30] =	vst v17;
	(pc) =	sbr.rel @p1 .LBB2_28-.Ltmp12, $4  }
0x385: {  	s3 =	sadd.s32 s10, s0;
	[tilespmem:s5+$0x16C40] =	vst v15;
	v15 =	vmul.f32 $1.428571490e-01, v63  }
0x386: {  	s3 =	sshrl.u32 s3, $0x3;
	[tilespmem:s5+$0x16C50] =	vst v16  }
0x387: {  	s31 =	simm.s32 $0x16C00;
	s3 =	sadd.s32 s4, s3;
	[tilespmem:s5+$0x16C60] =	vst v15  }
0x388: {  	[hbm4b:s3+s6] =	stream.linear.scatter [tilespmem:s31], [sflag:$0x5], $0x1000, $0x38;
	[tilespmem:$0x1B580] =	vst v63  }
0x389: {  	s25 =	smul.u32 $0x60, s30;
	_ =	sdelay $0x1  }
0x38a: {  	v15 =	vld [tilespmem:s25+$0x19090];
	_ =	sdelay $0x4  }
0x38b: {  	[tilespmem:$0x400] =	vst v15  }
0x38c: {  	v15 =	vld [tilespmem:s25+$0x190A0];
	_ =	sdelay $0x4  }
0x38d: {  	[tilespmem:$0x410] =	vst v15  }
0x38e: {  	v15 =	vld [tilespmem:s28+$0xFFFFFBCF];
	_ =	sdelay $0x1  }
0x38f: {  	v16 =	vld [tilespmem:s25+$0x19090];
	_ =	sdelay $0x2  }
0x390: {  	v15 =	vmul.u32 $0x104, v15;
	_ =	sdelay $0x1  }
0x391: {  	v15 =	vadd.s32 v16, v15  }
0x392: {  	p1 =	por $0x1, $0x1;
	v15 =	vand.u32 $0x7FFFFF, v15  }
0x393: {  	v16 =	vadd.s32 @!p1 $0xFF85EE00, v15  }
0x394: {  	v17 =	vld @p1 [tilespmem:s28+$0xFFFFFBDF];
	v16 =	vmin.u32 @!p1 v16, v15  }
0x395: {  	[tilespmem:s28+$0xFFFFFFF0] =	vst v15;
	vm0 =	vgt.s32 @!p1 v16, $0x3D08FF;
	v15 =	vadd.s32 @!p1 $0xFFC2F700, v16  }
0x396: {  	v18 =	vld @p1 [tilespmem:s25+$0x190A0];
	v15 =	vsel @!p1 vm0, v15, v16  }
0x397: {  	vm0 =	vgt.s32 @!p1 v15, $0x1E847F;
	v16 =	vadd.s32 @!p1 $0xFFE17B80, v15  }
0x398: {  	s5 =	sadd.s32 s7, s25;
	v16 =	vsel @!p1 vm0, v16, v15  }
0x399: {  	s3 =	sadd.s32 $0x80, s5;
	v17 =	vmul.u32 @p1 $0x104, v17;
	vm0 =	vgt.s32 @!p1 v16, $0xF423F;
	v19 =	vadd.s32 @!p1 $0xFFF0BDC0, v16  }
0x39a: {  	v15 =	vor.u32 s3, v0;
	v16 =	vsel @!p1 vm0, v19, v16  }
0x39b: {  	s13 =	simm.s32 $0x1;
	v17 =	vadd.s32 @p1 v18, v17;
	vm0 =	vgt.s32 @!p1 v16, $0x7A11F;
	v18 =	vadd.s32 @!p1 $0xFFF85EE0, v16  }
0x39c: {  	v17 =	vand.u32 @p1 $0x7FFFFF, v17;
	v16 =	vsel @!p1 vm0, v18, v16;
	vm0 =	vlt.s32 @!p1 v15, s13  }
0x39d: {  	s3 =	simm.s32 $0x410;
	[tilespmem:s28+$0x0] =	vst @p1 v17;
	v16 =	vsel @!p1 vm0, $0x0, v16  }
0x39e: {  	[tilespmem:s3+$0xFFFFFFF0] =	vst @!p1 v16  }
0x39f: {  	v16 =	vld @!p1 [tilespmem:s28+$0xFFFFFBDF];
	_ =	sdelay $0x1  }
0x3a0: {  	v17 =	vld @!p1 [tilespmem:s25+$0x190A0];
	_ =	sdelay $0x2  }
0x3a1: {  	v16 =	vmul.u32 @!p1 $0x104, v16;
	_ =	sdelay $0x1  }
0x3a2: {  	v16 =	vadd.s32 @!p1 v17, v16  }
0x3a3: {  	v17 =	vand.u32 @!p1 $0x7FFFFF, v16  }
0x3a4: {  	v16 =	vadd.s32 @!p1 $0xFF85EE00, v17  }
0x3a5: {  	v16 =	vmin.u32 @!p1 v16, v17  }
0x3a6: {  	vm0 =	vgt.s32 @!p1 v16, $0x3D08FF;
	v18 =	vadd.s32 @!p1 $0xFFC2F700, v16  }
0x3a7: {  	v16 =	vsel @!p1 vm0, v18, v16  }
0x3a8: {  	vm0 =	vgt.s32 @!p1 v16, $0x1E847F;
	v18 =	vadd.s32 @!p1 $0xFFE17B80, v16  }
0x3a9: {  	v16 =	vsel @!p1 vm0, v18, v16  }
0x3aa: {  	vm0 =	vgt.s32 @!p1 v16, $0xF423F;
	v18 =	vadd.s32 @!p1 $0xFFF0BDC0, v16  }
0x3ab: {  	s5 =	sadd.s32 $0x90, s5;
	v18 =	vsel @!p1 vm0, v18, v16  }
0x3ac: {  	v16 =	vor.u32 s5, v0;
	vm0 =	vgt.s32 @!p1 v18, $0x7A11F;
	v19 =	vadd.s32 @!p1 $0xFFF85EE0, v18  }
0x3ad: {  	v18 =	vsel @!p1 vm0, v19, v18;
	vm0 =	vlt.s32 @!p1 v16, s13  }
0x3ae: {  	[tilespmem:s28+$0x0] =	vst @!p1 v17;
	v17 =	vsel @!p1 vm0, $0x0, v18  }
0x3af: {  	s31 =	sadd.s32 $0xA0, s25;
	s5 =	simm.s32 $0x3;
	s13 =	sadd.s32 $0x420, s28;
	[tilespmem:s3+$0x0] =	vst @!p1 v17  }
.LBB2_20:
0x3b0: {  	v17 =	vld [tilespmem:s13+$0xFFFFFBCF];
	s15 =	smov.u32 s5;
	s5 =	sadd.s32 $0x1, s5  }
0x3b1: {  	v18 =	vld [tilespmem:s25+$0x19090];
	p1 =	sne.s32 s5, $0x9;
	_ =	sdelay $0x3  }
0x3b2: {  	v17 =	vmul.u32 $0x104, v17;
	_ =	sdelay $0x1  }
0x3b3: {  	v17 =	vadd.s32 v18, v17  }
0x3b4: {  	p2 =	slt.u32 s15, $0x3;
	v17 =	vand.u32 $0x7FFFFF, v17  }
0x3b5: {  	v18 =	vadd.s32 @!p2 $0xFF85EE00, v17  }
0x3b6: {  	v19 =	vld @p2 [tilespmem:s13+$0xFFFFFBDF];
	v18 =	vmin.u32 @!p2 v18, v17  }
0x3b7: {  	[tilespmem:s13+$0xFFFFFFF0] =	vst v17;
	vm0 =	vgt.s32 @!p2 v18, $0x3D08FF;
	v17 =	vadd.s32 @!p2 $0xFFC2F700, v18  }
0x3b8: {  	v20 =	vld @p2 [tilespmem:s25+$0x190A0];
	v17 =	vsel @!p2 vm0, v17, v18  }
0x3b9: {  	vm0 =	vgt.s32 @!p2 v17, $0x1E847F;
	v18 =	vadd.s32 @!p2 $0xFFE17B80, v17  }
0x3ba: {  	v17 =	vsel @!p2 vm0, v18, v17  }
0x3bb: {  	v18 =	vmul.u32 @p2 $0x104, v19;
	vm0 =	vgt.s32 @!p2 v17, $0xF423F;
	v19 =	vadd.s32 @!p2 $0xFFF0BDC0, v17  }
0x3bc: {  	v17 =	vsel @!p2 vm0, v19, v17  }
0x3bd: {  	s15 =	sadd.s32 $0xFFFFFFFF, s15;
	v18 =	vadd.s32 @p2 v20, v18;
	vm0 =	vgt.s32 @!p2 v17, $0x7A11F;
	v19 =	vadd.s32 @!p2 $0xFFF85EE0, v17  }
0x3be: {  	v18 =	vand.u32 @p2 $0x7FFFFF, v18;
	v17 =	vsel @!p2 vm0, v19, v17;
	vm0 =	vlt.s32 @!p2 v15, s15  }
0x3bf: {  	s3 =	sadd.s32 $0x80, s3;
	[tilespmem:s13+$0x0] =	vst @p2 v18;
	v17 =	vsel @!p2 vm0, $0x0, v17  }
0x3c0: {  	[tilespmem:s3+$0xFFFFFFF0] =	vst @!p2 v17  }
0x3c1: {  	v17 =	vld @!p2 [tilespmem:s13+$0xFFFFFBDF];
	_ =	sdelay $0x1  }
0x3c2: {  	v18 =	vld @!p2 [tilespmem:s25+$0x190A0];
	_ =	sdelay $0x2  }
0x3c3: {  	v17 =	vmul.u32 @!p2 $0x104, v17;
	_ =	sdelay $0x1  }
0x3c4: {  	v17 =	vadd.s32 @!p2 v18, v17  }
0x3c5: {  	v17 =	vand.u32 @!p2 $0x7FFFFF, v17  }
0x3c6: {  	[tilespmem:s13+$0x0] =	vst @!p2 v17;
	v18 =	vadd.s32 @!p2 $0xFF85EE00, v17  }
0x3c7: {  	v17 =	vmin.u32 @!p2 v18, v17  }
0x3c8: {  	vm0 =	vgt.s32 @!p2 v17, $0x3D08FF;
	v18 =	vadd.s32 @!p2 $0xFFC2F700, v17  }
0x3c9: {  	v17 =	vsel @!p2 vm0, v18, v17  }
0x3ca: {  	vm0 =	vgt.s32 @!p2 v17, $0x1E847F;
	v18 =	vadd.s32 @!p2 $0xFFE17B80, v17  }
0x3cb: {  	v17 =	vsel @!p2 vm0, v18, v17  }
0x3cc: {  	vm0 =	vgt.s32 @!p2 v17, $0xF423F;
	v18 =	vadd.s32 @!p2 $0xFFF0BDC0, v17  }
.Ltmp13:
0x3cd: {  	v17 =	vsel @!p2 vm0, v18, v17;
	(pc) =	sbr.rel @p1 .LBB2_20-.Ltmp13, $4  }
0x3ce: {  	vm0 =	vgt.s32 @!p2 v17, $0x7A11F;
	v18 =	vadd.s32 @!p2 $0xFFF85EE0, v17  }
0x3cf: {  	v17 =	vsel @!p2 vm0, v18, v17;
	vm0 =	vlt.s32 @!p2 v16, s15  }
0x3d0: {  	v17 =	vsel @!p2 vm0, $0x0, v17  }
0x3d1: {  	s13 =	sadd.s32 $0x420, s13;
	[tilespmem:s3+$0x0] =	vst @!p2 v17  }
0x3d2: {  	s3 =	simm.s32 $0x400;
	s5 =	simm.s32 $0x7C00  }
0x3d3: {  	[tilespmem:s5], [sflag:$0x2] =	stream.indirect.gather [hbm4b:s1+s16], $0x80, s3, s16, $0xb8;
	[tilespmem:$0x1B580] =	vst v63  }
0x3d4: {  	s13 =	simm.s32 $0x480;
	s15 =	simm.s32 $0x8C00  }
0x3d5: {  	[tilespmem:s15], [sflag:$0x2] =	stream.indirect.gather [hbm4b:s2+s16], $0x80, s13, s16, $0xb8;
	[tilespmem:$0x1B580] =	vst v63  }
0x3d6: {  	s13 =	simm.s32 $0x500;
	s15 =	simm.s32 $0x9C00  }
0x3d7: {  	[tilespmem:s15], [sflag:$0x2] =	stream.indirect.gather [hbm4b:s2+s16], $0x80, s13, s16, $0xb8;
	[tilespmem:$0x1B580] =	vst v63  }
0x3d8: {  	_ = 	snop  }
0x3d9: {  	[tilespmem:s12], [sflag:$0x2] =	stream.indirect.gather [hbm4b:s2+s16], $0x80, s8, s16, $0xb8;
	[tilespmem:$0x1B580] =	vst v63  }
0x3da: {  	_ = 	snop  }
0x3db: {  	[tilespmem:s17], [sflag:$0x2] =	stream.indirect.gather [hbm4b:s2+s16], $0x80, s14, s16, $0xb8;
	[tilespmem:$0x1B580] =	vst v63  }
0x3dc: {  	_ = 	snop  }
0x3dd: {  	[tilespmem:s19], [sflag:$0x2] =	stream.indirect.gather [hbm4b:s2+s16], $0x80, s18, s16, $0xb8;
	[tilespmem:$0x1B580] =	vst v63  }
0x3de: {  	_ = 	snop  }
0x3df: {  	[tilespmem:s21], [sflag:$0x2] =	stream.indirect.gather [hbm4b:s2+s16], $0x80, s20, s16, $0xb8;
	[tilespmem:$0x1B580] =	vst v63  }
0x3e0: {  	_ =	swait.ge [sflag:s26], $0x1000  }
0x3e1: {  	[sflag:s26] =	ssyncset.done $0x0  }
0x3e2: {  	[sflag:s26] =	ssyncadd.s32 $0xFFFFF000  }
0x3e3: {  	_ =	swait.ge [sflag:s26], $0x1000  }
0x3e4: {  	[sflag:s26] =	ssyncset.done $0x0  }
0x3e5: {  	[sflag:s26] =	ssyncadd.s32 $0xFFFFF000  }
0x3e6: {  	_ =	swait.ge [sflag:s26], $0x1000  }
0x3e7: {  	[sflag:s26] =	ssyncset.done $0x0  }
0x3e8: {  	[sflag:s26] =	ssyncadd.s32 $0xFFFFF000  }
0x3e9: {  	_ =	swait.ge [sflag:s26], $0x1000  }
0x3ea: {  	[sflag:s26] =	ssyncset.done $0x0  }
0x3eb: {  	[sflag:s26] =	ssyncadd.s32 $0xFFFFF000  }
0x3ec: {  	_ =	swait.ge [sflag:s26], $0x1000  }
0x3ed: {  	[sflag:s26] =	ssyncset.done $0x0  }
0x3ee: {  	[sflag:s26] =	ssyncadd.s32 $0xFFFFF000  }
0x3ef: {  	_ =	swait.ge [sflag:s26], $0x1000  }
0x3f0: {  	[sflag:s26] =	ssyncset.done $0x0  }
0x3f1: {  	[sflag:s26] =	ssyncadd.s32 $0xFFFFF000  }
0x3f2: {  	_ =	swait.ge [sflag:s26], $0x1000  }
0x3f3: {  	[sflag:s26] =	ssyncset.done $0x0  }
0x3f4: {  	s3 =	simm.s32 @!p0 $0x6;
	[sflag:s26] =	ssyncadd.s32 $0xFFFFF000  }
0x3f5: {  	_ =	swait.ge @!p0 [sflag:s3], $0x1000  }
0x3f6: {  	[sflag:s3] =	ssyncset.done @!p0 $0x0  }
0x3f7: {  	s5 =	simm.s32 $0x0;
	[sflag:s3] =	ssyncadd.s32 @!p0 $0xFFFFF000  }
0x3f8: {  	v15 =	vld [tilespmem:s5+$0xEC70]  }
0x3f9: {  	v16 =	vld [tilespmem:s5+$0xFC70]  }
0x3fa: {  	v17 =	vld [tilespmem:s5+$0xEC00]  }
0x3fb: {  	v18 =	vld [tilespmem:s5+$0x10C70]  }
0x3fc: {  	v19 =	vld [tilespmem:s5+$0xFC00]  }
0x3fd: {  	v20 =	vld [tilespmem:s5+$0x11C70]  }
0x3fe: {  	v21 =	vld [tilespmem:s5+$0xEC10]  }
0x3ff: {  	v22 =	vld [tilespmem:s5+$0xFC10]  }
0x400: {  	v23 =	vld [tilespmem:s5+$0xEC20]  }
0x401: {  	v24 =	vld [tilespmem:s5+$0xFC20]  }
0x402: {  	v25 =	vld [tilespmem:s5+$0xFC30]  }
0x403: {  	v26 =	vld [tilespmem:s5+$0xFC40]  }
0x404: {  	v27 =	vld [tilespmem:s5+$0xFC50]  }
0x405: {  	v28 =	vld [tilespmem:s5+$0xEC60]  }
0x406: {  	v29 =	vld [tilespmem:s5+$0xFC60]  }
0x407: {  	v30 =	vld [tilespmem:s5+$0x10C00]  }
0x408: {  	v31 =	vld [tilespmem:s5+$0x10C10]  }
0x409: {  	v32 =	vld [tilespmem:s5+$0x10C30]  }
0x40a: {  	v33 =	vld [tilespmem:s5+$0x10C40]  }
0x40b: {  	v34 =	vld [tilespmem:s5+$0x10C50]  }
0x40c: {  	v35 =	vld [tilespmem:s5+$0x10C60]  }
0x40d: {  	v36 =	vld [tilespmem:s5+$0x11C00]  }
0x40e: {  	v37 =	vld [tilespmem:s5+$0x11C10]  }
0x40f: {  	v38 =	vld [tilespmem:s5+$0x11C20]  }
0x410: {  	v39 =	vld [tilespmem:s5+$0x11C30];
	v15 =	vadd.f32 v16, v15  }
0x411: {  	v16 =	vld [tilespmem:s5+$0x12C70]  }
0x412: {  	v40 =	vld [tilespmem:s5+$0x11C40];
	v15 =	vadd.f32 v18, v15  }
0x413: {  	v18 =	vld [tilespmem:s5+$0x13C70]  }
0x414: {  	v41 =	vld [tilespmem:s5+$0x11C50];
	v15 =	vadd.f32 v20, v15  }
0x415: {  	v20 =	vld [tilespmem:s5+$0x14C70]  }
0x416: {  	v42 =	vld [tilespmem:s5+$0x11C60];
	v15 =	vadd.f32 v16, v15  }
0x417: {  	v43 =	vld [tilespmem:s5+$0x12C00]  }
0x418: {  	v44 =	vld [tilespmem:s5+$0x12C10];
	v15 =	vadd.f32 v18, v15  }
0x419: {  	v58 =	vld [tilespmem:s5+$0x13C10]  }
0x41a: {  	v59 =	vld [tilespmem:s5+$0x13C20];
	v15 =	vadd.f32 v20, v15  }
0x41b: {  	v60 =	vld [tilespmem:s5+$0x13C30];
	v17 =	vadd.f32 v19, v17;
	v21 =	vadd.f32 v22, v21  }
0x41c: {  	v61 =	vld [tilespmem:s5+$0x13C40];
	v15 =	vadd.f32 v15, v14  }
0x41d: {  	v17 =	vadd.f32 v30, v17;
	v21 =	vadd.f32 v31, v21;
	v16 =	vld [tilespmem:s5+$0xEC30]  }
0x41e: {  	v18 =	vld [tilespmem:s5+$0xEC40];
	v15 =	vmul.f32 $1.428571490e-01, v15  }
0x41f: {  	v17 =	vadd.f32 v36, v17;
	v21 =	vadd.f32 v37, v21;
	v20 =	vld [tilespmem:s5+$0xEC50]  }
0x420: {  	v22 =	vadd.f32 v24, v23;
	[tilespmem:s5+$0x17C70] =	vst v15;
	v15 =	vld [tilespmem:s5+$0x10C20]  }
0x421: {  	v62 =	vld [tilespmem:s5+$0x13C50];
	v17 =	vadd.f32 v43, v17;
	v21 =	vadd.f32 v44, v21  }
0x422: {  	v19 =	vld [tilespmem:s5+$0x12C20];
	v16 =	vadd.f32 v25, v16;
	v25 =	vadd.f32 v29, v28  }
0x423: {  	v23 =	vld [tilespmem:s5+$0x12C30];
	v28 =	vadd.f32 v58, v21;
	v18 =	vadd.f32 v26, v18  }
0x424: {  	v24 =	vld [tilespmem:s5+$0x12C40];
	v16 =	vadd.f32 v32, v16;
	v25 =	vadd.f32 v35, v25  }
0x425: {  	v26 =	vld [tilespmem:s5+$0x12C50];
	v20 =	vadd.f32 v27, v20;
	v15 =	vadd.f32 v15, v22  }
0x426: {  	v27 =	vld [tilespmem:s5+$0x12C60];
	v18 =	vadd.f32 v33, v18;
	v16 =	vadd.f32 v39, v16  }
0x427: {  	v20 =	vadd.f32 v34, v20;
	v22 =	vld [tilespmem:s5+$0x13C00];
	v15 =	vadd.f32 v38, v15  }
0x428: {  	v63 =	vld [tilespmem:s5+$0x13C60];
	v25 =	vadd.f32 v42, v25;
	v18 =	vadd.f32 v40, v18  }
0x429: {  	v20 =	vadd.f32 v41, v20;
	v15 =	vadd.f32 v19, v15;
	v19 =	vld [tilespmem:s5+$0x14C00]  }
0x42a: {  	v16 =	vadd.f32 v23, v16;
	v18 =	vadd.f32 v24, v18;
	v24 =	vld [tilespmem:s5+$0x14C10]  }
0x42b: {  	v25 =	vadd.f32 v27, v25;
	v27 =	vld [tilespmem:s5+$0x14C20];
	v20 =	vadd.f32 v26, v20  }
0x42c: {  	v23 =	vld [tilespmem:s5+$0x14C30];
	v21 =	vadd.f32 v60, v16;
	v26 =	vadd.f32 v22, v17  }
0x42d: {  	v18 =	vadd.f32 v61, v18;
	v22 =	vld [tilespmem:s5+$0x14C40];
	v17 =	vadd.f32 v62, v20  }
0x42e: {  	v20 =	vld [tilespmem:s5+$0x14C50];
	v29 =	vadd.f32 v59, v15;
	v26 =	vadd.f32 v19, v26  }
0x42f: {  	s3 =	simm.s32 $0x80;
	v16 =	vadd.f32 v63, v25;
	v24 =	vadd.f32 v24, v28;
	v19 =	vld [tilespmem:s5+$0x14C60]  }
0x430: {  	s13 =	simm.s32 $0x400;
	v15 =	vld [tilespmem:s3+$0xEC70];
	v25 =	vadd.f32 v27, v29;
	v26 =	vadd.f32 v26, v7  }
.LBB2_22:
0x431: {  	p0 =	sne.s32 s13, $0x3E00;
	v27 =	vld [tilespmem:s3+$0xFC70];
	v24 =	vadd.f32 v24, v8;
	v21 =	vadd.f32 v23, v21  }
0x432: {  	v23 =	vld [tilespmem:s3+$0xEC00];
	v26 =	vmul.f32 $1.428571490e-01, v26;
	v25 =	vadd.f32 v25, v9;
	v18 =	vadd.f32 v22, v18  }
0x433: {  	v22 =	vld [tilespmem:s3+$0x10C70];
	v24 =	vmul.f32 $1.428571490e-01, v24;
	v21 =	vadd.f32 v21, v10;
	v17 =	vadd.f32 v20, v17  }
0x434: {  	v20 =	vld [tilespmem:s3+$0xFC00];
	[tilespmem:s5+$0x17C00] =	vst v26;
	v25 =	vmul.f32 $1.428571490e-01, v25;
	v18 =	vadd.f32 v18, v11;
	v16 =	vadd.f32 v19, v16  }
0x435: {  	v19 =	vld [tilespmem:s3+$0x11C70];
	[tilespmem:s5+$0x17C10] =	vst v24;
	v21 =	vmul.f32 $1.428571490e-01, v21;
	v17 =	vadd.f32 v17, v12  }
0x436: {  	v24 =	vld [tilespmem:s3+$0xEC10];
	v15 =	vadd.f32 v27, v15;
	[tilespmem:s5+$0x17C20] =	vst v25;
	v18 =	vmul.f32 $1.428571490e-01, v18;
	v16 =	vadd.f32 v16, v13  }
0x437: {  	v25 =	vld [tilespmem:s3+$0x12C70];
	[tilespmem:s5+$0x17C30] =	vst v21;
	v17 =	vmul.f32 $1.428571490e-01, v17  }
0x438: {  	v21 =	vld [tilespmem:s3+$0xFC10];
	v15 =	vadd.f32 v22, v15;
	[tilespmem:s5+$0x17C40] =	vst v18;
	v16 =	vmul.f32 $1.428571490e-01, v16  }
0x439: {  	v18 =	vadd.f32 v20, v23;
	v20 =	vld [tilespmem:s3+$0x13C70];
	[tilespmem:s5+$0x17C50] =	vst v17  }
0x43a: {  	v17 =	vld [tilespmem:s3+$0xEC20];
	v15 =	vadd.f32 v19, v15;
	[tilespmem:s5+$0x17C60] =	vst v16;
	s5 =	smov.u32 s3  }
0x43b: {  	v16 =	vld [tilespmem:s5+$0x14C70]  }
0x43c: {  	v19 =	vld [tilespmem:s5+$0xFC20];
	v15 =	vadd.f32 v25, v15  }
0x43d: {  	v21 =	vadd.f32 v21, v24;
	v22 =	vld [tilespmem:s5+$0xEC30]  }
0x43e: {  	v23 =	vld [tilespmem:s5+$0xFC30];
	v15 =	vadd.f32 v20, v15  }
0x43f: {  	v20 =	vld [tilespmem:s5+$0xEC40]  }
0x440: {  	v24 =	vld [tilespmem:s5+$0xFC40];
	v15 =	vadd.f32 v16, v15  }
0x441: {  	v16 =	vadd.f32 v19, v17;
	v17 =	vld [tilespmem:s5+$0xEC50]  }
0x442: {  	v19 =	vld [tilespmem:s5+$0xFC50];
	v15 =	vadd.f32 v15, v14  }
0x443: {  	v22 =	vadd.f32 v23, v22;
	v23 =	vld [tilespmem:s5+$0xEC60]  }
0x444: {  	v25 =	vld [tilespmem:s5+$0xFC60];
	v15 =	vmul.f32 $1.428571490e-01, v15  }
0x445: {  	v26 =	vld [tilespmem:s5+$0x10C00];
	v20 =	vadd.f32 v24, v20  }
0x446: {  	v24 =	vld [tilespmem:s5+$0x10C10];
	[tilespmem:s5+$0x17C70] =	vst v15  }
0x447: {  	v15 =	vld [tilespmem:s5+$0x10C20];
	v17 =	vadd.f32 v19, v17  }
0x448: {  	v19 =	vld [tilespmem:s5+$0x10C30]  }
0x449: {  	v27 =	vld [tilespmem:s5+$0x10C40];
	v23 =	vadd.f32 v25, v23  }
0x44a: {  	v18 =	vadd.f32 v26, v18;
	v25 =	vld [tilespmem:s5+$0x10C50]  }
0x44b: {  	v21 =	vadd.f32 v24, v21;
	v24 =	vld [tilespmem:s5+$0x10C60]  }
0x44c: {  	v26 =	vld [tilespmem:s5+$0x11C00];
	v15 =	vadd.f32 v15, v16  }
0x44d: {  	v16 =	vld [tilespmem:s5+$0x11C10];
	v19 =	vadd.f32 v19, v22  }
0x44e: {  	v22 =	vld [tilespmem:s5+$0x11C20];
	v20 =	vadd.f32 v27, v20  }
0x44f: {  	v27 =	vld [tilespmem:s5+$0x11C30];
	v17 =	vadd.f32 v25, v17  }
0x450: {  	v25 =	vld [tilespmem:s5+$0x11C40];
	v23 =	vadd.f32 v24, v23  }
0x451: {  	v18 =	vadd.f32 v26, v18;
	v24 =	vld [tilespmem:s5+$0x11C50]  }
0x452: {  	v16 =	vadd.f32 v16, v21;
	v21 =	vld [tilespmem:s5+$0x11C60]  }
0x453: {  	v26 =	vld [tilespmem:s5+$0x12C00];
	v15 =	vadd.f32 v22, v15  }
0x454: {  	v22 =	vld [tilespmem:s5+$0x12C10];
	v19 =	vadd.f32 v27, v19  }
0x455: {  	v27 =	vld [tilespmem:s5+$0x12C20];
	v20 =	vadd.f32 v25, v20  }
0x456: {  	v25 =	vld [tilespmem:s5+$0x12C30];
	v17 =	vadd.f32 v24, v17  }
0x457: {  	v24 =	vld [tilespmem:s5+$0x12C40];
	v21 =	vadd.f32 v21, v23  }
0x458: {  	v18 =	vadd.f32 v26, v18;
	v23 =	vld [tilespmem:s5+$0x12C50]  }
0x459: {  	v16 =	vadd.f32 v22, v16;
	v22 =	vld [tilespmem:s5+$0x12C60]  }
0x45a: {  	v26 =	vld [tilespmem:s5+$0x13C00];
	v15 =	vadd.f32 v27, v15  }
0x45b: {  	v27 =	vld [tilespmem:s5+$0x13C10];
	v19 =	vadd.f32 v25, v19  }
0x45c: {  	v25 =	vld [tilespmem:s5+$0x13C20];
	v20 =	vadd.f32 v24, v20  }
0x45d: {  	v24 =	vld [tilespmem:s5+$0x13C30];
	v17 =	vadd.f32 v23, v17  }
0x45e: {  	v23 =	vld [tilespmem:s5+$0x13C40];
	v28 =	vadd.f32 v22, v21  }
0x45f: {  	v26 =	vadd.f32 v26, v18;
	v22 =	vld [tilespmem:s5+$0x13C50]  }
0x460: {  	v27 =	vadd.f32 v27, v16;
	v16 =	vld [tilespmem:s5+$0x13C60]  }
0x461: {  	v29 =	vld [tilespmem:s5+$0x14C00];
	v25 =	vadd.f32 v25, v15  }
0x462: {  	v15 =	vld [tilespmem:s5+$0x14C10];
	v21 =	vadd.f32 v24, v19  }
0x463: {  	v30 =	vld [tilespmem:s5+$0x14C20];
	v18 =	vadd.f32 v23, v20  }
.Ltmp14:
0x464: {  	v23 =	vld [tilespmem:s5+$0x14C30];
	v17 =	vadd.f32 v22, v17;
	(pc) =	sbr.rel @p0 .LBB2_22-.Ltmp14, $4  }
0x465: {  	v22 =	vld [tilespmem:s5+$0x14C40];
	v16 =	vadd.f32 v16, v28  }
0x466: {  	v26 =	vadd.f32 v29, v26;
	v20 =	vld [tilespmem:s5+$0x14C50]  }
0x467: {  	s3 =	sshra.s32 s13, $0x2;
	v24 =	vadd.f32 v15, v27;
	v19 =	vld [tilespmem:s5+$0x14C60]  }
0x468: {  	s13 =	sadd.s32 $0x200, s13;
	v15 =	vld [tilespmem:s3+$0xEC70];
	v26 =	vadd.f32 v26, v7;
	v25 =	vadd.f32 v30, v25  }
0x469: {  	v27 =	vld [tilespmem:s3+$0xFC70];
	v24 =	vadd.f32 v24, v8;
	v21 =	vadd.f32 v23, v21  }
0x46a: {  	v28 =	vld [tilespmem:s3+$0xEC00];
	v26 =	vmul.f32 $1.428571490e-01, v26;
	v46 =	vadd.f32 v25, v9;
	v18 =	vadd.f32 v22, v18  }
0x46b: {  	v29 =	vld [tilespmem:s3+$0x10C70];
	v24 =	vmul.f32 $1.428571490e-01, v24;
	v21 =	vadd.f32 v21, v10;
	v17 =	vadd.f32 v20, v17  }
0x46c: {  	v30 =	vld [tilespmem:s3+$0xFC00];
	[tilespmem:s5+$0x17C00] =	vst v26;
	v48 =	vmul.f32 $1.428571490e-01, v46;
	v18 =	vadd.f32 v18, v11;
	v16 =	vadd.f32 v19, v16  }
0x46d: {  	v47 =	vld [tilespmem:s3+$0x11C70];
	[tilespmem:s5+$0x17C10] =	vst v24;
	v50 =	vmul.f32 $1.428571490e-01, v21;
	v17 =	vadd.f32 v17, v12  }
0x46e: {  	v49 =	vld [tilespmem:s3+$0xEC10];
	[tilespmem:s5+$0x17C20] =	vst v48;
	v18 =	vmul.f32 $1.428571490e-01, v18;
	v16 =	vadd.f32 v16, v13  }
0x46f: {  	v51 =	vld [tilespmem:s3+$0x12C70];
	[tilespmem:s5+$0x17C30] =	vst v50;
	v17 =	vmul.f32 $1.428571490e-01, v17  }
0x470: {  	v52 =	vld [tilespmem:s3+$0xFC10];
	[tilespmem:s5+$0x17C40] =	vst v18;
	v16 =	vmul.f32 $1.428571490e-01, v16  }
0x471: {  	v18 =	vld [tilespmem:s3+$0x13C70];
	[tilespmem:s5+$0x17C50] =	vst v17  }
0x472: {  	v17 =	vld [tilespmem:s3+$0xEC20];
	[tilespmem:s5+$0x17C60] =	vst v16  }
0x473: {  	v16 =	vld [tilespmem:s3+$0x14C70]  }
0x474: {  	v20 =	vld [tilespmem:s3+$0xFC20]  }
0x475: {  	v53 =	vld [tilespmem:s3+$0xEC30]  }
0x476: {  	v22 =	vld [tilespmem:s3+$0xFC30]  }
0x477: {  	v54 =	vld [tilespmem:s3+$0xEC40]  }
0x478: {  	v24 =	vld [tilespmem:s3+$0xFC40]  }
0x479: {  	v55 =	vld [tilespmem:s3+$0xEC50]  }
0x47a: {  	v56 =	vld [tilespmem:s3+$0xFC50]  }
0x47b: {  	v26 =	vld [tilespmem:s3+$0xEC60]  }
0x47c: {  	v57 =	vld [tilespmem:s3+$0xFC60]  }
0x47d: {  	v58 =	vld [tilespmem:s3+$0x10C00]  }
0x47e: {  	v31 =	vld [tilespmem:s3+$0x10C10]  }
0x47f: {  	v32 =	vld [tilespmem:s3+$0x10C30]  }
0x480: {  	v33 =	vld [tilespmem:s3+$0x10C40]  }
0x481: {  	v34 =	vld [tilespmem:s3+$0x10C50]  }
0x482: {  	v35 =	vld [tilespmem:s3+$0x10C60]  }
0x483: {  	v15 =	vadd.f32 v27, v15;
	v36 =	vld [tilespmem:s3+$0x11C00]  }
0x484: {  	v37 =	vld [tilespmem:s3+$0x11C10]  }
0x485: {  	v15 =	vadd.f32 v29, v15;
	v38 =	vld [tilespmem:s3+$0x11C20]  }
0x486: {  	v39 =	vld [tilespmem:s3+$0x11C30]  }
0x487: {  	v15 =	vadd.f32 v47, v15;
	v40 =	vld [tilespmem:s3+$0x11C40]  }
0x488: {  	v41 =	vld [tilespmem:s3+$0x11C50]  }
0x489: {  	v42 =	vld [tilespmem:s3+$0x11C60];
	v15 =	vadd.f32 v51, v15  }
0x48a: {  	v43 =	vld [tilespmem:s3+$0x12C00]  }
0x48b: {  	v44 =	vld [tilespmem:s3+$0x12C10];
	v15 =	vadd.f32 v18, v15  }
0x48c: {  	v28 =	vadd.f32 v30, v28;
	v59 =	vld [tilespmem:s3+$0x12C20]  }
0x48d: {  	v60 =	vld [tilespmem:s3+$0x12C30];
	v19 =	vadd.f32 v52, v49;
	v15 =	vadd.f32 v16, v15  }
0x48e: {  	v61 =	vld [tilespmem:s3+$0x12C40];
	v17 =	vadd.f32 v20, v17;
	v21 =	vadd.f32 v22, v53  }
0x48f: {  	v63 =	vld [tilespmem:s3+$0x12C50];
	v18 =	vadd.f32 v24, v54;
	v15 =	vadd.f32 v15, v14  }
0x490: {  	v46 =	vld [tilespmem:s3+$0x12C60];
	v16 =	vadd.f32 v56, v55;
	v62 =	vadd.f32 v57, v26  }
0x491: {  	v48 =	vld [tilespmem:s3+$0x13C00];
	v45 =	vadd.f32 v58, v28;
	v19 =	vadd.f32 v31, v19;
	v15 =	vmul.f32 $1.428571490e-01, v15  }
0x492: {  	v50 =	vld [tilespmem:s3+$0x13C20];
	v47 =	vadd.f32 v32, v21;
	v18 =	vadd.f32 v33, v18  }
0x493: {  	v16 =	vadd.f32 v34, v16;
	v23 =	vadd.f32 v35, v62;
	[tilespmem:s3+$0x17C70] =	vst v15;
	v15 =	vld [tilespmem:s3+$0x10C20]  }
0x494: {  	v51 =	vld [tilespmem:s3+$0x13C30];
	v25 =	vadd.f32 v36, v45;
	v19 =	vadd.f32 v37, v19  }
0x495: {  	v49 =	vld [tilespmem:s3+$0x13C10];
	v18 =	vadd.f32 v40, v18;
	v16 =	vadd.f32 v41, v16  }
0x496: {  	v52 =	vld [tilespmem:s3+$0x13C40];
	v23 =	vadd.f32 v42, v23;
	v25 =	vadd.f32 v43, v25  }
0x497: {  	v53 =	vld [tilespmem:s3+$0x13C50];
	v19 =	vadd.f32 v44, v19;
	v18 =	vadd.f32 v61, v18  }
0x498: {  	v55 =	vld [tilespmem:s3+$0x14C00];
	v16 =	vadd.f32 v63, v16;
	v15 =	vadd.f32 v15, v17  }
0x499: {  	v54 =	vld [tilespmem:s3+$0x13C60];
	v23 =	vadd.f32 v46, v23;
	v21 =	vadd.f32 v48, v25  }
0x49a: {  	v56 =	vld [tilespmem:s3+$0x14C10];
	v19 =	vadd.f32 v49, v19;
	v15 =	vadd.f32 v38, v15  }
0x49b: {  	v57 =	vld [tilespmem:s3+$0x14C20];
	v18 =	vadd.f32 v52, v18;
	v17 =	vadd.f32 v39, v47  }
0x49c: {  	v58 =	vld [tilespmem:s3+$0x14C30];
	v16 =	vadd.f32 v53, v16;
	v15 =	vadd.f32 v59, v15  }
0x49d: {  	v20 =	vadd.f32 v55, v21;
	v17 =	vadd.f32 v60, v17;
	v59 =	vld [tilespmem:s3+$0x14C40]  }
0x49e: {  	v23 =	vadd.f32 v54, v23;
	v60 =	vld [tilespmem:s3+$0x14C50];
	v15 =	vadd.f32 v50, v15  }
0x49f: {  	v61 =	vld [tilespmem:s3+$0x14C60];
	v19 =	vadd.f32 v56, v19;
	v17 =	vadd.f32 v51, v17  }
0x4a0: {  	v20 =	vadd.f32 v20, v7;
	v15 =	vadd.f32 v57, v15  }
0x4a1: {  	v19 =	vadd.f32 v19, v8;
	v17 =	vadd.f32 v58, v17  }
0x4a2: {  	v20 =	vmul.f32 $1.428571490e-01, v20;
	v18 =	vadd.f32 v59, v18;
	v15 =	vadd.f32 v15, v9  }
0x4a3: {  	v19 =	vmul.f32 $1.428571490e-01, v19;
	v16 =	vadd.f32 v60, v16;
	v17 =	vadd.f32 v17, v10  }
0x4a4: {  	v62 =	vadd.f32 v61, v23;
	[tilespmem:s3+$0x17C00] =	vst v20;
	v18 =	vadd.f32 v18, v11;
	v15 =	vmul.f32 $1.428571490e-01, v15  }
0x4a5: {  	[tilespmem:s3+$0x17C10] =	vst v19;
	v16 =	vadd.f32 v16, v12;
	v17 =	vmul.f32 $1.428571490e-01, v17  }
0x4a6: {  	p0 =	sgt.u32 s30, $0x8;
	v63 =	vadd.f32 v62, v13;
	[tilespmem:s3+$0x17C20] =	vst v15;
	v15 =	vmul.f32 $1.428571490e-01, v18  }
.Ltmp15:
0x4a7: {  	v16 =	vmul.f32 $1.428571490e-01, v16;
	[tilespmem:s3+$0x17C30] =	vst v17;
	(pc) =	sbr.rel @p0 .LBB2_27-.Ltmp15, $4  }
0x4a8: {  	s0 =	sadd.s32 s11, s0;
	[tilespmem:s3+$0x17C40] =	vst v15;
	v15 =	vmul.f32 $1.428571490e-01, v63  }
0x4a9: {  	s0 =	sshrl.u32 s0, $0x3;
	[tilespmem:s3+$0x17C50] =	vst v16  }
0x4aa: {  	s15 =	simm.s32 $0x17C00;
	s0 =	sadd.s32 s4, s0;
	[tilespmem:s3+$0x17C60] =	vst v15  }
0x4ab: {  	[hbm4b:s0+s6] =	stream.linear.scatter [tilespmem:s15], [sflag:$0x6], $0x1000, $0x38;
	[tilespmem:$0x1B580] =	vst v63  }
0x4ac: {  	v15 =	vld [tilespmem:s31+$0x19010];
	_ =	sdelay $0x4  }
0x4ad: {  	[tilespmem:$0x800] =	vst v15  }
0x4ae: {  	v15 =	vld [tilespmem:s25+$0x190C0];
	_ =	sdelay $0x4  }
0x4af: {  	[tilespmem:$0x810] =	vst v15  }
0x4b0: {  	v15 =	vld [tilespmem:s23+$0xFFFFFBCF];
	_ =	sdelay $0x1  }
0x4b1: {  	v16 =	vld [tilespmem:s31+$0x19010];
	_ =	sdelay $0x2  }
0x4b2: {  	v15 =	vmul.u32 $0x104, v15;
	_ =	sdelay $0x1  }
0x4b3: {  	v15 =	vadd.s32 v16, v15  }
0x4b4: {  	p0 =	por $0x1, $0x1;
	v15 =	vand.u32 $0x7FFFFF, v15  }
0x4b5: {  	v16 =	vadd.s32 @!p0 $0xFF85EE00, v15  }
0x4b6: {  	v17 =	vld @p0 [tilespmem:s23+$0xFFFFFBDF];
	v16 =	vmin.u32 @!p0 v16, v15  }
0x4b7: {  	[tilespmem:s23+$0xFFFFFFF0] =	vst v15;
	vm0 =	vgt.s32 @!p0 v16, $0x3D08FF;
	v15 =	vadd.s32 @!p0 $0xFFC2F700, v16  }
0x4b8: {  	v18 =	vld @p0 [tilespmem:s25+$0x190C0];
	v15 =	vsel @!p0 vm0, v15, v16  }
0x4b9: {  	vm0 =	vgt.s32 @!p0 v15, $0x1E847F;
	v16 =	vadd.s32 @!p0 $0xFFE17B80, v15  }
0x4ba: {  	v16 =	vsel @!p0 vm0, v16, v15  }
0x4bb: {  	s3 =	sadd.s32 s7, s31;
	v17 =	vmul.u32 @p0 $0x104, v17;
	vm0 =	vgt.s32 @!p0 v16, $0xF423F;
	v19 =	vadd.s32 @!p0 $0xFFF0BDC0, v16  }
0x4bc: {  	v15 =	vor.u32 s3, v0;
	v16 =	vsel @!p0 vm0, v19, v16  }
0x4bd: {  	s5 =	simm.s32 $0x1;
	v17 =	vadd.s32 @p0 v18, v17;
	vm0 =	vgt.s32 @!p0 v16, $0x7A11F;
	v18 =	vadd.s32 @!p0 $0xFFF85EE0, v16  }
0x4be: {  	v17 =	vand.u32 @p0 $0x7FFFFF, v17;
	v16 =	vsel @!p0 vm0, v18, v16;
	vm0 =	vlt.s32 @!p0 v15, s5  }
0x4bf: {  	s0 =	simm.s32 $0x810;
	[tilespmem:s23+$0x0] =	vst @p0 v17;
	v16 =	vsel @!p0 vm0, $0x0, v16  }
0x4c0: {  	[tilespmem:s0+$0xFFFFFFF0] =	vst @!p0 v16  }
0x4c1: {  	v16 =	vld @!p0 [tilespmem:s23+$0xFFFFFBDF];
	_ =	sdelay $0x1  }
0x4c2: {  	v17 =	vld @!p0 [tilespmem:s25+$0x190C0];
	_ =	sdelay $0x2  }
0x4c3: {  	v16 =	vmul.u32 @!p0 $0x104, v16;
	_ =	sdelay $0x1  }
0x4c4: {  	v16 =	vadd.s32 @!p0 v17, v16  }
0x4c5: {  	v17 =	vand.u32 @!p0 $0x7FFFFF, v16  }
0x4c6: {  	v16 =	vadd.s32 @!p0 $0xFF85EE00, v17  }
0x4c7: {  	v16 =	vmin.u32 @!p0 v16, v17  }
0x4c8: {  	vm0 =	vgt.s32 @!p0 v16, $0x3D08FF;
	v18 =	vadd.s32 @!p0 $0xFFC2F700, v16  }
0x4c9: {  	v16 =	vsel @!p0 vm0, v18, v16  }
0x4ca: {  	vm0 =	vgt.s32 @!p0 v16, $0x1E847F;
	v18 =	vadd.s32 @!p0 $0xFFE17B80, v16  }
0x4cb: {  	v16 =	vsel @!p0 vm0, v18, v16  }
0x4cc: {  	vm0 =	vgt.s32 @!p0 v16, $0xF423F;
	v18 =	vadd.s32 @!p0 $0xFFF0BDC0, v16  }
0x4cd: {  	s3 =	sadd.s32 $0x10, s3;
	v18 =	vsel @!p0 vm0, v18, v16  }
0x4ce: {  	v16 =	vor.u32 s3, v0;
	vm0 =	vgt.s32 @!p0 v18, $0x7A11F;
	v19 =	vadd.s32 @!p0 $0xFFF85EE0, v18  }
0x4cf: {  	v18 =	vsel @!p0 vm0, v19, v18;
	vm0 =	vlt.s32 @!p0 v16, s5  }
0x4d0: {  	[tilespmem:s23+$0x0] =	vst @!p0 v17;
	v17 =	vsel @!p0 vm0, $0x0, v18  }
0x4d1: {  	s3 =	simm.s32 $0x3;
	s5 =	sadd.s32 $0x420, s23;
	[tilespmem:s0+$0x0] =	vst @!p0 v17  }
.LBB2_25:
0x4d2: {  	v17 =	vld [tilespmem:s5+$0xFFFFFBCF];
	s13 =	smov.u32 s3;
	s3 =	sadd.s32 $0x1, s3  }
0x4d3: {  	v18 =	vld [tilespmem:s31+$0x19010];
	p0 =	sne.s32 s3, $0x9;
	_ =	sdelay $0x3  }
0x4d4: {  	v17 =	vmul.u32 $0x104, v17;
	_ =	sdelay $0x1  }
0x4d5: {  	v17 =	vadd.s32 v18, v17  }
0x4d6: {  	p1 =	slt.u32 s13, $0x3;
	v17 =	vand.u32 $0x7FFFFF, v17  }
0x4d7: {  	v18 =	vadd.s32 @!p1 $0xFF85EE00, v17  }
0x4d8: {  	v19 =	vld @p1 [tilespmem:s5+$0xFFFFFBDF];
	v18 =	vmin.u32 @!p1 v18, v17  }
0x4d9: {  	[tilespmem:s5+$0xFFFFFFF0] =	vst v17;
	vm0 =	vgt.s32 @!p1 v18, $0x3D08FF;
	v17 =	vadd.s32 @!p1 $0xFFC2F700, v18  }
0x4da: {  	v20 =	vld @p1 [tilespmem:s25+$0x190C0];
	v17 =	vsel @!p1 vm0, v17, v18  }
0x4db: {  	vm0 =	vgt.s32 @!p1 v17, $0x1E847F;
	v18 =	vadd.s32 @!p1 $0xFFE17B80, v17  }
0x4dc: {  	v17 =	vsel @!p1 vm0, v18, v17  }
0x4dd: {  	v18 =	vmul.u32 @p1 $0x104, v19;
	vm0 =	vgt.s32 @!p1 v17, $0xF423F;
	v19 =	vadd.s32 @!p1 $0xFFF0BDC0, v17  }
0x4de: {  	v17 =	vsel @!p1 vm0, v19, v17  }
0x4df: {  	s13 =	sadd.s32 $0xFFFFFFFF, s13;
	v18 =	vadd.s32 @p1 v20, v18;
	vm0 =	vgt.s32 @!p1 v17, $0x7A11F;
	v19 =	vadd.s32 @!p1 $0xFFF85EE0, v17  }
0x4e0: {  	v18 =	vand.u32 @p1 $0x7FFFFF, v18;
	v17 =	vsel @!p1 vm0, v19, v17;
	vm0 =	vlt.s32 @!p1 v15, s13  }
0x4e1: {  	s0 =	sadd.s32 $0x80, s0;
	[tilespmem:s5+$0x0] =	vst @p1 v18;
	v17 =	vsel @!p1 vm0, $0x0, v17  }
0x4e2: {  	[tilespmem:s0+$0xFFFFFFF0] =	vst @!p1 v17  }
0x4e3: {  	v17 =	vld @!p1 [tilespmem:s5+$0xFFFFFBDF];
	_ =	sdelay $0x1  }
0x4e4: {  	v18 =	vld @!p1 [tilespmem:s25+$0x190C0];
	_ =	sdelay $0x2  }
0x4e5: {  	v17 =	vmul.u32 @!p1 $0x104, v17;
	_ =	sdelay $0x1  }
0x4e6: {  	v17 =	vadd.s32 @!p1 v18, v17  }
0x4e7: {  	v17 =	vand.u32 @!p1 $0x7FFFFF, v17  }
0x4e8: {  	[tilespmem:s5+$0x0] =	vst @!p1 v17;
	v18 =	vadd.s32 @!p1 $0xFF85EE00, v17  }
0x4e9: {  	v17 =	vmin.u32 @!p1 v18, v17  }
0x4ea: {  	vm0 =	vgt.s32 @!p1 v17, $0x3D08FF;
	v18 =	vadd.s32 @!p1 $0xFFC2F700, v17  }
0x4eb: {  	v17 =	vsel @!p1 vm0, v18, v17  }
0x4ec: {  	vm0 =	vgt.s32 @!p1 v17, $0x1E847F;
	v18 =	vadd.s32 @!p1 $0xFFE17B80, v17  }
0x4ed: {  	v17 =	vsel @!p1 vm0, v18, v17  }
0x4ee: {  	vm0 =	vgt.s32 @!p1 v17, $0xF423F;
	v18 =	vadd.s32 @!p1 $0xFFF0BDC0, v17  }
.Ltmp16:
0x4ef: {  	v17 =	vsel @!p1 vm0, v18, v17;
	(pc) =	sbr.rel @p0 .LBB2_25-.Ltmp16, $4  }
0x4f0: {  	vm0 =	vgt.s32 @!p1 v17, $0x7A11F;
	v18 =	vadd.s32 @!p1 $0xFFF85EE0, v17  }
0x4f1: {  	v17 =	vsel @!p1 vm0, v18, v17;
	vm0 =	vlt.s32 @!p1 v16, s13  }
0x4f2: {  	v17 =	vsel @!p1 vm0, $0x0, v17  }
0x4f3: {  	s5 =	sadd.s32 $0x420, s5;
	[tilespmem:s0+$0x0] =	vst @!p1 v17  }
0x4f4: {  	s0 =	simm.s32 $0x800;
	s3 =	simm.s32 $0xEC00  }
0x4f5: {  	[tilespmem:s3], [sflag:$0x3] =	stream.indirect.gather [hbm4b:s1+s16], $0x80, s0, s16, $0xb8;
	[tilespmem:$0x1B580] =	vst v63  }
0x4f6: {  	s5 =	simm.s32 $0xFC00;
	s3 =	simm.s32 $0x880  }
0x4f7: {  	[tilespmem:s5], [sflag:$0x3] =	stream.indirect.gather [hbm4b:s2+s16], $0x80, s3, s16, $0xb8;
	[tilespmem:$0x1B580] =	vst v63  }
0x4f8: {  	s13 =	simm.s32 $0x900;
	s15 =	simm.s32 $0x10C00  }
0x4f9: {  	[tilespmem:s15], [sflag:$0x3] =	stream.indirect.gather [hbm4b:s2+s16], $0x80, s13, s16, $0xb8;
	[tilespmem:$0x1B580] =	vst v63  }
0x4fa: {  	s25 =	simm.s32 $0x980;
	s31 =	simm.s32 $0x11C00  }
0x4fb: {  	[tilespmem:s31], [sflag:$0x3] =	stream.indirect.gather [hbm4b:s2+s16], $0x80, s25, s16, $0xb8;
	[tilespmem:$0x1B580] =	vst v63  }
0x4fc: {  	s3 =	simm.s32 $0xA00;
	s5 =	simm.s32 $0x12C00  }
0x4fd: {  	[tilespmem:s5], [sflag:$0x3] =	stream.indirect.gather [hbm4b:s2+s16], $0x80, s3, s16, $0xb8;
	[tilespmem:$0x1B580] =	vst v63  }
.Ltmp17:
0x4fe: {  	_ = 	snop;
	(pc) =	sbr.rel .LBB2_27-.Ltmp17, $4  }
0x4ff: {  	s13 =	simm.s32 $0xA80;
	s15 =	simm.s32 $0x13C00  }
0x500: {  	[tilespmem:s15], [sflag:$0x3] =	stream.indirect.gather [hbm4b:s2+s16], $0x80, s13, s16, $0xb8;
	[tilespmem:$0x1B580] =	vst v63  }
0x501: {  	s25 =	simm.s32 $0xB00;
	s31 =	simm.s32 $0x14C00  }
0x502: {  	[tilespmem:s31], [sflag:$0x3] =	stream.indirect.gather [hbm4b:s2+s16], $0x80, s25, s16, $0xb8;
	[tilespmem:$0x1B580] =	vst v63  }
.LBB2_29:
0x503: {  	_ =	sfence.sel $0x180000  }
0x504: {  	[bflag:$0x0] =	sbarrier.arrive $0xFFFF  }
0x505: {  	_ =	strace $0x90000047  }
0x506: {  	s0 =	stileid.u32;
	[bflag:$0x2] =	sbarrier.arrive $0xFFFF  }
0x507: {  	p0 =	sne.s32 s0, $0x0;
	s0 =	rddreg [dreg:$0x5]  }
0x508: {  	s0 =	sadd.s32 @!p0 $0x100000, s0  }
0x509: {  	[sflag:s0] =	ssyncadd.tile.s32 @!p0 $0x1;
	_ =	shalt  }
.Lfunc_end2:
_tile_overlayer_lowered:
.L_overlay_start_2:
0x50a: {  	(tag) =	ssettag $0x2  }
0x50b: {  	s0 =	rddreg [dreg:$0x0];
	s2 =	stileid.u32  }
0x50c: {  	s1 =	rddreg [dreg:$0x1];
	p0 =	sne.s32 s2, $0x0  }
0x50d: {  	s3 =	rddreg [dreg:$0x2];
	[bflag:$0x3] =	sbarrier.arrive $0xFFFF;
	s2 =	simm.s32 @!p0 $0x1C07  }
0x50e: {  	[timem:s3], [sflag:s2] =	dma.local @!p0 [hbm:s0], s1  }
0x50f: {  	s0 =	simm.s32 @!p0 $0x7  }
0x510: {  	_ =	swait.ge @!p0 [sflag:s0], s1  }
0x511: {  	s1 =	ssub.s32 @!p0 $0x0, s1;
	[sflag:s0] =	ssyncset.done @!p0 $0x0  }
0x512: {  	[sflag:s0] =	ssyncadd.s32 @!p0 s1  }
0x513: {  	[bflag:$0x3] =	sbarrier.arrive $0xFFFF  }
0x514: {  	_ =	shalt  }

</sc_bundles>
